<compile_context>
chip_gen: v7x
topology: tpu7x:2x2x1
jax: 0.10.2.dev20260603
libtpu: 0.0.44.dev20260713+nightly
codegen_flags: <defaults>
</compile_context>

<pallas_src>
import functools

import jax
import jax.numpy as jnp
from jax import lax
from jax.experimental import pallas as pl
from jax.experimental.pallas import tpu as pltpu
from jax.experimental.pallas import tpu_sc as plsc

EMB_DIM = 64
_PARAMS = pltpu.CompilerParams(needs_layout_passes=False)


@functools.lru_cache(maxsize=None)
def _make_format(V: int):
    info = plsc.get_sparse_core_info()
    nw = info.num_cores * info.num_subcores
    nblk = V // 128
    tail = V - nblk * 128
    nslot = nblk // nw + 1
    nq = (nslot + 3) // 4
    mesh = plsc.VectorSubcoreMesh(core_axis_name="c", subcore_axis_name="s")

    @functools.partial(
        pl.kernel,
        mesh=mesh,
        compiler_params=_PARAMS,
        out_type=jax.ShapeDtypeStruct((V // 2, 128), jnp.float32),
        scratch_types=[
            pltpu.VMEM((4, EMB_DIM, 128), jnp.float32),
            pltpu.VMEM((4, EMB_DIM, 128), jnp.float32),
            pltpu.VMEM((EMB_DIM, EMB_DIM), jnp.float32),
            pltpu.VMEM((32, 128), jnp.float32),
            [pltpu.SemaphoreType.DMA] * 4,
            [pltpu.SemaphoreType.DMA] * 4,
        ],
    )
    def format_kernel(tt_hbm, t2_hbm, col_v, rows_v, tcol_v, trows_v,
                      lsems, ssems):
        wid = lax.axis_index("s") * info.num_cores + lax.axis_index("c")
        iota16 = lax.iota(jnp.int32, 16)
        rsrc = [(16 * g + iota16) % EMB_DIM for g in range(8)]
        cadd = [(16 * g) // EMB_DIM for g in range(8)]
        ccs = [iota16 + 16 * g for g in range(8)]

        def blk_of(t):
            return t * nw + wid

        def active(t):
            return blk_of(t) < nblk

        def start_load(t, ln):
            j = blk_of(t)
            pltpu.async_copy(tt_hbm.at[:, pl.ds(j * 128, 128)],
                             col_v.at[ln], lsems[ln])

        def wait_load(ln):
            pltpu.make_async_copy(tt_hbm.at[:, pl.ds(0, 128)],
                                  col_v.at[ln], lsems[ln]).wait()

        def transpose(col, rows):
            def pbody(pp, c):
                r16 = (pp + iota16) & (EMB_DIM - 1)
                col2 = 2 * r16
                for g in range(8):
                    vals = plsc.load_gather(col, [rsrc[g], col2 + cadd[g]])
                    plsc.store_scatter(rows, [r16, ccs[g]], vals)
                return c

            lax.fori_loop(0, EMB_DIM, pbody, 0)

        def start_store(t, ln):
            j = blk_of(t)
            pltpu.async_copy(rows_v.at[ln], t2_hbm.at[pl.ds(j * 64, 64)],
                             ssems[ln])

        def wait_store(ln):
            pltpu.make_async_copy(rows_v.at[ln], t2_hbm.at[pl.ds(0, 64)],
                                  ssems[ln]).wait()

        for ln in range(4):
            start_load(ln, ln)

        def quad_body(q, carry):
            for ln in range(4):
                t = 4 * q + ln

                @pl.when(active(t))
                def _(t=t, ln=ln):
                    @pl.when(q > 0)
                    def _():
                        wait_store(ln)

                    wait_load(ln)
                    transpose(col_v.at[ln], rows_v.at[ln])
                    start_store(t, ln)

                @pl.when(jnp.logical_and(q + 1 < nq, active(t + 4)))
                def _(t=t, ln=ln):
                    start_load(t + 4, ln)

            return carry

        lax.fori_loop(0, nq, quad_body, 0)
        for ln in range(4):
            wait_store(ln)

        @pl.when(jnp.logical_and(wid == 0, tail > 0))
        def _():
            pltpu.sync_copy(tt_hbm.at[:, pl.ds(nblk * 128, tail)], tcol_v)

            def pbody(pp, c):
                r16 = (pp + iota16) & (tail // 2 - 1)
                col2 = 2 * r16
                for g in range(8):
                    vals = plsc.load_gather(tcol_v, [rsrc[g], col2 + cadd[g]])
                    plsc.store_scatter(trows_v, [r16, ccs[g]], vals)
                return c

            lax.fori_loop(0, tail // 2, pbody, 0)
            pltpu.sync_copy(trows_v, t2_hbm.at[pl.ds(nblk * 64, tail // 2)])

    return format_kernel


@functools.lru_cache(maxsize=None)
def _make_gather(S: int, B: int, V2: int):
    info = plsc.get_sparse_core_info()
    nw = info.num_cores * info.num_subcores
    assert B == 128 * nw and S % 4 == 0
    nq = S // 4
    mesh = plsc.VectorSubcoreMesh(core_axis_name="c", subcore_axis_name="s")

    @functools.partial(
        pl.kernel,
        mesh=mesh,
        compiler_params=_PARAMS,
        out_type=jax.ShapeDtypeStruct((S, EMB_DIM, B), jnp.float32),
        scratch_types=[
            pltpu.VMEM((S, 128), jnp.int32),
            pltpu.VMEM((4, 128), jnp.int32),
            pltpu.VMEM((4, 128, 128), jnp.float32),
            pltpu.VMEM((4, EMB_DIM, 128), jnp.float32),
            [pltpu.SemaphoreType.DMA] * 4,
            [pltpu.SemaphoreType.DMA] * 4,
        ],
    )
    def gather_kernel(xt_hbm, t2_hbm, out_hbm, idx_v, idx2_v, rows_v,
                      tiles_v, gsems, ssems):
        wid = lax.axis_index("s") * info.num_cores + lax.axis_index("c")
        boff = wid * 128
        iota16 = lax.iota(jnp.int32, 16)
        bbs = tuple(iota16 + 16 * g for g in range(8))

        pltpu.sync_copy(xt_hbm.at[:, pl.ds(boff, 128)], idx_v)

        def start_gather(s, ln):
            for g in range(8):
                idx2_v[ln, pl.ds(16 * g, 16)] = idx_v[s, pl.ds(16 * g, 16)] >> 1
            pltpu.async_copy(t2_hbm.at[idx2_v.at[ln]], rows_v.at[ln],
                             gsems[ln])

        def wait_gather(ln):
            pltpu.make_async_copy(t2_hbm.at[idx2_v.at[ln]], rows_v.at[ln],
                                  gsems[ln]).wait()

        def transpose(s, ln):
            rows = rows_v.at[ln]
            tiles = tiles_v.at[ln]
            bases = tuple(
                (idx_v[s, pl.ds(16 * g, 16)] & 1) * EMB_DIM for g in range(8))

            def dbody(dd, carry):
                d16 = (dd + iota16) & (EMB_DIM - 1)
                for g in range(8):
                    vals = plsc.load_gather(rows, [bbs[g], carry[g] + d16])
                    plsc.store_scatter(tiles, [d16, bbs[g]], vals)
                return carry

            lax.fori_loop(0, EMB_DIM, dbody, bases)

        def start_store(s, ln):
            pltpu.async_copy(tiles_v.at[ln],
                             out_hbm.at[s, :, pl.ds(boff, 128)], ssems[ln])

        def wait_store(ln):
            pltpu.make_async_copy(tiles_v.at[ln],
                                  out_hbm.at[0, :, pl.ds(boff, 128)],
                                  ssems[ln]).wait()

        for ln in range(4):
            start_gather(ln, ln)

        def quad_body(q, carry):
            for ln in range(4):
                s = 4 * q + ln

                @pl.when(q > 0)
                def _(ln=ln):
                    wait_store(ln)

                wait_gather(ln)
                transpose(s, ln)

                @pl.when(q + 1 < nq)
                def _(s=s, ln=ln):
                    start_gather(s + 4, ln)

                start_store(s, ln)
            return carry

        lax.fori_loop(0, nq, quad_body, 0)
        for ln in range(4):
            wait_store(ln)

    return gather_kernel


def kernel(x, table):
    b, s = x.shape
    v, d = table.shape
    t2 = _make_format(v)(table.T)
    out_t = _make_gather(s, b, v // 2)(x.T, t2)
    return out_t.transpose(2, 0, 1)

# --- scband reference (transcript-rebuilt; emitter-appended) ---
"""Pipeline reference for scband-embeddings-84404697301425 (READ-ONLY COPY).

The authoritative reference and input builder live on the scoring server;
editing this copy changes nothing except your own understanding.
"""

import jax, jax.numpy as jnp
import numpy as np

VOCAB = 1000000
EMB_DIM = 64
PAD_IDX = 0

def setup_inputs(seed: int = 0) -> dict:
    key = jax.random.key(seed)
    k_idx, k_tab = jax.random.split(key)
    x = jax.random.randint(k_idx, (4096, 200), 0, VOCAB, dtype=jnp.int64 if jax.config.jax_enable_x64 else jnp.int32).astype(jnp.int32)
    table = jax.random.normal(k_tab, (VOCAB, EMB_DIM), dtype=jnp.float32)
    # nn.Embedding with padding_idx initializes the padding row to zeros
    table = table.at[PAD_IDX].set(0.0)
    return {"x": x, "table": table}

def reference(x, table):
    # Embedding lookup: gather rows of the table by index
    out = jnp.take(table, x, axis=0)
    return out

if __name__ == "__main__":
    import jax
    _d = setup_inputs()
    print(jax.jit(kernel)(*tuple(_d.values())))

</pallas_src>

<mosaic_0001>
#map = affine_map<(d0, d1) -> (0, 0)>
module attributes {stable_mosaic.version = 14 : i64} {
  func.func @format_kernel(%arg0: i32, %arg1: i32, %arg2: memref<64x1000000xf32, #tpu.memory_space<hbm>>, %arg3: memref<500000x128xf32, #tpu.memory_space<hbm>>, %arg4: memref<4x64x128xf32, #tpu.memory_space<vmem>>, %arg5: memref<4x64x128xf32, #tpu.memory_space<vmem>>, %arg6: memref<64x64xf32, #tpu.memory_space<vmem>>, %arg7: memref<32x128xf32, #tpu.memory_space<vmem>>, %arg8: memref<!tpu.dma_semaphore, #tpu.memory_space<semaphore_mem>>, %arg9: memref<!tpu.dma_semaphore, #tpu.memory_space<semaphore_mem>>, %arg10: memref<!tpu.dma_semaphore, #tpu.memory_space<semaphore_mem>>, %arg11: memref<!tpu.dma_semaphore, #tpu.memory_space<semaphore_mem>>, %arg12: memref<!tpu.dma_semaphore, #tpu.memory_space<semaphore_mem>>, %arg13: memref<!tpu.dma_semaphore, #tpu.memory_space<semaphore_mem>>, %arg14: memref<!tpu.dma_semaphore, #tpu.memory_space<semaphore_mem>>, %arg15: memref<!tpu.dma_semaphore, #tpu.memory_space<semaphore_mem>>) attributes {dimension_semantics = [#tpu.dimension_semantics<core_parallel>, #tpu.dimension_semantics<subcore_parallel>], iteration_bounds = array<i64: 2, 16>, scalar_prefetch = 0 : i64, scratch_operands = 12 : i64, tpu.core_type = #tpu.core_type<sc_vector_subcore>, window_params = [{transform_indices = #map}, {transform_indices = #map}]} {
    %mul3A = arith.constant 2 : i32
    %mul3A_0 = arith.muli %arg1, %mul3A : i32
    %add3A = arith.addi %mul3A_0, %arg0 : i32
    %iota3A = tpu.iota {dimensions = array<i32: 0>} : vector<16xi32>
    %add3A_1 = arith.constant 0 : i32
    %add3A_2 = vector.broadcast %add3A_1 : i32 to vector<16xi32>
    %add3A_3 = arith.addi %add3A_2, %iota3A : vector<16xi32>
    %jit3A = arith.constant 64 : i32
    %eq3A = arith.constant 0 : i32
    %eq3A_4 = arith.cmpi eq, %jit3A, %eq3A : i32
    %jit3A_5 = arith.constant 1 : i32
    %select_n3A = arith.select %eq3A_4, %jit3A_5, %jit3A : i32
    %rem3A = vector.broadcast %select_n3A : i32 to vector<16xi32>
    %rem3A_6 = arith.remsi %add3A_3, %rem3A : vector<16xi32>
    %ne3A = arith.constant 0 : i32
    %ne3A_7 = vector.broadcast %ne3A : i32 to vector<16xi32>
    %ne3A_8 = arith.cmpi ne, %rem3A_6, %ne3A_7 : vector<16xi32>
    %lt3A = arith.constant 0 : i32
    %lt3A_9 = vector.broadcast %lt3A : i32 to vector<16xi32>
    %lt3A_10 = arith.cmpi slt, %rem3A_6, %lt3A_9 : vector<16xi32>
    %lt3A_11 = arith.constant 0 : i32
    %lt3A_12 = arith.cmpi slt, %select_n3A, %lt3A_11 : i32
    %ne3A_13 = vector.broadcast %lt3A_12 : i1 to vector<16xi1>
    %ne3A_14 = vector.broadcast %ne3A_13 : vector<16xi1> to vector<16xi1>
    %ne3A_15 = arith.xori %lt3A_10, %ne3A_14 : vector<16xi1>
    %and3A = arith.andi %ne3A_15, %ne3A_8 : vector<16xi1>
    %add3A_16 = vector.broadcast %select_n3A : i32 to vector<16xi32>
    %add3A_17 = arith.addi %rem3A_6, %add3A_16 : vector<16xi32>
    %select_n3A_18 = arith.select %and3A, %add3A_17, %rem3A_6 : vector<16xi1>, vector<16xi32>
    %add3A_19 = arith.constant 16 : i32
    %add3A_20 = vector.broadcast %add3A_19 : i32 to vector<16xi32>
    %add3A_21 = arith.addi %add3A_20, %iota3A : vector<16xi32>
    %jit3A_22 = arith.constant 64 : i32
    %eq3A_23 = arith.constant 0 : i32
    %eq3A_24 = arith.cmpi eq, %jit3A_22, %eq3A_23 : i32
    %jit3A_25 = arith.constant 1 : i32
    %select_n3A_26 = arith.select %eq3A_24, %jit3A_25, %jit3A_22 : i32
    %rem3A_27 = vector.broadcast %select_n3A_26 : i32 to vector<16xi32>
    %rem3A_28 = arith.remsi %add3A_21, %rem3A_27 : vector<16xi32>
    %ne3A_29 = arith.constant 0 : i32
    %ne3A_30 = vector.broadcast %ne3A_29 : i32 to vector<16xi32>
    %ne3A_31 = arith.cmpi ne, %rem3A_28, %ne3A_30 : vector<16xi32>
    %lt3A_32 = arith.constant 0 : i32
    %lt3A_33 = vector.broadcast %lt3A_32 : i32 to vector<16xi32>
    %lt3A_34 = arith.cmpi slt, %rem3A_28, %lt3A_33 : vector<16xi32>
    %lt3A_35 = arith.constant 0 : i32
    %lt3A_36 = arith.cmpi slt, %select_n3A_26, %lt3A_35 : i32
    %ne3A_37 = vector.broadcast %lt3A_36 : i1 to vector<16xi1>
    %ne3A_38 = vector.broadcast %ne3A_37 : vector<16xi1> to vector<16xi1>
    %ne3A_39 = arith.xori %lt3A_34, %ne3A_38 : vector<16xi1>
    %and3A_40 = arith.andi %ne3A_39, %ne3A_31 : vector<16xi1>
    %add3A_41 = vector.broadcast %select_n3A_26 : i32 to vector<16xi32>
    %add3A_42 = arith.addi %rem3A_28, %add3A_41 : vector<16xi32>
    %select_n3A_43 = arith.select %and3A_40, %add3A_42, %rem3A_28 : vector<16xi1>, vector<16xi32>
    %add3A_44 = arith.constant 32 : i32
    %add3A_45 = vector.broadcast %add3A_44 : i32 to vector<16xi32>
    %add3A_46 = arith.addi %add3A_45, %iota3A : vector<16xi32>
    %jit3A_47 = arith.constant 64 : i32
    %eq3A_48 = arith.constant 0 : i32
    %eq3A_49 = arith.cmpi eq, %jit3A_47, %eq3A_48 : i32
    %jit3A_50 = arith.constant 1 : i32
    %select_n3A_51 = arith.select %eq3A_49, %jit3A_50, %jit3A_47 : i32
    %rem3A_52 = vector.broadcast %select_n3A_51 : i32 to vector<16xi32>
    %rem3A_53 = arith.remsi %add3A_46, %rem3A_52 : vector<16xi32>
    %ne3A_54 = arith.constant 0 : i32
    %ne3A_55 = vector.broadcast %ne3A_54 : i32 to vector<16xi32>
    %ne3A_56 = arith.cmpi ne, %rem3A_53, %ne3A_55 : vector<16xi32>
    %lt3A_57 = arith.constant 0 : i32
    %lt3A_58 = vector.broadcast %lt3A_57 : i32 to vector<16xi32>
    %lt3A_59 = arith.cmpi slt, %rem3A_53, %lt3A_58 : vector<16xi32>
    %lt3A_60 = arith.constant 0 : i32
    %lt3A_61 = arith.cmpi slt, %select_n3A_51, %lt3A_60 : i32
    %ne3A_62 = vector.broadcast %lt3A_61 : i1 to vector<16xi1>
    %ne3A_63 = vector.broadcast %ne3A_62 : vector<16xi1> to vector<16xi1>
    %ne3A_64 = arith.xori %lt3A_59, %ne3A_63 : vector<16xi1>
    %and3A_65 = arith.andi %ne3A_64, %ne3A_56 : vector<16xi1>
    %add3A_66 = vector.broadcast %select_n3A_51 : i32 to vector<16xi32>
    %add3A_67 = arith.addi %rem3A_53, %add3A_66 : vector<16xi32>
    %select_n3A_68 = arith.select %and3A_65, %add3A_67, %rem3A_53 : vector<16xi1>, vector<16xi32>
    %add3A_69 = arith.constant 48 : i32
    %add3A_70 = vector.broadcast %add3A_69 : i32 to vector<16xi32>
    %add3A_71 = arith.addi %add3A_70, %iota3A : vector<16xi32>
    %jit3A_72 = arith.constant 64 : i32
    %eq3A_73 = arith.constant 0 : i32
    %eq3A_74 = arith.cmpi eq, %jit3A_72, %eq3A_73 : i32
    %jit3A_75 = arith.constant 1 : i32
    %select_n3A_76 = arith.select %eq3A_74, %jit3A_75, %jit3A_72 : i32
    %rem3A_77 = vector.broadcast %select_n3A_76 : i32 to vector<16xi32>
    %rem3A_78 = arith.remsi %add3A_71, %rem3A_77 : vector<16xi32>
    %ne3A_79 = arith.constant 0 : i32
    %ne3A_80 = vector.broadcast %ne3A_79 : i32 to vector<16xi32>
    %ne3A_81 = arith.cmpi ne, %rem3A_78, %ne3A_80 : vector<16xi32>
    %lt3A_82 = arith.constant 0 : i32
    %lt3A_83 = vector.broadcast %lt3A_82 : i32 to vector<16xi32>
    %lt3A_84 = arith.cmpi slt, %rem3A_78, %lt3A_83 : vector<16xi32>
    %lt3A_85 = arith.constant 0 : i32
    %lt3A_86 = arith.cmpi slt, %select_n3A_76, %lt3A_85 : i32
    %ne3A_87 = vector.broadcast %lt3A_86 : i1 to vector<16xi1>
    %ne3A_88 = vector.broadcast %ne3A_87 : vector<16xi1> to vector<16xi1>
    %ne3A_89 = arith.xori %lt3A_84, %ne3A_88 : vector<16xi1>
    %and3A_90 = arith.andi %ne3A_89, %ne3A_81 : vector<16xi1>
    %add3A_91 = vector.broadcast %select_n3A_76 : i32 to vector<16xi32>
    %add3A_92 = arith.addi %rem3A_78, %add3A_91 : vector<16xi32>
    %select_n3A_93 = arith.select %and3A_90, %add3A_92, %rem3A_78 : vector<16xi1>, vector<16xi32>
    %add3A_94 = arith.constant 64 : i32
    %add3A_95 = vector.broadcast %add3A_94 : i32 to vector<16xi32>
    %add3A_96 = arith.addi %add3A_95, %iota3A : vector<16xi32>
    %jit3A_97 = arith.constant 64 : i32
    %eq3A_98 = arith.constant 0 : i32
    %eq3A_99 = arith.cmpi eq, %jit3A_97, %eq3A_98 : i32
    %jit3A_100 = arith.constant 1 : i32
    %select_n3A_101 = arith.select %eq3A_99, %jit3A_100, %jit3A_97 : i32
    %rem3A_102 = vector.broadcast %select_n3A_101 : i32 to vector<16xi32>
    %rem3A_103 = arith.remsi %add3A_96, %rem3A_102 : vector<16xi32>
    %ne3A_104 = arith.constant 0 : i32
    %ne3A_105 = vector.broadcast %ne3A_104 : i32 to vector<16xi32>
    %ne3A_106 = arith.cmpi ne, %rem3A_103, %ne3A_105 : vector<16xi32>
    %lt3A_107 = arith.constant 0 : i32
    %lt3A_108 = vector.broadcast %lt3A_107 : i32 to vector<16xi32>
    %lt3A_109 = arith.cmpi slt, %rem3A_103, %lt3A_108 : vector<16xi32>
    %lt3A_110 = arith.constant 0 : i32
    %lt3A_111 = arith.cmpi slt, %select_n3A_101, %lt3A_110 : i32
    %ne3A_112 = vector.broadcast %lt3A_111 : i1 to vector<16xi1>
    %ne3A_113 = vector.broadcast %ne3A_112 : vector<16xi1> to vector<16xi1>
    %ne3A_114 = arith.xori %lt3A_109, %ne3A_113 : vector<16xi1>
    %and3A_115 = arith.andi %ne3A_114, %ne3A_106 : vector<16xi1>
    %add3A_116 = vector.broadcast %select_n3A_101 : i32 to vector<16xi32>
    %add3A_117 = arith.addi %rem3A_103, %add3A_116 : vector<16xi32>
    %select_n3A_118 = arith.select %and3A_115, %add3A_117, %rem3A_103 : vector<16xi1>, vector<16xi32>
    %add3A_119 = arith.constant 80 : i32
    %add3A_120 = vector.broadcast %add3A_119 : i32 to vector<16xi32>
    %add3A_121 = arith.addi %add3A_120, %iota3A : vector<16xi32>
    %jit3A_122 = arith.constant 64 : i32
    %eq3A_123 = arith.constant 0 : i32
    %eq3A_124 = arith.cmpi eq, %jit3A_122, %eq3A_123 : i32
    %jit3A_125 = arith.constant 1 : i32
    %select_n3A_126 = arith.select %eq3A_124, %jit3A_125, %jit3A_122 : i32
    %rem3A_127 = vector.broadcast %select_n3A_126 : i32 to vector<16xi32>
    %rem3A_128 = arith.remsi %add3A_121, %rem3A_127 : vector<16xi32>
    %ne3A_129 = arith.constant 0 : i32
    %ne3A_130 = vector.broadcast %ne3A_129 : i32 to vector<16xi32>
    %ne3A_131 = arith.cmpi ne, %rem3A_128, %ne3A_130 : vector<16xi32>
    %lt3A_132 = arith.constant 0 : i32
    %lt3A_133 = vector.broadcast %lt3A_132 : i32 to vector<16xi32>
    %lt3A_134 = arith.cmpi slt, %rem3A_128, %lt3A_133 : vector<16xi32>
    %lt3A_135 = arith.constant 0 : i32
    %lt3A_136 = arith.cmpi slt, %select_n3A_126, %lt3A_135 : i32
    %ne3A_137 = vector.broadcast %lt3A_136 : i1 to vector<16xi1>
    %ne3A_138 = vector.broadcast %ne3A_137 : vector<16xi1> to vector<16xi1>
    %ne3A_139 = arith.xori %lt3A_134, %ne3A_138 : vector<16xi1>
    %and3A_140 = arith.andi %ne3A_139, %ne3A_131 : vector<16xi1>
    %add3A_141 = vector.broadcast %select_n3A_126 : i32 to vector<16xi32>
    %add3A_142 = arith.addi %rem3A_128, %add3A_141 : vector<16xi32>
    %select_n3A_143 = arith.select %and3A_140, %add3A_142, %rem3A_128 : vector<16xi1>, vector<16xi32>
    %add3A_144 = arith.constant 96 : i32
    %add3A_145 = vector.broadcast %add3A_144 : i32 to vector<16xi32>
    %add3A_146 = arith.addi %add3A_145, %iota3A : vector<16xi32>
    %jit3A_147 = arith.constant 64 : i32
    %eq3A_148 = arith.constant 0 : i32
    %eq3A_149 = arith.cmpi eq, %jit3A_147, %eq3A_148 : i32
    %jit3A_150 = arith.constant 1 : i32
    %select_n3A_151 = arith.select %eq3A_149, %jit3A_150, %jit3A_147 : i32
    %rem3A_152 = vector.broadcast %select_n3A_151 : i32 to vector<16xi32>
    %rem3A_153 = arith.remsi %add3A_146, %rem3A_152 : vector<16xi32>
    %ne3A_154 = arith.constant 0 : i32
    %ne3A_155 = vector.broadcast %ne3A_154 : i32 to vector<16xi32>
    %ne3A_156 = arith.cmpi ne, %rem3A_153, %ne3A_155 : vector<16xi32>
    %lt3A_157 = arith.constant 0 : i32
    %lt3A_158 = vector.broadcast %lt3A_157 : i32 to vector<16xi32>
    %lt3A_159 = arith.cmpi slt, %rem3A_153, %lt3A_158 : vector<16xi32>
    %lt3A_160 = arith.constant 0 : i32
    %lt3A_161 = arith.cmpi slt, %select_n3A_151, %lt3A_160 : i32
    %ne3A_162 = vector.broadcast %lt3A_161 : i1 to vector<16xi1>
    %ne3A_163 = vector.broadcast %ne3A_162 : vector<16xi1> to vector<16xi1>
    %ne3A_164 = arith.xori %lt3A_159, %ne3A_163 : vector<16xi1>
    %and3A_165 = arith.andi %ne3A_164, %ne3A_156 : vector<16xi1>
    %add3A_166 = vector.broadcast %select_n3A_151 : i32 to vector<16xi32>
    %add3A_167 = arith.addi %rem3A_153, %add3A_166 : vector<16xi32>
    %select_n3A_168 = arith.select %and3A_165, %add3A_167, %rem3A_153 : vector<16xi1>, vector<16xi32>
    %add3A_169 = arith.constant 112 : i32
    %add3A_170 = vector.broadcast %add3A_169 : i32 to vector<16xi32>
    %add3A_171 = arith.addi %add3A_170, %iota3A : vector<16xi32>
    %jit3A_172 = arith.constant 64 : i32
    %eq3A_173 = arith.constant 0 : i32
    %eq3A_174 = arith.cmpi eq, %jit3A_172, %eq3A_173 : i32
    %jit3A_175 = arith.constant 1 : i32
    %select_n3A_176 = arith.select %eq3A_174, %jit3A_175, %jit3A_172 : i32
    %rem3A_177 = vector.broadcast %select_n3A_176 : i32 to vector<16xi32>
    %rem3A_178 = arith.remsi %add3A_171, %rem3A_177 : vector<16xi32>
    %ne3A_179 = arith.constant 0 : i32
    %ne3A_180 = vector.broadcast %ne3A_179 : i32 to vector<16xi32>
    %ne3A_181 = arith.cmpi ne, %rem3A_178, %ne3A_180 : vector<16xi32>
    %lt3A_182 = arith.constant 0 : i32
    %lt3A_183 = vector.broadcast %lt3A_182 : i32 to vector<16xi32>
    %lt3A_184 = arith.cmpi slt, %rem3A_178, %lt3A_183 : vector<16xi32>
    %lt3A_185 = arith.constant 0 : i32
    %lt3A_186 = arith.cmpi slt, %select_n3A_176, %lt3A_185 : i32
    %ne3A_187 = vector.broadcast %lt3A_186 : i1 to vector<16xi1>
    %ne3A_188 = vector.broadcast %ne3A_187 : vector<16xi1> to vector<16xi1>
    %ne3A_189 = arith.xori %lt3A_184, %ne3A_188 : vector<16xi1>
    %and3A_190 = arith.andi %ne3A_189, %ne3A_181 : vector<16xi1>
    %add3A_191 = vector.broadcast %select_n3A_176 : i32 to vector<16xi32>
    %add3A_192 = arith.addi %rem3A_178, %add3A_191 : vector<16xi32>
    %select_n3A_193 = arith.select %and3A_190, %add3A_192, %rem3A_178 : vector<16xi1>, vector<16xi32>
    %add3A_194 = arith.constant 0 : i32
    %add3A_195 = vector.broadcast %add3A_194 : i32 to vector<16xi32>
    %add3A_196 = arith.addi %iota3A, %add3A_195 : vector<16xi32>
    %add3A_197 = arith.constant 16 : i32
    %add3A_198 = vector.broadcast %add3A_197 : i32 to vector<16xi32>
    %add3A_199 = arith.addi %iota3A, %add3A_198 : vector<16xi32>
    %add3A_200 = arith.constant 32 : i32
    %add3A_201 = vector.broadcast %add3A_200 : i32 to vector<16xi32>
    %add3A_202 = arith.addi %iota3A, %add3A_201 : vector<16xi32>
    %add3A_203 = arith.constant 48 : i32
    %add3A_204 = vector.broadcast %add3A_203 : i32 to vector<16xi32>
    %add3A_205 = arith.addi %iota3A, %add3A_204 : vector<16xi32>
    %add3A_206 = arith.constant 64 : i32
    %add3A_207 = vector.broadcast %add3A_206 : i32 to vector<16xi32>
    %add3A_208 = arith.addi %iota3A, %add3A_207 : vector<16xi32>
    %add3A_209 = arith.constant 80 : i32
    %add3A_210 = vector.broadcast %add3A_209 : i32 to vector<16xi32>
    %add3A_211 = arith.addi %iota3A, %add3A_210 : vector<16xi32>
    %add3A_212 = arith.constant 96 : i32
    %add3A_213 = vector.broadcast %add3A_212 : i32 to vector<16xi32>
    %add3A_214 = arith.addi %iota3A, %add3A_213 : vector<16xi32>
    %add3A_215 = arith.constant 112 : i32
    %add3A_216 = vector.broadcast %add3A_215 : i32 to vector<16xi32>
    %add3A_217 = arith.addi %iota3A, %add3A_216 : vector<16xi32>
    %add3A_218 = arith.constant 0 : i32
    %add3A_219 = arith.addi %add3A_218, %add3A : i32
    %mul3A_220 = arith.constant 128 : i32
    %mul3A_221 = arith.muli %add3A_219, %mul3A_220 : i32
    %dma_start3A = arith.constant 0 : i32
    %dma_start3A_222 = arith.constant 0 : i32
    %dma_start3A_223 = arith.constant 0 : i32
    %dma_start3A_224 = tpu.memref_slice %arg4[%dma_start3A, %dma_start3A_222, %dma_start3A_223] : memref<4x64x128xf32, #tpu.memory_space<vmem>> -> memref<1x64x128xf32, #tpu.memory_space<vmem>>
    %dma_start3A_225 = tpu.memref_squeeze %dma_start3A_224 : memref<1x64x128xf32, #tpu.memory_space<vmem>> -> memref<64x128xf32, #tpu.memory_space<vmem>>
    %dma_start3A_226 = arith.constant 0 : i32
    %dma_start3A_227 = tpu.memref_slice %arg2[%dma_start3A_226, %mul3A_221] : memref<64x1000000xf32, #tpu.memory_space<hbm>> -> memref<64x128xf32, #tpu.memory_space<hbm>>
    %dma_start3A_228 = arith.constant 0 : i32
    %dma_start3A_229 = arith.constant 0 : i32
    %dma_start3A_230 = tpu.memref_slice %arg4[%dma_start3A, %dma_start3A_228, %dma_start3A_229] : memref<4x64x128xf32, #tpu.memory_space<vmem>> -> memref<1x64x128xf32, #tpu.memory_space<vmem>>
    %dma_start3A_231 = tpu.memref_squeeze %dma_start3A_230 : memref<1x64x128xf32, #tpu.memory_space<vmem>> -> memref<64x128xf32, #tpu.memory_space<vmem>>
    %dma_start3A_232 = arith.constant 0 : i32
    %dma_start3A_233 = tpu.memref_slice %arg2[%dma_start3A_232, %mul3A_221] : memref<64x1000000xf32, #tpu.memory_space<hbm>> -> memref<64x128xf32, #tpu.memory_space<hbm>>
    tpu.enqueue_dma source(%dma_start3A_233 : memref<64x128xf32, #tpu.memory_space<hbm>>) target(%dma_start3A_231 : memref<64x128xf32, #tpu.memory_space<vmem>>) target_semaphore(%arg8 : memref<!tpu.dma_semaphore, #tpu.memory_space<semaphore_mem>>)
    %add3A_234 = arith.constant 32 : i32
    %add3A_235 = arith.addi %add3A_234, %add3A : i32
    %mul3A_236 = arith.constant 128 : i32
    %mul3A_237 = arith.muli %add3A_235, %mul3A_236 : i32
    %dma_start3A_238 = arith.constant 1 : i32
    %dma_start3A_239 = arith.constant 0 : i32
    %dma_start3A_240 = arith.constant 0 : i32
    %dma_start3A_241 = tpu.memref_slice %arg4[%dma_start3A_238, %dma_start3A_239, %dma_start3A_240] : memref<4x64x128xf32, #tpu.memory_space<vmem>> -> memref<1x64x128xf32, #tpu.memory_space<vmem>>
    %dma_start3A_242 = tpu.memref_squeeze %dma_start3A_241 : memref<1x64x128xf32, #tpu.memory_space<vmem>> -> memref<64x128xf32, #tpu.memory_space<vmem>>
    %dma_start3A_243 = arith.constant 0 : i32
    %dma_start3A_244 = tpu.memref_slice %arg2[%dma_start3A_243, %mul3A_237] : memref<64x1000000xf32, #tpu.memory_space<hbm>> -> memref<64x128xf32, #tpu.memory_space<hbm>>
    %dma_start3A_245 = arith.constant 0 : i32
    %dma_start3A_246 = arith.constant 0 : i32
    %dma_start3A_247 = tpu.memref_slice %arg4[%dma_start3A_238, %dma_start3A_245, %dma_start3A_246] : memref<4x64x128xf32, #tpu.memory_space<vmem>> -> memref<1x64x128xf32, #tpu.memory_space<vmem>>
    %dma_start3A_248 = tpu.memref_squeeze %dma_start3A_247 : memref<1x64x128xf32, #tpu.memory_space<vmem>> -> memref<64x128xf32, #tpu.memory_space<vmem>>
    %dma_start3A_249 = arith.constant 0 : i32
    %dma_start3A_250 = tpu.memref_slice %arg2[%dma_start3A_249, %mul3A_237] : memref<64x1000000xf32, #tpu.memory_space<hbm>> -> memref<64x128xf32, #tpu.memory_space<hbm>>
    tpu.enqueue_dma source(%dma_start3A_250 : memref<64x128xf32, #tpu.memory_space<hbm>>) target(%dma_start3A_248 : memref<64x128xf32, #tpu.memory_space<vmem>>) target_semaphore(%arg9 : memref<!tpu.dma_semaphore, #tpu.memory_space<semaphore_mem>>)
    %add3A_251 = arith.constant 64 : i32
    %add3A_252 = arith.addi %add3A_251, %add3A : i32
    %mul3A_253 = arith.constant 128 : i32
    %mul3A_254 = arith.muli %add3A_252, %mul3A_253 : i32
    %dma_start3A_255 = arith.constant 2 : i32
    %dma_start3A_256 = arith.constant 0 : i32
    %dma_start3A_257 = arith.constant 0 : i32
    %dma_start3A_258 = tpu.memref_slice %arg4[%dma_start3A_255, %dma_start3A_256, %dma_start3A_257] : memref<4x64x128xf32, #tpu.memory_space<vmem>> -> memref<1x64x128xf32, #tpu.memory_space<vmem>>
    %dma_start3A_259 = tpu.memref_squeeze %dma_start3A_258 : memref<1x64x128xf32, #tpu.memory_space<vmem>> -> memref<64x128xf32, #tpu.memory_space<vmem>>
    %dma_start3A_260 = arith.constant 0 : i32
    %dma_start3A_261 = tpu.memref_slice %arg2[%dma_start3A_260, %mul3A_254] : memref<64x1000000xf32, #tpu.memory_space<hbm>> -> memref<64x128xf32, #tpu.memory_space<hbm>>
    %dma_start3A_262 = arith.constant 0 : i32
    %dma_start3A_263 = arith.constant 0 : i32
    %dma_start3A_264 = tpu.memref_slice %arg4[%dma_start3A_255, %dma_start3A_262, %dma_start3A_263] : memref<4x64x128xf32, #tpu.memory_space<vmem>> -> memref<1x64x128xf32, #tpu.memory_space<vmem>>
    %dma_start3A_265 = tpu.memref_squeeze %dma_start3A_264 : memref<1x64x128xf32, #tpu.memory_space<vmem>> -> memref<64x128xf32, #tpu.memory_space<vmem>>
    %dma_start3A_266 = arith.constant 0 : i32
    %dma_start3A_267 = tpu.memref_slice %arg2[%dma_start3A_266, %mul3A_254] : memref<64x1000000xf32, #tpu.memory_space<hbm>> -> memref<64x128xf32, #tpu.memory_space<hbm>>
    tpu.enqueue_dma source(%dma_start3A_267 : memref<64x128xf32, #tpu.memory_space<hbm>>) target(%dma_start3A_265 : memref<64x128xf32, #tpu.memory_space<vmem>>) target_semaphore(%arg10 : memref<!tpu.dma_semaphore, #tpu.memory_space<semaphore_mem>>)
    %add3A_268 = arith.constant 96 : i32
    %add3A_269 = arith.addi %add3A_268, %add3A : i32
    %mul3A_270 = arith.constant 128 : i32
    %mul3A_271 = arith.muli %add3A_269, %mul3A_270 : i32
    %dma_start3A_272 = arith.constant 3 : i32
    %dma_start3A_273 = arith.constant 0 : i32
    %dma_start3A_274 = arith.constant 0 : i32
    %dma_start3A_275 = tpu.memref_slice %arg4[%dma_start3A_272, %dma_start3A_273, %dma_start3A_274] : memref<4x64x128xf32, #tpu.memory_space<vmem>> -> memref<1x64x128xf32, #tpu.memory_space<vmem>>
    %dma_start3A_276 = tpu.memref_squeeze %dma_start3A_275 : memref<1x64x128xf32, #tpu.memory_space<vmem>> -> memref<64x128xf32, #tpu.memory_space<vmem>>
    %dma_start3A_277 = arith.constant 0 : i32
    %dma_start3A_278 = tpu.memref_slice %arg2[%dma_start3A_277, %mul3A_271] : memref<64x1000000xf32, #tpu.memory_space<hbm>> -> memref<64x128xf32, #tpu.memory_space<hbm>>
    %dma_start3A_279 = arith.constant 0 : i32
    %dma_start3A_280 = arith.constant 0 : i32
    %dma_start3A_281 = tpu.memref_slice %arg4[%dma_start3A_272, %dma_start3A_279, %dma_start3A_280] : memref<4x64x128xf32, #tpu.memory_space<vmem>> -> memref<1x64x128xf32, #tpu.memory_space<vmem>>
    %dma_start3A_282 = tpu.memref_squeeze %dma_start3A_281 : memref<1x64x128xf32, #tpu.memory_space<vmem>> -> memref<64x128xf32, #tpu.memory_space<vmem>>
    %dma_start3A_283 = arith.constant 0 : i32
    %dma_start3A_284 = tpu.memref_slice %arg2[%dma_start3A_283, %mul3A_271] : memref<64x1000000xf32, #tpu.memory_space<hbm>> -> memref<64x128xf32, #tpu.memory_space<hbm>>
    tpu.enqueue_dma source(%dma_start3A_284 : memref<64x128xf32, #tpu.memory_space<hbm>>) target(%dma_start3A_282 : memref<64x128xf32, #tpu.memory_space<vmem>>) target_semaphore(%arg11 : memref<!tpu.dma_semaphore, #tpu.memory_space<semaphore_mem>>)
    %scan3A = arith.constant 0 : i32
    %scan3A_285 = arith.constant 0 : i32
    %scan3A_286 = arith.constant 62 : i32
    %scan3A_287 = arith.addi %scan3A_285, %scan3A_286 : i32
    %scan3A_288 = arith.constant 1 : i32
    scf.for %scan3A_354 = %scan3A_285 to %scan3A_287 step %scan3A_288  : i32 {
      %mul3A_355 = arith.constant 4 : i32
      %mul3A_356 = arith.muli %mul3A_355, %scan3A_354 : i32
      %add3A_357 = arith.constant 0 : i32
      %add3A_358 = arith.addi %mul3A_356, %add3A_357 : i32
      %mul3A_359 = arith.constant 32 : i32
      %mul3A_360 = arith.muli %add3A_358, %mul3A_359 : i32
      %add3A_361 = arith.addi %mul3A_360, %add3A : i32
      %lt3A_362 = arith.constant 7812 : i32
      %lt3A_363 = arith.cmpi slt, %add3A_361, %lt3A_362 : i32
      %convert_element_type3A_364 = arith.extui %lt3A_363 : i1 to i32
      %cond3A_365 = arith.constant 0 : i32
      %cond3A_366 = arith.cmpi ne, %convert_element_type3A_364, %cond3A_365 : i32
      scf.if %cond3A_366 {
        %gt3A = arith.constant 0 : i32
        %gt3A_463 = arith.cmpi sgt, %scan3A_354, %gt3A : i32
        %convert_element_type3A_464 = arith.extui %gt3A_463 : i1 to i32
        %cond3A_465 = arith.constant 0 : i32
        %cond3A_466 = arith.cmpi ne, %convert_element_type3A_464, %cond3A_465 : i32
        scf.if %cond3A_466 {
          %dma_wait3A_508 = arith.constant 0 : i32
          %dma_wait3A_509 = arith.constant 0 : i32
          %dma_wait3A_510 = arith.constant 0 : i32
          %dma_wait3A_511 = tpu.memref_slice %arg5[%dma_wait3A_508, %dma_wait3A_509, %dma_wait3A_510] : memref<4x64x128xf32, #tpu.memory_space<vmem>> -> memref<1x64x128xf32, #tpu.memory_space<vmem>>
          %dma_wait3A_512 = tpu.memref_squeeze %dma_wait3A_511 : memref<1x64x128xf32, #tpu.memory_space<vmem>> -> memref<64x128xf32, #tpu.memory_space<vmem>>
          %dma_wait3A_513 = arith.constant 0 : i32
          %dma_wait3A_514 = arith.constant 0 : i32
          %dma_wait3A_515 = tpu.memref_slice %arg3[%dma_wait3A_513, %dma_wait3A_514] : memref<500000x128xf32, #tpu.memory_space<hbm>> -> memref<64x128xf32, #tpu.memory_space<hbm>>
          %dma_wait3A_516 = arith.constant 0 : i32
          %dma_wait3A_517 = arith.constant 0 : i32
          %dma_wait3A_518 = tpu.memref_slice %arg3[%dma_wait3A_516, %dma_wait3A_517] : memref<500000x128xf32, #tpu.memory_space<hbm>> -> memref<64x128xf32, #tpu.memory_space<hbm>>
          %dma_wait3A_519 = arith.constant 0 : i32
          %dma_wait3A_520 = arith.constant 0 : i32
          %dma_wait3A_521 = tpu.memref_slice %arg5[%dma_wait3A_508, %dma_wait3A_519, %dma_wait3A_520] : memref<4x64x128xf32, #tpu.memory_space<vmem>> -> memref<1x64x128xf32, #tpu.memory_space<vmem>>
          %dma_wait3A_522 = tpu.memref_squeeze %dma_wait3A_521 : memref<1x64x128xf32, #tpu.memory_space<vmem>> -> memref<64x128xf32, #tpu.memory_space<vmem>>
          tpu.wait_dma2 semaphore(%arg12 : memref<!tpu.dma_semaphore, #tpu.memory_space<semaphore_mem>>) src(%dma_wait3A_522 : memref<64x128xf32, #tpu.memory_space<vmem>>) dst(%dma_wait3A_518 : memref<64x128xf32, #tpu.memory_space<hbm>>)
        } else {
        }
        %dma_wait3A_467 = arith.constant 0 : i32
        %dma_wait3A_468 = arith.constant 0 : i32
        %dma_wait3A_469 = arith.constant 0 : i32
        %dma_wait3A_470 = tpu.memref_slice %arg4[%dma_wait3A_467, %dma_wait3A_468, %dma_wait3A_469] : memref<4x64x128xf32, #tpu.memory_space<vmem>> -> memref<1x64x128xf32, #tpu.memory_space<vmem>>
        %dma_wait3A_471 = tpu.memref_squeeze %dma_wait3A_470 : memref<1x64x128xf32, #tpu.memory_space<vmem>> -> memref<64x128xf32, #tpu.memory_space<vmem>>
        %dma_wait3A_472 = arith.constant 0 : i32
        %dma_wait3A_473 = arith.constant 0 : i32
        %dma_wait3A_474 = tpu.memref_slice %arg2[%dma_wait3A_472, %dma_wait3A_473] : memref<64x1000000xf32, #tpu.memory_space<hbm>> -> memref<64x128xf32, #tpu.memory_space<hbm>>
        %dma_wait3A_475 = arith.constant 0 : i32
        %dma_wait3A_476 = arith.constant 0 : i32
        %dma_wait3A_477 = tpu.memref_slice %arg4[%dma_wait3A_467, %dma_wait3A_475, %dma_wait3A_476] : memref<4x64x128xf32, #tpu.memory_space<vmem>> -> memref<1x64x128xf32, #tpu.memory_space<vmem>>
        %dma_wait3A_478 = tpu.memref_squeeze %dma_wait3A_477 : memref<1x64x128xf32, #tpu.memory_space<vmem>> -> memref<64x128xf32, #tpu.memory_space<vmem>>
        %dma_wait3A_479 = arith.constant 0 : i32
        %dma_wait3A_480 = arith.constant 0 : i32
        %dma_wait3A_481 = tpu.memref_slice %arg2[%dma_wait3A_479, %dma_wait3A_480] : memref<64x1000000xf32, #tpu.memory_space<hbm>> -> memref<64x128xf32, #tpu.memory_space<hbm>>
        tpu.wait_dma2 semaphore(%arg8 : memref<!tpu.dma_semaphore, #tpu.memory_space<semaphore_mem>>) src(%dma_wait3A_481 : memref<64x128xf32, #tpu.memory_space<hbm>>) dst(%dma_wait3A_478 : memref<64x128xf32, #tpu.memory_space<vmem>>)
        %scan3A_482 = arith.constant 0 : i32
        %scan3A_483 = arith.constant 0 : i32
        %scan3A_484 = arith.constant 0 : i32
        %scan3A_485 = arith.constant 0 : i32
        %scan3A_486 = arith.constant 64 : i32
        %scan3A_487 = arith.addi %scan3A_485, %scan3A_486 : i32
        %scan3A_488 = arith.constant 1 : i32
        scf.for %scan3A_508 = %scan3A_485 to %scan3A_487 step %scan3A_488  : i32 {
          %add3A_509 = vector.broadcast %scan3A_508 : i32 to vector<16xi32>
          %add3A_510 = arith.addi %add3A_509, %iota3A : vector<16xi32>
          %and3A_511 = arith.constant 63 : i32
          %and3A_512 = vector.broadcast %and3A_511 : i32 to vector<16xi32>
          %and3A_513 = arith.andi %add3A_510, %and3A_512 : vector<16xi32>
          %mul3A_514 = arith.constant 2 : i32
          %mul3A_515 = vector.broadcast %mul3A_514 : i32 to vector<16xi32>
          %mul3A_516 = arith.muli %mul3A_515, %and3A_513 : vector<16xi32>
          %add3A_517 = arith.constant 0 : i32
          %add3A_518 = vector.broadcast %add3A_517 : i32 to vector<16xi32>
          %add3A_519 = arith.addi %mul3A_516, %add3A_518 : vector<16xi32>
          %gather3A = arith.constant 0 : i32
          %gather3A_520 = arith.constant 0 : i32
          %gather3A_521 = tpu.memref_slice %arg4[%scan3A_483, %gather3A, %gather3A_520] : memref<4x64x128xf32, #tpu.memory_space<vmem>> -> memref<1x64x128xf32, #tpu.memory_space<vmem>>
          %gather3A_522 = tpu.memref_squeeze %gather3A_521 : memref<1x64x128xf32, #tpu.memory_space<vmem>> -> memref<64x128xf32, #tpu.memory_space<vmem>>
          %gather3A_523 = tpu.vector_load_idx %gather3A_522[%select_n3A_18, %add3A_519] : memref<64x128xf32, #tpu.memory_space<vmem>>[vector<16xi32>, vector<16xi32>], vector<16xf32>,
          %scatter3A = arith.constant 0 : i32
          %scatter3A_524 = arith.constant 0 : i32
          %scatter3A_525 = tpu.memref_slice %arg5[%scan3A_484, %scatter3A, %scatter3A_524] : memref<4x64x128xf32, #tpu.memory_space<vmem>> -> memref<1x64x128xf32, #tpu.memory_space<vmem>>
          %scatter3A_526 = tpu.memref_squeeze %scatter3A_525 : memref<1x64x128xf32, #tpu.memory_space<vmem>> -> memref<64x128xf32, #tpu.memory_space<vmem>>
          tpu.vector_store_idx %scatter3A_526[%and3A_513, %add3A_196], %gather3A_523 : memref<64x128xf32, #tpu.memory_space<vmem>>[vector<16xi32>, vector<16xi32>], vector<16xf32>,
          %add3A_527 = arith.constant 0 : i32
          %add3A_528 = vector.broadcast %add3A_527 : i32 to vector<16xi32>
          %add3A_529 = arith.addi %mul3A_516, %add3A_528 : vector<16xi32>
          %gather3A_530 = arith.constant 0 : i32
          %gather3A_531 = arith.constant 0 : i32
          %gather3A_532 = tpu.memref_slice %arg4[%scan3A_483, %gather3A_530, %gather3A_531] : memref<4x64x128xf32, #tpu.memory_space<vmem>> -> memref<1x64x128xf32, #tpu.memory_space<vmem>>
          %gather3A_533 = tpu.memref_squeeze %gather3A_532 : memref<1x64x128xf32, #tpu.memory_space<vmem>> -> memref<64x128xf32, #tpu.memory_space<vmem>>
          %gather3A_534 = tpu.vector_load_idx %gather3A_533[%select_n3A_43, %add3A_529] : memref<64x128xf32, #tpu.memory_space<vmem>>[vector<16xi32>, vector<16xi32>], vector<16xf32>,
          %scatter3A_535 = arith.constant 0 : i32
          %scatter3A_536 = arith.constant 0 : i32
          %scatter3A_537 = tpu.memref_slice %arg5[%scan3A_484, %scatter3A_535, %scatter3A_536] : memref<4x64x128xf32, #tpu.memory_space<vmem>> -> memref<1x64x128xf32, #tpu.memory_space<vmem>>
          %scatter3A_538 = tpu.memref_squeeze %scatter3A_537 : memref<1x64x128xf32, #tpu.memory_space<vmem>> -> memref<64x128xf32, #tpu.memory_space<vmem>>
          tpu.vector_store_idx %scatter3A_538[%and3A_513, %add3A_199], %gather3A_534 : memref<64x128xf32, #tpu.memory_space<vmem>>[vector<16xi32>, vector<16xi32>], vector<16xf32>,
          %add3A_539 = arith.constant 0 : i32
          %add3A_540 = vector.broadcast %add3A_539 : i32 to vector<16xi32>
          %add3A_541 = arith.addi %mul3A_516, %add3A_540 : vector<16xi32>
          %gather3A_542 = arith.constant 0 : i32
          %gather3A_543 = arith.constant 0 : i32
          %gather3A_544 = tpu.memref_slice %arg4[%scan3A_483, %gather3A_542, %gather3A_543] : memref<4x64x128xf32, #tpu.memory_space<vmem>> -> memref<1x64x128xf32, #tpu.memory_space<vmem>>
          %gather3A_545 = tpu.memref_squeeze %gather3A_544 : memref<1x64x128xf32, #tpu.memory_space<vmem>> -> memref<64x128xf32, #tpu.memory_space<vmem>>
          %gather3A_546 = tpu.vector_load_idx %gather3A_545[%select_n3A_68, %add3A_541] : memref<64x128xf32, #tpu.memory_space<vmem>>[vector<16xi32>, vector<16xi32>], vector<16xf32>,
          %scatter3A_547 = arith.constant 0 : i32
          %scatter3A_548 = arith.constant 0 : i32
          %scatter3A_549 = tpu.memref_slice %arg5[%scan3A_484, %scatter3A_547, %scatter3A_548] : memref<4x64x128xf32, #tpu.memory_space<vmem>> -> memref<1x64x128xf32, #tpu.memory_space<vmem>>
          %scatter3A_550 = tpu.memref_squeeze %scatter3A_549 : memref<1x64x128xf32, #tpu.memory_space<vmem>> -> memref<64x128xf32, #tpu.memory_space<vmem>>
          tpu.vector_store_idx %scatter3A_550[%and3A_513, %add3A_202], %gather3A_546 : memref<64x128xf32, #tpu.memory_space<vmem>>[vector<16xi32>, vector<16xi32>], vector<16xf32>,
          %add3A_551 = arith.constant 0 : i32
          %add3A_552 = vector.broadcast %add3A_551 : i32 to vector<16xi32>
          %add3A_553 = arith.addi %mul3A_516, %add3A_552 : vector<16xi32>
          %gather3A_554 = arith.constant 0 : i32
          %gather3A_555 = arith.constant 0 : i32
          %gather3A_556 = tpu.memref_slice %arg4[%scan3A_483, %gather3A_554, %gather3A_555] : memref<4x64x128xf32, #tpu.memory_space<vmem>> -> memref<1x64x128xf32, #tpu.memory_space<vmem>>
          %gather3A_557 = tpu.memref_squeeze %gather3A_556 : memref<1x64x128xf32, #tpu.memory_space<vmem>> -> memref<64x128xf32, #tpu.memory_space<vmem>>
          %gather3A_558 = tpu.vector_load_idx %gather3A_557[%select_n3A_93, %add3A_553] : memref<64x128xf32, #tpu.memory_space<vmem>>[vector<16xi32>, vector<16xi32>], vector<16xf32>,
          %scatter3A_559 = arith.constant 0 : i32
          %scatter3A_560 = arith.constant 0 : i32
          %scatter3A_561 = tpu.memref_slice %arg5[%scan3A_484, %scatter3A_559, %scatter3A_560] : memref<4x64x128xf32, #tpu.memory_space<vmem>> -> memref<1x64x128xf32, #tpu.memory_space<vmem>>
          %scatter3A_562 = tpu.memref_squeeze %scatter3A_561 : memref<1x64x128xf32, #tpu.memory_space<vmem>> -> memref<64x128xf32, #tpu.memory_space<vmem>>
          tpu.vector_store_idx %scatter3A_562[%and3A_513, %add3A_205], %gather3A_558 : memref<64x128xf32, #tpu.memory_space<vmem>>[vector<16xi32>, vector<16xi32>], vector<16xf32>,
          %add3A_563 = arith.constant 1 : i32
          %add3A_564 = vector.broadcast %add3A_563 : i32 to vector<16xi32>
          %add3A_565 = arith.addi %mul3A_516, %add3A_564 : vector<16xi32>
          %gather3A_566 = arith.constant 0 : i32
          %gather3A_567 = arith.constant 0 : i32
          %gather3A_568 = tpu.memref_slice %arg4[%scan3A_483, %gather3A_566, %gather3A_567] : memref<4x64x128xf32, #tpu.memory_space<vmem>> -> memref<1x64x128xf32, #tpu.memory_space<vmem>>
          %gather3A_569 = tpu.memref_squeeze %gather3A_568 : memref<1x64x128xf32, #tpu.memory_space<vmem>> -> memref<64x128xf32, #tpu.memory_space<vmem>>
          %gather3A_570 = tpu.vector_load_idx %gather3A_569[%select_n3A_118, %add3A_565] : memref<64x128xf32, #tpu.memory_space<vmem>>[vector<16xi32>, vector<16xi32>], vector<16xf32>,
          %scatter3A_571 = arith.constant 0 : i32
          %scatter3A_572 = arith.constant 0 : i32
          %scatter3A_573 = tpu.memref_slice %arg5[%scan3A_484, %scatter3A_571, %scatter3A_572] : memref<4x64x128xf32, #tpu.memory_space<vmem>> -> memref<1x64x128xf32, #tpu.memory_space<vmem>>
          %scatter3A_574 = tpu.memref_squeeze %scatter3A_573 : memref<1x64x128xf32, #tpu.memory_space<vmem>> -> memref<64x128xf32, #tpu.memory_space<vmem>>
          tpu.vector_store_idx %scatter3A_574[%and3A_513, %add3A_208], %gather3A_570 : memref<64x128xf32, #tpu.memory_space<vmem>>[vector<16xi32>, vector<16xi32>], vector<16xf32>,
          %add3A_575 = arith.constant 1 : i32
          %add3A_576 = vector.broadcast %add3A_575 : i32 to vector<16xi32>
          %add3A_577 = arith.addi %mul3A_516, %add3A_576 : vector<16xi32>
          %gather3A_578 = arith.constant 0 : i32
          %gather3A_579 = arith.constant 0 : i32
          %gather3A_580 = tpu.memref_slice %arg4[%scan3A_483, %gather3A_578, %gather3A_579] : memref<4x64x128xf32, #tpu.memory_space<vmem>> -> memref<1x64x128xf32, #tpu.memory_space<vmem>>
          %gather3A_581 = tpu.memref_squeeze %gather3A_580 : memref<1x64x128xf32, #tpu.memory_space<vmem>> -> memref<64x128xf32, #tpu.memory_space<vmem>>
          %gather3A_582 = tpu.vector_load_idx %gather3A_581[%select_n3A_143, %add3A_577] : memref<64x128xf32, #tpu.memory_space<vmem>>[vector<16xi32>, vector<16xi32>], vector<16xf32>,
          %scatter3A_583 = arith.constant 0 : i32
          %scatter3A_584 = arith.constant 0 : i32
          %scatter3A_585 = tpu.memref_slice %arg5[%scan3A_484, %scatter3A_583, %scatter3A_584] : memref<4x64x128xf32, #tpu.memory_space<vmem>> -> memref<1x64x128xf32, #tpu.memory_space<vmem>>
          %scatter3A_586 = tpu.memref_squeeze %scatter3A_585 : memref<1x64x128xf32, #tpu.memory_space<vmem>> -> memref<64x128xf32, #tpu.memory_space<vmem>>
          tpu.vector_store_idx %scatter3A_586[%and3A_513, %add3A_211], %gather3A_582 : memref<64x128xf32, #tpu.memory_space<vmem>>[vector<16xi32>, vector<16xi32>], vector<16xf32>,
          %add3A_587 = arith.constant 1 : i32
          %add3A_588 = vector.broadcast %add3A_587 : i32 to vector<16xi32>
          %add3A_589 = arith.addi %mul3A_516, %add3A_588 : vector<16xi32>
          %gather3A_590 = arith.constant 0 : i32
          %gather3A_591 = arith.constant 0 : i32
          %gather3A_592 = tpu.memref_slice %arg4[%scan3A_483, %gather3A_590, %gather3A_591] : memref<4x64x128xf32, #tpu.memory_space<vmem>> -> memref<1x64x128xf32, #tpu.memory_space<vmem>>
          %gather3A_593 = tpu.memref_squeeze %gather3A_592 : memref<1x64x128xf32, #tpu.memory_space<vmem>> -> memref<64x128xf32, #tpu.memory_space<vmem>>
          %gather3A_594 = tpu.vector_load_idx %gather3A_593[%select_n3A_168, %add3A_589] : memref<64x128xf32, #tpu.memory_space<vmem>>[vector<16xi32>, vector<16xi32>], vector<16xf32>,
          %scatter3A_595 = arith.constant 0 : i32
          %scatter3A_596 = arith.constant 0 : i32
          %scatter3A_597 = tpu.memref_slice %arg5[%scan3A_484, %scatter3A_595, %scatter3A_596] : memref<4x64x128xf32, #tpu.memory_space<vmem>> -> memref<1x64x128xf32, #tpu.memory_space<vmem>>
          %scatter3A_598 = tpu.memref_squeeze %scatter3A_597 : memref<1x64x128xf32, #tpu.memory_space<vmem>> -> memref<64x128xf32, #tpu.memory_space<vmem>>
          tpu.vector_store_idx %scatter3A_598[%and3A_513, %add3A_214], %gather3A_594 : memref<64x128xf32, #tpu.memory_space<vmem>>[vector<16xi32>, vector<16xi32>], vector<16xf32>,
          %add3A_599 = arith.constant 1 : i32
          %add3A_600 = vector.broadcast %add3A_599 : i32 to vector<16xi32>
          %add3A_601 = arith.addi %mul3A_516, %add3A_600 : vector<16xi32>
          %gather3A_602 = arith.constant 0 : i32
          %gather3A_603 = arith.constant 0 : i32
          %gather3A_604 = tpu.memref_slice %arg4[%scan3A_483, %gather3A_602, %gather3A_603] : memref<4x64x128xf32, #tpu.memory_space<vmem>> -> memref<1x64x128xf32, #tpu.memory_space<vmem>>
          %gather3A_605 = tpu.memref_squeeze %gather3A_604 : memref<1x64x128xf32, #tpu.memory_space<vmem>> -> memref<64x128xf32, #tpu.memory_space<vmem>>
          %gather3A_606 = tpu.vector_load_idx %gather3A_605[%select_n3A_193, %add3A_601] : memref<64x128xf32, #tpu.memory_space<vmem>>[vector<16xi32>, vector<16xi32>], vector<16xf32>,
          %scatter3A_607 = arith.constant 0 : i32
          %scatter3A_608 = arith.constant 0 : i32
          %scatter3A_609 = tpu.memref_slice %arg5[%scan3A_484, %scatter3A_607, %scatter3A_608] : memref<4x64x128xf32, #tpu.memory_space<vmem>> -> memref<1x64x128xf32, #tpu.memory_space<vmem>>
          %scatter3A_610 = tpu.memref_squeeze %scatter3A_609 : memref<1x64x128xf32, #tpu.memory_space<vmem>> -> memref<64x128xf32, #tpu.memory_space<vmem>>
          tpu.vector_store_idx %scatter3A_610[%and3A_513, %add3A_217], %gather3A_606 : memref<64x128xf32, #tpu.memory_space<vmem>>[vector<16xi32>, vector<16xi32>], vector<16xf32>,
        }
        %scan3A_489 = arith.constant 64 : i32
        %mul3A_490 = arith.constant 32 : i32
        %mul3A_491 = arith.muli %add3A_358, %mul3A_490 : i32
        %add3A_492 = arith.addi %mul3A_491, %add3A : i32
        %mul3A_493 = arith.constant 64 : i32
        %mul3A_494 = arith.muli %add3A_492, %mul3A_493 : i32
        %dma_start3A_495 = arith.constant 0 : i32
        %dma_start3A_496 = arith.constant 0 : i32
        %dma_start3A_497 = arith.constant 0 : i32
        %dma_start3A_498 = tpu.memref_slice %arg5[%dma_start3A_495, %dma_start3A_496, %dma_start3A_497] : memref<4x64x128xf32, #tpu.memory_space<vmem>> -> memref<1x64x128xf32, #tpu.memory_space<vmem>>
        %dma_start3A_499 = tpu.memref_squeeze %dma_start3A_498 : memref<1x64x128xf32, #tpu.memory_space<vmem>> -> memref<64x128xf32, #tpu.memory_space<vmem>>
        %dma_start3A_500 = arith.constant 0 : i32
        %dma_start3A_501 = tpu.memref_slice %arg3[%mul3A_494, %dma_start3A_500] : memref<500000x128xf32, #tpu.memory_space<hbm>> -> memref<64x128xf32, #tpu.memory_space<hbm>>
        %dma_start3A_502 = arith.constant 0 : i32
        %dma_start3A_503 = tpu.memref_slice %arg3[%mul3A_494, %dma_start3A_502] : memref<500000x128xf32, #tpu.memory_space<hbm>> -> memref<64x128xf32, #tpu.memory_space<hbm>>
        %dma_start3A_504 = arith.constant 0 : i32
        %dma_start3A_505 = arith.constant 0 : i32
        %dma_start3A_506 = tpu.memref_slice %arg5[%dma_start3A_495, %dma_start3A_504, %dma_start3A_505] : memref<4x64x128xf32, #tpu.memory_space<vmem>> -> memref<1x64x128xf32, #tpu.memory_space<vmem>>
        %dma_start3A_507 = tpu.memref_squeeze %dma_start3A_506 : memref<1x64x128xf32, #tpu.memory_space<vmem>> -> memref<64x128xf32, #tpu.memory_space<vmem>>
        tpu.enqueue_dma source(%dma_start3A_507 : memref<64x128xf32, #tpu.memory_space<vmem>>) target(%dma_start3A_503 : memref<64x128xf32, #tpu.memory_space<hbm>>) target_semaphore(%arg12 : memref<!tpu.dma_semaphore, #tpu.memory_space<semaphore_mem>>)
      } else {
      }
      %add3A_367 = arith.constant 1 : i32
      %add3A_368 = arith.addi %scan3A_354, %add3A_367 : i32
      %lt3A_369 = arith.constant 62 : i32
      %lt3A_370 = arith.cmpi slt, %add3A_368, %lt3A_369 : i32
      %add3A_371 = arith.constant 4 : i32
      %add3A_372 = arith.addi %add3A_358, %add3A_371 : i32
      %mul3A_373 = arith.constant 32 : i32
      %mul3A_374 = arith.muli %add3A_372, %mul3A_373 : i32
      %add3A_375 = arith.addi %mul3A_374, %add3A : i32
      %lt3A_376 = arith.constant 7812 : i32
      %lt3A_377 = arith.cmpi slt, %add3A_375, %lt3A_376 : i32
      %and3A_378 = arith.andi %lt3A_370, %lt3A_377 : i1
      %convert_element_type3A_379 = arith.extui %and3A_378 : i1 to i32
      %cond3A_380 = arith.constant 0 : i32
      %cond3A_381 = arith.cmpi ne, %convert_element_type3A_379, %cond3A_380 : i32
      scf.if %cond3A_381 {
        %add3A_463 = arith.constant 4 : i32
        %add3A_464 = arith.addi %add3A_358, %add3A_463 : i32
        %mul3A_465 = arith.constant 32 : i32
        %mul3A_466 = arith.muli %add3A_464, %mul3A_465 : i32
        %add3A_467 = arith.addi %mul3A_466, %add3A : i32
        %mul3A_468 = arith.constant 128 : i32
        %mul3A_469 = arith.muli %add3A_467, %mul3A_468 : i32
        %dma_start3A_470 = arith.constant 0 : i32
        %dma_start3A_471 = arith.constant 0 : i32
        %dma_start3A_472 = arith.constant 0 : i32
        %dma_start3A_473 = tpu.memref_slice %arg4[%dma_start3A_470, %dma_start3A_471, %dma_start3A_472] : memref<4x64x128xf32, #tpu.memory_space<vmem>> -> memref<1x64x128xf32, #tpu.memory_space<vmem>>
        %dma_start3A_474 = tpu.memref_squeeze %dma_start3A_473 : memref<1x64x128xf32, #tpu.memory_space<vmem>> -> memref<64x128xf32, #tpu.memory_space<vmem>>
        %dma_start3A_475 = arith.constant 0 : i32
        %dma_start3A_476 = tpu.memref_slice %arg2[%dma_start3A_475, %mul3A_469] : memref<64x1000000xf32, #tpu.memory_space<hbm>> -> memref<64x128xf32, #tpu.memory_space<hbm>>
        %dma_start3A_477 = arith.constant 0 : i32
        %dma_start3A_478 = arith.constant 0 : i32
        %dma_start3A_479 = tpu.memref_slice %arg4[%dma_start3A_470, %dma_start3A_477, %dma_start3A_478] : memref<4x64x128xf32, #tpu.memory_space<vmem>> -> memref<1x64x128xf32, #tpu.memory_space<vmem>>
        %dma_start3A_480 = tpu.memref_squeeze %dma_start3A_479 : memref<1x64x128xf32, #tpu.memory_space<vmem>> -> memref<64x128xf32, #tpu.memory_space<vmem>>
        %dma_start3A_481 = arith.constant 0 : i32
        %dma_start3A_482 = tpu.memref_slice %arg2[%dma_start3A_481, %mul3A_469] : memref<64x1000000xf32, #tpu.memory_space<hbm>> -> memref<64x128xf32, #tpu.memory_space<hbm>>
        tpu.enqueue_dma source(%dma_start3A_482 : memref<64x128xf32, #tpu.memory_space<hbm>>) target(%dma_start3A_480 : memref<64x128xf32, #tpu.memory_space<vmem>>) target_semaphore(%arg8 : memref<!tpu.dma_semaphore, #tpu.memory_space<semaphore_mem>>)
      } else {
      }
      %mul3A_382 = arith.constant 4 : i32
      %mul3A_383 = arith.muli %mul3A_382, %scan3A_354 : i32
      %add3A_384 = arith.constant 1 : i32
      %add3A_385 = arith.addi %mul3A_383, %add3A_384 : i32
      %mul3A_386 = arith.constant 32 : i32
      %mul3A_387 = arith.muli %add3A_385, %mul3A_386 : i32
      %add3A_388 = arith.addi %mul3A_387, %add3A : i32
      %lt3A_389 = arith.constant 7812 : i32
      %lt3A_390 = arith.cmpi slt, %add3A_388, %lt3A_389 : i32
      %convert_element_type3A_391 = arith.extui %lt3A_390 : i1 to i32
      %cond3A_392 = arith.constant 0 : i32
      %cond3A_393 = arith.cmpi ne, %convert_element_type3A_391, %cond3A_392 : i32
      scf.if %cond3A_393 {
        %gt3A = arith.constant 0 : i32
        %gt3A_463 = arith.cmpi sgt, %scan3A_354, %gt3A : i32
        %convert_element_type3A_464 = arith.extui %gt3A_463 : i1 to i32
        %cond3A_465 = arith.constant 0 : i32
        %cond3A_466 = arith.cmpi ne, %convert_element_type3A_464, %cond3A_465 : i32
        scf.if %cond3A_466 {
          %dma_wait3A_508 = arith.constant 1 : i32
          %dma_wait3A_509 = arith.constant 0 : i32
          %dma_wait3A_510 = arith.constant 0 : i32
          %dma_wait3A_511 = tpu.memref_slice %arg5[%dma_wait3A_508, %dma_wait3A_509, %dma_wait3A_510] : memref<4x64x128xf32, #tpu.memory_space<vmem>> -> memref<1x64x128xf32, #tpu.memory_space<vmem>>
          %dma_wait3A_512 = tpu.memref_squeeze %dma_wait3A_511 : memref<1x64x128xf32, #tpu.memory_space<vmem>> -> memref<64x128xf32, #tpu.memory_space<vmem>>
          %dma_wait3A_513 = arith.constant 0 : i32
          %dma_wait3A_514 = arith.constant 0 : i32
          %dma_wait3A_515 = tpu.memref_slice %arg3[%dma_wait3A_513, %dma_wait3A_514] : memref<500000x128xf32, #tpu.memory_space<hbm>> -> memref<64x128xf32, #tpu.memory_space<hbm>>
          %dma_wait3A_516 = arith.constant 0 : i32
          %dma_wait3A_517 = arith.constant 0 : i32
          %dma_wait3A_518 = tpu.memref_slice %arg3[%dma_wait3A_516, %dma_wait3A_517] : memref<500000x128xf32, #tpu.memory_space<hbm>> -> memref<64x128xf32, #tpu.memory_space<hbm>>
          %dma_wait3A_519 = arith.constant 0 : i32
          %dma_wait3A_520 = arith.constant 0 : i32
          %dma_wait3A_521 = tpu.memref_slice %arg5[%dma_wait3A_508, %dma_wait3A_519, %dma_wait3A_520] : memref<4x64x128xf32, #tpu.memory_space<vmem>> -> memref<1x64x128xf32, #tpu.memory_space<vmem>>
          %dma_wait3A_522 = tpu.memref_squeeze %dma_wait3A_521 : memref<1x64x128xf32, #tpu.memory_space<vmem>> -> memref<64x128xf32, #tpu.memory_space<vmem>>
          tpu.wait_dma2 semaphore(%arg13 : memref<!tpu.dma_semaphore, #tpu.memory_space<semaphore_mem>>) src(%dma_wait3A_522 : memref<64x128xf32, #tpu.memory_space<vmem>>) dst(%dma_wait3A_518 : memref<64x128xf32, #tpu.memory_space<hbm>>)
        } else {
        }
        %dma_wait3A_467 = arith.constant 1 : i32
        %dma_wait3A_468 = arith.constant 0 : i32
        %dma_wait3A_469 = arith.constant 0 : i32
        %dma_wait3A_470 = tpu.memref_slice %arg4[%dma_wait3A_467, %dma_wait3A_468, %dma_wait3A_469] : memref<4x64x128xf32, #tpu.memory_space<vmem>> -> memref<1x64x128xf32, #tpu.memory_space<vmem>>
        %dma_wait3A_471 = tpu.memref_squeeze %dma_wait3A_470 : memref<1x64x128xf32, #tpu.memory_space<vmem>> -> memref<64x128xf32, #tpu.memory_space<vmem>>
        %dma_wait3A_472 = arith.constant 0 : i32
        %dma_wait3A_473 = arith.constant 0 : i32
        %dma_wait3A_474 = tpu.memref_slice %arg2[%dma_wait3A_472, %dma_wait3A_473] : memref<64x1000000xf32, #tpu.memory_space<hbm>> -> memref<64x128xf32, #tpu.memory_space<hbm>>
        %dma_wait3A_475 = arith.constant 0 : i32
        %dma_wait3A_476 = arith.constant 0 : i32
        %dma_wait3A_477 = tpu.memref_slice %arg4[%dma_wait3A_467, %dma_wait3A_475, %dma_wait3A_476] : memref<4x64x128xf32, #tpu.memory_space<vmem>> -> memref<1x64x128xf32, #tpu.memory_space<vmem>>
        %dma_wait3A_478 = tpu.memref_squeeze %dma_wait3A_477 : memref<1x64x128xf32, #tpu.memory_space<vmem>> -> memref<64x128xf32, #tpu.memory_space<vmem>>
        %dma_wait3A_479 = arith.constant 0 : i32
        %dma_wait3A_480 = arith.constant 0 : i32
        %dma_wait3A_481 = tpu.memref_slice %arg2[%dma_wait3A_479, %dma_wait3A_480] : memref<64x1000000xf32, #tpu.memory_space<hbm>> -> memref<64x128xf32, #tpu.memory_space<hbm>>
        tpu.wait_dma2 semaphore(%arg9 : memref<!tpu.dma_semaphore, #tpu.memory_space<semaphore_mem>>) src(%dma_wait3A_481 : memref<64x128xf32, #tpu.memory_space<hbm>>) dst(%dma_wait3A_478 : memref<64x128xf32, #tpu.memory_space<vmem>>)
        %scan3A_482 = arith.constant 0 : i32
        %scan3A_483 = arith.constant 1 : i32
        %scan3A_484 = arith.constant 1 : i32
        %scan3A_485 = arith.constant 0 : i32
        %scan3A_486 = arith.constant 64 : i32
        %scan3A_487 = arith.addi %scan3A_485, %scan3A_486 : i32
        %scan3A_488 = arith.constant 1 : i32
        scf.for %scan3A_508 = %scan3A_485 to %scan3A_487 step %scan3A_488  : i32 {
          %add3A_509 = vector.broadcast %scan3A_508 : i32 to vector<16xi32>
          %add3A_510 = arith.addi %add3A_509, %iota3A : vector<16xi32>
          %and3A_511 = arith.constant 63 : i32
          %and3A_512 = vector.broadcast %and3A_511 : i32 to vector<16xi32>
          %and3A_513 = arith.andi %add3A_510, %and3A_512 : vector<16xi32>
          %mul3A_514 = arith.constant 2 : i32
          %mul3A_515 = vector.broadcast %mul3A_514 : i32 to vector<16xi32>
          %mul3A_516 = arith.muli %mul3A_515, %and3A_513 : vector<16xi32>
          %add3A_517 = arith.constant 0 : i32
          %add3A_518 = vector.broadcast %add3A_517 : i32 to vector<16xi32>
          %add3A_519 = arith.addi %mul3A_516, %add3A_518 : vector<16xi32>
          %gather3A = arith.constant 0 : i32
          %gather3A_520 = arith.constant 0 : i32
          %gather3A_521 = tpu.memref_slice %arg4[%scan3A_483, %gather3A, %gather3A_520] : memref<4x64x128xf32, #tpu.memory_space<vmem>> -> memref<1x64x128xf32, #tpu.memory_space<vmem>>
          %gather3A_522 = tpu.memref_squeeze %gather3A_521 : memref<1x64x128xf32, #tpu.memory_space<vmem>> -> memref<64x128xf32, #tpu.memory_space<vmem>>
          %gather3A_523 = tpu.vector_load_idx %gather3A_522[%select_n3A_18, %add3A_519] : memref<64x128xf32, #tpu.memory_space<vmem>>[vector<16xi32>, vector<16xi32>], vector<16xf32>,
          %scatter3A = arith.constant 0 : i32
          %scatter3A_524 = arith.constant 0 : i32
          %scatter3A_525 = tpu.memref_slice %arg5[%scan3A_484, %scatter3A, %scatter3A_524] : memref<4x64x128xf32, #tpu.memory_space<vmem>> -> memref<1x64x128xf32, #tpu.memory_space<vmem>>
          %scatter3A_526 = tpu.memref_squeeze %scatter3A_525 : memref<1x64x128xf32, #tpu.memory_space<vmem>> -> memref<64x128xf32, #tpu.memory_space<vmem>>
          tpu.vector_store_idx %scatter3A_526[%and3A_513, %add3A_196], %gather3A_523 : memref<64x128xf32, #tpu.memory_space<vmem>>[vector<16xi32>, vector<16xi32>], vector<16xf32>,
          %add3A_527 = arith.constant 0 : i32
          %add3A_528 = vector.broadcast %add3A_527 : i32 to vector<16xi32>
          %add3A_529 = arith.addi %mul3A_516, %add3A_528 : vector<16xi32>
          %gather3A_530 = arith.constant 0 : i32
          %gather3A_531 = arith.constant 0 : i32
          %gather3A_532 = tpu.memref_slice %arg4[%scan3A_483, %gather3A_530, %gather3A_531] : memref<4x64x128xf32, #tpu.memory_space<vmem>> -> memref<1x64x128xf32, #tpu.memory_space<vmem>>
          %gather3A_533 = tpu.memref_squeeze %gather3A_532 : memref<1x64x128xf32, #tpu.memory_space<vmem>> -> memref<64x128xf32, #tpu.memory_space<vmem>>
          %gather3A_534 = tpu.vector_load_idx %gather3A_533[%select_n3A_43, %add3A_529] : memref<64x128xf32, #tpu.memory_space<vmem>>[vector<16xi32>, vector<16xi32>], vector<16xf32>,
          %scatter3A_535 = arith.constant 0 : i32
          %scatter3A_536 = arith.constant 0 : i32
          %scatter3A_537 = tpu.memref_slice %arg5[%scan3A_484, %scatter3A_535, %scatter3A_536] : memref<4x64x128xf32, #tpu.memory_space<vmem>> -> memref<1x64x128xf32, #tpu.memory_space<vmem>>
          %scatter3A_538 = tpu.memref_squeeze %scatter3A_537 : memref<1x64x128xf32, #tpu.memory_space<vmem>> -> memref<64x128xf32, #tpu.memory_space<vmem>>
          tpu.vector_store_idx %scatter3A_538[%and3A_513, %add3A_199], %gather3A_534 : memref<64x128xf32, #tpu.memory_space<vmem>>[vector<16xi32>, vector<16xi32>], vector<16xf32>,
          %add3A_539 = arith.constant 0 : i32
          %add3A_540 = vector.broadcast %add3A_539 : i32 to vector<16xi32>
          %add3A_541 = arith.addi %mul3A_516, %add3A_540 : vector<16xi32>
          %gather3A_542 = arith.constant 0 : i32
          %gather3A_543 = arith.constant 0 : i32
          %gather3A_544 = tpu.memref_slice %arg4[%scan3A_483, %gather3A_542, %gather3A_543] : memref<4x64x128xf32, #tpu.memory_space<vmem>> -> memref<1x64x128xf32, #tpu.memory_space<vmem>>
          %gather3A_545 = tpu.memref_squeeze %gather3A_544 : memref<1x64x128xf32, #tpu.memory_space<vmem>> -> memref<64x128xf32, #tpu.memory_space<vmem>>
          %gather3A_546 = tpu.vector_load_idx %gather3A_545[%select_n3A_68, %add3A_541] : memref<64x128xf32, #tpu.memory_space<vmem>>[vector<16xi32>, vector<16xi32>], vector<16xf32>,
          %scatter3A_547 = arith.constant 0 : i32
          %scatter3A_548 = arith.constant 0 : i32
          %scatter3A_549 = tpu.memref_slice %arg5[%scan3A_484, %scatter3A_547, %scatter3A_548] : memref<4x64x128xf32, #tpu.memory_space<vmem>> -> memref<1x64x128xf32, #tpu.memory_space<vmem>>
          %scatter3A_550 = tpu.memref_squeeze %scatter3A_549 : memref<1x64x128xf32, #tpu.memory_space<vmem>> -> memref<64x128xf32, #tpu.memory_space<vmem>>
          tpu.vector_store_idx %scatter3A_550[%and3A_513, %add3A_202], %gather3A_546 : memref<64x128xf32, #tpu.memory_space<vmem>>[vector<16xi32>, vector<16xi32>], vector<16xf32>,
          %add3A_551 = arith.constant 0 : i32
          %add3A_552 = vector.broadcast %add3A_551 : i32 to vector<16xi32>
          %add3A_553 = arith.addi %mul3A_516, %add3A_552 : vector<16xi32>
          %gather3A_554 = arith.constant 0 : i32
          %gather3A_555 = arith.constant 0 : i32
          %gather3A_556 = tpu.memref_slice %arg4[%scan3A_483, %gather3A_554, %gather3A_555] : memref<4x64x128xf32, #tpu.memory_space<vmem>> -> memref<1x64x128xf32, #tpu.memory_space<vmem>>
          %gather3A_557 = tpu.memref_squeeze %gather3A_556 : memref<1x64x128xf32, #tpu.memory_space<vmem>> -> memref<64x128xf32, #tpu.memory_space<vmem>>
          %gather3A_558 = tpu.vector_load_idx %gather3A_557[%select_n3A_93, %add3A_553] : memref<64x128xf32, #tpu.memory_space<vmem>>[vector<16xi32>, vector<16xi32>], vector<16xf32>,
          %scatter3A_559 = arith.constant 0 : i32
          %scatter3A_560 = arith.constant 0 : i32
          %scatter3A_561 = tpu.memref_slice %arg5[%scan3A_484, %scatter3A_559, %scatter3A_560] : memref<4x64x128xf32, #tpu.memory_space<vmem>> -> memref<1x64x128xf32, #tpu.memory_space<vmem>>
          %scatter3A_562 = tpu.memref_squeeze %scatter3A_561 : memref<1x64x128xf32, #tpu.memory_space<vmem>> -> memref<64x128xf32, #tpu.memory_space<vmem>>
          tpu.vector_store_idx %scatter3A_562[%and3A_513, %add3A_205], %gather3A_558 : memref<64x128xf32, #tpu.memory_space<vmem>>[vector<16xi32>, vector<16xi32>], vector<16xf32>,
          %add3A_563 = arith.constant 1 : i32
          %add3A_564 = vector.broadcast %add3A_563 : i32 to vector<16xi32>
          %add3A_565 = arith.addi %mul3A_516, %add3A_564 : vector<16xi32>
          %gather3A_566 = arith.constant 0 : i32
          %gather3A_567 = arith.constant 0 : i32
          %gather3A_568 = tpu.memref_slice %arg4[%scan3A_483, %gather3A_566, %gather3A_567] : memref<4x64x128xf32, #tpu.memory_space<vmem>> -> memref<1x64x128xf32, #tpu.memory_space<vmem>>
          %gather3A_569 = tpu.memref_squeeze %gather3A_568 : memref<1x64x128xf32, #tpu.memory_space<vmem>> -> memref<64x128xf32, #tpu.memory_space<vmem>>
          %gather3A_570 = tpu.vector_load_idx %gather3A_569[%select_n3A_118, %add3A_565] : memref<64x128xf32, #tpu.memory_space<vmem>>[vector<16xi32>, vector<16xi32>], vector<16xf32>,
          %scatter3A_571 = arith.constant 0 : i32
          %scatter3A_572 = arith.constant 0 : i32
          %scatter3A_573 = tpu.memref_slice %arg5[%scan3A_484, %scatter3A_571, %scatter3A_572] : memref<4x64x128xf32, #tpu.memory_space<vmem>> -> memref<1x64x128xf32, #tpu.memory_space<vmem>>
          %scatter3A_574 = tpu.memref_squeeze %scatter3A_573 : memref<1x64x128xf32, #tpu.memory_space<vmem>> -> memref<64x128xf32, #tpu.memory_space<vmem>>
          tpu.vector_store_idx %scatter3A_574[%and3A_513, %add3A_208], %gather3A_570 : memref<64x128xf32, #tpu.memory_space<vmem>>[vector<16xi32>, vector<16xi32>], vector<16xf32>,
          %add3A_575 = arith.constant 1 : i32
          %add3A_576 = vector.broadcast %add3A_575 : i32 to vector<16xi32>
          %add3A_577 = arith.addi %mul3A_516, %add3A_576 : vector<16xi32>
          %gather3A_578 = arith.constant 0 : i32
          %gather3A_579 = arith.constant 0 : i32
          %gather3A_580 = tpu.memref_slice %arg4[%scan3A_483, %gather3A_578, %gather3A_579] : memref<4x64x128xf32, #tpu.memory_space<vmem>> -> memref<1x64x128xf32, #tpu.memory_space<vmem>>
          %gather3A_581 = tpu.memref_squeeze %gather3A_580 : memref<1x64x128xf32, #tpu.memory_space<vmem>> -> memref<64x128xf32, #tpu.memory_space<vmem>>
          %gather3A_582 = tpu.vector_load_idx %gather3A_581[%select_n3A_143, %add3A_577] : memref<64x128xf32, #tpu.memory_space<vmem>>[vector<16xi32>, vector<16xi32>], vector<16xf32>,
          %scatter3A_583 = arith.constant 0 : i32
          %scatter3A_584 = arith.constant 0 : i32
          %scatter3A_585 = tpu.memref_slice %arg5[%scan3A_484, %scatter3A_583, %scatter3A_584] : memref<4x64x128xf32, #tpu.memory_space<vmem>> -> memref<1x64x128xf32, #tpu.memory_space<vmem>>
          %scatter3A_586 = tpu.memref_squeeze %scatter3A_585 : memref<1x64x128xf32, #tpu.memory_space<vmem>> -> memref<64x128xf32, #tpu.memory_space<vmem>>
          tpu.vector_store_idx %scatter3A_586[%and3A_513, %add3A_211], %gather3A_582 : memref<64x128xf32, #tpu.memory_space<vmem>>[vector<16xi32>, vector<16xi32>], vector<16xf32>,
          %add3A_587 = arith.constant 1 : i32
          %add3A_588 = vector.broadcast %add3A_587 : i32 to vector<16xi32>
          %add3A_589 = arith.addi %mul3A_516, %add3A_588 : vector<16xi32>
          %gather3A_590 = arith.constant 0 : i32
          %gather3A_591 = arith.constant 0 : i32
          %gather3A_592 = tpu.memref_slice %arg4[%scan3A_483, %gather3A_590, %gather3A_591] : memref<4x64x128xf32, #tpu.memory_space<vmem>> -> memref<1x64x128xf32, #tpu.memory_space<vmem>>
          %gather3A_593 = tpu.memref_squeeze %gather3A_592 : memref<1x64x128xf32, #tpu.memory_space<vmem>> -> memref<64x128xf32, #tpu.memory_space<vmem>>
          %gather3A_594 = tpu.vector_load_idx %gather3A_593[%select_n3A_168, %add3A_589] : memref<64x128xf32, #tpu.memory_space<vmem>>[vector<16xi32>, vector<16xi32>], vector<16xf32>,
          %scatter3A_595 = arith.constant 0 : i32
          %scatter3A_596 = arith.constant 0 : i32
          %scatter3A_597 = tpu.memref_slice %arg5[%scan3A_484, %scatter3A_595, %scatter3A_596] : memref<4x64x128xf32, #tpu.memory_space<vmem>> -> memref<1x64x128xf32, #tpu.memory_space<vmem>>
          %scatter3A_598 = tpu.memref_squeeze %scatter3A_597 : memref<1x64x128xf32, #tpu.memory_space<vmem>> -> memref<64x128xf32, #tpu.memory_space<vmem>>
          tpu.vector_store_idx %scatter3A_598[%and3A_513, %add3A_214], %gather3A_594 : memref<64x128xf32, #tpu.memory_space<vmem>>[vector<16xi32>, vector<16xi32>], vector<16xf32>,
          %add3A_599 = arith.constant 1 : i32
          %add3A_600 = vector.broadcast %add3A_599 : i32 to vector<16xi32>
          %add3A_601 = arith.addi %mul3A_516, %add3A_600 : vector<16xi32>
          %gather3A_602 = arith.constant 0 : i32
          %gather3A_603 = arith.constant 0 : i32
          %gather3A_604 = tpu.memref_slice %arg4[%scan3A_483, %gather3A_602, %gather3A_603] : memref<4x64x128xf32, #tpu.memory_space<vmem>> -> memref<1x64x128xf32, #tpu.memory_space<vmem>>
          %gather3A_605 = tpu.memref_squeeze %gather3A_604 : memref<1x64x128xf32, #tpu.memory_space<vmem>> -> memref<64x128xf32, #tpu.memory_space<vmem>>
          %gather3A_606 = tpu.vector_load_idx %gather3A_605[%select_n3A_193, %add3A_601] : memref<64x128xf32, #tpu.memory_space<vmem>>[vector<16xi32>, vector<16xi32>], vector<16xf32>,
          %scatter3A_607 = arith.constant 0 : i32
          %scatter3A_608 = arith.constant 0 : i32
          %scatter3A_609 = tpu.memref_slice %arg5[%scan3A_484, %scatter3A_607, %scatter3A_608] : memref<4x64x128xf32, #tpu.memory_space<vmem>> -> memref<1x64x128xf32, #tpu.memory_space<vmem>>
          %scatter3A_610 = tpu.memref_squeeze %scatter3A_609 : memref<1x64x128xf32, #tpu.memory_space<vmem>> -> memref<64x128xf32, #tpu.memory_space<vmem>>
          tpu.vector_store_idx %scatter3A_610[%and3A_513, %add3A_217], %gather3A_606 : memref<64x128xf32, #tpu.memory_space<vmem>>[vector<16xi32>, vector<16xi32>], vector<16xf32>,
        }
        %scan3A_489 = arith.constant 64 : i32
        %mul3A_490 = arith.constant 32 : i32
        %mul3A_491 = arith.muli %add3A_385, %mul3A_490 : i32
        %add3A_492 = arith.addi %mul3A_491, %add3A : i32
        %mul3A_493 = arith.constant 64 : i32
        %mul3A_494 = arith.muli %add3A_492, %mul3A_493 : i32
        %dma_start3A_495 = arith.constant 1 : i32
        %dma_start3A_496 = arith.constant 0 : i32
        %dma_start3A_497 = arith.constant 0 : i32
        %dma_start3A_498 = tpu.memref_slice %arg5[%dma_start3A_495, %dma_start3A_496, %dma_start3A_497] : memref<4x64x128xf32, #tpu.memory_space<vmem>> -> memref<1x64x128xf32, #tpu.memory_space<vmem>>
        %dma_start3A_499 = tpu.memref_squeeze %dma_start3A_498 : memref<1x64x128xf32, #tpu.memory_space<vmem>> -> memref<64x128xf32, #tpu.memory_space<vmem>>
        %dma_start3A_500 = arith.constant 0 : i32
        %dma_start3A_501 = tpu.memref_slice %arg3[%mul3A_494, %dma_start3A_500] : memref<500000x128xf32, #tpu.memory_space<hbm>> -> memref<64x128xf32, #tpu.memory_space<hbm>>
        %dma_start3A_502 = arith.constant 0 : i32
        %dma_start3A_503 = tpu.memref_slice %arg3[%mul3A_494, %dma_start3A_502] : memref<500000x128xf32, #tpu.memory_space<hbm>> -> memref<64x128xf32, #tpu.memory_space<hbm>>
        %dma_start3A_504 = arith.constant 0 : i32
        %dma_start3A_505 = arith.constant 0 : i32
        %dma_start3A_506 = tpu.memref_slice %arg5[%dma_start3A_495, %dma_start3A_504, %dma_start3A_505] : memref<4x64x128xf32, #tpu.memory_space<vmem>> -> memref<1x64x128xf32, #tpu.memory_space<vmem>>
        %dma_start3A_507 = tpu.memref_squeeze %dma_start3A_506 : memref<1x64x128xf32, #tpu.memory_space<vmem>> -> memref<64x128xf32, #tpu.memory_space<vmem>>
        tpu.enqueue_dma source(%dma_start3A_507 : memref<64x128xf32, #tpu.memory_space<vmem>>) target(%dma_start3A_503 : memref<64x128xf32, #tpu.memory_space<hbm>>) target_semaphore(%arg13 : memref<!tpu.dma_semaphore, #tpu.memory_space<semaphore_mem>>)
      } else {
      }
      %add3A_394 = arith.constant 1 : i32
      %add3A_395 = arith.addi %scan3A_354, %add3A_394 : i32
      %lt3A_396 = arith.constant 62 : i32
      %lt3A_397 = arith.cmpi slt, %add3A_395, %lt3A_396 : i32
      %add3A_398 = arith.constant 4 : i32
      %add3A_399 = arith.addi %add3A_385, %add3A_398 : i32
      %mul3A_400 = arith.constant 32 : i32
      %mul3A_401 = arith.muli %add3A_399, %mul3A_400 : i32
      %add3A_402 = arith.addi %mul3A_401, %add3A : i32
      %lt3A_403 = arith.constant 7812 : i32
      %lt3A_404 = arith.cmpi slt, %add3A_402, %lt3A_403 : i32
      %and3A_405 = arith.andi %lt3A_397, %lt3A_404 : i1
      %convert_element_type3A_406 = arith.extui %and3A_405 : i1 to i32
      %cond3A_407 = arith.constant 0 : i32
      %cond3A_408 = arith.cmpi ne, %convert_element_type3A_406, %cond3A_407 : i32
      scf.if %cond3A_408 {
        %add3A_463 = arith.constant 4 : i32
        %add3A_464 = arith.addi %add3A_385, %add3A_463 : i32
        %mul3A_465 = arith.constant 32 : i32
        %mul3A_466 = arith.muli %add3A_464, %mul3A_465 : i32
        %add3A_467 = arith.addi %mul3A_466, %add3A : i32
        %mul3A_468 = arith.constant 128 : i32
        %mul3A_469 = arith.muli %add3A_467, %mul3A_468 : i32
        %dma_start3A_470 = arith.constant 1 : i32
        %dma_start3A_471 = arith.constant 0 : i32
        %dma_start3A_472 = arith.constant 0 : i32
        %dma_start3A_473 = tpu.memref_slice %arg4[%dma_start3A_470, %dma_start3A_471, %dma_start3A_472] : memref<4x64x128xf32, #tpu.memory_space<vmem>> -> memref<1x64x128xf32, #tpu.memory_space<vmem>>
        %dma_start3A_474 = tpu.memref_squeeze %dma_start3A_473 : memref<1x64x128xf32, #tpu.memory_space<vmem>> -> memref<64x128xf32, #tpu.memory_space<vmem>>
        %dma_start3A_475 = arith.constant 0 : i32
        %dma_start3A_476 = tpu.memref_slice %arg2[%dma_start3A_475, %mul3A_469] : memref<64x1000000xf32, #tpu.memory_space<hbm>> -> memref<64x128xf32, #tpu.memory_space<hbm>>
        %dma_start3A_477 = arith.constant 0 : i32
        %dma_start3A_478 = arith.constant 0 : i32
        %dma_start3A_479 = tpu.memref_slice %arg4[%dma_start3A_470, %dma_start3A_477, %dma_start3A_478] : memref<4x64x128xf32, #tpu.memory_space<vmem>> -> memref<1x64x128xf32, #tpu.memory_space<vmem>>
        %dma_start3A_480 = tpu.memref_squeeze %dma_start3A_479 : memref<1x64x128xf32, #tpu.memory_space<vmem>> -> memref<64x128xf32, #tpu.memory_space<vmem>>
        %dma_start3A_481 = arith.constant 0 : i32
        %dma_start3A_482 = tpu.memref_slice %arg2[%dma_start3A_481, %mul3A_469] : memref<64x1000000xf32, #tpu.memory_space<hbm>> -> memref<64x128xf32, #tpu.memory_space<hbm>>
        tpu.enqueue_dma source(%dma_start3A_482 : memref<64x128xf32, #tpu.memory_space<hbm>>) target(%dma_start3A_480 : memref<64x128xf32, #tpu.memory_space<vmem>>) target_semaphore(%arg9 : memref<!tpu.dma_semaphore, #tpu.memory_space<semaphore_mem>>)
      } else {
      }
      %mul3A_409 = arith.constant 4 : i32
      %mul3A_410 = arith.muli %mul3A_409, %scan3A_354 : i32
      %add3A_411 = arith.constant 2 : i32
      %add3A_412 = arith.addi %mul3A_410, %add3A_411 : i32
      %mul3A_413 = arith.constant 32 : i32
      %mul3A_414 = arith.muli %add3A_412, %mul3A_413 : i32
      %add3A_415 = arith.addi %mul3A_414, %add3A : i32
      %lt3A_416 = arith.constant 7812 : i32
      %lt3A_417 = arith.cmpi slt, %add3A_415, %lt3A_416 : i32
      %convert_element_type3A_418 = arith.extui %lt3A_417 : i1 to i32
      %cond3A_419 = arith.constant 0 : i32
      %cond3A_420 = arith.cmpi ne, %convert_element_type3A_418, %cond3A_419 : i32
      scf.if %cond3A_420 {
        %gt3A = arith.constant 0 : i32
        %gt3A_463 = arith.cmpi sgt, %scan3A_354, %gt3A : i32
        %convert_element_type3A_464 = arith.extui %gt3A_463 : i1 to i32
        %cond3A_465 = arith.constant 0 : i32
        %cond3A_466 = arith.cmpi ne, %convert_element_type3A_464, %cond3A_465 : i32
        scf.if %cond3A_466 {
          %dma_wait3A_508 = arith.constant 2 : i32
          %dma_wait3A_509 = arith.constant 0 : i32
          %dma_wait3A_510 = arith.constant 0 : i32
          %dma_wait3A_511 = tpu.memref_slice %arg5[%dma_wait3A_508, %dma_wait3A_509, %dma_wait3A_510] : memref<4x64x128xf32, #tpu.memory_space<vmem>> -> memref<1x64x128xf32, #tpu.memory_space<vmem>>
          %dma_wait3A_512 = tpu.memref_squeeze %dma_wait3A_511 : memref<1x64x128xf32, #tpu.memory_space<vmem>> -> memref<64x128xf32, #tpu.memory_space<vmem>>
          %dma_wait3A_513 = arith.constant 0 : i32
          %dma_wait3A_514 = arith.constant 0 : i32
          %dma_wait3A_515 = tpu.memref_slice %arg3[%dma_wait3A_513, %dma_wait3A_514] : memref<500000x128xf32, #tpu.memory_space<hbm>> -> memref<64x128xf32, #tpu.memory_space<hbm>>
          %dma_wait3A_516 = arith.constant 0 : i32
          %dma_wait3A_517 = arith.constant 0 : i32
          %dma_wait3A_518 = tpu.memref_slice %arg3[%dma_wait3A_516, %dma_wait3A_517] : memref<500000x128xf32, #tpu.memory_space<hbm>> -> memref<64x128xf32, #tpu.memory_space<hbm>>
          %dma_wait3A_519 = arith.constant 0 : i32
          %dma_wait3A_520 = arith.constant 0 : i32
          %dma_wait3A_521 = tpu.memref_slice %arg5[%dma_wait3A_508, %dma_wait3A_519, %dma_wait3A_520] : memref<4x64x128xf32, #tpu.memory_space<vmem>> -> memref<1x64x128xf32, #tpu.memory_space<vmem>>
          %dma_wait3A_522 = tpu.memref_squeeze %dma_wait3A_521 : memref<1x64x128xf32, #tpu.memory_space<vmem>> -> memref<64x128xf32, #tpu.memory_space<vmem>>
          tpu.wait_dma2 semaphore(%arg14 : memref<!tpu.dma_semaphore, #tpu.memory_space<semaphore_mem>>) src(%dma_wait3A_522 : memref<64x128xf32, #tpu.memory_space<vmem>>) dst(%dma_wait3A_518 : memref<64x128xf32, #tpu.memory_space<hbm>>)
        } else {
        }
        %dma_wait3A_467 = arith.constant 2 : i32
        %dma_wait3A_468 = arith.constant 0 : i32
        %dma_wait3A_469 = arith.constant 0 : i32
        %dma_wait3A_470 = tpu.memref_slice %arg4[%dma_wait3A_467, %dma_wait3A_468, %dma_wait3A_469] : memref<4x64x128xf32, #tpu.memory_space<vmem>> -> memref<1x64x128xf32, #tpu.memory_space<vmem>>
        %dma_wait3A_471 = tpu.memref_squeeze %dma_wait3A_470 : memref<1x64x128xf32, #tpu.memory_space<vmem>> -> memref<64x128xf32, #tpu.memory_space<vmem>>
        %dma_wait3A_472 = arith.constant 0 : i32
        %dma_wait3A_473 = arith.constant 0 : i32
        %dma_wait3A_474 = tpu.memref_slice %arg2[%dma_wait3A_472, %dma_wait3A_473] : memref<64x1000000xf32, #tpu.memory_space<hbm>> -> memref<64x128xf32, #tpu.memory_space<hbm>>
        %dma_wait3A_475 = arith.constant 0 : i32
        %dma_wait3A_476 = arith.constant 0 : i32
        %dma_wait3A_477 = tpu.memref_slice %arg4[%dma_wait3A_467, %dma_wait3A_475, %dma_wait3A_476] : memref<4x64x128xf32, #tpu.memory_space<vmem>> -> memref<1x64x128xf32, #tpu.memory_space<vmem>>
        %dma_wait3A_478 = tpu.memref_squeeze %dma_wait3A_477 : memref<1x64x128xf32, #tpu.memory_space<vmem>> -> memref<64x128xf32, #tpu.memory_space<vmem>>
        %dma_wait3A_479 = arith.constant 0 : i32
        %dma_wait3A_480 = arith.constant 0 : i32
        %dma_wait3A_481 = tpu.memref_slice %arg2[%dma_wait3A_479, %dma_wait3A_480] : memref<64x1000000xf32, #tpu.memory_space<hbm>> -> memref<64x128xf32, #tpu.memory_space<hbm>>
        tpu.wait_dma2 semaphore(%arg10 : memref<!tpu.dma_semaphore, #tpu.memory_space<semaphore_mem>>) src(%dma_wait3A_481 : memref<64x128xf32, #tpu.memory_space<hbm>>) dst(%dma_wait3A_478 : memref<64x128xf32, #tpu.memory_space<vmem>>)
        %scan3A_482 = arith.constant 0 : i32
        %scan3A_483 = arith.constant 2 : i32
        %scan3A_484 = arith.constant 2 : i32
        %scan3A_485 = arith.constant 0 : i32
        %scan3A_486 = arith.constant 64 : i32
        %scan3A_487 = arith.addi %scan3A_485, %scan3A_486 : i32
        %scan3A_488 = arith.constant 1 : i32
        scf.for %scan3A_508 = %scan3A_485 to %scan3A_487 step %scan3A_488  : i32 {
          %add3A_509 = vector.broadcast %scan3A_508 : i32 to vector<16xi32>
          %add3A_510 = arith.addi %add3A_509, %iota3A : vector<16xi32>
          %and3A_511 = arith.constant 63 : i32
          %and3A_512 = vector.broadcast %and3A_511 : i32 to vector<16xi32>
          %and3A_513 = arith.andi %add3A_510, %and3A_512 : vector<16xi32>
          %mul3A_514 = arith.constant 2 : i32
          %mul3A_515 = vector.broadcast %mul3A_514 : i32 to vector<16xi32>
          %mul3A_516 = arith.muli %mul3A_515, %and3A_513 : vector<16xi32>
          %add3A_517 = arith.constant 0 : i32
          %add3A_518 = vector.broadcast %add3A_517 : i32 to vector<16xi32>
          %add3A_519 = arith.addi %mul3A_516, %add3A_518 : vector<16xi32>
          %gather3A = arith.constant 0 : i32
          %gather3A_520 = arith.constant 0 : i32
          %gather3A_521 = tpu.memref_slice %arg4[%scan3A_483, %gather3A, %gather3A_520] : memref<4x64x128xf32, #tpu.memory_space<vmem>> -> memref<1x64x128xf32, #tpu.memory_space<vmem>>
          %gather3A_522 = tpu.memref_squeeze %gather3A_521 : memref<1x64x128xf32, #tpu.memory_space<vmem>> -> memref<64x128xf32, #tpu.memory_space<vmem>>
          %gather3A_523 = tpu.vector_load_idx %gather3A_522[%select_n3A_18, %add3A_519] : memref<64x128xf32, #tpu.memory_space<vmem>>[vector<16xi32>, vector<16xi32>], vector<16xf32>,
          %scatter3A = arith.constant 0 : i32
          %scatter3A_524 = arith.constant 0 : i32
          %scatter3A_525 = tpu.memref_slice %arg5[%scan3A_484, %scatter3A, %scatter3A_524] : memref<4x64x128xf32, #tpu.memory_space<vmem>> -> memref<1x64x128xf32, #tpu.memory_space<vmem>>
          %scatter3A_526 = tpu.memref_squeeze %scatter3A_525 : memref<1x64x128xf32, #tpu.memory_space<vmem>> -> memref<64x128xf32, #tpu.memory_space<vmem>>
          tpu.vector_store_idx %scatter3A_526[%and3A_513, %add3A_196], %gather3A_523 : memref<64x128xf32, #tpu.memory_space<vmem>>[vector<16xi32>, vector<16xi32>], vector<16xf32>,
          %add3A_527 = arith.constant 0 : i32
          %add3A_528 = vector.broadcast %add3A_527 : i32 to vector<16xi32>
          %add3A_529 = arith.addi %mul3A_516, %add3A_528 : vector<16xi32>
          %gather3A_530 = arith.constant 0 : i32
          %gather3A_531 = arith.constant 0 : i32
          %gather3A_532 = tpu.memref_slice %arg4[%scan3A_483, %gather3A_530, %gather3A_531] : memref<4x64x128xf32, #tpu.memory_space<vmem>> -> memref<1x64x128xf32, #tpu.memory_space<vmem>>
          %gather3A_533 = tpu.memref_squeeze %gather3A_532 : memref<1x64x128xf32, #tpu.memory_space<vmem>> -> memref<64x128xf32, #tpu.memory_space<vmem>>
          %gather3A_534 = tpu.vector_load_idx %gather3A_533[%select_n3A_43, %add3A_529] : memref<64x128xf32, #tpu.memory_space<vmem>>[vector<16xi32>, vector<16xi32>], vector<16xf32>,
          %scatter3A_535 = arith.constant 0 : i32
          %scatter3A_536 = arith.constant 0 : i32
          %scatter3A_537 = tpu.memref_slice %arg5[%scan3A_484, %scatter3A_535, %scatter3A_536] : memref<4x64x128xf32, #tpu.memory_space<vmem>> -> memref<1x64x128xf32, #tpu.memory_space<vmem>>
          %scatter3A_538 = tpu.memref_squeeze %scatter3A_537 : memref<1x64x128xf32, #tpu.memory_space<vmem>> -> memref<64x128xf32, #tpu.memory_space<vmem>>
          tpu.vector_store_idx %scatter3A_538[%and3A_513, %add3A_199], %gather3A_534 : memref<64x128xf32, #tpu.memory_space<vmem>>[vector<16xi32>, vector<16xi32>], vector<16xf32>,
          %add3A_539 = arith.constant 0 : i32
          %add3A_540 = vector.broadcast %add3A_539 : i32 to vector<16xi32>
          %add3A_541 = arith.addi %mul3A_516, %add3A_540 : vector<16xi32>
          %gather3A_542 = arith.constant 0 : i32
          %gather3A_543 = arith.constant 0 : i32
          %gather3A_544 = tpu.memref_slice %arg4[%scan3A_483, %gather3A_542, %gather3A_543] : memref<4x64x128xf32, #tpu.memory_space<vmem>> -> memref<1x64x128xf32, #tpu.memory_space<vmem>>
          %gather3A_545 = tpu.memref_squeeze %gather3A_544 : memref<1x64x128xf32, #tpu.memory_space<vmem>> -> memref<64x128xf32, #tpu.memory_space<vmem>>
          %gather3A_546 = tpu.vector_load_idx %gather3A_545[%select_n3A_68, %add3A_541] : memref<64x128xf32, #tpu.memory_space<vmem>>[vector<16xi32>, vector<16xi32>], vector<16xf32>,
          %scatter3A_547 = arith.constant 0 : i32
          %scatter3A_548 = arith.constant 0 : i32
          %scatter3A_549 = tpu.memref_slice %arg5[%scan3A_484, %scatter3A_547, %scatter3A_548] : memref<4x64x128xf32, #tpu.memory_space<vmem>> -> memref<1x64x128xf32, #tpu.memory_space<vmem>>
          %scatter3A_550 = tpu.memref_squeeze %scatter3A_549 : memref<1x64x128xf32, #tpu.memory_space<vmem>> -> memref<64x128xf32, #tpu.memory_space<vmem>>
          tpu.vector_store_idx %scatter3A_550[%and3A_513, %add3A_202], %gather3A_546 : memref<64x128xf32, #tpu.memory_space<vmem>>[vector<16xi32>, vector<16xi32>], vector<16xf32>,
          %add3A_551 = arith.constant 0 : i32
          %add3A_552 = vector.broadcast %add3A_551 : i32 to vector<16xi32>
          %add3A_553 = arith.addi %mul3A_516, %add3A_552 : vector<16xi32>
          %gather3A_554 = arith.constant 0 : i32
          %gather3A_555 = arith.constant 0 : i32
          %gather3A_556 = tpu.memref_slice %arg4[%scan3A_483, %gather3A_554, %gather3A_555] : memref<4x64x128xf32, #tpu.memory_space<vmem>> -> memref<1x64x128xf32, #tpu.memory_space<vmem>>
          %gather3A_557 = tpu.memref_squeeze %gather3A_556 : memref<1x64x128xf32, #tpu.memory_space<vmem>> -> memref<64x128xf32, #tpu.memory_space<vmem>>
          %gather3A_558 = tpu.vector_load_idx %gather3A_557[%select_n3A_93, %add3A_553] : memref<64x128xf32, #tpu.memory_space<vmem>>[vector<16xi32>, vector<16xi32>], vector<16xf32>,
          %scatter3A_559 = arith.constant 0 : i32
          %scatter3A_560 = arith.constant 0 : i32
          %scatter3A_561 = tpu.memref_slice %arg5[%scan3A_484, %scatter3A_559, %scatter3A_560] : memref<4x64x128xf32, #tpu.memory_space<vmem>> -> memref<1x64x128xf32, #tpu.memory_space<vmem>>
          %scatter3A_562 = tpu.memref_squeeze %scatter3A_561 : memref<1x64x128xf32, #tpu.memory_space<vmem>> -> memref<64x128xf32, #tpu.memory_space<vmem>>
          tpu.vector_store_idx %scatter3A_562[%and3A_513, %add3A_205], %gather3A_558 : memref<64x128xf32, #tpu.memory_space<vmem>>[vector<16xi32>, vector<16xi32>], vector<16xf32>,
          %add3A_563 = arith.constant 1 : i32
          %add3A_564 = vector.broadcast %add3A_563 : i32 to vector<16xi32>
          %add3A_565 = arith.addi %mul3A_516, %add3A_564 : vector<16xi32>
          %gather3A_566 = arith.constant 0 : i32
          %gather3A_567 = arith.constant 0 : i32
          %gather3A_568 = tpu.memref_slice %arg4[%scan3A_483, %gather3A_566, %gather3A_567] : memref<4x64x128xf32, #tpu.memory_space<vmem>> -> memref<1x64x128xf32, #tpu.memory_space<vmem>>
          %gather3A_569 = tpu.memref_squeeze %gather3A_568 : memref<1x64x128xf32, #tpu.memory_space<vmem>> -> memref<64x128xf32, #tpu.memory_space<vmem>>
          %gather3A_570 = tpu.vector_load_idx %gather3A_569[%select_n3A_118, %add3A_565] : memref<64x128xf32, #tpu.memory_space<vmem>>[vector<16xi32>, vector<16xi32>], vector<16xf32>,
          %scatter3A_571 = arith.constant 0 : i32
          %scatter3A_572 = arith.constant 0 : i32
          %scatter3A_573 = tpu.memref_slice %arg5[%scan3A_484, %scatter3A_571, %scatter3A_572] : memref<4x64x128xf32, #tpu.memory_space<vmem>> -> memref<1x64x128xf32, #tpu.memory_space<vmem>>
          %scatter3A_574 = tpu.memref_squeeze %scatter3A_573 : memref<1x64x128xf32, #tpu.memory_space<vmem>> -> memref<64x128xf32, #tpu.memory_space<vmem>>
          tpu.vector_store_idx %scatter3A_574[%and3A_513, %add3A_208], %gather3A_570 : memref<64x128xf32, #tpu.memory_space<vmem>>[vector<16xi32>, vector<16xi32>], vector<16xf32>,
          %add3A_575 = arith.constant 1 : i32
          %add3A_576 = vector.broadcast %add3A_575 : i32 to vector<16xi32>
          %add3A_577 = arith.addi %mul3A_516, %add3A_576 : vector<16xi32>
          %gather3A_578 = arith.constant 0 : i32
          %gather3A_579 = arith.constant 0 : i32
          %gather3A_580 = tpu.memref_slice %arg4[%scan3A_483, %gather3A_578, %gather3A_579] : memref<4x64x128xf32, #tpu.memory_space<vmem>> -> memref<1x64x128xf32, #tpu.memory_space<vmem>>
          %gather3A_581 = tpu.memref_squeeze %gather3A_580 : memref<1x64x128xf32, #tpu.memory_space<vmem>> -> memref<64x128xf32, #tpu.memory_space<vmem>>
          %gather3A_582 = tpu.vector_load_idx %gather3A_581[%select_n3A_143, %add3A_577] : memref<64x128xf32, #tpu.memory_space<vmem>>[vector<16xi32>, vector<16xi32>], vector<16xf32>,
          %scatter3A_583 = arith.constant 0 : i32
          %scatter3A_584 = arith.constant 0 : i32
          %scatter3A_585 = tpu.memref_slice %arg5[%scan3A_484, %scatter3A_583, %scatter3A_584] : memref<4x64x128xf32, #tpu.memory_space<vmem>> -> memref<1x64x128xf32, #tpu.memory_space<vmem>>
          %scatter3A_586 = tpu.memref_squeeze %scatter3A_585 : memref<1x64x128xf32, #tpu.memory_space<vmem>> -> memref<64x128xf32, #tpu.memory_space<vmem>>
          tpu.vector_store_idx %scatter3A_586[%and3A_513, %add3A_211], %gather3A_582 : memref<64x128xf32, #tpu.memory_space<vmem>>[vector<16xi32>, vector<16xi32>], vector<16xf32>,
          %add3A_587 = arith.constant 1 : i32
          %add3A_588 = vector.broadcast %add3A_587 : i32 to vector<16xi32>
          %add3A_589 = arith.addi %mul3A_516, %add3A_588 : vector<16xi32>
          %gather3A_590 = arith.constant 0 : i32
          %gather3A_591 = arith.constant 0 : i32
          %gather3A_592 = tpu.memref_slice %arg4[%scan3A_483, %gather3A_590, %gather3A_591] : memref<4x64x128xf32, #tpu.memory_space<vmem>> -> memref<1x64x128xf32, #tpu.memory_space<vmem>>
          %gather3A_593 = tpu.memref_squeeze %gather3A_592 : memref<1x64x128xf32, #tpu.memory_space<vmem>> -> memref<64x128xf32, #tpu.memory_space<vmem>>
          %gather3A_594 = tpu.vector_load_idx %gather3A_593[%select_n3A_168, %add3A_589] : memref<64x128xf32, #tpu.memory_space<vmem>>[vector<16xi32>, vector<16xi32>], vector<16xf32>,
          %scatter3A_595 = arith.constant 0 : i32
          %scatter3A_596 = arith.constant 0 : i32
          %scatter3A_597 = tpu.memref_slice %arg5[%scan3A_484, %scatter3A_595, %scatter3A_596] : memref<4x64x128xf32, #tpu.memory_space<vmem>> -> memref<1x64x128xf32, #tpu.memory_space<vmem>>
          %scatter3A_598 = tpu.memref_squeeze %scatter3A_597 : memref<1x64x128xf32, #tpu.memory_space<vmem>> -> memref<64x128xf32, #tpu.memory_space<vmem>>
          tpu.vector_store_idx %scatter3A_598[%and3A_513, %add3A_214], %gather3A_594 : memref<64x128xf32, #tpu.memory_space<vmem>>[vector<16xi32>, vector<16xi32>], vector<16xf32>,
          %add3A_599 = arith.constant 1 : i32
          %add3A_600 = vector.broadcast %add3A_599 : i32 to vector<16xi32>
          %add3A_601 = arith.addi %mul3A_516, %add3A_600 : vector<16xi32>
          %gather3A_602 = arith.constant 0 : i32
          %gather3A_603 = arith.constant 0 : i32
          %gather3A_604 = tpu.memref_slice %arg4[%scan3A_483, %gather3A_602, %gather3A_603] : memref<4x64x128xf32, #tpu.memory_space<vmem>> -> memref<1x64x128xf32, #tpu.memory_space<vmem>>
          %gather3A_605 = tpu.memref_squeeze %gather3A_604 : memref<1x64x128xf32, #tpu.memory_space<vmem>> -> memref<64x128xf32, #tpu.memory_space<vmem>>
          %gather3A_606 = tpu.vector_load_idx %gather3A_605[%select_n3A_193, %add3A_601] : memref<64x128xf32, #tpu.memory_space<vmem>>[vector<16xi32>, vector<16xi32>], vector<16xf32>,
          %scatter3A_607 = arith.constant 0 : i32
          %scatter3A_608 = arith.constant 0 : i32
          %scatter3A_609 = tpu.memref_slice %arg5[%scan3A_484, %scatter3A_607, %scatter3A_608] : memref<4x64x128xf32, #tpu.memory_space<vmem>> -> memref<1x64x128xf32, #tpu.memory_space<vmem>>
          %scatter3A_610 = tpu.memref_squeeze %scatter3A_609 : memref<1x64x128xf32, #tpu.memory_space<vmem>> -> memref<64x128xf32, #tpu.memory_space<vmem>>
          tpu.vector_store_idx %scatter3A_610[%and3A_513, %add3A_217], %gather3A_606 : memref<64x128xf32, #tpu.memory_space<vmem>>[vector<16xi32>, vector<16xi32>], vector<16xf32>,
        }
        %scan3A_489 = arith.constant 64 : i32
        %mul3A_490 = arith.constant 32 : i32
        %mul3A_491 = arith.muli %add3A_412, %mul3A_490 : i32
        %add3A_492 = arith.addi %mul3A_491, %add3A : i32
        %mul3A_493 = arith.constant 64 : i32
        %mul3A_494 = arith.muli %add3A_492, %mul3A_493 : i32
        %dma_start3A_495 = arith.constant 2 : i32
        %dma_start3A_496 = arith.constant 0 : i32
        %dma_start3A_497 = arith.constant 0 : i32
        %dma_start3A_498 = tpu.memref_slice %arg5[%dma_start3A_495, %dma_start3A_496, %dma_start3A_497] : memref<4x64x128xf32, #tpu.memory_space<vmem>> -> memref<1x64x128xf32, #tpu.memory_space<vmem>>
        %dma_start3A_499 = tpu.memref_squeeze %dma_start3A_498 : memref<1x64x128xf32, #tpu.memory_space<vmem>> -> memref<64x128xf32, #tpu.memory_space<vmem>>
        %dma_start3A_500 = arith.constant 0 : i32
        %dma_start3A_501 = tpu.memref_slice %arg3[%mul3A_494, %dma_start3A_500] : memref<500000x128xf32, #tpu.memory_space<hbm>> -> memref<64x128xf32, #tpu.memory_space<hbm>>
        %dma_start3A_502 = arith.constant 0 : i32
        %dma_start3A_503 = tpu.memref_slice %arg3[%mul3A_494, %dma_start3A_502] : memref<500000x128xf32, #tpu.memory_space<hbm>> -> memref<64x128xf32, #tpu.memory_space<hbm>>
        %dma_start3A_504 = arith.constant 0 : i32
        %dma_start3A_505 = arith.constant 0 : i32
        %dma_start3A_506 = tpu.memref_slice %arg5[%dma_start3A_495, %dma_start3A_504, %dma_start3A_505] : memref<4x64x128xf32, #tpu.memory_space<vmem>> -> memref<1x64x128xf32, #tpu.memory_space<vmem>>
        %dma_start3A_507 = tpu.memref_squeeze %dma_start3A_506 : memref<1x64x128xf32, #tpu.memory_space<vmem>> -> memref<64x128xf32, #tpu.memory_space<vmem>>
        tpu.enqueue_dma source(%dma_start3A_507 : memref<64x128xf32, #tpu.memory_space<vmem>>) target(%dma_start3A_503 : memref<64x128xf32, #tpu.memory_space<hbm>>) target_semaphore(%arg14 : memref<!tpu.dma_semaphore, #tpu.memory_space<semaphore_mem>>)
      } else {
      }
      %add3A_421 = arith.constant 1 : i32
      %add3A_422 = arith.addi %scan3A_354, %add3A_421 : i32
      %lt3A_423 = arith.constant 62 : i32
      %lt3A_424 = arith.cmpi slt, %add3A_422, %lt3A_423 : i32
      %add3A_425 = arith.constant 4 : i32
      %add3A_426 = arith.addi %add3A_412, %add3A_425 : i32
      %mul3A_427 = arith.constant 32 : i32
      %mul3A_428 = arith.muli %add3A_426, %mul3A_427 : i32
      %add3A_429 = arith.addi %mul3A_428, %add3A : i32
      %lt3A_430 = arith.constant 7812 : i32
      %lt3A_431 = arith.cmpi slt, %add3A_429, %lt3A_430 : i32
      %and3A_432 = arith.andi %lt3A_424, %lt3A_431 : i1
      %convert_element_type3A_433 = arith.extui %and3A_432 : i1 to i32
      %cond3A_434 = arith.constant 0 : i32
      %cond3A_435 = arith.cmpi ne, %convert_element_type3A_433, %cond3A_434 : i32
      scf.if %cond3A_435 {
        %add3A_463 = arith.constant 4 : i32
        %add3A_464 = arith.addi %add3A_412, %add3A_463 : i32
        %mul3A_465 = arith.constant 32 : i32
        %mul3A_466 = arith.muli %add3A_464, %mul3A_465 : i32
        %add3A_467 = arith.addi %mul3A_466, %add3A : i32
        %mul3A_468 = arith.constant 128 : i32
        %mul3A_469 = arith.muli %add3A_467, %mul3A_468 : i32
        %dma_start3A_470 = arith.constant 2 : i32
        %dma_start3A_471 = arith.constant 0 : i32
        %dma_start3A_472 = arith.constant 0 : i32
        %dma_start3A_473 = tpu.memref_slice %arg4[%dma_start3A_470, %dma_start3A_471, %dma_start3A_472] : memref<4x64x128xf32, #tpu.memory_space<vmem>> -> memref<1x64x128xf32, #tpu.memory_space<vmem>>
        %dma_start3A_474 = tpu.memref_squeeze %dma_start3A_473 : memref<1x64x128xf32, #tpu.memory_space<vmem>> -> memref<64x128xf32, #tpu.memory_space<vmem>>
        %dma_start3A_475 = arith.constant 0 : i32
        %dma_start3A_476 = tpu.memref_slice %arg2[%dma_start3A_475, %mul3A_469] : memref<64x1000000xf32, #tpu.memory_space<hbm>> -> memref<64x128xf32, #tpu.memory_space<hbm>>
        %dma_start3A_477 = arith.constant 0 : i32
        %dma_start3A_478 = arith.constant 0 : i32
        %dma_start3A_479 = tpu.memref_slice %arg4[%dma_start3A_470, %dma_start3A_477, %dma_start3A_478] : memref<4x64x128xf32, #tpu.memory_space<vmem>> -> memref<1x64x128xf32, #tpu.memory_space<vmem>>
        %dma_start3A_480 = tpu.memref_squeeze %dma_start3A_479 : memref<1x64x128xf32, #tpu.memory_space<vmem>> -> memref<64x128xf32, #tpu.memory_space<vmem>>
        %dma_start3A_481 = arith.constant 0 : i32
        %dma_start3A_482 = tpu.memref_slice %arg2[%dma_start3A_481, %mul3A_469] : memref<64x1000000xf32, #tpu.memory_space<hbm>> -> memref<64x128xf32, #tpu.memory_space<hbm>>
        tpu.enqueue_dma source(%dma_start3A_482 : memref<64x128xf32, #tpu.memory_space<hbm>>) target(%dma_start3A_480 : memref<64x128xf32, #tpu.memory_space<vmem>>) target_semaphore(%arg10 : memref<!tpu.dma_semaphore, #tpu.memory_space<semaphore_mem>>)
      } else {
      }
      %mul3A_436 = arith.constant 4 : i32
      %mul3A_437 = arith.muli %mul3A_436, %scan3A_354 : i32
      %add3A_438 = arith.constant 3 : i32
      %add3A_439 = arith.addi %mul3A_437, %add3A_438 : i32
      %mul3A_440 = arith.constant 32 : i32
      %mul3A_441 = arith.muli %add3A_439, %mul3A_440 : i32
      %add3A_442 = arith.addi %mul3A_441, %add3A : i32
      %lt3A_443 = arith.constant 7812 : i32
      %lt3A_444 = arith.cmpi slt, %add3A_442, %lt3A_443 : i32
      %convert_element_type3A_445 = arith.extui %lt3A_444 : i1 to i32
      %cond3A_446 = arith.constant 0 : i32
      %cond3A_447 = arith.cmpi ne, %convert_element_type3A_445, %cond3A_446 : i32
      scf.if %cond3A_447 {
        %gt3A = arith.constant 0 : i32
        %gt3A_463 = arith.cmpi sgt, %scan3A_354, %gt3A : i32
        %convert_element_type3A_464 = arith.extui %gt3A_463 : i1 to i32
        %cond3A_465 = arith.constant 0 : i32
        %cond3A_466 = arith.cmpi ne, %convert_element_type3A_464, %cond3A_465 : i32
        scf.if %cond3A_466 {
          %dma_wait3A_508 = arith.constant 3 : i32
          %dma_wait3A_509 = arith.constant 0 : i32
          %dma_wait3A_510 = arith.constant 0 : i32
          %dma_wait3A_511 = tpu.memref_slice %arg5[%dma_wait3A_508, %dma_wait3A_509, %dma_wait3A_510] : memref<4x64x128xf32, #tpu.memory_space<vmem>> -> memref<1x64x128xf32, #tpu.memory_space<vmem>>
          %dma_wait3A_512 = tpu.memref_squeeze %dma_wait3A_511 : memref<1x64x128xf32, #tpu.memory_space<vmem>> -> memref<64x128xf32, #tpu.memory_space<vmem>>
          %dma_wait3A_513 = arith.constant 0 : i32
          %dma_wait3A_514 = arith.constant 0 : i32
          %dma_wait3A_515 = tpu.memref_slice %arg3[%dma_wait3A_513, %dma_wait3A_514] : memref<500000x128xf32, #tpu.memory_space<hbm>> -> memref<64x128xf32, #tpu.memory_space<hbm>>
          %dma_wait3A_516 = arith.constant 0 : i32
          %dma_wait3A_517 = arith.constant 0 : i32
          %dma_wait3A_518 = tpu.memref_slice %arg3[%dma_wait3A_516, %dma_wait3A_517] : memref<500000x128xf32, #tpu.memory_space<hbm>> -> memref<64x128xf32, #tpu.memory_space<hbm>>
          %dma_wait3A_519 = arith.constant 0 : i32
          %dma_wait3A_520 = arith.constant 0 : i32
          %dma_wait3A_521 = tpu.memref_slice %arg5[%dma_wait3A_508, %dma_wait3A_519, %dma_wait3A_520] : memref<4x64x128xf32, #tpu.memory_space<vmem>> -> memref<1x64x128xf32, #tpu.memory_space<vmem>>
          %dma_wait3A_522 = tpu.memref_squeeze %dma_wait3A_521 : memref<1x64x128xf32, #tpu.memory_space<vmem>> -> memref<64x128xf32, #tpu.memory_space<vmem>>
          tpu.wait_dma2 semaphore(%arg15 : memref<!tpu.dma_semaphore, #tpu.memory_space<semaphore_mem>>) src(%dma_wait3A_522 : memref<64x128xf32, #tpu.memory_space<vmem>>) dst(%dma_wait3A_518 : memref<64x128xf32, #tpu.memory_space<hbm>>)
        } else {
        }
        %dma_wait3A_467 = arith.constant 3 : i32
        %dma_wait3A_468 = arith.constant 0 : i32
        %dma_wait3A_469 = arith.constant 0 : i32
        %dma_wait3A_470 = tpu.memref_slice %arg4[%dma_wait3A_467, %dma_wait3A_468, %dma_wait3A_469] : memref<4x64x128xf32, #tpu.memory_space<vmem>> -> memref<1x64x128xf32, #tpu.memory_space<vmem>>
        %dma_wait3A_471 = tpu.memref_squeeze %dma_wait3A_470 : memref<1x64x128xf32, #tpu.memory_space<vmem>> -> memref<64x128xf32, #tpu.memory_space<vmem>>
        %dma_wait3A_472 = arith.constant 0 : i32
        %dma_wait3A_473 = arith.constant 0 : i32
        %dma_wait3A_474 = tpu.memref_slice %arg2[%dma_wait3A_472, %dma_wait3A_473] : memref<64x1000000xf32, #tpu.memory_space<hbm>> -> memref<64x128xf32, #tpu.memory_space<hbm>>
        %dma_wait3A_475 = arith.constant 0 : i32
        %dma_wait3A_476 = arith.constant 0 : i32
        %dma_wait3A_477 = tpu.memref_slice %arg4[%dma_wait3A_467, %dma_wait3A_475, %dma_wait3A_476] : memref<4x64x128xf32, #tpu.memory_space<vmem>> -> memref<1x64x128xf32, #tpu.memory_space<vmem>>
        %dma_wait3A_478 = tpu.memref_squeeze %dma_wait3A_477 : memref<1x64x128xf32, #tpu.memory_space<vmem>> -> memref<64x128xf32, #tpu.memory_space<vmem>>
        %dma_wait3A_479 = arith.constant 0 : i32
        %dma_wait3A_480 = arith.constant 0 : i32
        %dma_wait3A_481 = tpu.memref_slice %arg2[%dma_wait3A_479, %dma_wait3A_480] : memref<64x1000000xf32, #tpu.memory_space<hbm>> -> memref<64x128xf32, #tpu.memory_space<hbm>>
        tpu.wait_dma2 semaphore(%arg11 : memref<!tpu.dma_semaphore, #tpu.memory_space<semaphore_mem>>) src(%dma_wait3A_481 : memref<64x128xf32, #tpu.memory_space<hbm>>) dst(%dma_wait3A_478 : memref<64x128xf32, #tpu.memory_space<vmem>>)
        %scan3A_482 = arith.constant 0 : i32
        %scan3A_483 = arith.constant 3 : i32
        %scan3A_484 = arith.constant 3 : i32
        %scan3A_485 = arith.constant 0 : i32
        %scan3A_486 = arith.constant 64 : i32
        %scan3A_487 = arith.addi %scan3A_485, %scan3A_486 : i32
        %scan3A_488 = arith.constant 1 : i32
        scf.for %scan3A_508 = %scan3A_485 to %scan3A_487 step %scan3A_488  : i32 {
          %add3A_509 = vector.broadcast %scan3A_508 : i32 to vector<16xi32>
          %add3A_510 = arith.addi %add3A_509, %iota3A : vector<16xi32>
          %and3A_511 = arith.constant 63 : i32
          %and3A_512 = vector.broadcast %and3A_511 : i32 to vector<16xi32>
          %and3A_513 = arith.andi %add3A_510, %and3A_512 : vector<16xi32>
          %mul3A_514 = arith.constant 2 : i32
          %mul3A_515 = vector.broadcast %mul3A_514 : i32 to vector<16xi32>
          %mul3A_516 = arith.muli %mul3A_515, %and3A_513 : vector<16xi32>
          %add3A_517 = arith.constant 0 : i32
          %add3A_518 = vector.broadcast %add3A_517 : i32 to vector<16xi32>
          %add3A_519 = arith.addi %mul3A_516, %add3A_518 : vector<16xi32>
          %gather3A = arith.constant 0 : i32
          %gather3A_520 = arith.constant 0 : i32
          %gather3A_521 = tpu.memref_slice %arg4[%scan3A_483, %gather3A, %gather3A_520] : memref<4x64x128xf32, #tpu.memory_space<vmem>> -> memref<1x64x128xf32, #tpu.memory_space<vmem>>
          %gather3A_522 = tpu.memref_squeeze %gather3A_521 : memref<1x64x128xf32, #tpu.memory_space<vmem>> -> memref<64x128xf32, #tpu.memory_space<vmem>>
          %gather3A_523 = tpu.vector_load_idx %gather3A_522[%select_n3A_18, %add3A_519] : memref<64x128xf32, #tpu.memory_space<vmem>>[vector<16xi32>, vector<16xi32>], vector<16xf32>,
          %scatter3A = arith.constant 0 : i32
          %scatter3A_524 = arith.constant 0 : i32
          %scatter3A_525 = tpu.memref_slice %arg5[%scan3A_484, %scatter3A, %scatter3A_524] : memref<4x64x128xf32, #tpu.memory_space<vmem>> -> memref<1x64x128xf32, #tpu.memory_space<vmem>>
          %scatter3A_526 = tpu.memref_squeeze %scatter3A_525 : memref<1x64x128xf32, #tpu.memory_space<vmem>> -> memref<64x128xf32, #tpu.memory_space<vmem>>
          tpu.vector_store_idx %scatter3A_526[%and3A_513, %add3A_196], %gather3A_523 : memref<64x128xf32, #tpu.memory_space<vmem>>[vector<16xi32>, vector<16xi32>], vector<16xf32>,
          %add3A_527 = arith.constant 0 : i32
          %add3A_528 = vector.broadcast %add3A_527 : i32 to vector<16xi32>
          %add3A_529 = arith.addi %mul3A_516, %add3A_528 : vector<16xi32>
          %gather3A_530 = arith.constant 0 : i32
          %gather3A_531 = arith.constant 0 : i32
          %gather3A_532 = tpu.memref_slice %arg4[%scan3A_483, %gather3A_530, %gather3A_531] : memref<4x64x128xf32, #tpu.memory_space<vmem>> -> memref<1x64x128xf32, #tpu.memory_space<vmem>>
          %gather3A_533 = tpu.memref_squeeze %gather3A_532 : memref<1x64x128xf32, #tpu.memory_space<vmem>> -> memref<64x128xf32, #tpu.memory_space<vmem>>
          %gather3A_534 = tpu.vector_load_idx %gather3A_533[%select_n3A_43, %add3A_529] : memref<64x128xf32, #tpu.memory_space<vmem>>[vector<16xi32>, vector<16xi32>], vector<16xf32>,
          %scatter3A_535 = arith.constant 0 : i32
          %scatter3A_536 = arith.constant 0 : i32
          %scatter3A_537 = tpu.memref_slice %arg5[%scan3A_484, %scatter3A_535, %scatter3A_536] : memref<4x64x128xf32, #tpu.memory_space<vmem>> -> memref<1x64x128xf32, #tpu.memory_space<vmem>>
          %scatter3A_538 = tpu.memref_squeeze %scatter3A_537 : memref<1x64x128xf32, #tpu.memory_space<vmem>> -> memref<64x128xf32, #tpu.memory_space<vmem>>
          tpu.vector_store_idx %scatter3A_538[%and3A_513, %add3A_199], %gather3A_534 : memref<64x128xf32, #tpu.memory_space<vmem>>[vector<16xi32>, vector<16xi32>], vector<16xf32>,
          %add3A_539 = arith.constant 0 : i32
          %add3A_540 = vector.broadcast %add3A_539 : i32 to vector<16xi32>
          %add3A_541 = arith.addi %mul3A_516, %add3A_540 : vector<16xi32>
          %gather3A_542 = arith.constant 0 : i32
          %gather3A_543 = arith.constant 0 : i32
          %gather3A_544 = tpu.memref_slice %arg4[%scan3A_483, %gather3A_542, %gather3A_543] : memref<4x64x128xf32, #tpu.memory_space<vmem>> -> memref<1x64x128xf32, #tpu.memory_space<vmem>>
          %gather3A_545 = tpu.memref_squeeze %gather3A_544 : memref<1x64x128xf32, #tpu.memory_space<vmem>> -> memref<64x128xf32, #tpu.memory_space<vmem>>
          %gather3A_546 = tpu.vector_load_idx %gather3A_545[%select_n3A_68, %add3A_541] : memref<64x128xf32, #tpu.memory_space<vmem>>[vector<16xi32>, vector<16xi32>], vector<16xf32>,
          %scatter3A_547 = arith.constant 0 : i32
          %scatter3A_548 = arith.constant 0 : i32
          %scatter3A_549 = tpu.memref_slice %arg5[%scan3A_484, %scatter3A_547, %scatter3A_548] : memref<4x64x128xf32, #tpu.memory_space<vmem>> -> memref<1x64x128xf32, #tpu.memory_space<vmem>>
          %scatter3A_550 = tpu.memref_squeeze %scatter3A_549 : memref<1x64x128xf32, #tpu.memory_space<vmem>> -> memref<64x128xf32, #tpu.memory_space<vmem>>
          tpu.vector_store_idx %scatter3A_550[%and3A_513, %add3A_202], %gather3A_546 : memref<64x128xf32, #tpu.memory_space<vmem>>[vector<16xi32>, vector<16xi32>], vector<16xf32>,
          %add3A_551 = arith.constant 0 : i32
          %add3A_552 = vector.broadcast %add3A_551 : i32 to vector<16xi32>
          %add3A_553 = arith.addi %mul3A_516, %add3A_552 : vector<16xi32>
          %gather3A_554 = arith.constant 0 : i32
          %gather3A_555 = arith.constant 0 : i32
          %gather3A_556 = tpu.memref_slice %arg4[%scan3A_483, %gather3A_554, %gather3A_555] : memref<4x64x128xf32, #tpu.memory_space<vmem>> -> memref<1x64x128xf32, #tpu.memory_space<vmem>>
          %gather3A_557 = tpu.memref_squeeze %gather3A_556 : memref<1x64x128xf32, #tpu.memory_space<vmem>> -> memref<64x128xf32, #tpu.memory_space<vmem>>
          %gather3A_558 = tpu.vector_load_idx %gather3A_557[%select_n3A_93, %add3A_553] : memref<64x128xf32, #tpu.memory_space<vmem>>[vector<16xi32>, vector<16xi32>], vector<16xf32>,
          %scatter3A_559 = arith.constant 0 : i32
          %scatter3A_560 = arith.constant 0 : i32
          %scatter3A_561 = tpu.memref_slice %arg5[%scan3A_484, %scatter3A_559, %scatter3A_560] : memref<4x64x128xf32, #tpu.memory_space<vmem>> -> memref<1x64x128xf32, #tpu.memory_space<vmem>>
          %scatter3A_562 = tpu.memref_squeeze %scatter3A_561 : memref<1x64x128xf32, #tpu.memory_space<vmem>> -> memref<64x128xf32, #tpu.memory_space<vmem>>
          tpu.vector_store_idx %scatter3A_562[%and3A_513, %add3A_205], %gather3A_558 : memref<64x128xf32, #tpu.memory_space<vmem>>[vector<16xi32>, vector<16xi32>], vector<16xf32>,
          %add3A_563 = arith.constant 1 : i32
          %add3A_564 = vector.broadcast %add3A_563 : i32 to vector<16xi32>
          %add3A_565 = arith.addi %mul3A_516, %add3A_564 : vector<16xi32>
          %gather3A_566 = arith.constant 0 : i32
          %gather3A_567 = arith.constant 0 : i32
          %gather3A_568 = tpu.memref_slice %arg4[%scan3A_483, %gather3A_566, %gather3A_567] : memref<4x64x128xf32, #tpu.memory_space<vmem>> -> memref<1x64x128xf32, #tpu.memory_space<vmem>>
          %gather3A_569 = tpu.memref_squeeze %gather3A_568 : memref<1x64x128xf32, #tpu.memory_space<vmem>> -> memref<64x128xf32, #tpu.memory_space<vmem>>
          %gather3A_570 = tpu.vector_load_idx %gather3A_569[%select_n3A_118, %add3A_565] : memref<64x128xf32, #tpu.memory_space<vmem>>[vector<16xi32>, vector<16xi32>], vector<16xf32>,
          %scatter3A_571 = arith.constant 0 : i32
          %scatter3A_572 = arith.constant 0 : i32
          %scatter3A_573 = tpu.memref_slice %arg5[%scan3A_484, %scatter3A_571, %scatter3A_572] : memref<4x64x128xf32, #tpu.memory_space<vmem>> -> memref<1x64x128xf32, #tpu.memory_space<vmem>>
          %scatter3A_574 = tpu.memref_squeeze %scatter3A_573 : memref<1x64x128xf32, #tpu.memory_space<vmem>> -> memref<64x128xf32, #tpu.memory_space<vmem>>
          tpu.vector_store_idx %scatter3A_574[%and3A_513, %add3A_208], %gather3A_570 : memref<64x128xf32, #tpu.memory_space<vmem>>[vector<16xi32>, vector<16xi32>], vector<16xf32>,
          %add3A_575 = arith.constant 1 : i32
          %add3A_576 = vector.broadcast %add3A_575 : i32 to vector<16xi32>
          %add3A_577 = arith.addi %mul3A_516, %add3A_576 : vector<16xi32>
          %gather3A_578 = arith.constant 0 : i32
          %gather3A_579 = arith.constant 0 : i32
          %gather3A_580 = tpu.memref_slice %arg4[%scan3A_483, %gather3A_578, %gather3A_579] : memref<4x64x128xf32, #tpu.memory_space<vmem>> -> memref<1x64x128xf32, #tpu.memory_space<vmem>>
          %gather3A_581 = tpu.memref_squeeze %gather3A_580 : memref<1x64x128xf32, #tpu.memory_space<vmem>> -> memref<64x128xf32, #tpu.memory_space<vmem>>
          %gather3A_582 = tpu.vector_load_idx %gather3A_581[%select_n3A_143, %add3A_577] : memref<64x128xf32, #tpu.memory_space<vmem>>[vector<16xi32>, vector<16xi32>], vector<16xf32>,
          %scatter3A_583 = arith.constant 0 : i32
          %scatter3A_584 = arith.constant 0 : i32
          %scatter3A_585 = tpu.memref_slice %arg5[%scan3A_484, %scatter3A_583, %scatter3A_584] : memref<4x64x128xf32, #tpu.memory_space<vmem>> -> memref<1x64x128xf32, #tpu.memory_space<vmem>>
          %scatter3A_586 = tpu.memref_squeeze %scatter3A_585 : memref<1x64x128xf32, #tpu.memory_space<vmem>> -> memref<64x128xf32, #tpu.memory_space<vmem>>
          tpu.vector_store_idx %scatter3A_586[%and3A_513, %add3A_211], %gather3A_582 : memref<64x128xf32, #tpu.memory_space<vmem>>[vector<16xi32>, vector<16xi32>], vector<16xf32>,
          %add3A_587 = arith.constant 1 : i32
          %add3A_588 = vector.broadcast %add3A_587 : i32 to vector<16xi32>
          %add3A_589 = arith.addi %mul3A_516, %add3A_588 : vector<16xi32>
          %gather3A_590 = arith.constant 0 : i32
          %gather3A_591 = arith.constant 0 : i32
          %gather3A_592 = tpu.memref_slice %arg4[%scan3A_483, %gather3A_590, %gather3A_591] : memref<4x64x128xf32, #tpu.memory_space<vmem>> -> memref<1x64x128xf32, #tpu.memory_space<vmem>>
          %gather3A_593 = tpu.memref_squeeze %gather3A_592 : memref<1x64x128xf32, #tpu.memory_space<vmem>> -> memref<64x128xf32, #tpu.memory_space<vmem>>
          %gather3A_594 = tpu.vector_load_idx %gather3A_593[%select_n3A_168, %add3A_589] : memref<64x128xf32, #tpu.memory_space<vmem>>[vector<16xi32>, vector<16xi32>], vector<16xf32>,
          %scatter3A_595 = arith.constant 0 : i32
          %scatter3A_596 = arith.constant 0 : i32
          %scatter3A_597 = tpu.memref_slice %arg5[%scan3A_484, %scatter3A_595, %scatter3A_596] : memref<4x64x128xf32, #tpu.memory_space<vmem>> -> memref<1x64x128xf32, #tpu.memory_space<vmem>>
          %scatter3A_598 = tpu.memref_squeeze %scatter3A_597 : memref<1x64x128xf32, #tpu.memory_space<vmem>> -> memref<64x128xf32, #tpu.memory_space<vmem>>
          tpu.vector_store_idx %scatter3A_598[%and3A_513, %add3A_214], %gather3A_594 : memref<64x128xf32, #tpu.memory_space<vmem>>[vector<16xi32>, vector<16xi32>], vector<16xf32>,
          %add3A_599 = arith.constant 1 : i32
          %add3A_600 = vector.broadcast %add3A_599 : i32 to vector<16xi32>
          %add3A_601 = arith.addi %mul3A_516, %add3A_600 : vector<16xi32>
          %gather3A_602 = arith.constant 0 : i32
          %gather3A_603 = arith.constant 0 : i32
          %gather3A_604 = tpu.memref_slice %arg4[%scan3A_483, %gather3A_602, %gather3A_603] : memref<4x64x128xf32, #tpu.memory_space<vmem>> -> memref<1x64x128xf32, #tpu.memory_space<vmem>>
          %gather3A_605 = tpu.memref_squeeze %gather3A_604 : memref<1x64x128xf32, #tpu.memory_space<vmem>> -> memref<64x128xf32, #tpu.memory_space<vmem>>
          %gather3A_606 = tpu.vector_load_idx %gather3A_605[%select_n3A_193, %add3A_601] : memref<64x128xf32, #tpu.memory_space<vmem>>[vector<16xi32>, vector<16xi32>], vector<16xf32>,
          %scatter3A_607 = arith.constant 0 : i32
          %scatter3A_608 = arith.constant 0 : i32
          %scatter3A_609 = tpu.memref_slice %arg5[%scan3A_484, %scatter3A_607, %scatter3A_608] : memref<4x64x128xf32, #tpu.memory_space<vmem>> -> memref<1x64x128xf32, #tpu.memory_space<vmem>>
          %scatter3A_610 = tpu.memref_squeeze %scatter3A_609 : memref<1x64x128xf32, #tpu.memory_space<vmem>> -> memref<64x128xf32, #tpu.memory_space<vmem>>
          tpu.vector_store_idx %scatter3A_610[%and3A_513, %add3A_217], %gather3A_606 : memref<64x128xf32, #tpu.memory_space<vmem>>[vector<16xi32>, vector<16xi32>], vector<16xf32>,
        }
        %scan3A_489 = arith.constant 64 : i32
        %mul3A_490 = arith.constant 32 : i32
        %mul3A_491 = arith.muli %add3A_439, %mul3A_490 : i32
        %add3A_492 = arith.addi %mul3A_491, %add3A : i32
        %mul3A_493 = arith.constant 64 : i32
        %mul3A_494 = arith.muli %add3A_492, %mul3A_493 : i32
        %dma_start3A_495 = arith.constant 3 : i32
        %dma_start3A_496 = arith.constant 0 : i32
        %dma_start3A_497 = arith.constant 0 : i32
        %dma_start3A_498 = tpu.memref_slice %arg5[%dma_start3A_495, %dma_start3A_496, %dma_start3A_497] : memref<4x64x128xf32, #tpu.memory_space<vmem>> -> memref<1x64x128xf32, #tpu.memory_space<vmem>>
        %dma_start3A_499 = tpu.memref_squeeze %dma_start3A_498 : memref<1x64x128xf32, #tpu.memory_space<vmem>> -> memref<64x128xf32, #tpu.memory_space<vmem>>
        %dma_start3A_500 = arith.constant 0 : i32
        %dma_start3A_501 = tpu.memref_slice %arg3[%mul3A_494, %dma_start3A_500] : memref<500000x128xf32, #tpu.memory_space<hbm>> -> memref<64x128xf32, #tpu.memory_space<hbm>>
        %dma_start3A_502 = arith.constant 0 : i32
        %dma_start3A_503 = tpu.memref_slice %arg3[%mul3A_494, %dma_start3A_502] : memref<500000x128xf32, #tpu.memory_space<hbm>> -> memref<64x128xf32, #tpu.memory_space<hbm>>
        %dma_start3A_504 = arith.constant 0 : i32
        %dma_start3A_505 = arith.constant 0 : i32
        %dma_start3A_506 = tpu.memref_slice %arg5[%dma_start3A_495, %dma_start3A_504, %dma_start3A_505] : memref<4x64x128xf32, #tpu.memory_space<vmem>> -> memref<1x64x128xf32, #tpu.memory_space<vmem>>
        %dma_start3A_507 = tpu.memref_squeeze %dma_start3A_506 : memref<1x64x128xf32, #tpu.memory_space<vmem>> -> memref<64x128xf32, #tpu.memory_space<vmem>>
        tpu.enqueue_dma source(%dma_start3A_507 : memref<64x128xf32, #tpu.memory_space<vmem>>) target(%dma_start3A_503 : memref<64x128xf32, #tpu.memory_space<hbm>>) target_semaphore(%arg15 : memref<!tpu.dma_semaphore, #tpu.memory_space<semaphore_mem>>)
      } else {
      }
      %add3A_448 = arith.constant 1 : i32
      %add3A_449 = arith.addi %scan3A_354, %add3A_448 : i32
      %lt3A_450 = arith.constant 62 : i32
      %lt3A_451 = arith.cmpi slt, %add3A_449, %lt3A_450 : i32
      %add3A_452 = arith.constant 4 : i32
      %add3A_453 = arith.addi %add3A_439, %add3A_452 : i32
      %mul3A_454 = arith.constant 32 : i32
      %mul3A_455 = arith.muli %add3A_453, %mul3A_454 : i32
      %add3A_456 = arith.addi %mul3A_455, %add3A : i32
      %lt3A_457 = arith.constant 7812 : i32
      %lt3A_458 = arith.cmpi slt, %add3A_456, %lt3A_457 : i32
      %and3A_459 = arith.andi %lt3A_451, %lt3A_458 : i1
      %convert_element_type3A_460 = arith.extui %and3A_459 : i1 to i32
      %cond3A_461 = arith.constant 0 : i32
      %cond3A_462 = arith.cmpi ne, %convert_element_type3A_460, %cond3A_461 : i32
      scf.if %cond3A_462 {
        %add3A_463 = arith.constant 4 : i32
        %add3A_464 = arith.addi %add3A_439, %add3A_463 : i32
        %mul3A_465 = arith.constant 32 : i32
        %mul3A_466 = arith.muli %add3A_464, %mul3A_465 : i32
        %add3A_467 = arith.addi %mul3A_466, %add3A : i32
        %mul3A_468 = arith.constant 128 : i32
        %mul3A_469 = arith.muli %add3A_467, %mul3A_468 : i32
        %dma_start3A_470 = arith.constant 3 : i32
        %dma_start3A_471 = arith.constant 0 : i32
        %dma_start3A_472 = arith.constant 0 : i32
        %dma_start3A_473 = tpu.memref_slice %arg4[%dma_start3A_470, %dma_start3A_471, %dma_start3A_472] : memref<4x64x128xf32, #tpu.memory_space<vmem>> -> memref<1x64x128xf32, #tpu.memory_space<vmem>>
        %dma_start3A_474 = tpu.memref_squeeze %dma_start3A_473 : memref<1x64x128xf32, #tpu.memory_space<vmem>> -> memref<64x128xf32, #tpu.memory_space<vmem>>
        %dma_start3A_475 = arith.constant 0 : i32
        %dma_start3A_476 = tpu.memref_slice %arg2[%dma_start3A_475, %mul3A_469] : memref<64x1000000xf32, #tpu.memory_space<hbm>> -> memref<64x128xf32, #tpu.memory_space<hbm>>
        %dma_start3A_477 = arith.constant 0 : i32
        %dma_start3A_478 = arith.constant 0 : i32
        %dma_start3A_479 = tpu.memref_slice %arg4[%dma_start3A_470, %dma_start3A_477, %dma_start3A_478] : memref<4x64x128xf32, #tpu.memory_space<vmem>> -> memref<1x64x128xf32, #tpu.memory_space<vmem>>
        %dma_start3A_480 = tpu.memref_squeeze %dma_start3A_479 : memref<1x64x128xf32, #tpu.memory_space<vmem>> -> memref<64x128xf32, #tpu.memory_space<vmem>>
        %dma_start3A_481 = arith.constant 0 : i32
        %dma_start3A_482 = tpu.memref_slice %arg2[%dma_start3A_481, %mul3A_469] : memref<64x1000000xf32, #tpu.memory_space<hbm>> -> memref<64x128xf32, #tpu.memory_space<hbm>>
        tpu.enqueue_dma source(%dma_start3A_482 : memref<64x128xf32, #tpu.memory_space<hbm>>) target(%dma_start3A_480 : memref<64x128xf32, #tpu.memory_space<vmem>>) target_semaphore(%arg11 : memref<!tpu.dma_semaphore, #tpu.memory_space<semaphore_mem>>)
      } else {
      }
    }
    %scan3A_289 = arith.constant 62 : i32
    %dma_wait3A = arith.constant 0 : i32
    %dma_wait3A_290 = arith.constant 0 : i32
    %dma_wait3A_291 = arith.constant 0 : i32
    %dma_wait3A_292 = tpu.memref_slice %arg5[%dma_wait3A, %dma_wait3A_290, %dma_wait3A_291] : memref<4x64x128xf32, #tpu.memory_space<vmem>> -> memref<1x64x128xf32, #tpu.memory_space<vmem>>
    %dma_wait3A_293 = tpu.memref_squeeze %dma_wait3A_292 : memref<1x64x128xf32, #tpu.memory_space<vmem>> -> memref<64x128xf32, #tpu.memory_space<vmem>>
    %dma_wait3A_294 = arith.constant 0 : i32
    %dma_wait3A_295 = arith.constant 0 : i32
    %dma_wait3A_296 = tpu.memref_slice %arg3[%dma_wait3A_294, %dma_wait3A_295] : memref<500000x128xf32, #tpu.memory_space<hbm>> -> memref<64x128xf32, #tpu.memory_space<hbm>>
    %dma_wait3A_297 = arith.constant 0 : i32
    %dma_wait3A_298 = arith.constant 0 : i32
    %dma_wait3A_299 = tpu.memref_slice %arg3[%dma_wait3A_297, %dma_wait3A_298] : memref<500000x128xf32, #tpu.memory_space<hbm>> -> memref<64x128xf32, #tpu.memory_space<hbm>>
    %dma_wait3A_300 = arith.constant 0 : i32
    %dma_wait3A_301 = arith.constant 0 : i32
    %dma_wait3A_302 = tpu.memref_slice %arg5[%dma_wait3A, %dma_wait3A_300, %dma_wait3A_301] : memref<4x64x128xf32, #tpu.memory_space<vmem>> -> memref<1x64x128xf32, #tpu.memory_space<vmem>>
    %dma_wait3A_303 = tpu.memref_squeeze %dma_wait3A_302 : memref<1x64x128xf32, #tpu.memory_space<vmem>> -> memref<64x128xf32, #tpu.memory_space<vmem>>
    tpu.wait_dma2 semaphore(%arg12 : memref<!tpu.dma_semaphore, #tpu.memory_space<semaphore_mem>>) src(%dma_wait3A_303 : memref<64x128xf32, #tpu.memory_space<vmem>>) dst(%dma_wait3A_299 : memref<64x128xf32, #tpu.memory_space<hbm>>)
    %dma_wait3A_304 = arith.constant 1 : i32
    %dma_wait3A_305 = arith.constant 0 : i32
    %dma_wait3A_306 = arith.constant 0 : i32
    %dma_wait3A_307 = tpu.memref_slice %arg5[%dma_wait3A_304, %dma_wait3A_305, %dma_wait3A_306] : memref<4x64x128xf32, #tpu.memory_space<vmem>> -> memref<1x64x128xf32, #tpu.memory_space<vmem>>
    %dma_wait3A_308 = tpu.memref_squeeze %dma_wait3A_307 : memref<1x64x128xf32, #tpu.memory_space<vmem>> -> memref<64x128xf32, #tpu.memory_space<vmem>>
    %dma_wait3A_309 = arith.constant 0 : i32
    %dma_wait3A_310 = arith.constant 0 : i32
    %dma_wait3A_311 = tpu.memref_slice %arg3[%dma_wait3A_309, %dma_wait3A_310] : memref<500000x128xf32, #tpu.memory_space<hbm>> -> memref<64x128xf32, #tpu.memory_space<hbm>>
    %dma_wait3A_312 = arith.constant 0 : i32
    %dma_wait3A_313 = arith.constant 0 : i32
    %dma_wait3A_314 = tpu.memref_slice %arg3[%dma_wait3A_312, %dma_wait3A_313] : memref<500000x128xf32, #tpu.memory_space<hbm>> -> memref<64x128xf32, #tpu.memory_space<hbm>>
    %dma_wait3A_315 = arith.constant 0 : i32
    %dma_wait3A_316 = arith.constant 0 : i32
    %dma_wait3A_317 = tpu.memref_slice %arg5[%dma_wait3A_304, %dma_wait3A_315, %dma_wait3A_316] : memref<4x64x128xf32, #tpu.memory_space<vmem>> -> memref<1x64x128xf32, #tpu.memory_space<vmem>>
    %dma_wait3A_318 = tpu.memref_squeeze %dma_wait3A_317 : memref<1x64x128xf32, #tpu.memory_space<vmem>> -> memref<64x128xf32, #tpu.memory_space<vmem>>
    tpu.wait_dma2 semaphore(%arg13 : memref<!tpu.dma_semaphore, #tpu.memory_space<semaphore_mem>>) src(%dma_wait3A_318 : memref<64x128xf32, #tpu.memory_space<vmem>>) dst(%dma_wait3A_314 : memref<64x128xf32, #tpu.memory_space<hbm>>)
    %dma_wait3A_319 = arith.constant 2 : i32
    %dma_wait3A_320 = arith.constant 0 : i32
    %dma_wait3A_321 = arith.constant 0 : i32
    %dma_wait3A_322 = tpu.memref_slice %arg5[%dma_wait3A_319, %dma_wait3A_320, %dma_wait3A_321] : memref<4x64x128xf32, #tpu.memory_space<vmem>> -> memref<1x64x128xf32, #tpu.memory_space<vmem>>
    %dma_wait3A_323 = tpu.memref_squeeze %dma_wait3A_322 : memref<1x64x128xf32, #tpu.memory_space<vmem>> -> memref<64x128xf32, #tpu.memory_space<vmem>>
    %dma_wait3A_324 = arith.constant 0 : i32
    %dma_wait3A_325 = arith.constant 0 : i32
    %dma_wait3A_326 = tpu.memref_slice %arg3[%dma_wait3A_324, %dma_wait3A_325] : memref<500000x128xf32, #tpu.memory_space<hbm>> -> memref<64x128xf32, #tpu.memory_space<hbm>>
    %dma_wait3A_327 = arith.constant 0 : i32
    %dma_wait3A_328 = arith.constant 0 : i32
    %dma_wait3A_329 = tpu.memref_slice %arg3[%dma_wait3A_327, %dma_wait3A_328] : memref<500000x128xf32, #tpu.memory_space<hbm>> -> memref<64x128xf32, #tpu.memory_space<hbm>>
    %dma_wait3A_330 = arith.constant 0 : i32
    %dma_wait3A_331 = arith.constant 0 : i32
    %dma_wait3A_332 = tpu.memref_slice %arg5[%dma_wait3A_319, %dma_wait3A_330, %dma_wait3A_331] : memref<4x64x128xf32, #tpu.memory_space<vmem>> -> memref<1x64x128xf32, #tpu.memory_space<vmem>>
    %dma_wait3A_333 = tpu.memref_squeeze %dma_wait3A_332 : memref<1x64x128xf32, #tpu.memory_space<vmem>> -> memref<64x128xf32, #tpu.memory_space<vmem>>
    tpu.wait_dma2 semaphore(%arg14 : memref<!tpu.dma_semaphore, #tpu.memory_space<semaphore_mem>>) src(%dma_wait3A_333 : memref<64x128xf32, #tpu.memory_space<vmem>>) dst(%dma_wait3A_329 : memref<64x128xf32, #tpu.memory_space<hbm>>)
    %dma_wait3A_334 = arith.constant 3 : i32
    %dma_wait3A_335 = arith.constant 0 : i32
    %dma_wait3A_336 = arith.constant 0 : i32
    %dma_wait3A_337 = tpu.memref_slice %arg5[%dma_wait3A_334, %dma_wait3A_335, %dma_wait3A_336] : memref<4x64x128xf32, #tpu.memory_space<vmem>> -> memref<1x64x128xf32, #tpu.memory_space<vmem>>
    %dma_wait3A_338 = tpu.memref_squeeze %dma_wait3A_337 : memref<1x64x128xf32, #tpu.memory_space<vmem>> -> memref<64x128xf32, #tpu.memory_space<vmem>>
    %dma_wait3A_339 = arith.constant 0 : i32
    %dma_wait3A_340 = arith.constant 0 : i32
    %dma_wait3A_341 = tpu.memref_slice %arg3[%dma_wait3A_339, %dma_wait3A_340] : memref<500000x128xf32, #tpu.memory_space<hbm>> -> memref<64x128xf32, #tpu.memory_space<hbm>>
    %dma_wait3A_342 = arith.constant 0 : i32
    %dma_wait3A_343 = arith.constant 0 : i32
    %dma_wait3A_344 = tpu.memref_slice %arg3[%dma_wait3A_342, %dma_wait3A_343] : memref<500000x128xf32, #tpu.memory_space<hbm>> -> memref<64x128xf32, #tpu.memory_space<hbm>>
    %dma_wait3A_345 = arith.constant 0 : i32
    %dma_wait3A_346 = arith.constant 0 : i32
    %dma_wait3A_347 = tpu.memref_slice %arg5[%dma_wait3A_334, %dma_wait3A_345, %dma_wait3A_346] : memref<4x64x128xf32, #tpu.memory_space<vmem>> -> memref<1x64x128xf32, #tpu.memory_space<vmem>>
    %dma_wait3A_348 = tpu.memref_squeeze %dma_wait3A_347 : memref<1x64x128xf32, #tpu.memory_space<vmem>> -> memref<64x128xf32, #tpu.memory_space<vmem>>
    tpu.wait_dma2 semaphore(%arg15 : memref<!tpu.dma_semaphore, #tpu.memory_space<semaphore_mem>>) src(%dma_wait3A_348 : memref<64x128xf32, #tpu.memory_space<vmem>>) dst(%dma_wait3A_344 : memref<64x128xf32, #tpu.memory_space<hbm>>)
    %eq3A_349 = arith.constant 0 : i32
    %eq3A_350 = arith.cmpi eq, %add3A, %eq3A_349 : i32
    %and3A_351 = arith.constant true
    %and3A_352 = arith.andi %eq3A_350, %and3A_351 : i1
    %convert_element_type3A = arith.extui %and3A_352 : i1 to i32
    %cond3A = arith.constant 0 : i32
    %cond3A_353 = arith.cmpi ne, %convert_element_type3A, %cond3A : i32
    scf.if %cond3A_353 {
      "tpu.region"() ({
        %run_scoped3A = tpu.sem_alloc : memref<!tpu.dma_semaphore, #tpu.memory_space<semaphore_mem>>
        %dma_start3A_360 = arith.constant 0 : i32
        %dma_start3A_361 = arith.constant 999936 : i32
        %dma_start3A_362 = tpu.memref_slice %arg2[%dma_start3A_360, %dma_start3A_361] : memref<64x1000000xf32, #tpu.memory_space<hbm>> -> memref<64x64xf32, #tpu.memory_space<hbm>>
        %dma_start3A_363 = arith.constant 0 : i32
        %dma_start3A_364 = arith.constant 999936 : i32
        %dma_start3A_365 = tpu.memref_slice %arg2[%dma_start3A_363, %dma_start3A_364] : memref<64x1000000xf32, #tpu.memory_space<hbm>> -> memref<64x64xf32, #tpu.memory_space<hbm>>
        tpu.enqueue_dma source(%dma_start3A_365 : memref<64x64xf32, #tpu.memory_space<hbm>>) target(%arg6 : memref<64x64xf32, #tpu.memory_space<vmem>>) target_semaphore(%run_scoped3A : memref<!tpu.dma_semaphore, #tpu.memory_space<semaphore_mem>>)
        %dma_wait3A_366 = arith.constant 0 : i32
        %dma_wait3A_367 = arith.constant 999936 : i32
        %dma_wait3A_368 = tpu.memref_slice %arg2[%dma_wait3A_366, %dma_wait3A_367] : memref<64x1000000xf32, #tpu.memory_space<hbm>> -> memref<64x64xf32, #tpu.memory_space<hbm>>
        %dma_wait3A_369 = arith.constant 0 : i32
        %dma_wait3A_370 = arith.constant 999936 : i32
        %dma_wait3A_371 = tpu.memref_slice %arg2[%dma_wait3A_369, %dma_wait3A_370] : memref<64x1000000xf32, #tpu.memory_space<hbm>> -> memref<64x64xf32, #tpu.memory_space<hbm>>
        tpu.wait_dma2 semaphore(%run_scoped3A : memref<!tpu.dma_semaphore, #tpu.memory_space<semaphore_mem>>) src(%dma_wait3A_371 : memref<64x64xf32, #tpu.memory_space<hbm>>) dst(%arg6 : memref<64x64xf32, #tpu.memory_space<vmem>>)
        tpu.yield
      }) : () -> ()
      %scan3A_354 = arith.constant 0 : i32
      %scan3A_355 = arith.constant 0 : i32
      %scan3A_356 = arith.constant 32 : i32
      %scan3A_357 = arith.addi %scan3A_355, %scan3A_356 : i32
      %scan3A_358 = arith.constant 1 : i32
      scf.for %scan3A_360 = %scan3A_355 to %scan3A_357 step %scan3A_358  : i32 {
        %add3A_361 = vector.broadcast %scan3A_360 : i32 to vector<16xi32>
        %add3A_362 = arith.addi %add3A_361, %iota3A : vector<16xi32>
        %and3A_363 = arith.constant 31 : i32
        %and3A_364 = vector.broadcast %and3A_363 : i32 to vector<16xi32>
        %and3A_365 = arith.andi %add3A_362, %and3A_364 : vector<16xi32>
        %mul3A_366 = arith.constant 2 : i32
        %mul3A_367 = vector.broadcast %mul3A_366 : i32 to vector<16xi32>
        %mul3A_368 = arith.muli %mul3A_367, %and3A_365 : vector<16xi32>
        %add3A_369 = arith.constant 0 : i32
        %add3A_370 = vector.broadcast %add3A_369 : i32 to vector<16xi32>
        %add3A_371 = arith.addi %mul3A_368, %add3A_370 : vector<16xi32>
        %gather3A = tpu.vector_load_idx %arg6[%select_n3A_18, %add3A_371] : memref<64x64xf32, #tpu.memory_space<vmem>>[vector<16xi32>, vector<16xi32>], vector<16xf32>,
        tpu.vector_store_idx %arg7[%and3A_365, %add3A_196], %gather3A : memref<32x128xf32, #tpu.memory_space<vmem>>[vector<16xi32>, vector<16xi32>], vector<16xf32>,
        %add3A_372 = arith.constant 0 : i32
        %add3A_373 = vector.broadcast %add3A_372 : i32 to vector<16xi32>
        %add3A_374 = arith.addi %mul3A_368, %add3A_373 : vector<16xi32>
        %gather3A_375 = tpu.vector_load_idx %arg6[%select_n3A_43, %add3A_374] : memref<64x64xf32, #tpu.memory_space<vmem>>[vector<16xi32>, vector<16xi32>], vector<16xf32>,
        tpu.vector_store_idx %arg7[%and3A_365, %add3A_199], %gather3A_375 : memref<32x128xf32, #tpu.memory_space<vmem>>[vector<16xi32>, vector<16xi32>], vector<16xf32>,
        %add3A_376 = arith.constant 0 : i32
        %add3A_377 = vector.broadcast %add3A_376 : i32 to vector<16xi32>
        %add3A_378 = arith.addi %mul3A_368, %add3A_377 : vector<16xi32>
        %gather3A_379 = tpu.vector_load_idx %arg6[%select_n3A_68, %add3A_378] : memref<64x64xf32, #tpu.memory_space<vmem>>[vector<16xi32>, vector<16xi32>], vector<16xf32>,
        tpu.vector_store_idx %arg7[%and3A_365, %add3A_202], %gather3A_379 : memref<32x128xf32, #tpu.memory_space<vmem>>[vector<16xi32>, vector<16xi32>], vector<16xf32>,
        %add3A_380 = arith.constant 0 : i32
        %add3A_381 = vector.broadcast %add3A_380 : i32 to vector<16xi32>
        %add3A_382 = arith.addi %mul3A_368, %add3A_381 : vector<16xi32>
        %gather3A_383 = tpu.vector_load_idx %arg6[%select_n3A_93, %add3A_382] : memref<64x64xf32, #tpu.memory_space<vmem>>[vector<16xi32>, vector<16xi32>], vector<16xf32>,
        tpu.vector_store_idx %arg7[%and3A_365, %add3A_205], %gather3A_383 : memref<32x128xf32, #tpu.memory_space<vmem>>[vector<16xi32>, vector<16xi32>], vector<16xf32>,
        %add3A_384 = arith.constant 1 : i32
        %add3A_385 = vector.broadcast %add3A_384 : i32 to vector<16xi32>
        %add3A_386 = arith.addi %mul3A_368, %add3A_385 : vector<16xi32>
        %gather3A_387 = tpu.vector_load_idx %arg6[%select_n3A_118, %add3A_386] : memref<64x64xf32, #tpu.memory_space<vmem>>[vector<16xi32>, vector<16xi32>], vector<16xf32>,
        tpu.vector_store_idx %arg7[%and3A_365, %add3A_208], %gather3A_387 : memref<32x128xf32, #tpu.memory_space<vmem>>[vector<16xi32>, vector<16xi32>], vector<16xf32>,
        %add3A_388 = arith.constant 1 : i32
        %add3A_389 = vector.broadcast %add3A_388 : i32 to vector<16xi32>
        %add3A_390 = arith.addi %mul3A_368, %add3A_389 : vector<16xi32>
        %gather3A_391 = tpu.vector_load_idx %arg6[%select_n3A_143, %add3A_390] : memref<64x64xf32, #tpu.memory_space<vmem>>[vector<16xi32>, vector<16xi32>], vector<16xf32>,
        tpu.vector_store_idx %arg7[%and3A_365, %add3A_211], %gather3A_391 : memref<32x128xf32, #tpu.memory_space<vmem>>[vector<16xi32>, vector<16xi32>], vector<16xf32>,
        %add3A_392 = arith.constant 1 : i32
        %add3A_393 = vector.broadcast %add3A_392 : i32 to vector<16xi32>
        %add3A_394 = arith.addi %mul3A_368, %add3A_393 : vector<16xi32>
        %gather3A_395 = tpu.vector_load_idx %arg6[%select_n3A_168, %add3A_394] : memref<64x64xf32, #tpu.memory_space<vmem>>[vector<16xi32>, vector<16xi32>], vector<16xf32>,
        tpu.vector_store_idx %arg7[%and3A_365, %add3A_214], %gather3A_395 : memref<32x128xf32, #tpu.memory_space<vmem>>[vector<16xi32>, vector<16xi32>], vector<16xf32>,
        %add3A_396 = arith.constant 1 : i32
        %add3A_397 = vector.broadcast %add3A_396 : i32 to vector<16xi32>
        %add3A_398 = arith.addi %mul3A_368, %add3A_397 : vector<16xi32>
        %gather3A_399 = tpu.vector_load_idx %arg6[%select_n3A_193, %add3A_398] : memref<64x64xf32, #tpu.memory_space<vmem>>[vector<16xi32>, vector<16xi32>], vector<16xf32>,
        tpu.vector_store_idx %arg7[%and3A_365, %add3A_217], %gather3A_399 : memref<32x128xf32, #tpu.memory_space<vmem>>[vector<16xi32>, vector<16xi32>], vector<16xf32>,
      }
      %scan3A_359 = arith.constant 32 : i32
      "tpu.region"() ({
        %run_scoped3A = tpu.sem_alloc : memref<!tpu.dma_semaphore, #tpu.memory_space<semaphore_mem>>
        %dma_start3A_360 = arith.constant 499968 : i32
        %dma_start3A_361 = arith.constant 0 : i32
        %dma_start3A_362 = tpu.memref_slice %arg3[%dma_start3A_360, %dma_start3A_361] : memref<500000x128xf32, #tpu.memory_space<hbm>> -> memref<32x128xf32, #tpu.memory_space<hbm>>
        %dma_start3A_363 = arith.constant 499968 : i32
        %dma_start3A_364 = arith.constant 0 : i32
        %dma_start3A_365 = tpu.memref_slice %arg3[%dma_start3A_363, %dma_start3A_364] : memref<500000x128xf32, #tpu.memory_space<hbm>> -> memref<32x128xf32, #tpu.memory_space<hbm>>
        tpu.enqueue_dma source(%arg7 : memref<32x128xf32, #tpu.memory_space<vmem>>) target(%dma_start3A_365 : memref<32x128xf32, #tpu.memory_space<hbm>>) target_semaphore(%run_scoped3A : memref<!tpu.dma_semaphore, #tpu.memory_space<semaphore_mem>>)
        %dma_wait3A_366 = arith.constant 499968 : i32
        %dma_wait3A_367 = arith.constant 0 : i32
        %dma_wait3A_368 = tpu.memref_slice %arg3[%dma_wait3A_366, %dma_wait3A_367] : memref<500000x128xf32, #tpu.memory_space<hbm>> -> memref<32x128xf32, #tpu.memory_space<hbm>>
        %dma_wait3A_369 = arith.constant 499968 : i32
        %dma_wait3A_370 = arith.constant 0 : i32
        %dma_wait3A_371 = tpu.memref_slice %arg3[%dma_wait3A_369, %dma_wait3A_370] : memref<500000x128xf32, #tpu.memory_space<hbm>> -> memref<32x128xf32, #tpu.memory_space<hbm>>
        tpu.wait_dma2 semaphore(%run_scoped3A : memref<!tpu.dma_semaphore, #tpu.memory_space<semaphore_mem>>) src(%arg7 : memref<32x128xf32, #tpu.memory_space<vmem>>) dst(%dma_wait3A_371 : memref<32x128xf32, #tpu.memory_space<hbm>>)
        tpu.yield
      }) : () -> ()
    } else {
    }
    return
  }
}

#map = affine_map<(d0, d1) -> (0, 0)>
#map1 = affine_map<(d0, d1) -> (0, 0, 0)>
module attributes {stable_mosaic.version = 14 : i64} {
  func.func @gather_kernel(%arg0: i32, %arg1: i32, %arg2: memref<200x4096xi32, #tpu.memory_space<hbm>>, %arg3: memref<500000x128xf32, #tpu.memory_space<hbm>>, %arg4: memref<200x64x4096xf32, #tpu.memory_space<hbm>>, %arg5: memref<200x128xi32, #tpu.memory_space<vmem>>, %arg6: memref<4x128xi32, #tpu.memory_space<vmem>>, %arg7: memref<4x128x128xf32, #tpu.memory_space<vmem>>, %arg8: memref<4x64x128xf32, #tpu.memory_space<vmem>>, %arg9: memref<!tpu.dma_semaphore, #tpu.memory_space<semaphore_mem>>, %arg10: memref<!tpu.dma_semaphore, #tpu.memory_space<semaphore_mem>>, %arg11: memref<!tpu.dma_semaphore, #tpu.memory_space<semaphore_mem>>, %arg12: memref<!tpu.dma_semaphore, #tpu.memory_space<semaphore_mem>>, %arg13: memref<!tpu.dma_semaphore, #tpu.memory_space<semaphore_mem>>, %arg14: memref<!tpu.dma_semaphore, #tpu.memory_space<semaphore_mem>>, %arg15: memref<!tpu.dma_semaphore, #tpu.memory_space<semaphore_mem>>, %arg16: memref<!tpu.dma_semaphore, #tpu.memory_space<semaphore_mem>>) attributes {dimension_semantics = [#tpu.dimension_semantics<core_parallel>, #tpu.dimension_semantics<subcore_parallel>], iteration_bounds = array<i64: 2, 16>, scalar_prefetch = 0 : i64, scratch_operands = 12 : i64, tpu.core_type = #tpu.core_type<sc_vector_subcore>, window_params = [{transform_indices = #map}, {transform_indices = #map}, {transform_indices = #map1}]} {
    %mul3A = arith.constant 2 : i32
    %mul3A_0 = arith.muli %arg1, %mul3A : i32
    %add3A = arith.addi %mul3A_0, %arg0 : i32
    %mul3A_1 = arith.constant 128 : i32
    %mul3A_2 = arith.muli %add3A, %mul3A_1 : i32
    %iota3A = tpu.iota {dimensions = array<i32: 0>} : vector<16xi32>
    %add3A_3 = arith.constant 0 : i32
    %add3A_4 = vector.broadcast %add3A_3 : i32 to vector<16xi32>
    %add3A_5 = arith.addi %iota3A, %add3A_4 : vector<16xi32>
    %add3A_6 = arith.constant 16 : i32
    %add3A_7 = vector.broadcast %add3A_6 : i32 to vector<16xi32>
    %add3A_8 = arith.addi %iota3A, %add3A_7 : vector<16xi32>
    %add3A_9 = arith.constant 32 : i32
    %add3A_10 = vector.broadcast %add3A_9 : i32 to vector<16xi32>
    %add3A_11 = arith.addi %iota3A, %add3A_10 : vector<16xi32>
    %add3A_12 = arith.constant 48 : i32
    %add3A_13 = vector.broadcast %add3A_12 : i32 to vector<16xi32>
    %add3A_14 = arith.addi %iota3A, %add3A_13 : vector<16xi32>
    %add3A_15 = arith.constant 64 : i32
    %add3A_16 = vector.broadcast %add3A_15 : i32 to vector<16xi32>
    %add3A_17 = arith.addi %iota3A, %add3A_16 : vector<16xi32>
    %add3A_18 = arith.constant 80 : i32
    %add3A_19 = vector.broadcast %add3A_18 : i32 to vector<16xi32>
    %add3A_20 = arith.addi %iota3A, %add3A_19 : vector<16xi32>
    %add3A_21 = arith.constant 96 : i32
    %add3A_22 = vector.broadcast %add3A_21 : i32 to vector<16xi32>
    %add3A_23 = arith.addi %iota3A, %add3A_22 : vector<16xi32>
    %add3A_24 = arith.constant 112 : i32
    %add3A_25 = vector.broadcast %add3A_24 : i32 to vector<16xi32>
    %add3A_26 = arith.addi %iota3A, %add3A_25 : vector<16xi32>
    "tpu.region"() ({
      %run_scoped3A = tpu.sem_alloc : memref<!tpu.dma_semaphore, #tpu.memory_space<semaphore_mem>>
      %dma_start3A_491 = arith.constant 0 : i32
      %dma_start3A_492 = tpu.memref_slice %arg2[%dma_start3A_491, %mul3A_2] : memref<200x4096xi32, #tpu.memory_space<hbm>> -> memref<200x128xi32, #tpu.memory_space<hbm>>
      %dma_start3A_493 = arith.constant 0 : i32
      %dma_start3A_494 = tpu.memref_slice %arg2[%dma_start3A_493, %mul3A_2] : memref<200x4096xi32, #tpu.memory_space<hbm>> -> memref<200x128xi32, #tpu.memory_space<hbm>>
      tpu.enqueue_dma source(%dma_start3A_494 : memref<200x128xi32, #tpu.memory_space<hbm>>) target(%arg5 : memref<200x128xi32, #tpu.memory_space<vmem>>) target_semaphore(%run_scoped3A : memref<!tpu.dma_semaphore, #tpu.memory_space<semaphore_mem>>)
      %dma_wait3A_495 = arith.constant 0 : i32
      %dma_wait3A_496 = tpu.memref_slice %arg2[%dma_wait3A_495, %mul3A_2] : memref<200x4096xi32, #tpu.memory_space<hbm>> -> memref<200x128xi32, #tpu.memory_space<hbm>>
      %dma_wait3A_497 = arith.constant 0 : i32
      %dma_wait3A_498 = tpu.memref_slice %arg2[%dma_wait3A_497, %mul3A_2] : memref<200x4096xi32, #tpu.memory_space<hbm>> -> memref<200x128xi32, #tpu.memory_space<hbm>>
      tpu.wait_dma2 semaphore(%run_scoped3A : memref<!tpu.dma_semaphore, #tpu.memory_space<semaphore_mem>>) src(%dma_wait3A_498 : memref<200x128xi32, #tpu.memory_space<hbm>>) dst(%arg5 : memref<200x128xi32, #tpu.memory_space<vmem>>)
      tpu.yield
    }) : () -> ()
    %get3A = arith.constant 0 : i32
    %get3A_27 = arith.index_cast %get3A : i32 to index
    %get3A_28 = arith.constant 0 : index
    %get3A_29 = tpu.vector_load %arg5[%get3A_27, %get3A_28] {strides = array<i32>} : memref<200x128xi32, #tpu.memory_space<vmem>>, vector<16xi32>,
    %shift_right_arithmetic3A = arith.constant 1 : i32
    %shift_right_arithmetic3A_30 = vector.broadcast %shift_right_arithmetic3A : i32 to vector<16xi32>
    %shift_right_arithmetic3A_31 = arith.shrsi %get3A_29, %shift_right_arithmetic3A_30 : vector<16xi32>
    %swap3A = arith.constant 0 : i32
    %swap3A_32 = arith.index_cast %swap3A : i32 to index
    %swap3A_33 = arith.constant 0 : index
    %swap3A_34 = tpu.vector_load %arg6[%swap3A_32, %swap3A_33] {strides = array<i32>} : memref<4x128xi32, #tpu.memory_space<vmem>>, vector<16xi32>,
    tpu.vector_store %arg6[%swap3A_32, %swap3A_33], %shift_right_arithmetic3A_31 {strides = array<i32>} : memref<4x128xi32, #tpu.memory_space<vmem>>, vector<16xi32>,
    %get3A_35 = arith.constant 0 : i32
    %get3A_36 = arith.index_cast %get3A_35 : i32 to index
    %get3A_37 = arith.constant 16 : index
    %get3A_38 = tpu.vector_load %arg5[%get3A_36, %get3A_37] {strides = array<i32>} : memref<200x128xi32, #tpu.memory_space<vmem>>, vector<16xi32>,
    %shift_right_arithmetic3A_39 = arith.constant 1 : i32
    %shift_right_arithmetic3A_40 = vector.broadcast %shift_right_arithmetic3A_39 : i32 to vector<16xi32>
    %shift_right_arithmetic3A_41 = arith.shrsi %get3A_38, %shift_right_arithmetic3A_40 : vector<16xi32>
    %swap3A_42 = arith.constant 0 : i32
    %swap3A_43 = arith.index_cast %swap3A_42 : i32 to index
    %swap3A_44 = arith.constant 16 : index
    %swap3A_45 = tpu.vector_load %arg6[%swap3A_43, %swap3A_44] {strides = array<i32>} : memref<4x128xi32, #tpu.memory_space<vmem>>, vector<16xi32>,
    tpu.vector_store %arg6[%swap3A_43, %swap3A_44], %shift_right_arithmetic3A_41 {strides = array<i32>} : memref<4x128xi32, #tpu.memory_space<vmem>>, vector<16xi32>,
    %get3A_46 = arith.constant 0 : i32
    %get3A_47 = arith.index_cast %get3A_46 : i32 to index
    %get3A_48 = arith.constant 32 : index
    %get3A_49 = tpu.vector_load %arg5[%get3A_47, %get3A_48] {strides = array<i32>} : memref<200x128xi32, #tpu.memory_space<vmem>>, vector<16xi32>,
    %shift_right_arithmetic3A_50 = arith.constant 1 : i32
    %shift_right_arithmetic3A_51 = vector.broadcast %shift_right_arithmetic3A_50 : i32 to vector<16xi32>
    %shift_right_arithmetic3A_52 = arith.shrsi %get3A_49, %shift_right_arithmetic3A_51 : vector<16xi32>
    %swap3A_53 = arith.constant 0 : i32
    %swap3A_54 = arith.index_cast %swap3A_53 : i32 to index
    %swap3A_55 = arith.constant 32 : index
    %swap3A_56 = tpu.vector_load %arg6[%swap3A_54, %swap3A_55] {strides = array<i32>} : memref<4x128xi32, #tpu.memory_space<vmem>>, vector<16xi32>,
    tpu.vector_store %arg6[%swap3A_54, %swap3A_55], %shift_right_arithmetic3A_52 {strides = array<i32>} : memref<4x128xi32, #tpu.memory_space<vmem>>, vector<16xi32>,
    %get3A_57 = arith.constant 0 : i32
    %get3A_58 = arith.index_cast %get3A_57 : i32 to index
    %get3A_59 = arith.constant 48 : index
    %get3A_60 = tpu.vector_load %arg5[%get3A_58, %get3A_59] {strides = array<i32>} : memref<200x128xi32, #tpu.memory_space<vmem>>, vector<16xi32>,
    %shift_right_arithmetic3A_61 = arith.constant 1 : i32
    %shift_right_arithmetic3A_62 = vector.broadcast %shift_right_arithmetic3A_61 : i32 to vector<16xi32>
    %shift_right_arithmetic3A_63 = arith.shrsi %get3A_60, %shift_right_arithmetic3A_62 : vector<16xi32>
    %swap3A_64 = arith.constant 0 : i32
    %swap3A_65 = arith.index_cast %swap3A_64 : i32 to index
    %swap3A_66 = arith.constant 48 : index
    %swap3A_67 = tpu.vector_load %arg6[%swap3A_65, %swap3A_66] {strides = array<i32>} : memref<4x128xi32, #tpu.memory_space<vmem>>, vector<16xi32>,
    tpu.vector_store %arg6[%swap3A_65, %swap3A_66], %shift_right_arithmetic3A_63 {strides = array<i32>} : memref<4x128xi32, #tpu.memory_space<vmem>>, vector<16xi32>,
    %get3A_68 = arith.constant 0 : i32
    %get3A_69 = arith.index_cast %get3A_68 : i32 to index
    %get3A_70 = arith.constant 64 : index
    %get3A_71 = tpu.vector_load %arg5[%get3A_69, %get3A_70] {strides = array<i32>} : memref<200x128xi32, #tpu.memory_space<vmem>>, vector<16xi32>,
    %shift_right_arithmetic3A_72 = arith.constant 1 : i32
    %shift_right_arithmetic3A_73 = vector.broadcast %shift_right_arithmetic3A_72 : i32 to vector<16xi32>
    %shift_right_arithmetic3A_74 = arith.shrsi %get3A_71, %shift_right_arithmetic3A_73 : vector<16xi32>
    %swap3A_75 = arith.constant 0 : i32
    %swap3A_76 = arith.index_cast %swap3A_75 : i32 to index
    %swap3A_77 = arith.constant 64 : index
    %swap3A_78 = tpu.vector_load %arg6[%swap3A_76, %swap3A_77] {strides = array<i32>} : memref<4x128xi32, #tpu.memory_space<vmem>>, vector<16xi32>,
    tpu.vector_store %arg6[%swap3A_76, %swap3A_77], %shift_right_arithmetic3A_74 {strides = array<i32>} : memref<4x128xi32, #tpu.memory_space<vmem>>, vector<16xi32>,
    %get3A_79 = arith.constant 0 : i32
    %get3A_80 = arith.index_cast %get3A_79 : i32 to index
    %get3A_81 = arith.constant 80 : index
    %get3A_82 = tpu.vector_load %arg5[%get3A_80, %get3A_81] {strides = array<i32>} : memref<200x128xi32, #tpu.memory_space<vmem>>, vector<16xi32>,
    %shift_right_arithmetic3A_83 = arith.constant 1 : i32
    %shift_right_arithmetic3A_84 = vector.broadcast %shift_right_arithmetic3A_83 : i32 to vector<16xi32>
    %shift_right_arithmetic3A_85 = arith.shrsi %get3A_82, %shift_right_arithmetic3A_84 : vector<16xi32>
    %swap3A_86 = arith.constant 0 : i32
    %swap3A_87 = arith.index_cast %swap3A_86 : i32 to index
    %swap3A_88 = arith.constant 80 : index
    %swap3A_89 = tpu.vector_load %arg6[%swap3A_87, %swap3A_88] {strides = array<i32>} : memref<4x128xi32, #tpu.memory_space<vmem>>, vector<16xi32>,
    tpu.vector_store %arg6[%swap3A_87, %swap3A_88], %shift_right_arithmetic3A_85 {strides = array<i32>} : memref<4x128xi32, #tpu.memory_space<vmem>>, vector<16xi32>,
    %get3A_90 = arith.constant 0 : i32
    %get3A_91 = arith.index_cast %get3A_90 : i32 to index
    %get3A_92 = arith.constant 96 : index
    %get3A_93 = tpu.vector_load %arg5[%get3A_91, %get3A_92] {strides = array<i32>} : memref<200x128xi32, #tpu.memory_space<vmem>>, vector<16xi32>,
    %shift_right_arithmetic3A_94 = arith.constant 1 : i32
    %shift_right_arithmetic3A_95 = vector.broadcast %shift_right_arithmetic3A_94 : i32 to vector<16xi32>
    %shift_right_arithmetic3A_96 = arith.shrsi %get3A_93, %shift_right_arithmetic3A_95 : vector<16xi32>
    %swap3A_97 = arith.constant 0 : i32
    %swap3A_98 = arith.index_cast %swap3A_97 : i32 to index
    %swap3A_99 = arith.constant 96 : index
    %swap3A_100 = tpu.vector_load %arg6[%swap3A_98, %swap3A_99] {strides = array<i32>} : memref<4x128xi32, #tpu.memory_space<vmem>>, vector<16xi32>,
    tpu.vector_store %arg6[%swap3A_98, %swap3A_99], %shift_right_arithmetic3A_96 {strides = array<i32>} : memref<4x128xi32, #tpu.memory_space<vmem>>, vector<16xi32>,
    %get3A_101 = arith.constant 0 : i32
    %get3A_102 = arith.index_cast %get3A_101 : i32 to index
    %get3A_103 = arith.constant 112 : index
    %get3A_104 = tpu.vector_load %arg5[%get3A_102, %get3A_103] {strides = array<i32>} : memref<200x128xi32, #tpu.memory_space<vmem>>, vector<16xi32>,
    %shift_right_arithmetic3A_105 = arith.constant 1 : i32
    %shift_right_arithmetic3A_106 = vector.broadcast %shift_right_arithmetic3A_105 : i32 to vector<16xi32>
    %shift_right_arithmetic3A_107 = arith.shrsi %get3A_104, %shift_right_arithmetic3A_106 : vector<16xi32>
    %swap3A_108 = arith.constant 0 : i32
    %swap3A_109 = arith.index_cast %swap3A_108 : i32 to index
    %swap3A_110 = arith.constant 112 : index
    %swap3A_111 = tpu.vector_load %arg6[%swap3A_109, %swap3A_110] {strides = array<i32>} : memref<4x128xi32, #tpu.memory_space<vmem>>, vector<16xi32>,
    tpu.vector_store %arg6[%swap3A_109, %swap3A_110], %shift_right_arithmetic3A_107 {strides = array<i32>} : memref<4x128xi32, #tpu.memory_space<vmem>>, vector<16xi32>,
    %dma_start3A = arith.constant 0 : i32
    %dma_start3A_112 = arith.constant 0 : i32
    %dma_start3A_113 = arith.constant 0 : i32
    %dma_start3A_114 = arith.constant 0 : i32
    %dma_start3A_115 = tpu.memref_slice %arg7[%dma_start3A_112, %dma_start3A_113, %dma_start3A_114] : memref<4x128x128xf32, #tpu.memory_space<vmem>> -> memref<1x128x128xf32, #tpu.memory_space<vmem>>
    %dma_start3A_116 = tpu.memref_squeeze %dma_start3A_115 : memref<1x128x128xf32, #tpu.memory_space<vmem>> -> memref<128x128xf32, #tpu.memory_space<vmem>>
    %dma_start3A_117 = arith.constant 0 : i32
    %dma_start3A_118 = tpu.memref_slice %arg6[%dma_start3A, %dma_start3A_117] : memref<4x128xi32, #tpu.memory_space<vmem>> -> memref<1x128xi32, #tpu.memory_space<vmem>>
    %dma_start3A_119 = tpu.memref_squeeze %dma_start3A_118 : memref<1x128xi32, #tpu.memory_space<vmem>> -> memref<128xi32, #tpu.memory_space<vmem>>
    %dma_start3A_120 = arith.constant 0 : i32
    %dma_start3A_121 = arith.constant 0 : i32
    %dma_start3A_122 = tpu.memref_slice %arg3[%dma_start3A_120, %dma_start3A_121] : memref<500000x128xf32, #tpu.memory_space<hbm>> -> memref<500000x128xf32, #tpu.memory_space<hbm>>
    tpu.enqueue_indirect_dma source(%dma_start3A_122 : memref<500000x128xf32, #tpu.memory_space<hbm>>) target(%dma_start3A_116 : memref<128x128xf32, #tpu.memory_space<vmem>>) offsets(%dma_start3A_119 : memref<128xi32, #tpu.memory_space<vmem>>) semaphore(%arg9 : memref<!tpu.dma_semaphore, #tpu.memory_space<semaphore_mem>>)
    %get3A_123 = arith.constant 1 : i32
    %get3A_124 = arith.index_cast %get3A_123 : i32 to index
    %get3A_125 = arith.constant 0 : index
    %get3A_126 = tpu.vector_load %arg5[%get3A_124, %get3A_125] {strides = array<i32>} : memref<200x128xi32, #tpu.memory_space<vmem>>, vector<16xi32>,
    %shift_right_arithmetic3A_127 = arith.constant 1 : i32
    %shift_right_arithmetic3A_128 = vector.broadcast %shift_right_arithmetic3A_127 : i32 to vector<16xi32>
    %shift_right_arithmetic3A_129 = arith.shrsi %get3A_126, %shift_right_arithmetic3A_128 : vector<16xi32>
    %swap3A_130 = arith.constant 1 : i32
    %swap3A_131 = arith.index_cast %swap3A_130 : i32 to index
    %swap3A_132 = arith.constant 0 : index
    %swap3A_133 = tpu.vector_load %arg6[%swap3A_131, %swap3A_132] {strides = array<i32>} : memref<4x128xi32, #tpu.memory_space<vmem>>, vector<16xi32>,
    tpu.vector_store %arg6[%swap3A_131, %swap3A_132], %shift_right_arithmetic3A_129 {strides = array<i32>} : memref<4x128xi32, #tpu.memory_space<vmem>>, vector<16xi32>,
    %get3A_134 = arith.constant 1 : i32
    %get3A_135 = arith.index_cast %get3A_134 : i32 to index
    %get3A_136 = arith.constant 16 : index
    %get3A_137 = tpu.vector_load %arg5[%get3A_135, %get3A_136] {strides = array<i32>} : memref<200x128xi32, #tpu.memory_space<vmem>>, vector<16xi32>,
    %shift_right_arithmetic3A_138 = arith.constant 1 : i32
    %shift_right_arithmetic3A_139 = vector.broadcast %shift_right_arithmetic3A_138 : i32 to vector<16xi32>
    %shift_right_arithmetic3A_140 = arith.shrsi %get3A_137, %shift_right_arithmetic3A_139 : vector<16xi32>
    %swap3A_141 = arith.constant 1 : i32
    %swap3A_142 = arith.index_cast %swap3A_141 : i32 to index
    %swap3A_143 = arith.constant 16 : index
    %swap3A_144 = tpu.vector_load %arg6[%swap3A_142, %swap3A_143] {strides = array<i32>} : memref<4x128xi32, #tpu.memory_space<vmem>>, vector<16xi32>,
    tpu.vector_store %arg6[%swap3A_142, %swap3A_143], %shift_right_arithmetic3A_140 {strides = array<i32>} : memref<4x128xi32, #tpu.memory_space<vmem>>, vector<16xi32>,
    %get3A_145 = arith.constant 1 : i32
    %get3A_146 = arith.index_cast %get3A_145 : i32 to index
    %get3A_147 = arith.constant 32 : index
    %get3A_148 = tpu.vector_load %arg5[%get3A_146, %get3A_147] {strides = array<i32>} : memref<200x128xi32, #tpu.memory_space<vmem>>, vector<16xi32>,
    %shift_right_arithmetic3A_149 = arith.constant 1 : i32
    %shift_right_arithmetic3A_150 = vector.broadcast %shift_right_arithmetic3A_149 : i32 to vector<16xi32>
    %shift_right_arithmetic3A_151 = arith.shrsi %get3A_148, %shift_right_arithmetic3A_150 : vector<16xi32>
    %swap3A_152 = arith.constant 1 : i32
    %swap3A_153 = arith.index_cast %swap3A_152 : i32 to index
    %swap3A_154 = arith.constant 32 : index
    %swap3A_155 = tpu.vector_load %arg6[%swap3A_153, %swap3A_154] {strides = array<i32>} : memref<4x128xi32, #tpu.memory_space<vmem>>, vector<16xi32>,
    tpu.vector_store %arg6[%swap3A_153, %swap3A_154], %shift_right_arithmetic3A_151 {strides = array<i32>} : memref<4x128xi32, #tpu.memory_space<vmem>>, vector<16xi32>,
    %get3A_156 = arith.constant 1 : i32
    %get3A_157 = arith.index_cast %get3A_156 : i32 to index
    %get3A_158 = arith.constant 48 : index
    %get3A_159 = tpu.vector_load %arg5[%get3A_157, %get3A_158] {strides = array<i32>} : memref<200x128xi32, #tpu.memory_space<vmem>>, vector<16xi32>,
    %shift_right_arithmetic3A_160 = arith.constant 1 : i32
    %shift_right_arithmetic3A_161 = vector.broadcast %shift_right_arithmetic3A_160 : i32 to vector<16xi32>
    %shift_right_arithmetic3A_162 = arith.shrsi %get3A_159, %shift_right_arithmetic3A_161 : vector<16xi32>
    %swap3A_163 = arith.constant 1 : i32
    %swap3A_164 = arith.index_cast %swap3A_163 : i32 to index
    %swap3A_165 = arith.constant 48 : index
    %swap3A_166 = tpu.vector_load %arg6[%swap3A_164, %swap3A_165] {strides = array<i32>} : memref<4x128xi32, #tpu.memory_space<vmem>>, vector<16xi32>,
    tpu.vector_store %arg6[%swap3A_164, %swap3A_165], %shift_right_arithmetic3A_162 {strides = array<i32>} : memref<4x128xi32, #tpu.memory_space<vmem>>, vector<16xi32>,
    %get3A_167 = arith.constant 1 : i32
    %get3A_168 = arith.index_cast %get3A_167 : i32 to index
    %get3A_169 = arith.constant 64 : index
    %get3A_170 = tpu.vector_load %arg5[%get3A_168, %get3A_169] {strides = array<i32>} : memref<200x128xi32, #tpu.memory_space<vmem>>, vector<16xi32>,
    %shift_right_arithmetic3A_171 = arith.constant 1 : i32
    %shift_right_arithmetic3A_172 = vector.broadcast %shift_right_arithmetic3A_171 : i32 to vector<16xi32>
    %shift_right_arithmetic3A_173 = arith.shrsi %get3A_170, %shift_right_arithmetic3A_172 : vector<16xi32>
    %swap3A_174 = arith.constant 1 : i32
    %swap3A_175 = arith.index_cast %swap3A_174 : i32 to index
    %swap3A_176 = arith.constant 64 : index
    %swap3A_177 = tpu.vector_load %arg6[%swap3A_175, %swap3A_176] {strides = array<i32>} : memref<4x128xi32, #tpu.memory_space<vmem>>, vector<16xi32>,
    tpu.vector_store %arg6[%swap3A_175, %swap3A_176], %shift_right_arithmetic3A_173 {strides = array<i32>} : memref<4x128xi32, #tpu.memory_space<vmem>>, vector<16xi32>,
    %get3A_178 = arith.constant 1 : i32
    %get3A_179 = arith.index_cast %get3A_178 : i32 to index
    %get3A_180 = arith.constant 80 : index
    %get3A_181 = tpu.vector_load %arg5[%get3A_179, %get3A_180] {strides = array<i32>} : memref<200x128xi32, #tpu.memory_space<vmem>>, vector<16xi32>,
    %shift_right_arithmetic3A_182 = arith.constant 1 : i32
    %shift_right_arithmetic3A_183 = vector.broadcast %shift_right_arithmetic3A_182 : i32 to vector<16xi32>
    %shift_right_arithmetic3A_184 = arith.shrsi %get3A_181, %shift_right_arithmetic3A_183 : vector<16xi32>
    %swap3A_185 = arith.constant 1 : i32
    %swap3A_186 = arith.index_cast %swap3A_185 : i32 to index
    %swap3A_187 = arith.constant 80 : index
    %swap3A_188 = tpu.vector_load %arg6[%swap3A_186, %swap3A_187] {strides = array<i32>} : memref<4x128xi32, #tpu.memory_space<vmem>>, vector<16xi32>,
    tpu.vector_store %arg6[%swap3A_186, %swap3A_187], %shift_right_arithmetic3A_184 {strides = array<i32>} : memref<4x128xi32, #tpu.memory_space<vmem>>, vector<16xi32>,
    %get3A_189 = arith.constant 1 : i32
    %get3A_190 = arith.index_cast %get3A_189 : i32 to index
    %get3A_191 = arith.constant 96 : index
    %get3A_192 = tpu.vector_load %arg5[%get3A_190, %get3A_191] {strides = array<i32>} : memref<200x128xi32, #tpu.memory_space<vmem>>, vector<16xi32>,
    %shift_right_arithmetic3A_193 = arith.constant 1 : i32
    %shift_right_arithmetic3A_194 = vector.broadcast %shift_right_arithmetic3A_193 : i32 to vector<16xi32>
    %shift_right_arithmetic3A_195 = arith.shrsi %get3A_192, %shift_right_arithmetic3A_194 : vector<16xi32>
    %swap3A_196 = arith.constant 1 : i32
    %swap3A_197 = arith.index_cast %swap3A_196 : i32 to index
    %swap3A_198 = arith.constant 96 : index
    %swap3A_199 = tpu.vector_load %arg6[%swap3A_197, %swap3A_198] {strides = array<i32>} : memref<4x128xi32, #tpu.memory_space<vmem>>, vector<16xi32>,
    tpu.vector_store %arg6[%swap3A_197, %swap3A_198], %shift_right_arithmetic3A_195 {strides = array<i32>} : memref<4x128xi32, #tpu.memory_space<vmem>>, vector<16xi32>,
    %get3A_200 = arith.constant 1 : i32
    %get3A_201 = arith.index_cast %get3A_200 : i32 to index
    %get3A_202 = arith.constant 112 : index
    %get3A_203 = tpu.vector_load %arg5[%get3A_201, %get3A_202] {strides = array<i32>} : memref<200x128xi32, #tpu.memory_space<vmem>>, vector<16xi32>,
    %shift_right_arithmetic3A_204 = arith.constant 1 : i32
    %shift_right_arithmetic3A_205 = vector.broadcast %shift_right_arithmetic3A_204 : i32 to vector<16xi32>
    %shift_right_arithmetic3A_206 = arith.shrsi %get3A_203, %shift_right_arithmetic3A_205 : vector<16xi32>
    %swap3A_207 = arith.constant 1 : i32
    %swap3A_208 = arith.index_cast %swap3A_207 : i32 to index
    %swap3A_209 = arith.constant 112 : index
    %swap3A_210 = tpu.vector_load %arg6[%swap3A_208, %swap3A_209] {strides = array<i32>} : memref<4x128xi32, #tpu.memory_space<vmem>>, vector<16xi32>,
    tpu.vector_store %arg6[%swap3A_208, %swap3A_209], %shift_right_arithmetic3A_206 {strides = array<i32>} : memref<4x128xi32, #tpu.memory_space<vmem>>, vector<16xi32>,
    %dma_start3A_211 = arith.constant 1 : i32
    %dma_start3A_212 = arith.constant 1 : i32
    %dma_start3A_213 = arith.constant 0 : i32
    %dma_start3A_214 = arith.constant 0 : i32
    %dma_start3A_215 = tpu.memref_slice %arg7[%dma_start3A_212, %dma_start3A_213, %dma_start3A_214] : memref<4x128x128xf32, #tpu.memory_space<vmem>> -> memref<1x128x128xf32, #tpu.memory_space<vmem>>
    %dma_start3A_216 = tpu.memref_squeeze %dma_start3A_215 : memref<1x128x128xf32, #tpu.memory_space<vmem>> -> memref<128x128xf32, #tpu.memory_space<vmem>>
    %dma_start3A_217 = arith.constant 0 : i32
    %dma_start3A_218 = tpu.memref_slice %arg6[%dma_start3A_211, %dma_start3A_217] : memref<4x128xi32, #tpu.memory_space<vmem>> -> memref<1x128xi32, #tpu.memory_space<vmem>>
    %dma_start3A_219 = tpu.memref_squeeze %dma_start3A_218 : memref<1x128xi32, #tpu.memory_space<vmem>> -> memref<128xi32, #tpu.memory_space<vmem>>
    %dma_start3A_220 = arith.constant 0 : i32
    %dma_start3A_221 = arith.constant 0 : i32
    %dma_start3A_222 = tpu.memref_slice %arg3[%dma_start3A_220, %dma_start3A_221] : memref<500000x128xf32, #tpu.memory_space<hbm>> -> memref<500000x128xf32, #tpu.memory_space<hbm>>
    tpu.enqueue_indirect_dma source(%dma_start3A_222 : memref<500000x128xf32, #tpu.memory_space<hbm>>) target(%dma_start3A_216 : memref<128x128xf32, #tpu.memory_space<vmem>>) offsets(%dma_start3A_219 : memref<128xi32, #tpu.memory_space<vmem>>) semaphore(%arg10 : memref<!tpu.dma_semaphore, #tpu.memory_space<semaphore_mem>>)
    %get3A_223 = arith.constant 2 : i32
    %get3A_224 = arith.index_cast %get3A_223 : i32 to index
    %get3A_225 = arith.constant 0 : index
    %get3A_226 = tpu.vector_load %arg5[%get3A_224, %get3A_225] {strides = array<i32>} : memref<200x128xi32, #tpu.memory_space<vmem>>, vector<16xi32>,
    %shift_right_arithmetic3A_227 = arith.constant 1 : i32
    %shift_right_arithmetic3A_228 = vector.broadcast %shift_right_arithmetic3A_227 : i32 to vector<16xi32>
    %shift_right_arithmetic3A_229 = arith.shrsi %get3A_226, %shift_right_arithmetic3A_228 : vector<16xi32>
    %swap3A_230 = arith.constant 2 : i32
    %swap3A_231 = arith.index_cast %swap3A_230 : i32 to index
    %swap3A_232 = arith.constant 0 : index
    %swap3A_233 = tpu.vector_load %arg6[%swap3A_231, %swap3A_232] {strides = array<i32>} : memref<4x128xi32, #tpu.memory_space<vmem>>, vector<16xi32>,
    tpu.vector_store %arg6[%swap3A_231, %swap3A_232], %shift_right_arithmetic3A_229 {strides = array<i32>} : memref<4x128xi32, #tpu.memory_space<vmem>>, vector<16xi32>,
    %get3A_234 = arith.constant 2 : i32
    %get3A_235 = arith.index_cast %get3A_234 : i32 to index
    %get3A_236 = arith.constant 16 : index
    %get3A_237 = tpu.vector_load %arg5[%get3A_235, %get3A_236] {strides = array<i32>} : memref<200x128xi32, #tpu.memory_space<vmem>>, vector<16xi32>,
    %shift_right_arithmetic3A_238 = arith.constant 1 : i32
    %shift_right_arithmetic3A_239 = vector.broadcast %shift_right_arithmetic3A_238 : i32 to vector<16xi32>
    %shift_right_arithmetic3A_240 = arith.shrsi %get3A_237, %shift_right_arithmetic3A_239 : vector<16xi32>
    %swap3A_241 = arith.constant 2 : i32
    %swap3A_242 = arith.index_cast %swap3A_241 : i32 to index
    %swap3A_243 = arith.constant 16 : index
    %swap3A_244 = tpu.vector_load %arg6[%swap3A_242, %swap3A_243] {strides = array<i32>} : memref<4x128xi32, #tpu.memory_space<vmem>>, vector<16xi32>,
    tpu.vector_store %arg6[%swap3A_242, %swap3A_243], %shift_right_arithmetic3A_240 {strides = array<i32>} : memref<4x128xi32, #tpu.memory_space<vmem>>, vector<16xi32>,
    %get3A_245 = arith.constant 2 : i32
    %get3A_246 = arith.index_cast %get3A_245 : i32 to index
    %get3A_247 = arith.constant 32 : index
    %get3A_248 = tpu.vector_load %arg5[%get3A_246, %get3A_247] {strides = array<i32>} : memref<200x128xi32, #tpu.memory_space<vmem>>, vector<16xi32>,
    %shift_right_arithmetic3A_249 = arith.constant 1 : i32
    %shift_right_arithmetic3A_250 = vector.broadcast %shift_right_arithmetic3A_249 : i32 to vector<16xi32>
    %shift_right_arithmetic3A_251 = arith.shrsi %get3A_248, %shift_right_arithmetic3A_250 : vector<16xi32>
    %swap3A_252 = arith.constant 2 : i32
    %swap3A_253 = arith.index_cast %swap3A_252 : i32 to index
    %swap3A_254 = arith.constant 32 : index
    %swap3A_255 = tpu.vector_load %arg6[%swap3A_253, %swap3A_254] {strides = array<i32>} : memref<4x128xi32, #tpu.memory_space<vmem>>, vector<16xi32>,
    tpu.vector_store %arg6[%swap3A_253, %swap3A_254], %shift_right_arithmetic3A_251 {strides = array<i32>} : memref<4x128xi32, #tpu.memory_space<vmem>>, vector<16xi32>,
    %get3A_256 = arith.constant 2 : i32
    %get3A_257 = arith.index_cast %get3A_256 : i32 to index
    %get3A_258 = arith.constant 48 : index
    %get3A_259 = tpu.vector_load %arg5[%get3A_257, %get3A_258] {strides = array<i32>} : memref<200x128xi32, #tpu.memory_space<vmem>>, vector<16xi32>,
    %shift_right_arithmetic3A_260 = arith.constant 1 : i32
    %shift_right_arithmetic3A_261 = vector.broadcast %shift_right_arithmetic3A_260 : i32 to vector<16xi32>
    %shift_right_arithmetic3A_262 = arith.shrsi %get3A_259, %shift_right_arithmetic3A_261 : vector<16xi32>
    %swap3A_263 = arith.constant 2 : i32
    %swap3A_264 = arith.index_cast %swap3A_263 : i32 to index
    %swap3A_265 = arith.constant 48 : index
    %swap3A_266 = tpu.vector_load %arg6[%swap3A_264, %swap3A_265] {strides = array<i32>} : memref<4x128xi32, #tpu.memory_space<vmem>>, vector<16xi32>,
    tpu.vector_store %arg6[%swap3A_264, %swap3A_265], %shift_right_arithmetic3A_262 {strides = array<i32>} : memref<4x128xi32, #tpu.memory_space<vmem>>, vector<16xi32>,
    %get3A_267 = arith.constant 2 : i32
    %get3A_268 = arith.index_cast %get3A_267 : i32 to index
    %get3A_269 = arith.constant 64 : index
    %get3A_270 = tpu.vector_load %arg5[%get3A_268, %get3A_269] {strides = array<i32>} : memref<200x128xi32, #tpu.memory_space<vmem>>, vector<16xi32>,
    %shift_right_arithmetic3A_271 = arith.constant 1 : i32
    %shift_right_arithmetic3A_272 = vector.broadcast %shift_right_arithmetic3A_271 : i32 to vector<16xi32>
    %shift_right_arithmetic3A_273 = arith.shrsi %get3A_270, %shift_right_arithmetic3A_272 : vector<16xi32>
    %swap3A_274 = arith.constant 2 : i32
    %swap3A_275 = arith.index_cast %swap3A_274 : i32 to index
    %swap3A_276 = arith.constant 64 : index
    %swap3A_277 = tpu.vector_load %arg6[%swap3A_275, %swap3A_276] {strides = array<i32>} : memref<4x128xi32, #tpu.memory_space<vmem>>, vector<16xi32>,
    tpu.vector_store %arg6[%swap3A_275, %swap3A_276], %shift_right_arithmetic3A_273 {strides = array<i32>} : memref<4x128xi32, #tpu.memory_space<vmem>>, vector<16xi32>,
    %get3A_278 = arith.constant 2 : i32
    %get3A_279 = arith.index_cast %get3A_278 : i32 to index
    %get3A_280 = arith.constant 80 : index
    %get3A_281 = tpu.vector_load %arg5[%get3A_279, %get3A_280] {strides = array<i32>} : memref<200x128xi32, #tpu.memory_space<vmem>>, vector<16xi32>,
    %shift_right_arithmetic3A_282 = arith.constant 1 : i32
    %shift_right_arithmetic3A_283 = vector.broadcast %shift_right_arithmetic3A_282 : i32 to vector<16xi32>
    %shift_right_arithmetic3A_284 = arith.shrsi %get3A_281, %shift_right_arithmetic3A_283 : vector<16xi32>
    %swap3A_285 = arith.constant 2 : i32
    %swap3A_286 = arith.index_cast %swap3A_285 : i32 to index
    %swap3A_287 = arith.constant 80 : index
    %swap3A_288 = tpu.vector_load %arg6[%swap3A_286, %swap3A_287] {strides = array<i32>} : memref<4x128xi32, #tpu.memory_space<vmem>>, vector<16xi32>,
    tpu.vector_store %arg6[%swap3A_286, %swap3A_287], %shift_right_arithmetic3A_284 {strides = array<i32>} : memref<4x128xi32, #tpu.memory_space<vmem>>, vector<16xi32>,
    %get3A_289 = arith.constant 2 : i32
    %get3A_290 = arith.index_cast %get3A_289 : i32 to index
    %get3A_291 = arith.constant 96 : index
    %get3A_292 = tpu.vector_load %arg5[%get3A_290, %get3A_291] {strides = array<i32>} : memref<200x128xi32, #tpu.memory_space<vmem>>, vector<16xi32>,
    %shift_right_arithmetic3A_293 = arith.constant 1 : i32
    %shift_right_arithmetic3A_294 = vector.broadcast %shift_right_arithmetic3A_293 : i32 to vector<16xi32>
    %shift_right_arithmetic3A_295 = arith.shrsi %get3A_292, %shift_right_arithmetic3A_294 : vector<16xi32>
    %swap3A_296 = arith.constant 2 : i32
    %swap3A_297 = arith.index_cast %swap3A_296 : i32 to index
    %swap3A_298 = arith.constant 96 : index
    %swap3A_299 = tpu.vector_load %arg6[%swap3A_297, %swap3A_298] {strides = array<i32>} : memref<4x128xi32, #tpu.memory_space<vmem>>, vector<16xi32>,
    tpu.vector_store %arg6[%swap3A_297, %swap3A_298], %shift_right_arithmetic3A_295 {strides = array<i32>} : memref<4x128xi32, #tpu.memory_space<vmem>>, vector<16xi32>,
    %get3A_300 = arith.constant 2 : i32
    %get3A_301 = arith.index_cast %get3A_300 : i32 to index
    %get3A_302 = arith.constant 112 : index
    %get3A_303 = tpu.vector_load %arg5[%get3A_301, %get3A_302] {strides = array<i32>} : memref<200x128xi32, #tpu.memory_space<vmem>>, vector<16xi32>,
    %shift_right_arithmetic3A_304 = arith.constant 1 : i32
    %shift_right_arithmetic3A_305 = vector.broadcast %shift_right_arithmetic3A_304 : i32 to vector<16xi32>
    %shift_right_arithmetic3A_306 = arith.shrsi %get3A_303, %shift_right_arithmetic3A_305 : vector<16xi32>
    %swap3A_307 = arith.constant 2 : i32
    %swap3A_308 = arith.index_cast %swap3A_307 : i32 to index
    %swap3A_309 = arith.constant 112 : index
    %swap3A_310 = tpu.vector_load %arg6[%swap3A_308, %swap3A_309] {strides = array<i32>} : memref<4x128xi32, #tpu.memory_space<vmem>>, vector<16xi32>,
    tpu.vector_store %arg6[%swap3A_308, %swap3A_309], %shift_right_arithmetic3A_306 {strides = array<i32>} : memref<4x128xi32, #tpu.memory_space<vmem>>, vector<16xi32>,
    %dma_start3A_311 = arith.constant 2 : i32
    %dma_start3A_312 = arith.constant 2 : i32
    %dma_start3A_313 = arith.constant 0 : i32
    %dma_start3A_314 = arith.constant 0 : i32
    %dma_start3A_315 = tpu.memref_slice %arg7[%dma_start3A_312, %dma_start3A_313, %dma_start3A_314] : memref<4x128x128xf32, #tpu.memory_space<vmem>> -> memref<1x128x128xf32, #tpu.memory_space<vmem>>
    %dma_start3A_316 = tpu.memref_squeeze %dma_start3A_315 : memref<1x128x128xf32, #tpu.memory_space<vmem>> -> memref<128x128xf32, #tpu.memory_space<vmem>>
    %dma_start3A_317 = arith.constant 0 : i32
    %dma_start3A_318 = tpu.memref_slice %arg6[%dma_start3A_311, %dma_start3A_317] : memref<4x128xi32, #tpu.memory_space<vmem>> -> memref<1x128xi32, #tpu.memory_space<vmem>>
    %dma_start3A_319 = tpu.memref_squeeze %dma_start3A_318 : memref<1x128xi32, #tpu.memory_space<vmem>> -> memref<128xi32, #tpu.memory_space<vmem>>
    %dma_start3A_320 = arith.constant 0 : i32
    %dma_start3A_321 = arith.constant 0 : i32
    %dma_start3A_322 = tpu.memref_slice %arg3[%dma_start3A_320, %dma_start3A_321] : memref<500000x128xf32, #tpu.memory_space<hbm>> -> memref<500000x128xf32, #tpu.memory_space<hbm>>
    tpu.enqueue_indirect_dma source(%dma_start3A_322 : memref<500000x128xf32, #tpu.memory_space<hbm>>) target(%dma_start3A_316 : memref<128x128xf32, #tpu.memory_space<vmem>>) offsets(%dma_start3A_319 : memref<128xi32, #tpu.memory_space<vmem>>) semaphore(%arg11 : memref<!tpu.dma_semaphore, #tpu.memory_space<semaphore_mem>>)
    %get3A_323 = arith.constant 3 : i32
    %get3A_324 = arith.index_cast %get3A_323 : i32 to index
    %get3A_325 = arith.constant 0 : index
    %get3A_326 = tpu.vector_load %arg5[%get3A_324, %get3A_325] {strides = array<i32>} : memref<200x128xi32, #tpu.memory_space<vmem>>, vector<16xi32>,
    %shift_right_arithmetic3A_327 = arith.constant 1 : i32
    %shift_right_arithmetic3A_328 = vector.broadcast %shift_right_arithmetic3A_327 : i32 to vector<16xi32>
    %shift_right_arithmetic3A_329 = arith.shrsi %get3A_326, %shift_right_arithmetic3A_328 : vector<16xi32>
    %swap3A_330 = arith.constant 3 : i32
    %swap3A_331 = arith.index_cast %swap3A_330 : i32 to index
    %swap3A_332 = arith.constant 0 : index
    %swap3A_333 = tpu.vector_load %arg6[%swap3A_331, %swap3A_332] {strides = array<i32>} : memref<4x128xi32, #tpu.memory_space<vmem>>, vector<16xi32>,
    tpu.vector_store %arg6[%swap3A_331, %swap3A_332], %shift_right_arithmetic3A_329 {strides = array<i32>} : memref<4x128xi32, #tpu.memory_space<vmem>>, vector<16xi32>,
    %get3A_334 = arith.constant 3 : i32
    %get3A_335 = arith.index_cast %get3A_334 : i32 to index
    %get3A_336 = arith.constant 16 : index
    %get3A_337 = tpu.vector_load %arg5[%get3A_335, %get3A_336] {strides = array<i32>} : memref<200x128xi32, #tpu.memory_space<vmem>>, vector<16xi32>,
    %shift_right_arithmetic3A_338 = arith.constant 1 : i32
    %shift_right_arithmetic3A_339 = vector.broadcast %shift_right_arithmetic3A_338 : i32 to vector<16xi32>
    %shift_right_arithmetic3A_340 = arith.shrsi %get3A_337, %shift_right_arithmetic3A_339 : vector<16xi32>
    %swap3A_341 = arith.constant 3 : i32
    %swap3A_342 = arith.index_cast %swap3A_341 : i32 to index
    %swap3A_343 = arith.constant 16 : index
    %swap3A_344 = tpu.vector_load %arg6[%swap3A_342, %swap3A_343] {strides = array<i32>} : memref<4x128xi32, #tpu.memory_space<vmem>>, vector<16xi32>,
    tpu.vector_store %arg6[%swap3A_342, %swap3A_343], %shift_right_arithmetic3A_340 {strides = array<i32>} : memref<4x128xi32, #tpu.memory_space<vmem>>, vector<16xi32>,
    %get3A_345 = arith.constant 3 : i32
    %get3A_346 = arith.index_cast %get3A_345 : i32 to index
    %get3A_347 = arith.constant 32 : index
    %get3A_348 = tpu.vector_load %arg5[%get3A_346, %get3A_347] {strides = array<i32>} : memref<200x128xi32, #tpu.memory_space<vmem>>, vector<16xi32>,
    %shift_right_arithmetic3A_349 = arith.constant 1 : i32
    %shift_right_arithmetic3A_350 = vector.broadcast %shift_right_arithmetic3A_349 : i32 to vector<16xi32>
    %shift_right_arithmetic3A_351 = arith.shrsi %get3A_348, %shift_right_arithmetic3A_350 : vector<16xi32>
    %swap3A_352 = arith.constant 3 : i32
    %swap3A_353 = arith.index_cast %swap3A_352 : i32 to index
    %swap3A_354 = arith.constant 32 : index
    %swap3A_355 = tpu.vector_load %arg6[%swap3A_353, %swap3A_354] {strides = array<i32>} : memref<4x128xi32, #tpu.memory_space<vmem>>, vector<16xi32>,
    tpu.vector_store %arg6[%swap3A_353, %swap3A_354], %shift_right_arithmetic3A_351 {strides = array<i32>} : memref<4x128xi32, #tpu.memory_space<vmem>>, vector<16xi32>,
    %get3A_356 = arith.constant 3 : i32
    %get3A_357 = arith.index_cast %get3A_356 : i32 to index
    %get3A_358 = arith.constant 48 : index
    %get3A_359 = tpu.vector_load %arg5[%get3A_357, %get3A_358] {strides = array<i32>} : memref<200x128xi32, #tpu.memory_space<vmem>>, vector<16xi32>,
    %shift_right_arithmetic3A_360 = arith.constant 1 : i32
    %shift_right_arithmetic3A_361 = vector.broadcast %shift_right_arithmetic3A_360 : i32 to vector<16xi32>
    %shift_right_arithmetic3A_362 = arith.shrsi %get3A_359, %shift_right_arithmetic3A_361 : vector<16xi32>
    %swap3A_363 = arith.constant 3 : i32
    %swap3A_364 = arith.index_cast %swap3A_363 : i32 to index
    %swap3A_365 = arith.constant 48 : index
    %swap3A_366 = tpu.vector_load %arg6[%swap3A_364, %swap3A_365] {strides = array<i32>} : memref<4x128xi32, #tpu.memory_space<vmem>>, vector<16xi32>,
    tpu.vector_store %arg6[%swap3A_364, %swap3A_365], %shift_right_arithmetic3A_362 {strides = array<i32>} : memref<4x128xi32, #tpu.memory_space<vmem>>, vector<16xi32>,
    %get3A_367 = arith.constant 3 : i32
    %get3A_368 = arith.index_cast %get3A_367 : i32 to index
    %get3A_369 = arith.constant 64 : index
    %get3A_370 = tpu.vector_load %arg5[%get3A_368, %get3A_369] {strides = array<i32>} : memref<200x128xi32, #tpu.memory_space<vmem>>, vector<16xi32>,
    %shift_right_arithmetic3A_371 = arith.constant 1 : i32
    %shift_right_arithmetic3A_372 = vector.broadcast %shift_right_arithmetic3A_371 : i32 to vector<16xi32>
    %shift_right_arithmetic3A_373 = arith.shrsi %get3A_370, %shift_right_arithmetic3A_372 : vector<16xi32>
    %swap3A_374 = arith.constant 3 : i32
    %swap3A_375 = arith.index_cast %swap3A_374 : i32 to index
    %swap3A_376 = arith.constant 64 : index
    %swap3A_377 = tpu.vector_load %arg6[%swap3A_375, %swap3A_376] {strides = array<i32>} : memref<4x128xi32, #tpu.memory_space<vmem>>, vector<16xi32>,
    tpu.vector_store %arg6[%swap3A_375, %swap3A_376], %shift_right_arithmetic3A_373 {strides = array<i32>} : memref<4x128xi32, #tpu.memory_space<vmem>>, vector<16xi32>,
    %get3A_378 = arith.constant 3 : i32
    %get3A_379 = arith.index_cast %get3A_378 : i32 to index
    %get3A_380 = arith.constant 80 : index
    %get3A_381 = tpu.vector_load %arg5[%get3A_379, %get3A_380] {strides = array<i32>} : memref<200x128xi32, #tpu.memory_space<vmem>>, vector<16xi32>,
    %shift_right_arithmetic3A_382 = arith.constant 1 : i32
    %shift_right_arithmetic3A_383 = vector.broadcast %shift_right_arithmetic3A_382 : i32 to vector<16xi32>
    %shift_right_arithmetic3A_384 = arith.shrsi %get3A_381, %shift_right_arithmetic3A_383 : vector<16xi32>
    %swap3A_385 = arith.constant 3 : i32
    %swap3A_386 = arith.index_cast %swap3A_385 : i32 to index
    %swap3A_387 = arith.constant 80 : index
    %swap3A_388 = tpu.vector_load %arg6[%swap3A_386, %swap3A_387] {strides = array<i32>} : memref<4x128xi32, #tpu.memory_space<vmem>>, vector<16xi32>,
    tpu.vector_store %arg6[%swap3A_386, %swap3A_387], %shift_right_arithmetic3A_384 {strides = array<i32>} : memref<4x128xi32, #tpu.memory_space<vmem>>, vector<16xi32>,
    %get3A_389 = arith.constant 3 : i32
    %get3A_390 = arith.index_cast %get3A_389 : i32 to index
    %get3A_391 = arith.constant 96 : index
    %get3A_392 = tpu.vector_load %arg5[%get3A_390, %get3A_391] {strides = array<i32>} : memref<200x128xi32, #tpu.memory_space<vmem>>, vector<16xi32>,
    %shift_right_arithmetic3A_393 = arith.constant 1 : i32
    %shift_right_arithmetic3A_394 = vector.broadcast %shift_right_arithmetic3A_393 : i32 to vector<16xi32>
    %shift_right_arithmetic3A_395 = arith.shrsi %get3A_392, %shift_right_arithmetic3A_394 : vector<16xi32>
    %swap3A_396 = arith.constant 3 : i32
    %swap3A_397 = arith.index_cast %swap3A_396 : i32 to index
    %swap3A_398 = arith.constant 96 : index
    %swap3A_399 = tpu.vector_load %arg6[%swap3A_397, %swap3A_398] {strides = array<i32>} : memref<4x128xi32, #tpu.memory_space<vmem>>, vector<16xi32>,
    tpu.vector_store %arg6[%swap3A_397, %swap3A_398], %shift_right_arithmetic3A_395 {strides = array<i32>} : memref<4x128xi32, #tpu.memory_space<vmem>>, vector<16xi32>,
    %get3A_400 = arith.constant 3 : i32
    %get3A_401 = arith.index_cast %get3A_400 : i32 to index
    %get3A_402 = arith.constant 112 : index
    %get3A_403 = tpu.vector_load %arg5[%get3A_401, %get3A_402] {strides = array<i32>} : memref<200x128xi32, #tpu.memory_space<vmem>>, vector<16xi32>,
    %shift_right_arithmetic3A_404 = arith.constant 1 : i32
    %shift_right_arithmetic3A_405 = vector.broadcast %shift_right_arithmetic3A_404 : i32 to vector<16xi32>
    %shift_right_arithmetic3A_406 = arith.shrsi %get3A_403, %shift_right_arithmetic3A_405 : vector<16xi32>
    %swap3A_407 = arith.constant 3 : i32
    %swap3A_408 = arith.index_cast %swap3A_407 : i32 to index
    %swap3A_409 = arith.constant 112 : index
    %swap3A_410 = tpu.vector_load %arg6[%swap3A_408, %swap3A_409] {strides = array<i32>} : memref<4x128xi32, #tpu.memory_space<vmem>>, vector<16xi32>,
    tpu.vector_store %arg6[%swap3A_408, %swap3A_409], %shift_right_arithmetic3A_406 {strides = array<i32>} : memref<4x128xi32, #tpu.memory_space<vmem>>, vector<16xi32>,
    %dma_start3A_411 = arith.constant 3 : i32
    %dma_start3A_412 = arith.constant 3 : i32
    %dma_start3A_413 = arith.constant 0 : i32
    %dma_start3A_414 = arith.constant 0 : i32
    %dma_start3A_415 = tpu.memref_slice %arg7[%dma_start3A_412, %dma_start3A_413, %dma_start3A_414] : memref<4x128x128xf32, #tpu.memory_space<vmem>> -> memref<1x128x128xf32, #tpu.memory_space<vmem>>
    %dma_start3A_416 = tpu.memref_squeeze %dma_start3A_415 : memref<1x128x128xf32, #tpu.memory_space<vmem>> -> memref<128x128xf32, #tpu.memory_space<vmem>>
    %dma_start3A_417 = arith.constant 0 : i32
    %dma_start3A_418 = tpu.memref_slice %arg6[%dma_start3A_411, %dma_start3A_417] : memref<4x128xi32, #tpu.memory_space<vmem>> -> memref<1x128xi32, #tpu.memory_space<vmem>>
    %dma_start3A_419 = tpu.memref_squeeze %dma_start3A_418 : memref<1x128xi32, #tpu.memory_space<vmem>> -> memref<128xi32, #tpu.memory_space<vmem>>
    %dma_start3A_420 = arith.constant 0 : i32
    %dma_start3A_421 = arith.constant 0 : i32
    %dma_start3A_422 = tpu.memref_slice %arg3[%dma_start3A_420, %dma_start3A_421] : memref<500000x128xf32, #tpu.memory_space<hbm>> -> memref<500000x128xf32, #tpu.memory_space<hbm>>
    tpu.enqueue_indirect_dma source(%dma_start3A_422 : memref<500000x128xf32, #tpu.memory_space<hbm>>) target(%dma_start3A_416 : memref<128x128xf32, #tpu.memory_space<vmem>>) offsets(%dma_start3A_419 : memref<128xi32, #tpu.memory_space<vmem>>) semaphore(%arg12 : memref<!tpu.dma_semaphore, #tpu.memory_space<semaphore_mem>>)
    %scan3A = arith.constant 0 : i32
    %scan3A_423 = arith.constant 0 : i32
    %scan3A_424 = arith.constant 50 : i32
    %scan3A_425 = arith.addi %scan3A_423, %scan3A_424 : i32
    %scan3A_426 = arith.constant 1 : i32
    scf.for %scan3A_491 = %scan3A_423 to %scan3A_425 step %scan3A_426  : i32 {
      %mul3A_492 = arith.constant 4 : i32
      %mul3A_493 = arith.muli %mul3A_492, %scan3A_491 : i32
      %add3A_494 = arith.constant 0 : i32
      %add3A_495 = arith.addi %mul3A_493, %add3A_494 : i32
      %gt3A = arith.constant 0 : i32
      %gt3A_496 = arith.cmpi sgt, %scan3A_491, %gt3A : i32
      %convert_element_type3A = arith.extui %gt3A_496 : i1 to i32
      %cond3A = arith.constant 0 : i32
      %cond3A_497 = arith.cmpi ne, %convert_element_type3A, %cond3A : i32
      scf.if %cond3A_497 {
        %dma_wait3A_975 = arith.constant 0 : i32
        %dma_wait3A_976 = arith.constant 0 : i32
        %dma_wait3A_977 = arith.constant 0 : i32
        %dma_wait3A_978 = arith.constant 0 : i32
        %dma_wait3A_979 = tpu.memref_slice %arg8[%dma_wait3A_975, %dma_wait3A_977, %dma_wait3A_978] : memref<4x64x128xf32, #tpu.memory_space<vmem>> -> memref<1x64x128xf32, #tpu.memory_space<vmem>>
        %dma_wait3A_980 = tpu.memref_squeeze %dma_wait3A_979 : memref<1x64x128xf32, #tpu.memory_space<vmem>> -> memref<64x128xf32, #tpu.memory_space<vmem>>
        %dma_wait3A_981 = arith.constant 0 : i32
        %dma_wait3A_982 = tpu.memref_slice %arg4[%dma_wait3A_976, %dma_wait3A_981, %mul3A_2] : memref<200x64x4096xf32, #tpu.memory_space<hbm>> -> memref<1x64x128xf32, #tpu.memory_space<hbm>>
        %dma_wait3A_983 = tpu.memref_squeeze %dma_wait3A_982 : memref<1x64x128xf32, #tpu.memory_space<hbm>> -> memref<64x128xf32, #tpu.memory_space<hbm>>
        %dma_wait3A_984 = arith.constant 0 : i32
        %dma_wait3A_985 = tpu.memref_slice %arg4[%dma_wait3A_976, %dma_wait3A_984, %mul3A_2] : memref<200x64x4096xf32, #tpu.memory_space<hbm>> -> memref<1x64x128xf32, #tpu.memory_space<hbm>>
        %dma_wait3A_986 = tpu.memref_squeeze %dma_wait3A_985 : memref<1x64x128xf32, #tpu.memory_space<hbm>> -> memref<64x128xf32, #tpu.memory_space<hbm>>
        %dma_wait3A_987 = arith.constant 0 : i32
        %dma_wait3A_988 = arith.constant 0 : i32
        %dma_wait3A_989 = tpu.memref_slice %arg8[%dma_wait3A_975, %dma_wait3A_987, %dma_wait3A_988] : memref<4x64x128xf32, #tpu.memory_space<vmem>> -> memref<1x64x128xf32, #tpu.memory_space<vmem>>
        %dma_wait3A_990 = tpu.memref_squeeze %dma_wait3A_989 : memref<1x64x128xf32, #tpu.memory_space<vmem>> -> memref<64x128xf32, #tpu.memory_space<vmem>>
        tpu.wait_dma2 semaphore(%arg13 : memref<!tpu.dma_semaphore, #tpu.memory_space<semaphore_mem>>) src(%dma_wait3A_990 : memref<64x128xf32, #tpu.memory_space<vmem>>) dst(%dma_wait3A_986 : memref<64x128xf32, #tpu.memory_space<hbm>>)
      } else {
      }
      %dma_wait3A_498 = arith.constant 0 : i32
      %dma_wait3A_499 = arith.constant 0 : i32
      %dma_wait3A_500 = arith.constant 0 : i32
      %dma_wait3A_501 = arith.constant 0 : i32
      %dma_wait3A_502 = tpu.memref_slice %arg7[%dma_wait3A_499, %dma_wait3A_500, %dma_wait3A_501] : memref<4x128x128xf32, #tpu.memory_space<vmem>> -> memref<1x128x128xf32, #tpu.memory_space<vmem>>
      %dma_wait3A_503 = tpu.memref_squeeze %dma_wait3A_502 : memref<1x128x128xf32, #tpu.memory_space<vmem>> -> memref<128x128xf32, #tpu.memory_space<vmem>>
      %dma_wait3A_504 = arith.constant 0 : i32
      %dma_wait3A_505 = tpu.memref_slice %arg6[%dma_wait3A_498, %dma_wait3A_504] : memref<4x128xi32, #tpu.memory_space<vmem>> -> memref<1x128xi32, #tpu.memory_space<vmem>>
      %dma_wait3A_506 = tpu.memref_squeeze %dma_wait3A_505 : memref<1x128xi32, #tpu.memory_space<vmem>> -> memref<128xi32, #tpu.memory_space<vmem>>
      %dma_wait3A_507 = arith.constant 0 : i32
      %dma_wait3A_508 = arith.constant 0 : i32
      %dma_wait3A_509 = tpu.memref_slice %arg3[%dma_wait3A_507, %dma_wait3A_508] : memref<500000x128xf32, #tpu.memory_space<hbm>> -> memref<500000x128xf32, #tpu.memory_space<hbm>>
      tpu.wait_indirect_dma semaphore(%arg9 : memref<!tpu.dma_semaphore, #tpu.memory_space<semaphore_mem>>) src(%dma_wait3A_509 : memref<500000x128xf32, #tpu.memory_space<hbm>>) dst(%dma_wait3A_503 : memref<128x128xf32, #tpu.memory_space<vmem>>)
      %get3A_510 = arith.index_cast %add3A_495 : i32 to index
      %get3A_511 = arith.constant 0 : index
      %get3A_512 = tpu.vector_load %arg5[%get3A_510, %get3A_511] {strides = array<i32>} : memref<200x128xi32, #tpu.memory_space<vmem>>, vector<16xi32>,
      %and3A = arith.constant 1 : i32
      %and3A_513 = vector.broadcast %and3A : i32 to vector<16xi32>
      %and3A_514 = arith.andi %get3A_512, %and3A_513 : vector<16xi32>
      %mul3A_515 = arith.constant 64 : i32
      %mul3A_516 = vector.broadcast %mul3A_515 : i32 to vector<16xi32>
      %mul3A_517 = arith.muli %and3A_514, %mul3A_516 : vector<16xi32>
      %get3A_518 = arith.index_cast %add3A_495 : i32 to index
      %get3A_519 = arith.constant 16 : index
      %get3A_520 = tpu.vector_load %arg5[%get3A_518, %get3A_519] {strides = array<i32>} : memref<200x128xi32, #tpu.memory_space<vmem>>, vector<16xi32>,
      %and3A_521 = arith.constant 1 : i32
      %and3A_522 = vector.broadcast %and3A_521 : i32 to vector<16xi32>
      %and3A_523 = arith.andi %get3A_520, %and3A_522 : vector<16xi32>
      %mul3A_524 = arith.constant 64 : i32
      %mul3A_525 = vector.broadcast %mul3A_524 : i32 to vector<16xi32>
      %mul3A_526 = arith.muli %and3A_523, %mul3A_525 : vector<16xi32>
      %get3A_527 = arith.index_cast %add3A_495 : i32 to index
      %get3A_528 = arith.constant 32 : index
      %get3A_529 = tpu.vector_load %arg5[%get3A_527, %get3A_528] {strides = array<i32>} : memref<200x128xi32, #tpu.memory_space<vmem>>, vector<16xi32>,
      %and3A_530 = arith.constant 1 : i32
      %and3A_531 = vector.broadcast %and3A_530 : i32 to vector<16xi32>
      %and3A_532 = arith.andi %get3A_529, %and3A_531 : vector<16xi32>
      %mul3A_533 = arith.constant 64 : i32
      %mul3A_534 = vector.broadcast %mul3A_533 : i32 to vector<16xi32>
      %mul3A_535 = arith.muli %and3A_532, %mul3A_534 : vector<16xi32>
      %get3A_536 = arith.index_cast %add3A_495 : i32 to index
      %get3A_537 = arith.constant 48 : index
      %get3A_538 = tpu.vector_load %arg5[%get3A_536, %get3A_537] {strides = array<i32>} : memref<200x128xi32, #tpu.memory_space<vmem>>, vector<16xi32>,
      %and3A_539 = arith.constant 1 : i32
      %and3A_540 = vector.broadcast %and3A_539 : i32 to vector<16xi32>
      %and3A_541 = arith.andi %get3A_538, %and3A_540 : vector<16xi32>
      %mul3A_542 = arith.constant 64 : i32
      %mul3A_543 = vector.broadcast %mul3A_542 : i32 to vector<16xi32>
      %mul3A_544 = arith.muli %and3A_541, %mul3A_543 : vector<16xi32>
      %get3A_545 = arith.index_cast %add3A_495 : i32 to index
      %get3A_546 = arith.constant 64 : index
      %get3A_547 = tpu.vector_load %arg5[%get3A_545, %get3A_546] {strides = array<i32>} : memref<200x128xi32, #tpu.memory_space<vmem>>, vector<16xi32>,
      %and3A_548 = arith.constant 1 : i32
      %and3A_549 = vector.broadcast %and3A_548 : i32 to vector<16xi32>
      %and3A_550 = arith.andi %get3A_547, %and3A_549 : vector<16xi32>
      %mul3A_551 = arith.constant 64 : i32
      %mul3A_552 = vector.broadcast %mul3A_551 : i32 to vector<16xi32>
      %mul3A_553 = arith.muli %and3A_550, %mul3A_552 : vector<16xi32>
      %get3A_554 = arith.index_cast %add3A_495 : i32 to index
      %get3A_555 = arith.constant 80 : index
      %get3A_556 = tpu.vector_load %arg5[%get3A_554, %get3A_555] {strides = array<i32>} : memref<200x128xi32, #tpu.memory_space<vmem>>, vector<16xi32>,
      %and3A_557 = arith.constant 1 : i32
      %and3A_558 = vector.broadcast %and3A_557 : i32 to vector<16xi32>
      %and3A_559 = arith.andi %get3A_556, %and3A_558 : vector<16xi32>
      %mul3A_560 = arith.constant 64 : i32
      %mul3A_561 = vector.broadcast %mul3A_560 : i32 to vector<16xi32>
      %mul3A_562 = arith.muli %and3A_559, %mul3A_561 : vector<16xi32>
      %get3A_563 = arith.index_cast %add3A_495 : i32 to index
      %get3A_564 = arith.constant 96 : index
      %get3A_565 = tpu.vector_load %arg5[%get3A_563, %get3A_564] {strides = array<i32>} : memref<200x128xi32, #tpu.memory_space<vmem>>, vector<16xi32>,
      %and3A_566 = arith.constant 1 : i32
      %and3A_567 = vector.broadcast %and3A_566 : i32 to vector<16xi32>
      %and3A_568 = arith.andi %get3A_565, %and3A_567 : vector<16xi32>
      %mul3A_569 = arith.constant 64 : i32
      %mul3A_570 = vector.broadcast %mul3A_569 : i32 to vector<16xi32>
      %mul3A_571 = arith.muli %and3A_568, %mul3A_570 : vector<16xi32>
      %get3A_572 = arith.index_cast %add3A_495 : i32 to index
      %get3A_573 = arith.constant 112 : index
      %get3A_574 = tpu.vector_load %arg5[%get3A_572, %get3A_573] {strides = array<i32>} : memref<200x128xi32, #tpu.memory_space<vmem>>, vector<16xi32>,
      %and3A_575 = arith.constant 1 : i32
      %and3A_576 = vector.broadcast %and3A_575 : i32 to vector<16xi32>
      %and3A_577 = arith.andi %get3A_574, %and3A_576 : vector<16xi32>
      %mul3A_578 = arith.constant 64 : i32
      %mul3A_579 = vector.broadcast %mul3A_578 : i32 to vector<16xi32>
      %mul3A_580 = arith.muli %and3A_577, %mul3A_579 : vector<16xi32>
      %scan3A_581 = arith.constant 0 : i32
      %scan3A_582 = arith.constant 0 : i32
      %scan3A_583 = arith.constant 0 : i32
      %scan3A_584 = arith.constant 64 : i32
      %scan3A_585 = arith.addi %scan3A_583, %scan3A_584 : i32
      %scan3A_586 = arith.constant 1 : i32
      scf.for %scan3A_975 = %scan3A_583 to %scan3A_585 step %scan3A_586  : i32 {
        %add3A_976 = vector.broadcast %scan3A_975 : i32 to vector<16xi32>
        %add3A_977 = arith.addi %add3A_976, %iota3A : vector<16xi32>
        %and3A_978 = arith.constant 63 : i32
        %and3A_979 = vector.broadcast %and3A_978 : i32 to vector<16xi32>
        %and3A_980 = arith.andi %add3A_977, %and3A_979 : vector<16xi32>
        %add3A_981 = arith.addi %mul3A_517, %and3A_980 : vector<16xi32>
        %gather3A = arith.constant 0 : i32
        %gather3A_982 = arith.constant 0 : i32
        %gather3A_983 = tpu.memref_slice %arg7[%scan3A_581, %gather3A, %gather3A_982] : memref<4x128x128xf32, #tpu.memory_space<vmem>> -> memref<1x128x128xf32, #tpu.memory_space<vmem>>
        %gather3A_984 = tpu.memref_squeeze %gather3A_983 : memref<1x128x128xf32, #tpu.memory_space<vmem>> -> memref<128x128xf32, #tpu.memory_space<vmem>>
        %gather3A_985 = tpu.vector_load_idx %gather3A_984[%add3A_5, %add3A_981] : memref<128x128xf32, #tpu.memory_space<vmem>>[vector<16xi32>, vector<16xi32>], vector<16xf32>,
        %scatter3A = arith.constant 0 : i32
        %scatter3A_986 = arith.constant 0 : i32
        %scatter3A_987 = tpu.memref_slice %arg8[%scan3A_582, %scatter3A, %scatter3A_986] : memref<4x64x128xf32, #tpu.memory_space<vmem>> -> memref<1x64x128xf32, #tpu.memory_space<vmem>>
        %scatter3A_988 = tpu.memref_squeeze %scatter3A_987 : memref<1x64x128xf32, #tpu.memory_space<vmem>> -> memref<64x128xf32, #tpu.memory_space<vmem>>
        tpu.vector_store_idx %scatter3A_988[%and3A_980, %add3A_5], %gather3A_985 : memref<64x128xf32, #tpu.memory_space<vmem>>[vector<16xi32>, vector<16xi32>], vector<16xf32>,
        %add3A_989 = arith.addi %mul3A_526, %and3A_980 : vector<16xi32>
        %gather3A_990 = arith.constant 0 : i32
        %gather3A_991 = arith.constant 0 : i32
        %gather3A_992 = tpu.memref_slice %arg7[%scan3A_581, %gather3A_990, %gather3A_991] : memref<4x128x128xf32, #tpu.memory_space<vmem>> -> memref<1x128x128xf32, #tpu.memory_space<vmem>>
        %gather3A_993 = tpu.memref_squeeze %gather3A_992 : memref<1x128x128xf32, #tpu.memory_space<vmem>> -> memref<128x128xf32, #tpu.memory_space<vmem>>
        %gather3A_994 = tpu.vector_load_idx %gather3A_993[%add3A_8, %add3A_989] : memref<128x128xf32, #tpu.memory_space<vmem>>[vector<16xi32>, vector<16xi32>], vector<16xf32>,
        %scatter3A_995 = arith.constant 0 : i32
        %scatter3A_996 = arith.constant 0 : i32
        %scatter3A_997 = tpu.memref_slice %arg8[%scan3A_582, %scatter3A_995, %scatter3A_996] : memref<4x64x128xf32, #tpu.memory_space<vmem>> -> memref<1x64x128xf32, #tpu.memory_space<vmem>>
        %scatter3A_998 = tpu.memref_squeeze %scatter3A_997 : memref<1x64x128xf32, #tpu.memory_space<vmem>> -> memref<64x128xf32, #tpu.memory_space<vmem>>
        tpu.vector_store_idx %scatter3A_998[%and3A_980, %add3A_8], %gather3A_994 : memref<64x128xf32, #tpu.memory_space<vmem>>[vector<16xi32>, vector<16xi32>], vector<16xf32>,
        %add3A_999 = arith.addi %mul3A_535, %and3A_980 : vector<16xi32>
        %gather3A_1000 = arith.constant 0 : i32
        %gather3A_1001 = arith.constant 0 : i32
        %gather3A_1002 = tpu.memref_slice %arg7[%scan3A_581, %gather3A_1000, %gather3A_1001] : memref<4x128x128xf32, #tpu.memory_space<vmem>> -> memref<1x128x128xf32, #tpu.memory_space<vmem>>
        %gather3A_1003 = tpu.memref_squeeze %gather3A_1002 : memref<1x128x128xf32, #tpu.memory_space<vmem>> -> memref<128x128xf32, #tpu.memory_space<vmem>>
        %gather3A_1004 = tpu.vector_load_idx %gather3A_1003[%add3A_11, %add3A_999] : memref<128x128xf32, #tpu.memory_space<vmem>>[vector<16xi32>, vector<16xi32>], vector<16xf32>,
        %scatter3A_1005 = arith.constant 0 : i32
        %scatter3A_1006 = arith.constant 0 : i32
        %scatter3A_1007 = tpu.memref_slice %arg8[%scan3A_582, %scatter3A_1005, %scatter3A_1006] : memref<4x64x128xf32, #tpu.memory_space<vmem>> -> memref<1x64x128xf32, #tpu.memory_space<vmem>>
        %scatter3A_1008 = tpu.memref_squeeze %scatter3A_1007 : memref<1x64x128xf32, #tpu.memory_space<vmem>> -> memref<64x128xf32, #tpu.memory_space<vmem>>
        tpu.vector_store_idx %scatter3A_1008[%and3A_980, %add3A_11], %gather3A_1004 : memref<64x128xf32, #tpu.memory_space<vmem>>[vector<16xi32>, vector<16xi32>], vector<16xf32>,
        %add3A_1009 = arith.addi %mul3A_544, %and3A_980 : vector<16xi32>
        %gather3A_1010 = arith.constant 0 : i32
        %gather3A_1011 = arith.constant 0 : i32
        %gather3A_1012 = tpu.memref_slice %arg7[%scan3A_581, %gather3A_1010, %gather3A_1011] : memref<4x128x128xf32, #tpu.memory_space<vmem>> -> memref<1x128x128xf32, #tpu.memory_space<vmem>>
        %gather3A_1013 = tpu.memref_squeeze %gather3A_1012 : memref<1x128x128xf32, #tpu.memory_space<vmem>> -> memref<128x128xf32, #tpu.memory_space<vmem>>
        %gather3A_1014 = tpu.vector_load_idx %gather3A_1013[%add3A_14, %add3A_1009] : memref<128x128xf32, #tpu.memory_space<vmem>>[vector<16xi32>, vector<16xi32>], vector<16xf32>,
        %scatter3A_1015 = arith.constant 0 : i32
        %scatter3A_1016 = arith.constant 0 : i32
        %scatter3A_1017 = tpu.memref_slice %arg8[%scan3A_582, %scatter3A_1015, %scatter3A_1016] : memref<4x64x128xf32, #tpu.memory_space<vmem>> -> memref<1x64x128xf32, #tpu.memory_space<vmem>>
        %scatter3A_1018 = tpu.memref_squeeze %scatter3A_1017 : memref<1x64x128xf32, #tpu.memory_space<vmem>> -> memref<64x128xf32, #tpu.memory_space<vmem>>
        tpu.vector_store_idx %scatter3A_1018[%and3A_980, %add3A_14], %gather3A_1014 : memref<64x128xf32, #tpu.memory_space<vmem>>[vector<16xi32>, vector<16xi32>], vector<16xf32>,
        %add3A_1019 = arith.addi %mul3A_553, %and3A_980 : vector<16xi32>
        %gather3A_1020 = arith.constant 0 : i32
        %gather3A_1021 = arith.constant 0 : i32
        %gather3A_1022 = tpu.memref_slice %arg7[%scan3A_581, %gather3A_1020, %gather3A_1021] : memref<4x128x128xf32, #tpu.memory_space<vmem>> -> memref<1x128x128xf32, #tpu.memory_space<vmem>>
        %gather3A_1023 = tpu.memref_squeeze %gather3A_1022 : memref<1x128x128xf32, #tpu.memory_space<vmem>> -> memref<128x128xf32, #tpu.memory_space<vmem>>
        %gather3A_1024 = tpu.vector_load_idx %gather3A_1023[%add3A_17, %add3A_1019] : memref<128x128xf32, #tpu.memory_space<vmem>>[vector<16xi32>, vector<16xi32>], vector<16xf32>,
        %scatter3A_1025 = arith.constant 0 : i32
        %scatter3A_1026 = arith.constant 0 : i32
        %scatter3A_1027 = tpu.memref_slice %arg8[%scan3A_582, %scatter3A_1025, %scatter3A_1026] : memref<4x64x128xf32, #tpu.memory_space<vmem>> -> memref<1x64x128xf32, #tpu.memory_space<vmem>>
        %scatter3A_1028 = tpu.memref_squeeze %scatter3A_1027 : memref<1x64x128xf32, #tpu.memory_space<vmem>> -> memref<64x128xf32, #tpu.memory_space<vmem>>
        tpu.vector_store_idx %scatter3A_1028[%and3A_980, %add3A_17], %gather3A_1024 : memref<64x128xf32, #tpu.memory_space<vmem>>[vector<16xi32>, vector<16xi32>], vector<16xf32>,
        %add3A_1029 = arith.addi %mul3A_562, %and3A_980 : vector<16xi32>
        %gather3A_1030 = arith.constant 0 : i32
        %gather3A_1031 = arith.constant 0 : i32
        %gather3A_1032 = tpu.memref_slice %arg7[%scan3A_581, %gather3A_1030, %gather3A_1031] : memref<4x128x128xf32, #tpu.memory_space<vmem>> -> memref<1x128x128xf32, #tpu.memory_space<vmem>>
        %gather3A_1033 = tpu.memref_squeeze %gather3A_1032 : memref<1x128x128xf32, #tpu.memory_space<vmem>> -> memref<128x128xf32, #tpu.memory_space<vmem>>
        %gather3A_1034 = tpu.vector_load_idx %gather3A_1033[%add3A_20, %add3A_1029] : memref<128x128xf32, #tpu.memory_space<vmem>>[vector<16xi32>, vector<16xi32>], vector<16xf32>,
        %scatter3A_1035 = arith.constant 0 : i32
        %scatter3A_1036 = arith.constant 0 : i32
        %scatter3A_1037 = tpu.memref_slice %arg8[%scan3A_582, %scatter3A_1035, %scatter3A_1036] : memref<4x64x128xf32, #tpu.memory_space<vmem>> -> memref<1x64x128xf32, #tpu.memory_space<vmem>>
        %scatter3A_1038 = tpu.memref_squeeze %scatter3A_1037 : memref<1x64x128xf32, #tpu.memory_space<vmem>> -> memref<64x128xf32, #tpu.memory_space<vmem>>
        tpu.vector_store_idx %scatter3A_1038[%and3A_980, %add3A_20], %gather3A_1034 : memref<64x128xf32, #tpu.memory_space<vmem>>[vector<16xi32>, vector<16xi32>], vector<16xf32>,
        %add3A_1039 = arith.addi %mul3A_571, %and3A_980 : vector<16xi32>
        %gather3A_1040 = arith.constant 0 : i32
        %gather3A_1041 = arith.constant 0 : i32
        %gather3A_1042 = tpu.memref_slice %arg7[%scan3A_581, %gather3A_1040, %gather3A_1041] : memref<4x128x128xf32, #tpu.memory_space<vmem>> -> memref<1x128x128xf32, #tpu.memory_space<vmem>>
        %gather3A_1043 = tpu.memref_squeeze %gather3A_1042 : memref<1x128x128xf32, #tpu.memory_space<vmem>> -> memref<128x128xf32, #tpu.memory_space<vmem>>
        %gather3A_1044 = tpu.vector_load_idx %gather3A_1043[%add3A_23, %add3A_1039] : memref<128x128xf32, #tpu.memory_space<vmem>>[vector<16xi32>, vector<16xi32>], vector<16xf32>,
        %scatter3A_1045 = arith.constant 0 : i32
        %scatter3A_1046 = arith.constant 0 : i32
        %scatter3A_1047 = tpu.memref_slice %arg8[%scan3A_582, %scatter3A_1045, %scatter3A_1046] : memref<4x64x128xf32, #tpu.memory_space<vmem>> -> memref<1x64x128xf32, #tpu.memory_space<vmem>>
        %scatter3A_1048 = tpu.memref_squeeze %scatter3A_1047 : memref<1x64x128xf32, #tpu.memory_space<vmem>> -> memref<64x128xf32, #tpu.memory_space<vmem>>
        tpu.vector_store_idx %scatter3A_1048[%and3A_980, %add3A_23], %gather3A_1044 : memref<64x128xf32, #tpu.memory_space<vmem>>[vector<16xi32>, vector<16xi32>], vector<16xf32>,
        %add3A_1049 = arith.addi %mul3A_580, %and3A_980 : vector<16xi32>
        %gather3A_1050 = arith.constant 0 : i32
        %gather3A_1051 = arith.constant 0 : i32
        %gather3A_1052 = tpu.memref_slice %arg7[%scan3A_581, %gather3A_1050, %gather3A_1051] : memref<4x128x128xf32, #tpu.memory_space<vmem>> -> memref<1x128x128xf32, #tpu.memory_space<vmem>>
        %gather3A_1053 = tpu.memref_squeeze %gather3A_1052 : memref<1x128x128xf32, #tpu.memory_space<vmem>> -> memref<128x128xf32, #tpu.memory_space<vmem>>
        %gather3A_1054 = tpu.vector_load_idx %gather3A_1053[%add3A_26, %add3A_1049] : memref<128x128xf32, #tpu.memory_space<vmem>>[vector<16xi32>, vector<16xi32>], vector<16xf32>,
        %scatter3A_1055 = arith.constant 0 : i32
        %scatter3A_1056 = arith.constant 0 : i32
        %scatter3A_1057 = tpu.memref_slice %arg8[%scan3A_582, %scatter3A_1055, %scatter3A_1056] : memref<4x64x128xf32, #tpu.memory_space<vmem>> -> memref<1x64x128xf32, #tpu.memory_space<vmem>>
        %scatter3A_1058 = tpu.memref_squeeze %scatter3A_1057 : memref<1x64x128xf32, #tpu.memory_space<vmem>> -> memref<64x128xf32, #tpu.memory_space<vmem>>
        tpu.vector_store_idx %scatter3A_1058[%and3A_980, %add3A_26], %gather3A_1054 : memref<64x128xf32, #tpu.memory_space<vmem>>[vector<16xi32>, vector<16xi32>], vector<16xf32>,
      }
      %scan3A_587 = arith.constant 64 : i32
      %add3A_588 = arith.constant 1 : i32
      %add3A_589 = arith.addi %scan3A_491, %add3A_588 : i32
      %lt3A = arith.constant 50 : i32
      %lt3A_590 = arith.cmpi slt, %add3A_589, %lt3A : i32
      %convert_element_type3A_591 = arith.extui %lt3A_590 : i1 to i32
      %cond3A_592 = arith.constant 0 : i32
      %cond3A_593 = arith.cmpi ne, %convert_element_type3A_591, %cond3A_592 : i32
      scf.if %cond3A_593 {
        %add3A_975 = arith.constant 4 : i32
        %add3A_976 = arith.addi %add3A_495, %add3A_975 : i32
        %get3A_977 = arith.index_cast %add3A_976 : i32 to index
        %get3A_978 = arith.constant 0 : index
        %get3A_979 = tpu.vector_load %arg5[%get3A_977, %get3A_978] {strides = array<i32>} : memref<200x128xi32, #tpu.memory_space<vmem>>, vector<16xi32>,
        %shift_right_arithmetic3A_980 = arith.constant 1 : i32
        %shift_right_arithmetic3A_981 = vector.broadcast %shift_right_arithmetic3A_980 : i32 to vector<16xi32>
        %shift_right_arithmetic3A_982 = arith.shrsi %get3A_979, %shift_right_arithmetic3A_981 : vector<16xi32>
        %swap3A_983 = arith.constant 0 : i32
        %swap3A_984 = arith.index_cast %swap3A_983 : i32 to index
        %swap3A_985 = arith.constant 0 : index
        %swap3A_986 = tpu.vector_load %arg6[%swap3A_984, %swap3A_985] {strides = array<i32>} : memref<4x128xi32, #tpu.memory_space<vmem>>, vector<16xi32>,
        tpu.vector_store %arg6[%swap3A_984, %swap3A_985], %shift_right_arithmetic3A_982 {strides = array<i32>} : memref<4x128xi32, #tpu.memory_space<vmem>>, vector<16xi32>,
        %get3A_987 = arith.index_cast %add3A_976 : i32 to index
        %get3A_988 = arith.constant 16 : index
        %get3A_989 = tpu.vector_load %arg5[%get3A_987, %get3A_988] {strides = array<i32>} : memref<200x128xi32, #tpu.memory_space<vmem>>, vector<16xi32>,
        %shift_right_arithmetic3A_990 = arith.constant 1 : i32
        %shift_right_arithmetic3A_991 = vector.broadcast %shift_right_arithmetic3A_990 : i32 to vector<16xi32>
        %shift_right_arithmetic3A_992 = arith.shrsi %get3A_989, %shift_right_arithmetic3A_991 : vector<16xi32>
        %swap3A_993 = arith.constant 0 : i32
        %swap3A_994 = arith.index_cast %swap3A_993 : i32 to index
        %swap3A_995 = arith.constant 16 : index
        %swap3A_996 = tpu.vector_load %arg6[%swap3A_994, %swap3A_995] {strides = array<i32>} : memref<4x128xi32, #tpu.memory_space<vmem>>, vector<16xi32>,
        tpu.vector_store %arg6[%swap3A_994, %swap3A_995], %shift_right_arithmetic3A_992 {strides = array<i32>} : memref<4x128xi32, #tpu.memory_space<vmem>>, vector<16xi32>,
        %get3A_997 = arith.index_cast %add3A_976 : i32 to index
        %get3A_998 = arith.constant 32 : index
        %get3A_999 = tpu.vector_load %arg5[%get3A_997, %get3A_998] {strides = array<i32>} : memref<200x128xi32, #tpu.memory_space<vmem>>, vector<16xi32>,
        %shift_right_arithmetic3A_1000 = arith.constant 1 : i32
        %shift_right_arithmetic3A_1001 = vector.broadcast %shift_right_arithmetic3A_1000 : i32 to vector<16xi32>
        %shift_right_arithmetic3A_1002 = arith.shrsi %get3A_999, %shift_right_arithmetic3A_1001 : vector<16xi32>
        %swap3A_1003 = arith.constant 0 : i32
        %swap3A_1004 = arith.index_cast %swap3A_1003 : i32 to index
        %swap3A_1005 = arith.constant 32 : index
        %swap3A_1006 = tpu.vector_load %arg6[%swap3A_1004, %swap3A_1005] {strides = array<i32>} : memref<4x128xi32, #tpu.memory_space<vmem>>, vector<16xi32>,
        tpu.vector_store %arg6[%swap3A_1004, %swap3A_1005], %shift_right_arithmetic3A_1002 {strides = array<i32>} : memref<4x128xi32, #tpu.memory_space<vmem>>, vector<16xi32>,
        %get3A_1007 = arith.index_cast %add3A_976 : i32 to index
        %get3A_1008 = arith.constant 48 : index
        %get3A_1009 = tpu.vector_load %arg5[%get3A_1007, %get3A_1008] {strides = array<i32>} : memref<200x128xi32, #tpu.memory_space<vmem>>, vector<16xi32>,
        %shift_right_arithmetic3A_1010 = arith.constant 1 : i32
        %shift_right_arithmetic3A_1011 = vector.broadcast %shift_right_arithmetic3A_1010 : i32 to vector<16xi32>
        %shift_right_arithmetic3A_1012 = arith.shrsi %get3A_1009, %shift_right_arithmetic3A_1011 : vector<16xi32>
        %swap3A_1013 = arith.constant 0 : i32
        %swap3A_1014 = arith.index_cast %swap3A_1013 : i32 to index
        %swap3A_1015 = arith.constant 48 : index
        %swap3A_1016 = tpu.vector_load %arg6[%swap3A_1014, %swap3A_1015] {strides = array<i32>} : memref<4x128xi32, #tpu.memory_space<vmem>>, vector<16xi32>,
        tpu.vector_store %arg6[%swap3A_1014, %swap3A_1015], %shift_right_arithmetic3A_1012 {strides = array<i32>} : memref<4x128xi32, #tpu.memory_space<vmem>>, vector<16xi32>,
        %get3A_1017 = arith.index_cast %add3A_976 : i32 to index
        %get3A_1018 = arith.constant 64 : index
        %get3A_1019 = tpu.vector_load %arg5[%get3A_1017, %get3A_1018] {strides = array<i32>} : memref<200x128xi32, #tpu.memory_space<vmem>>, vector<16xi32>,
        %shift_right_arithmetic3A_1020 = arith.constant 1 : i32
        %shift_right_arithmetic3A_1021 = vector.broadcast %shift_right_arithmetic3A_1020 : i32 to vector<16xi32>
        %shift_right_arithmetic3A_1022 = arith.shrsi %get3A_1019, %shift_right_arithmetic3A_1021 : vector<16xi32>
        %swap3A_1023 = arith.constant 0 : i32
        %swap3A_1024 = arith.index_cast %swap3A_1023 : i32 to index
        %swap3A_1025 = arith.constant 64 : index
        %swap3A_1026 = tpu.vector_load %arg6[%swap3A_1024, %swap3A_1025] {strides = array<i32>} : memref<4x128xi32, #tpu.memory_space<vmem>>, vector<16xi32>,
        tpu.vector_store %arg6[%swap3A_1024, %swap3A_1025], %shift_right_arithmetic3A_1022 {strides = array<i32>} : memref<4x128xi32, #tpu.memory_space<vmem>>, vector<16xi32>,
        %get3A_1027 = arith.index_cast %add3A_976 : i32 to index
        %get3A_1028 = arith.constant 80 : index
        %get3A_1029 = tpu.vector_load %arg5[%get3A_1027, %get3A_1028] {strides = array<i32>} : memref<200x128xi32, #tpu.memory_space<vmem>>, vector<16xi32>,
        %shift_right_arithmetic3A_1030 = arith.constant 1 : i32
        %shift_right_arithmetic3A_1031 = vector.broadcast %shift_right_arithmetic3A_1030 : i32 to vector<16xi32>
        %shift_right_arithmetic3A_1032 = arith.shrsi %get3A_1029, %shift_right_arithmetic3A_1031 : vector<16xi32>
        %swap3A_1033 = arith.constant 0 : i32
        %swap3A_1034 = arith.index_cast %swap3A_1033 : i32 to index
        %swap3A_1035 = arith.constant 80 : index
        %swap3A_1036 = tpu.vector_load %arg6[%swap3A_1034, %swap3A_1035] {strides = array<i32>} : memref<4x128xi32, #tpu.memory_space<vmem>>, vector<16xi32>,
        tpu.vector_store %arg6[%swap3A_1034, %swap3A_1035], %shift_right_arithmetic3A_1032 {strides = array<i32>} : memref<4x128xi32, #tpu.memory_space<vmem>>, vector<16xi32>,
        %get3A_1037 = arith.index_cast %add3A_976 : i32 to index
        %get3A_1038 = arith.constant 96 : index
        %get3A_1039 = tpu.vector_load %arg5[%get3A_1037, %get3A_1038] {strides = array<i32>} : memref<200x128xi32, #tpu.memory_space<vmem>>, vector<16xi32>,
        %shift_right_arithmetic3A_1040 = arith.constant 1 : i32
        %shift_right_arithmetic3A_1041 = vector.broadcast %shift_right_arithmetic3A_1040 : i32 to vector<16xi32>
        %shift_right_arithmetic3A_1042 = arith.shrsi %get3A_1039, %shift_right_arithmetic3A_1041 : vector<16xi32>
        %swap3A_1043 = arith.constant 0 : i32
        %swap3A_1044 = arith.index_cast %swap3A_1043 : i32 to index
        %swap3A_1045 = arith.constant 96 : index
        %swap3A_1046 = tpu.vector_load %arg6[%swap3A_1044, %swap3A_1045] {strides = array<i32>} : memref<4x128xi32, #tpu.memory_space<vmem>>, vector<16xi32>,
        tpu.vector_store %arg6[%swap3A_1044, %swap3A_1045], %shift_right_arithmetic3A_1042 {strides = array<i32>} : memref<4x128xi32, #tpu.memory_space<vmem>>, vector<16xi32>,
        %get3A_1047 = arith.index_cast %add3A_976 : i32 to index
        %get3A_1048 = arith.constant 112 : index
        %get3A_1049 = tpu.vector_load %arg5[%get3A_1047, %get3A_1048] {strides = array<i32>} : memref<200x128xi32, #tpu.memory_space<vmem>>, vector<16xi32>,
        %shift_right_arithmetic3A_1050 = arith.constant 1 : i32
        %shift_right_arithmetic3A_1051 = vector.broadcast %shift_right_arithmetic3A_1050 : i32 to vector<16xi32>
        %shift_right_arithmetic3A_1052 = arith.shrsi %get3A_1049, %shift_right_arithmetic3A_1051 : vector<16xi32>
        %swap3A_1053 = arith.constant 0 : i32
        %swap3A_1054 = arith.index_cast %swap3A_1053 : i32 to index
        %swap3A_1055 = arith.constant 112 : index
        %swap3A_1056 = tpu.vector_load %arg6[%swap3A_1054, %swap3A_1055] {strides = array<i32>} : memref<4x128xi32, #tpu.memory_space<vmem>>, vector<16xi32>,
        tpu.vector_store %arg6[%swap3A_1054, %swap3A_1055], %shift_right_arithmetic3A_1052 {strides = array<i32>} : memref<4x128xi32, #tpu.memory_space<vmem>>, vector<16xi32>,
        %dma_start3A_1057 = arith.constant 0 : i32
        %dma_start3A_1058 = arith.constant 0 : i32
        %dma_start3A_1059 = arith.constant 0 : i32
        %dma_start3A_1060 = arith.constant 0 : i32
        %dma_start3A_1061 = tpu.memref_slice %arg7[%dma_start3A_1058, %dma_start3A_1059, %dma_start3A_1060] : memref<4x128x128xf32, #tpu.memory_space<vmem>> -> memref<1x128x128xf32, #tpu.memory_space<vmem>>
        %dma_start3A_1062 = tpu.memref_squeeze %dma_start3A_1061 : memref<1x128x128xf32, #tpu.memory_space<vmem>> -> memref<128x128xf32, #tpu.memory_space<vmem>>
        %dma_start3A_1063 = arith.constant 0 : i32
        %dma_start3A_1064 = tpu.memref_slice %arg6[%dma_start3A_1057, %dma_start3A_1063] : memref<4x128xi32, #tpu.memory_space<vmem>> -> memref<1x128xi32, #tpu.memory_space<vmem>>
        %dma_start3A_1065 = tpu.memref_squeeze %dma_start3A_1064 : memref<1x128xi32, #tpu.memory_space<vmem>> -> memref<128xi32, #tpu.memory_space<vmem>>
        %dma_start3A_1066 = arith.constant 0 : i32
        %dma_start3A_1067 = arith.constant 0 : i32
        %dma_start3A_1068 = tpu.memref_slice %arg3[%dma_start3A_1066, %dma_start3A_1067] : memref<500000x128xf32, #tpu.memory_space<hbm>> -> memref<500000x128xf32, #tpu.memory_space<hbm>>
        tpu.enqueue_indirect_dma source(%dma_start3A_1068 : memref<500000x128xf32, #tpu.memory_space<hbm>>) target(%dma_start3A_1062 : memref<128x128xf32, #tpu.memory_space<vmem>>) offsets(%dma_start3A_1065 : memref<128xi32, #tpu.memory_space<vmem>>) semaphore(%arg9 : memref<!tpu.dma_semaphore, #tpu.memory_space<semaphore_mem>>)
      } else {
      }
      %dma_start3A_594 = arith.constant 0 : i32
      %dma_start3A_595 = arith.constant 0 : i32
      %dma_start3A_596 = arith.constant 0 : i32
      %dma_start3A_597 = tpu.memref_slice %arg8[%dma_start3A_594, %dma_start3A_595, %dma_start3A_596] : memref<4x64x128xf32, #tpu.memory_space<vmem>> -> memref<1x64x128xf32, #tpu.memory_space<vmem>>
      %dma_start3A_598 = tpu.memref_squeeze %dma_start3A_597 : memref<1x64x128xf32, #tpu.memory_space<vmem>> -> memref<64x128xf32, #tpu.memory_space<vmem>>
      %dma_start3A_599 = arith.constant 0 : i32
      %dma_start3A_600 = tpu.memref_slice %arg4[%add3A_495, %dma_start3A_599, %mul3A_2] : memref<200x64x4096xf32, #tpu.memory_space<hbm>> -> memref<1x64x128xf32, #tpu.memory_space<hbm>>
      %dma_start3A_601 = tpu.memref_squeeze %dma_start3A_600 : memref<1x64x128xf32, #tpu.memory_space<hbm>> -> memref<64x128xf32, #tpu.memory_space<hbm>>
      %dma_start3A_602 = arith.constant 0 : i32
      %dma_start3A_603 = tpu.memref_slice %arg4[%add3A_495, %dma_start3A_602, %mul3A_2] : memref<200x64x4096xf32, #tpu.memory_space<hbm>> -> memref<1x64x128xf32, #tpu.memory_space<hbm>>
      %dma_start3A_604 = tpu.memref_squeeze %dma_start3A_603 : memref<1x64x128xf32, #tpu.memory_space<hbm>> -> memref<64x128xf32, #tpu.memory_space<hbm>>
      %dma_start3A_605 = arith.constant 0 : i32
      %dma_start3A_606 = arith.constant 0 : i32
      %dma_start3A_607 = tpu.memref_slice %arg8[%dma_start3A_594, %dma_start3A_605, %dma_start3A_606] : memref<4x64x128xf32, #tpu.memory_space<vmem>> -> memref<1x64x128xf32, #tpu.memory_space<vmem>>
      %dma_start3A_608 = tpu.memref_squeeze %dma_start3A_607 : memref<1x64x128xf32, #tpu.memory_space<vmem>> -> memref<64x128xf32, #tpu.memory_space<vmem>>
      tpu.enqueue_dma source(%dma_start3A_608 : memref<64x128xf32, #tpu.memory_space<vmem>>) target(%dma_start3A_604 : memref<64x128xf32, #tpu.memory_space<hbm>>) target_semaphore(%arg13 : memref<!tpu.dma_semaphore, #tpu.memory_space<semaphore_mem>>)
      %mul3A_609 = arith.constant 4 : i32
      %mul3A_610 = arith.muli %mul3A_609, %scan3A_491 : i32
      %add3A_611 = arith.constant 1 : i32
      %add3A_612 = arith.addi %mul3A_610, %add3A_611 : i32
      %gt3A_613 = arith.constant 0 : i32
      %gt3A_614 = arith.cmpi sgt, %scan3A_491, %gt3A_613 : i32
      %convert_element_type3A_615 = arith.extui %gt3A_614 : i1 to i32
      %cond3A_616 = arith.constant 0 : i32
      %cond3A_617 = arith.cmpi ne, %convert_element_type3A_615, %cond3A_616 : i32
      scf.if %cond3A_617 {
        %dma_wait3A_975 = arith.constant 1 : i32
        %dma_wait3A_976 = arith.constant 0 : i32
        %dma_wait3A_977 = arith.constant 0 : i32
        %dma_wait3A_978 = arith.constant 0 : i32
        %dma_wait3A_979 = tpu.memref_slice %arg8[%dma_wait3A_975, %dma_wait3A_977, %dma_wait3A_978] : memref<4x64x128xf32, #tpu.memory_space<vmem>> -> memref<1x64x128xf32, #tpu.memory_space<vmem>>
        %dma_wait3A_980 = tpu.memref_squeeze %dma_wait3A_979 : memref<1x64x128xf32, #tpu.memory_space<vmem>> -> memref<64x128xf32, #tpu.memory_space<vmem>>
        %dma_wait3A_981 = arith.constant 0 : i32
        %dma_wait3A_982 = tpu.memref_slice %arg4[%dma_wait3A_976, %dma_wait3A_981, %mul3A_2] : memref<200x64x4096xf32, #tpu.memory_space<hbm>> -> memref<1x64x128xf32, #tpu.memory_space<hbm>>
        %dma_wait3A_983 = tpu.memref_squeeze %dma_wait3A_982 : memref<1x64x128xf32, #tpu.memory_space<hbm>> -> memref<64x128xf32, #tpu.memory_space<hbm>>
        %dma_wait3A_984 = arith.constant 0 : i32
        %dma_wait3A_985 = tpu.memref_slice %arg4[%dma_wait3A_976, %dma_wait3A_984, %mul3A_2] : memref<200x64x4096xf32, #tpu.memory_space<hbm>> -> memref<1x64x128xf32, #tpu.memory_space<hbm>>
        %dma_wait3A_986 = tpu.memref_squeeze %dma_wait3A_985 : memref<1x64x128xf32, #tpu.memory_space<hbm>> -> memref<64x128xf32, #tpu.memory_space<hbm>>
        %dma_wait3A_987 = arith.constant 0 : i32
        %dma_wait3A_988 = arith.constant 0 : i32
        %dma_wait3A_989 = tpu.memref_slice %arg8[%dma_wait3A_975, %dma_wait3A_987, %dma_wait3A_988] : memref<4x64x128xf32, #tpu.memory_space<vmem>> -> memref<1x64x128xf32, #tpu.memory_space<vmem>>
        %dma_wait3A_990 = tpu.memref_squeeze %dma_wait3A_989 : memref<1x64x128xf32, #tpu.memory_space<vmem>> -> memref<64x128xf32, #tpu.memory_space<vmem>>
        tpu.wait_dma2 semaphore(%arg14 : memref<!tpu.dma_semaphore, #tpu.memory_space<semaphore_mem>>) src(%dma_wait3A_990 : memref<64x128xf32, #tpu.memory_space<vmem>>) dst(%dma_wait3A_986 : memref<64x128xf32, #tpu.memory_space<hbm>>)
      } else {
      }
      %dma_wait3A_618 = arith.constant 1 : i32
      %dma_wait3A_619 = arith.constant 1 : i32
      %dma_wait3A_620 = arith.constant 0 : i32
      %dma_wait3A_621 = arith.constant 0 : i32
      %dma_wait3A_622 = tpu.memref_slice %arg7[%dma_wait3A_619, %dma_wait3A_620, %dma_wait3A_621] : memref<4x128x128xf32, #tpu.memory_space<vmem>> -> memref<1x128x128xf32, #tpu.memory_space<vmem>>
      %dma_wait3A_623 = tpu.memref_squeeze %dma_wait3A_622 : memref<1x128x128xf32, #tpu.memory_space<vmem>> -> memref<128x128xf32, #tpu.memory_space<vmem>>
      %dma_wait3A_624 = arith.constant 0 : i32
      %dma_wait3A_625 = tpu.memref_slice %arg6[%dma_wait3A_618, %dma_wait3A_624] : memref<4x128xi32, #tpu.memory_space<vmem>> -> memref<1x128xi32, #tpu.memory_space<vmem>>
      %dma_wait3A_626 = tpu.memref_squeeze %dma_wait3A_625 : memref<1x128xi32, #tpu.memory_space<vmem>> -> memref<128xi32, #tpu.memory_space<vmem>>
      %dma_wait3A_627 = arith.constant 0 : i32
      %dma_wait3A_628 = arith.constant 0 : i32
      %dma_wait3A_629 = tpu.memref_slice %arg3[%dma_wait3A_627, %dma_wait3A_628] : memref<500000x128xf32, #tpu.memory_space<hbm>> -> memref<500000x128xf32, #tpu.memory_space<hbm>>
      tpu.wait_indirect_dma semaphore(%arg10 : memref<!tpu.dma_semaphore, #tpu.memory_space<semaphore_mem>>) src(%dma_wait3A_629 : memref<500000x128xf32, #tpu.memory_space<hbm>>) dst(%dma_wait3A_623 : memref<128x128xf32, #tpu.memory_space<vmem>>)
      %get3A_630 = arith.index_cast %add3A_612 : i32 to index
      %get3A_631 = arith.constant 0 : index
      %get3A_632 = tpu.vector_load %arg5[%get3A_630, %get3A_631] {strides = array<i32>} : memref<200x128xi32, #tpu.memory_space<vmem>>, vector<16xi32>,
      %and3A_633 = arith.constant 1 : i32
      %and3A_634 = vector.broadcast %and3A_633 : i32 to vector<16xi32>
      %and3A_635 = arith.andi %get3A_632, %and3A_634 : vector<16xi32>
      %mul3A_636 = arith.constant 64 : i32
      %mul3A_637 = vector.broadcast %mul3A_636 : i32 to vector<16xi32>
      %mul3A_638 = arith.muli %and3A_635, %mul3A_637 : vector<16xi32>
      %get3A_639 = arith.index_cast %add3A_612 : i32 to index
      %get3A_640 = arith.constant 16 : index
      %get3A_641 = tpu.vector_load %arg5[%get3A_639, %get3A_640] {strides = array<i32>} : memref<200x128xi32, #tpu.memory_space<vmem>>, vector<16xi32>,
      %and3A_642 = arith.constant 1 : i32
      %and3A_643 = vector.broadcast %and3A_642 : i32 to vector<16xi32>
      %and3A_644 = arith.andi %get3A_641, %and3A_643 : vector<16xi32>
      %mul3A_645 = arith.constant 64 : i32
      %mul3A_646 = vector.broadcast %mul3A_645 : i32 to vector<16xi32>
      %mul3A_647 = arith.muli %and3A_644, %mul3A_646 : vector<16xi32>
      %get3A_648 = arith.index_cast %add3A_612 : i32 to index
      %get3A_649 = arith.constant 32 : index
      %get3A_650 = tpu.vector_load %arg5[%get3A_648, %get3A_649] {strides = array<i32>} : memref<200x128xi32, #tpu.memory_space<vmem>>, vector<16xi32>,
      %and3A_651 = arith.constant 1 : i32
      %and3A_652 = vector.broadcast %and3A_651 : i32 to vector<16xi32>
      %and3A_653 = arith.andi %get3A_650, %and3A_652 : vector<16xi32>
      %mul3A_654 = arith.constant 64 : i32
      %mul3A_655 = vector.broadcast %mul3A_654 : i32 to vector<16xi32>
      %mul3A_656 = arith.muli %and3A_653, %mul3A_655 : vector<16xi32>
      %get3A_657 = arith.index_cast %add3A_612 : i32 to index
      %get3A_658 = arith.constant 48 : index
      %get3A_659 = tpu.vector_load %arg5[%get3A_657, %get3A_658] {strides = array<i32>} : memref<200x128xi32, #tpu.memory_space<vmem>>, vector<16xi32>,
      %and3A_660 = arith.constant 1 : i32
      %and3A_661 = vector.broadcast %and3A_660 : i32 to vector<16xi32>
      %and3A_662 = arith.andi %get3A_659, %and3A_661 : vector<16xi32>
      %mul3A_663 = arith.constant 64 : i32
      %mul3A_664 = vector.broadcast %mul3A_663 : i32 to vector<16xi32>
      %mul3A_665 = arith.muli %and3A_662, %mul3A_664 : vector<16xi32>
      %get3A_666 = arith.index_cast %add3A_612 : i32 to index
      %get3A_667 = arith.constant 64 : index
      %get3A_668 = tpu.vector_load %arg5[%get3A_666, %get3A_667] {strides = array<i32>} : memref<200x128xi32, #tpu.memory_space<vmem>>, vector<16xi32>,
      %and3A_669 = arith.constant 1 : i32
      %and3A_670 = vector.broadcast %and3A_669 : i32 to vector<16xi32>
      %and3A_671 = arith.andi %get3A_668, %and3A_670 : vector<16xi32>
      %mul3A_672 = arith.constant 64 : i32
      %mul3A_673 = vector.broadcast %mul3A_672 : i32 to vector<16xi32>
      %mul3A_674 = arith.muli %and3A_671, %mul3A_673 : vector<16xi32>
      %get3A_675 = arith.index_cast %add3A_612 : i32 to index
      %get3A_676 = arith.constant 80 : index
      %get3A_677 = tpu.vector_load %arg5[%get3A_675, %get3A_676] {strides = array<i32>} : memref<200x128xi32, #tpu.memory_space<vmem>>, vector<16xi32>,
      %and3A_678 = arith.constant 1 : i32
      %and3A_679 = vector.broadcast %and3A_678 : i32 to vector<16xi32>
      %and3A_680 = arith.andi %get3A_677, %and3A_679 : vector<16xi32>
      %mul3A_681 = arith.constant 64 : i32
      %mul3A_682 = vector.broadcast %mul3A_681 : i32 to vector<16xi32>
      %mul3A_683 = arith.muli %and3A_680, %mul3A_682 : vector<16xi32>
      %get3A_684 = arith.index_cast %add3A_612 : i32 to index
      %get3A_685 = arith.constant 96 : index
      %get3A_686 = tpu.vector_load %arg5[%get3A_684, %get3A_685] {strides = array<i32>} : memref<200x128xi32, #tpu.memory_space<vmem>>, vector<16xi32>,
      %and3A_687 = arith.constant 1 : i32
      %and3A_688 = vector.broadcast %and3A_687 : i32 to vector<16xi32>
      %and3A_689 = arith.andi %get3A_686, %and3A_688 : vector<16xi32>
      %mul3A_690 = arith.constant 64 : i32
      %mul3A_691 = vector.broadcast %mul3A_690 : i32 to vector<16xi32>
      %mul3A_692 = arith.muli %and3A_689, %mul3A_691 : vector<16xi32>
      %get3A_693 = arith.index_cast %add3A_612 : i32 to index
      %get3A_694 = arith.constant 112 : index
      %get3A_695 = tpu.vector_load %arg5[%get3A_693, %get3A_694] {strides = array<i32>} : memref<200x128xi32, #tpu.memory_space<vmem>>, vector<16xi32>,
      %and3A_696 = arith.constant 1 : i32
      %and3A_697 = vector.broadcast %and3A_696 : i32 to vector<16xi32>
      %and3A_698 = arith.andi %get3A_695, %and3A_697 : vector<16xi32>
      %mul3A_699 = arith.constant 64 : i32
      %mul3A_700 = vector.broadcast %mul3A_699 : i32 to vector<16xi32>
      %mul3A_701 = arith.muli %and3A_698, %mul3A_700 : vector<16xi32>
      %scan3A_702 = arith.constant 1 : i32
      %scan3A_703 = arith.constant 1 : i32
      %scan3A_704 = arith.constant 0 : i32
      %scan3A_705 = arith.constant 64 : i32
      %scan3A_706 = arith.addi %scan3A_704, %scan3A_705 : i32
      %scan3A_707 = arith.constant 1 : i32
      scf.for %scan3A_975 = %scan3A_704 to %scan3A_706 step %scan3A_707  : i32 {
        %add3A_976 = vector.broadcast %scan3A_975 : i32 to vector<16xi32>
        %add3A_977 = arith.addi %add3A_976, %iota3A : vector<16xi32>
        %and3A_978 = arith.constant 63 : i32
        %and3A_979 = vector.broadcast %and3A_978 : i32 to vector<16xi32>
        %and3A_980 = arith.andi %add3A_977, %and3A_979 : vector<16xi32>
        %add3A_981 = arith.addi %mul3A_638, %and3A_980 : vector<16xi32>
        %gather3A = arith.constant 0 : i32
        %gather3A_982 = arith.constant 0 : i32
        %gather3A_983 = tpu.memref_slice %arg7[%scan3A_702, %gather3A, %gather3A_982] : memref<4x128x128xf32, #tpu.memory_space<vmem>> -> memref<1x128x128xf32, #tpu.memory_space<vmem>>
        %gather3A_984 = tpu.memref_squeeze %gather3A_983 : memref<1x128x128xf32, #tpu.memory_space<vmem>> -> memref<128x128xf32, #tpu.memory_space<vmem>>
        %gather3A_985 = tpu.vector_load_idx %gather3A_984[%add3A_5, %add3A_981] : memref<128x128xf32, #tpu.memory_space<vmem>>[vector<16xi32>, vector<16xi32>], vector<16xf32>,
        %scatter3A = arith.constant 0 : i32
        %scatter3A_986 = arith.constant 0 : i32
        %scatter3A_987 = tpu.memref_slice %arg8[%scan3A_703, %scatter3A, %scatter3A_986] : memref<4x64x128xf32, #tpu.memory_space<vmem>> -> memref<1x64x128xf32, #tpu.memory_space<vmem>>
        %scatter3A_988 = tpu.memref_squeeze %scatter3A_987 : memref<1x64x128xf32, #tpu.memory_space<vmem>> -> memref<64x128xf32, #tpu.memory_space<vmem>>
        tpu.vector_store_idx %scatter3A_988[%and3A_980, %add3A_5], %gather3A_985 : memref<64x128xf32, #tpu.memory_space<vmem>>[vector<16xi32>, vector<16xi32>], vector<16xf32>,
        %add3A_989 = arith.addi %mul3A_647, %and3A_980 : vector<16xi32>
        %gather3A_990 = arith.constant 0 : i32
        %gather3A_991 = arith.constant 0 : i32
        %gather3A_992 = tpu.memref_slice %arg7[%scan3A_702, %gather3A_990, %gather3A_991] : memref<4x128x128xf32, #tpu.memory_space<vmem>> -> memref<1x128x128xf32, #tpu.memory_space<vmem>>
        %gather3A_993 = tpu.memref_squeeze %gather3A_992 : memref<1x128x128xf32, #tpu.memory_space<vmem>> -> memref<128x128xf32, #tpu.memory_space<vmem>>
        %gather3A_994 = tpu.vector_load_idx %gather3A_993[%add3A_8, %add3A_989] : memref<128x128xf32, #tpu.memory_space<vmem>>[vector<16xi32>, vector<16xi32>], vector<16xf32>,
        %scatter3A_995 = arith.constant 0 : i32
        %scatter3A_996 = arith.constant 0 : i32
        %scatter3A_997 = tpu.memref_slice %arg8[%scan3A_703, %scatter3A_995, %scatter3A_996] : memref<4x64x128xf32, #tpu.memory_space<vmem>> -> memref<1x64x128xf32, #tpu.memory_space<vmem>>
        %scatter3A_998 = tpu.memref_squeeze %scatter3A_997 : memref<1x64x128xf32, #tpu.memory_space<vmem>> -> memref<64x128xf32, #tpu.memory_space<vmem>>
        tpu.vector_store_idx %scatter3A_998[%and3A_980, %add3A_8], %gather3A_994 : memref<64x128xf32, #tpu.memory_space<vmem>>[vector<16xi32>, vector<16xi32>], vector<16xf32>,
        %add3A_999 = arith.addi %mul3A_656, %and3A_980 : vector<16xi32>
        %gather3A_1000 = arith.constant 0 : i32
        %gather3A_1001 = arith.constant 0 : i32
        %gather3A_1002 = tpu.memref_slice %arg7[%scan3A_702, %gather3A_1000, %gather3A_1001] : memref<4x128x128xf32, #tpu.memory_space<vmem>> -> memref<1x128x128xf32, #tpu.memory_space<vmem>>
        %gather3A_1003 = tpu.memref_squeeze %gather3A_1002 : memref<1x128x128xf32, #tpu.memory_space<vmem>> -> memref<128x128xf32, #tpu.memory_space<vmem>>
        %gather3A_1004 = tpu.vector_load_idx %gather3A_1003[%add3A_11, %add3A_999] : memref<128x128xf32, #tpu.memory_space<vmem>>[vector<16xi32>, vector<16xi32>], vector<16xf32>,
        %scatter3A_1005 = arith.constant 0 : i32
        %scatter3A_1006 = arith.constant 0 : i32
        %scatter3A_1007 = tpu.memref_slice %arg8[%scan3A_703, %scatter3A_1005, %scatter3A_1006] : memref<4x64x128xf32, #tpu.memory_space<vmem>> -> memref<1x64x128xf32, #tpu.memory_space<vmem>>
        %scatter3A_1008 = tpu.memref_squeeze %scatter3A_1007 : memref<1x64x128xf32, #tpu.memory_space<vmem>> -> memref<64x128xf32, #tpu.memory_space<vmem>>
        tpu.vector_store_idx %scatter3A_1008[%and3A_980, %add3A_11], %gather3A_1004 : memref<64x128xf32, #tpu.memory_space<vmem>>[vector<16xi32>, vector<16xi32>], vector<16xf32>,
        %add3A_1009 = arith.addi %mul3A_665, %and3A_980 : vector<16xi32>
        %gather3A_1010 = arith.constant 0 : i32
        %gather3A_1011 = arith.constant 0 : i32
        %gather3A_1012 = tpu.memref_slice %arg7[%scan3A_702, %gather3A_1010, %gather3A_1011] : memref<4x128x128xf32, #tpu.memory_space<vmem>> -> memref<1x128x128xf32, #tpu.memory_space<vmem>>
        %gather3A_1013 = tpu.memref_squeeze %gather3A_1012 : memref<1x128x128xf32, #tpu.memory_space<vmem>> -> memref<128x128xf32, #tpu.memory_space<vmem>>
        %gather3A_1014 = tpu.vector_load_idx %gather3A_1013[%add3A_14, %add3A_1009] : memref<128x128xf32, #tpu.memory_space<vmem>>[vector<16xi32>, vector<16xi32>], vector<16xf32>,
        %scatter3A_1015 = arith.constant 0 : i32
        %scatter3A_1016 = arith.constant 0 : i32
        %scatter3A_1017 = tpu.memref_slice %arg8[%scan3A_703, %scatter3A_1015, %scatter3A_1016] : memref<4x64x128xf32, #tpu.memory_space<vmem>> -> memref<1x64x128xf32, #tpu.memory_space<vmem>>
        %scatter3A_1018 = tpu.memref_squeeze %scatter3A_1017 : memref<1x64x128xf32, #tpu.memory_space<vmem>> -> memref<64x128xf32, #tpu.memory_space<vmem>>
        tpu.vector_store_idx %scatter3A_1018[%and3A_980, %add3A_14], %gather3A_1014 : memref<64x128xf32, #tpu.memory_space<vmem>>[vector<16xi32>, vector<16xi32>], vector<16xf32>,
        %add3A_1019 = arith.addi %mul3A_674, %and3A_980 : vector<16xi32>
        %gather3A_1020 = arith.constant 0 : i32
        %gather3A_1021 = arith.constant 0 : i32
        %gather3A_1022 = tpu.memref_slice %arg7[%scan3A_702, %gather3A_1020, %gather3A_1021] : memref<4x128x128xf32, #tpu.memory_space<vmem>> -> memref<1x128x128xf32, #tpu.memory_space<vmem>>
        %gather3A_1023 = tpu.memref_squeeze %gather3A_1022 : memref<1x128x128xf32, #tpu.memory_space<vmem>> -> memref<128x128xf32, #tpu.memory_space<vmem>>
        %gather3A_1024 = tpu.vector_load_idx %gather3A_1023[%add3A_17, %add3A_1019] : memref<128x128xf32, #tpu.memory_space<vmem>>[vector<16xi32>, vector<16xi32>], vector<16xf32>,
        %scatter3A_1025 = arith.constant 0 : i32
        %scatter3A_1026 = arith.constant 0 : i32
        %scatter3A_1027 = tpu.memref_slice %arg8[%scan3A_703, %scatter3A_1025, %scatter3A_1026] : memref<4x64x128xf32, #tpu.memory_space<vmem>> -> memref<1x64x128xf32, #tpu.memory_space<vmem>>
        %scatter3A_1028 = tpu.memref_squeeze %scatter3A_1027 : memref<1x64x128xf32, #tpu.memory_space<vmem>> -> memref<64x128xf32, #tpu.memory_space<vmem>>
        tpu.vector_store_idx %scatter3A_1028[%and3A_980, %add3A_17], %gather3A_1024 : memref<64x128xf32, #tpu.memory_space<vmem>>[vector<16xi32>, vector<16xi32>], vector<16xf32>,
        %add3A_1029 = arith.addi %mul3A_683, %and3A_980 : vector<16xi32>
        %gather3A_1030 = arith.constant 0 : i32
        %gather3A_1031 = arith.constant 0 : i32
        %gather3A_1032 = tpu.memref_slice %arg7[%scan3A_702, %gather3A_1030, %gather3A_1031] : memref<4x128x128xf32, #tpu.memory_space<vmem>> -> memref<1x128x128xf32, #tpu.memory_space<vmem>>
        %gather3A_1033 = tpu.memref_squeeze %gather3A_1032 : memref<1x128x128xf32, #tpu.memory_space<vmem>> -> memref<128x128xf32, #tpu.memory_space<vmem>>
        %gather3A_1034 = tpu.vector_load_idx %gather3A_1033[%add3A_20, %add3A_1029] : memref<128x128xf32, #tpu.memory_space<vmem>>[vector<16xi32>, vector<16xi32>], vector<16xf32>,
        %scatter3A_1035 = arith.constant 0 : i32
        %scatter3A_1036 = arith.constant 0 : i32
        %scatter3A_1037 = tpu.memref_slice %arg8[%scan3A_703, %scatter3A_1035, %scatter3A_1036] : memref<4x64x128xf32, #tpu.memory_space<vmem>> -> memref<1x64x128xf32, #tpu.memory_space<vmem>>
        %scatter3A_1038 = tpu.memref_squeeze %scatter3A_1037 : memref<1x64x128xf32, #tpu.memory_space<vmem>> -> memref<64x128xf32, #tpu.memory_space<vmem>>
        tpu.vector_store_idx %scatter3A_1038[%and3A_980, %add3A_20], %gather3A_1034 : memref<64x128xf32, #tpu.memory_space<vmem>>[vector<16xi32>, vector<16xi32>], vector<16xf32>,
        %add3A_1039 = arith.addi %mul3A_692, %and3A_980 : vector<16xi32>
        %gather3A_1040 = arith.constant 0 : i32
        %gather3A_1041 = arith.constant 0 : i32
        %gather3A_1042 = tpu.memref_slice %arg7[%scan3A_702, %gather3A_1040, %gather3A_1041] : memref<4x128x128xf32, #tpu.memory_space<vmem>> -> memref<1x128x128xf32, #tpu.memory_space<vmem>>
        %gather3A_1043 = tpu.memref_squeeze %gather3A_1042 : memref<1x128x128xf32, #tpu.memory_space<vmem>> -> memref<128x128xf32, #tpu.memory_space<vmem>>
        %gather3A_1044 = tpu.vector_load_idx %gather3A_1043[%add3A_23, %add3A_1039] : memref<128x128xf32, #tpu.memory_space<vmem>>[vector<16xi32>, vector<16xi32>], vector<16xf32>,
        %scatter3A_1045 = arith.constant 0 : i32
        %scatter3A_1046 = arith.constant 0 : i32
        %scatter3A_1047 = tpu.memref_slice %arg8[%scan3A_703, %scatter3A_1045, %scatter3A_1046] : memref<4x64x128xf32, #tpu.memory_space<vmem>> -> memref<1x64x128xf32, #tpu.memory_space<vmem>>
        %scatter3A_1048 = tpu.memref_squeeze %scatter3A_1047 : memref<1x64x128xf32, #tpu.memory_space<vmem>> -> memref<64x128xf32, #tpu.memory_space<vmem>>
        tpu.vector_store_idx %scatter3A_1048[%and3A_980, %add3A_23], %gather3A_1044 : memref<64x128xf32, #tpu.memory_space<vmem>>[vector<16xi32>, vector<16xi32>], vector<16xf32>,
        %add3A_1049 = arith.addi %mul3A_701, %and3A_980 : vector<16xi32>
        %gather3A_1050 = arith.constant 0 : i32
        %gather3A_1051 = arith.constant 0 : i32
        %gather3A_1052 = tpu.memref_slice %arg7[%scan3A_702, %gather3A_1050, %gather3A_1051] : memref<4x128x128xf32, #tpu.memory_space<vmem>> -> memref<1x128x128xf32, #tpu.memory_space<vmem>>
        %gather3A_1053 = tpu.memref_squeeze %gather3A_1052 : memref<1x128x128xf32, #tpu.memory_space<vmem>> -> memref<128x128xf32, #tpu.memory_space<vmem>>
        %gather3A_1054 = tpu.vector_load_idx %gather3A_1053[%add3A_26, %add3A_1049] : memref<128x128xf32, #tpu.memory_space<vmem>>[vector<16xi32>, vector<16xi32>], vector<16xf32>,
        %scatter3A_1055 = arith.constant 0 : i32
        %scatter3A_1056 = arith.constant 0 : i32
        %scatter3A_1057 = tpu.memref_slice %arg8[%scan3A_703, %scatter3A_1055, %scatter3A_1056] : memref<4x64x128xf32, #tpu.memory_space<vmem>> -> memref<1x64x128xf32, #tpu.memory_space<vmem>>
        %scatter3A_1058 = tpu.memref_squeeze %scatter3A_1057 : memref<1x64x128xf32, #tpu.memory_space<vmem>> -> memref<64x128xf32, #tpu.memory_space<vmem>>
        tpu.vector_store_idx %scatter3A_1058[%and3A_980, %add3A_26], %gather3A_1054 : memref<64x128xf32, #tpu.memory_space<vmem>>[vector<16xi32>, vector<16xi32>], vector<16xf32>,
      }
      %scan3A_708 = arith.constant 64 : i32
      %add3A_709 = arith.constant 1 : i32
      %add3A_710 = arith.addi %scan3A_491, %add3A_709 : i32
      %lt3A_711 = arith.constant 50 : i32
      %lt3A_712 = arith.cmpi slt, %add3A_710, %lt3A_711 : i32
      %convert_element_type3A_713 = arith.extui %lt3A_712 : i1 to i32
      %cond3A_714 = arith.constant 0 : i32
      %cond3A_715 = arith.cmpi ne, %convert_element_type3A_713, %cond3A_714 : i32
      scf.if %cond3A_715 {
        %add3A_975 = arith.constant 4 : i32
        %add3A_976 = arith.addi %add3A_612, %add3A_975 : i32
        %get3A_977 = arith.index_cast %add3A_976 : i32 to index
        %get3A_978 = arith.constant 0 : index
        %get3A_979 = tpu.vector_load %arg5[%get3A_977, %get3A_978] {strides = array<i32>} : memref<200x128xi32, #tpu.memory_space<vmem>>, vector<16xi32>,
        %shift_right_arithmetic3A_980 = arith.constant 1 : i32
        %shift_right_arithmetic3A_981 = vector.broadcast %shift_right_arithmetic3A_980 : i32 to vector<16xi32>
        %shift_right_arithmetic3A_982 = arith.shrsi %get3A_979, %shift_right_arithmetic3A_981 : vector<16xi32>
        %swap3A_983 = arith.constant 1 : i32
        %swap3A_984 = arith.index_cast %swap3A_983 : i32 to index
        %swap3A_985 = arith.constant 0 : index
        %swap3A_986 = tpu.vector_load %arg6[%swap3A_984, %swap3A_985] {strides = array<i32>} : memref<4x128xi32, #tpu.memory_space<vmem>>, vector<16xi32>,
        tpu.vector_store %arg6[%swap3A_984, %swap3A_985], %shift_right_arithmetic3A_982 {strides = array<i32>} : memref<4x128xi32, #tpu.memory_space<vmem>>, vector<16xi32>,
        %get3A_987 = arith.index_cast %add3A_976 : i32 to index
        %get3A_988 = arith.constant 16 : index
        %get3A_989 = tpu.vector_load %arg5[%get3A_987, %get3A_988] {strides = array<i32>} : memref<200x128xi32, #tpu.memory_space<vmem>>, vector<16xi32>,
        %shift_right_arithmetic3A_990 = arith.constant 1 : i32
        %shift_right_arithmetic3A_991 = vector.broadcast %shift_right_arithmetic3A_990 : i32 to vector<16xi32>
        %shift_right_arithmetic3A_992 = arith.shrsi %get3A_989, %shift_right_arithmetic3A_991 : vector<16xi32>
        %swap3A_993 = arith.constant 1 : i32
        %swap3A_994 = arith.index_cast %swap3A_993 : i32 to index
        %swap3A_995 = arith.constant 16 : index
        %swap3A_996 = tpu.vector_load %arg6[%swap3A_994, %swap3A_995] {strides = array<i32>} : memref<4x128xi32, #tpu.memory_space<vmem>>, vector<16xi32>,
        tpu.vector_store %arg6[%swap3A_994, %swap3A_995], %shift_right_arithmetic3A_992 {strides = array<i32>} : memref<4x128xi32, #tpu.memory_space<vmem>>, vector<16xi32>,
        %get3A_997 = arith.index_cast %add3A_976 : i32 to index
        %get3A_998 = arith.constant 32 : index
        %get3A_999 = tpu.vector_load %arg5[%get3A_997, %get3A_998] {strides = array<i32>} : memref<200x128xi32, #tpu.memory_space<vmem>>, vector<16xi32>,
        %shift_right_arithmetic3A_1000 = arith.constant 1 : i32
        %shift_right_arithmetic3A_1001 = vector.broadcast %shift_right_arithmetic3A_1000 : i32 to vector<16xi32>
        %shift_right_arithmetic3A_1002 = arith.shrsi %get3A_999, %shift_right_arithmetic3A_1001 : vector<16xi32>
        %swap3A_1003 = arith.constant 1 : i32
        %swap3A_1004 = arith.index_cast %swap3A_1003 : i32 to index
        %swap3A_1005 = arith.constant 32 : index
        %swap3A_1006 = tpu.vector_load %arg6[%swap3A_1004, %swap3A_1005] {strides = array<i32>} : memref<4x128xi32, #tpu.memory_space<vmem>>, vector<16xi32>,
        tpu.vector_store %arg6[%swap3A_1004, %swap3A_1005], %shift_right_arithmetic3A_1002 {strides = array<i32>} : memref<4x128xi32, #tpu.memory_space<vmem>>, vector<16xi32>,
        %get3A_1007 = arith.index_cast %add3A_976 : i32 to index
        %get3A_1008 = arith.constant 48 : index
        %get3A_1009 = tpu.vector_load %arg5[%get3A_1007, %get3A_1008] {strides = array<i32>} : memref<200x128xi32, #tpu.memory_space<vmem>>, vector<16xi32>,
        %shift_right_arithmetic3A_1010 = arith.constant 1 : i32
        %shift_right_arithmetic3A_1011 = vector.broadcast %shift_right_arithmetic3A_1010 : i32 to vector<16xi32>
        %shift_right_arithmetic3A_1012 = arith.shrsi %get3A_1009, %shift_right_arithmetic3A_1011 : vector<16xi32>
        %swap3A_1013 = arith.constant 1 : i32
        %swap3A_1014 = arith.index_cast %swap3A_1013 : i32 to index
        %swap3A_1015 = arith.constant 48 : index
        %swap3A_1016 = tpu.vector_load %arg6[%swap3A_1014, %swap3A_1015] {strides = array<i32>} : memref<4x128xi32, #tpu.memory_space<vmem>>, vector<16xi32>,
        tpu.vector_store %arg6[%swap3A_1014, %swap3A_1015], %shift_right_arithmetic3A_1012 {strides = array<i32>} : memref<4x128xi32, #tpu.memory_space<vmem>>, vector<16xi32>,
        %get3A_1017 = arith.index_cast %add3A_976 : i32 to index
        %get3A_1018 = arith.constant 64 : index
        %get3A_1019 = tpu.vector_load %arg5[%get3A_1017, %get3A_1018] {strides = array<i32>} : memref<200x128xi32, #tpu.memory_space<vmem>>, vector<16xi32>,
        %shift_right_arithmetic3A_1020 = arith.constant 1 : i32
        %shift_right_arithmetic3A_1021 = vector.broadcast %shift_right_arithmetic3A_1020 : i32 to vector<16xi32>
        %shift_right_arithmetic3A_1022 = arith.shrsi %get3A_1019, %shift_right_arithmetic3A_1021 : vector<16xi32>
        %swap3A_1023 = arith.constant 1 : i32
        %swap3A_1024 = arith.index_cast %swap3A_1023 : i32 to index
        %swap3A_1025 = arith.constant 64 : index
        %swap3A_1026 = tpu.vector_load %arg6[%swap3A_1024, %swap3A_1025] {strides = array<i32>} : memref<4x128xi32, #tpu.memory_space<vmem>>, vector<16xi32>,
        tpu.vector_store %arg6[%swap3A_1024, %swap3A_1025], %shift_right_arithmetic3A_1022 {strides = array<i32>} : memref<4x128xi32, #tpu.memory_space<vmem>>, vector<16xi32>,
        %get3A_1027 = arith.index_cast %add3A_976 : i32 to index
        %get3A_1028 = arith.constant 80 : index
        %get3A_1029 = tpu.vector_load %arg5[%get3A_1027, %get3A_1028] {strides = array<i32>} : memref<200x128xi32, #tpu.memory_space<vmem>>, vector<16xi32>,
        %shift_right_arithmetic3A_1030 = arith.constant 1 : i32
        %shift_right_arithmetic3A_1031 = vector.broadcast %shift_right_arithmetic3A_1030 : i32 to vector<16xi32>
        %shift_right_arithmetic3A_1032 = arith.shrsi %get3A_1029, %shift_right_arithmetic3A_1031 : vector<16xi32>
        %swap3A_1033 = arith.constant 1 : i32
        %swap3A_1034 = arith.index_cast %swap3A_1033 : i32 to index
        %swap3A_1035 = arith.constant 80 : index
        %swap3A_1036 = tpu.vector_load %arg6[%swap3A_1034, %swap3A_1035] {strides = array<i32>} : memref<4x128xi32, #tpu.memory_space<vmem>>, vector<16xi32>,
        tpu.vector_store %arg6[%swap3A_1034, %swap3A_1035], %shift_right_arithmetic3A_1032 {strides = array<i32>} : memref<4x128xi32, #tpu.memory_space<vmem>>, vector<16xi32>,
        %get3A_1037 = arith.index_cast %add3A_976 : i32 to index
        %get3A_1038 = arith.constant 96 : index
        %get3A_1039 = tpu.vector_load %arg5[%get3A_1037, %get3A_1038] {strides = array<i32>} : memref<200x128xi32, #tpu.memory_space<vmem>>, vector<16xi32>,
        %shift_right_arithmetic3A_1040 = arith.constant 1 : i32
        %shift_right_arithmetic3A_1041 = vector.broadcast %shift_right_arithmetic3A_1040 : i32 to vector<16xi32>
        %shift_right_arithmetic3A_1042 = arith.shrsi %get3A_1039, %shift_right_arithmetic3A_1041 : vector<16xi32>
        %swap3A_1043 = arith.constant 1 : i32
        %swap3A_1044 = arith.index_cast %swap3A_1043 : i32 to index
        %swap3A_1045 = arith.constant 96 : index
        %swap3A_1046 = tpu.vector_load %arg6[%swap3A_1044, %swap3A_1045] {strides = array<i32>} : memref<4x128xi32, #tpu.memory_space<vmem>>, vector<16xi32>,
        tpu.vector_store %arg6[%swap3A_1044, %swap3A_1045], %shift_right_arithmetic3A_1042 {strides = array<i32>} : memref<4x128xi32, #tpu.memory_space<vmem>>, vector<16xi32>,
        %get3A_1047 = arith.index_cast %add3A_976 : i32 to index
        %get3A_1048 = arith.constant 112 : index
        %get3A_1049 = tpu.vector_load %arg5[%get3A_1047, %get3A_1048] {strides = array<i32>} : memref<200x128xi32, #tpu.memory_space<vmem>>, vector<16xi32>,
        %shift_right_arithmetic3A_1050 = arith.constant 1 : i32
        %shift_right_arithmetic3A_1051 = vector.broadcast %shift_right_arithmetic3A_1050 : i32 to vector<16xi32>
        %shift_right_arithmetic3A_1052 = arith.shrsi %get3A_1049, %shift_right_arithmetic3A_1051 : vector<16xi32>
        %swap3A_1053 = arith.constant 1 : i32
        %swap3A_1054 = arith.index_cast %swap3A_1053 : i32 to index
        %swap3A_1055 = arith.constant 112 : index
        %swap3A_1056 = tpu.vector_load %arg6[%swap3A_1054, %swap3A_1055] {strides = array<i32>} : memref<4x128xi32, #tpu.memory_space<vmem>>, vector<16xi32>,
        tpu.vector_store %arg6[%swap3A_1054, %swap3A_1055], %shift_right_arithmetic3A_1052 {strides = array<i32>} : memref<4x128xi32, #tpu.memory_space<vmem>>, vector<16xi32>,
        %dma_start3A_1057 = arith.constant 1 : i32
        %dma_start3A_1058 = arith.constant 1 : i32
        %dma_start3A_1059 = arith.constant 0 : i32
        %dma_start3A_1060 = arith.constant 0 : i32
        %dma_start3A_1061 = tpu.memref_slice %arg7[%dma_start3A_1058, %dma_start3A_1059, %dma_start3A_1060] : memref<4x128x128xf32, #tpu.memory_space<vmem>> -> memref<1x128x128xf32, #tpu.memory_space<vmem>>
        %dma_start3A_1062 = tpu.memref_squeeze %dma_start3A_1061 : memref<1x128x128xf32, #tpu.memory_space<vmem>> -> memref<128x128xf32, #tpu.memory_space<vmem>>
        %dma_start3A_1063 = arith.constant 0 : i32
        %dma_start3A_1064 = tpu.memref_slice %arg6[%dma_start3A_1057, %dma_start3A_1063] : memref<4x128xi32, #tpu.memory_space<vmem>> -> memref<1x128xi32, #tpu.memory_space<vmem>>
        %dma_start3A_1065 = tpu.memref_squeeze %dma_start3A_1064 : memref<1x128xi32, #tpu.memory_space<vmem>> -> memref<128xi32, #tpu.memory_space<vmem>>
        %dma_start3A_1066 = arith.constant 0 : i32
        %dma_start3A_1067 = arith.constant 0 : i32
        %dma_start3A_1068 = tpu.memref_slice %arg3[%dma_start3A_1066, %dma_start3A_1067] : memref<500000x128xf32, #tpu.memory_space<hbm>> -> memref<500000x128xf32, #tpu.memory_space<hbm>>
        tpu.enqueue_indirect_dma source(%dma_start3A_1068 : memref<500000x128xf32, #tpu.memory_space<hbm>>) target(%dma_start3A_1062 : memref<128x128xf32, #tpu.memory_space<vmem>>) offsets(%dma_start3A_1065 : memref<128xi32, #tpu.memory_space<vmem>>) semaphore(%arg10 : memref<!tpu.dma_semaphore, #tpu.memory_space<semaphore_mem>>)
      } else {
      }
      %dma_start3A_716 = arith.constant 1 : i32
      %dma_start3A_717 = arith.constant 0 : i32
      %dma_start3A_718 = arith.constant 0 : i32
      %dma_start3A_719 = tpu.memref_slice %arg8[%dma_start3A_716, %dma_start3A_717, %dma_start3A_718] : memref<4x64x128xf32, #tpu.memory_space<vmem>> -> memref<1x64x128xf32, #tpu.memory_space<vmem>>
      %dma_start3A_720 = tpu.memref_squeeze %dma_start3A_719 : memref<1x64x128xf32, #tpu.memory_space<vmem>> -> memref<64x128xf32, #tpu.memory_space<vmem>>
      %dma_start3A_721 = arith.constant 0 : i32
      %dma_start3A_722 = tpu.memref_slice %arg4[%add3A_612, %dma_start3A_721, %mul3A_2] : memref<200x64x4096xf32, #tpu.memory_space<hbm>> -> memref<1x64x128xf32, #tpu.memory_space<hbm>>
      %dma_start3A_723 = tpu.memref_squeeze %dma_start3A_722 : memref<1x64x128xf32, #tpu.memory_space<hbm>> -> memref<64x128xf32, #tpu.memory_space<hbm>>
      %dma_start3A_724 = arith.constant 0 : i32
      %dma_start3A_725 = tpu.memref_slice %arg4[%add3A_612, %dma_start3A_724, %mul3A_2] : memref<200x64x4096xf32, #tpu.memory_space<hbm>> -> memref<1x64x128xf32, #tpu.memory_space<hbm>>
      %dma_start3A_726 = tpu.memref_squeeze %dma_start3A_725 : memref<1x64x128xf32, #tpu.memory_space<hbm>> -> memref<64x128xf32, #tpu.memory_space<hbm>>
      %dma_start3A_727 = arith.constant 0 : i32
      %dma_start3A_728 = arith.constant 0 : i32
      %dma_start3A_729 = tpu.memref_slice %arg8[%dma_start3A_716, %dma_start3A_727, %dma_start3A_728] : memref<4x64x128xf32, #tpu.memory_space<vmem>> -> memref<1x64x128xf32, #tpu.memory_space<vmem>>
      %dma_start3A_730 = tpu.memref_squeeze %dma_start3A_729 : memref<1x64x128xf32, #tpu.memory_space<vmem>> -> memref<64x128xf32, #tpu.memory_space<vmem>>
      tpu.enqueue_dma source(%dma_start3A_730 : memref<64x128xf32, #tpu.memory_space<vmem>>) target(%dma_start3A_726 : memref<64x128xf32, #tpu.memory_space<hbm>>) target_semaphore(%arg14 : memref<!tpu.dma_semaphore, #tpu.memory_space<semaphore_mem>>)
      %mul3A_731 = arith.constant 4 : i32
      %mul3A_732 = arith.muli %mul3A_731, %scan3A_491 : i32
      %add3A_733 = arith.constant 2 : i32
      %add3A_734 = arith.addi %mul3A_732, %add3A_733 : i32
      %gt3A_735 = arith.constant 0 : i32
      %gt3A_736 = arith.cmpi sgt, %scan3A_491, %gt3A_735 : i32
      %convert_element_type3A_737 = arith.extui %gt3A_736 : i1 to i32
      %cond3A_738 = arith.constant 0 : i32
      %cond3A_739 = arith.cmpi ne, %convert_element_type3A_737, %cond3A_738 : i32
      scf.if %cond3A_739 {
        %dma_wait3A_975 = arith.constant 2 : i32
        %dma_wait3A_976 = arith.constant 0 : i32
        %dma_wait3A_977 = arith.constant 0 : i32
        %dma_wait3A_978 = arith.constant 0 : i32
        %dma_wait3A_979 = tpu.memref_slice %arg8[%dma_wait3A_975, %dma_wait3A_977, %dma_wait3A_978] : memref<4x64x128xf32, #tpu.memory_space<vmem>> -> memref<1x64x128xf32, #tpu.memory_space<vmem>>
        %dma_wait3A_980 = tpu.memref_squeeze %dma_wait3A_979 : memref<1x64x128xf32, #tpu.memory_space<vmem>> -> memref<64x128xf32, #tpu.memory_space<vmem>>
        %dma_wait3A_981 = arith.constant 0 : i32
        %dma_wait3A_982 = tpu.memref_slice %arg4[%dma_wait3A_976, %dma_wait3A_981, %mul3A_2] : memref<200x64x4096xf32, #tpu.memory_space<hbm>> -> memref<1x64x128xf32, #tpu.memory_space<hbm>>
        %dma_wait3A_983 = tpu.memref_squeeze %dma_wait3A_982 : memref<1x64x128xf32, #tpu.memory_space<hbm>> -> memref<64x128xf32, #tpu.memory_space<hbm>>
        %dma_wait3A_984 = arith.constant 0 : i32
        %dma_wait3A_985 = tpu.memref_slice %arg4[%dma_wait3A_976, %dma_wait3A_984, %mul3A_2] : memref<200x64x4096xf32, #tpu.memory_space<hbm>> -> memref<1x64x128xf32, #tpu.memory_space<hbm>>
        %dma_wait3A_986 = tpu.memref_squeeze %dma_wait3A_985 : memref<1x64x128xf32, #tpu.memory_space<hbm>> -> memref<64x128xf32, #tpu.memory_space<hbm>>
        %dma_wait3A_987 = arith.constant 0 : i32
        %dma_wait3A_988 = arith.constant 0 : i32
        %dma_wait3A_989 = tpu.memref_slice %arg8[%dma_wait3A_975, %dma_wait3A_987, %dma_wait3A_988] : memref<4x64x128xf32, #tpu.memory_space<vmem>> -> memref<1x64x128xf32, #tpu.memory_space<vmem>>
        %dma_wait3A_990 = tpu.memref_squeeze %dma_wait3A_989 : memref<1x64x128xf32, #tpu.memory_space<vmem>> -> memref<64x128xf32, #tpu.memory_space<vmem>>
        tpu.wait_dma2 semaphore(%arg15 : memref<!tpu.dma_semaphore, #tpu.memory_space<semaphore_mem>>) src(%dma_wait3A_990 : memref<64x128xf32, #tpu.memory_space<vmem>>) dst(%dma_wait3A_986 : memref<64x128xf32, #tpu.memory_space<hbm>>)
      } else {
      }
      %dma_wait3A_740 = arith.constant 2 : i32
      %dma_wait3A_741 = arith.constant 2 : i32
      %dma_wait3A_742 = arith.constant 0 : i32
      %dma_wait3A_743 = arith.constant 0 : i32
      %dma_wait3A_744 = tpu.memref_slice %arg7[%dma_wait3A_741, %dma_wait3A_742, %dma_wait3A_743] : memref<4x128x128xf32, #tpu.memory_space<vmem>> -> memref<1x128x128xf32, #tpu.memory_space<vmem>>
      %dma_wait3A_745 = tpu.memref_squeeze %dma_wait3A_744 : memref<1x128x128xf32, #tpu.memory_space<vmem>> -> memref<128x128xf32, #tpu.memory_space<vmem>>
      %dma_wait3A_746 = arith.constant 0 : i32
      %dma_wait3A_747 = tpu.memref_slice %arg6[%dma_wait3A_740, %dma_wait3A_746] : memref<4x128xi32, #tpu.memory_space<vmem>> -> memref<1x128xi32, #tpu.memory_space<vmem>>
      %dma_wait3A_748 = tpu.memref_squeeze %dma_wait3A_747 : memref<1x128xi32, #tpu.memory_space<vmem>> -> memref<128xi32, #tpu.memory_space<vmem>>
      %dma_wait3A_749 = arith.constant 0 : i32
      %dma_wait3A_750 = arith.constant 0 : i32
      %dma_wait3A_751 = tpu.memref_slice %arg3[%dma_wait3A_749, %dma_wait3A_750] : memref<500000x128xf32, #tpu.memory_space<hbm>> -> memref<500000x128xf32, #tpu.memory_space<hbm>>
      tpu.wait_indirect_dma semaphore(%arg11 : memref<!tpu.dma_semaphore, #tpu.memory_space<semaphore_mem>>) src(%dma_wait3A_751 : memref<500000x128xf32, #tpu.memory_space<hbm>>) dst(%dma_wait3A_745 : memref<128x128xf32, #tpu.memory_space<vmem>>)
      %get3A_752 = arith.index_cast %add3A_734 : i32 to index
      %get3A_753 = arith.constant 0 : index
      %get3A_754 = tpu.vector_load %arg5[%get3A_752, %get3A_753] {strides = array<i32>} : memref<200x128xi32, #tpu.memory_space<vmem>>, vector<16xi32>,
      %and3A_755 = arith.constant 1 : i32
      %and3A_756 = vector.broadcast %and3A_755 : i32 to vector<16xi32>
      %and3A_757 = arith.andi %get3A_754, %and3A_756 : vector<16xi32>
      %mul3A_758 = arith.constant 64 : i32
      %mul3A_759 = vector.broadcast %mul3A_758 : i32 to vector<16xi32>
      %mul3A_760 = arith.muli %and3A_757, %mul3A_759 : vector<16xi32>
      %get3A_761 = arith.index_cast %add3A_734 : i32 to index
      %get3A_762 = arith.constant 16 : index
      %get3A_763 = tpu.vector_load %arg5[%get3A_761, %get3A_762] {strides = array<i32>} : memref<200x128xi32, #tpu.memory_space<vmem>>, vector<16xi32>,
      %and3A_764 = arith.constant 1 : i32
      %and3A_765 = vector.broadcast %and3A_764 : i32 to vector<16xi32>
      %and3A_766 = arith.andi %get3A_763, %and3A_765 : vector<16xi32>
      %mul3A_767 = arith.constant 64 : i32
      %mul3A_768 = vector.broadcast %mul3A_767 : i32 to vector<16xi32>
      %mul3A_769 = arith.muli %and3A_766, %mul3A_768 : vector<16xi32>
      %get3A_770 = arith.index_cast %add3A_734 : i32 to index
      %get3A_771 = arith.constant 32 : index
      %get3A_772 = tpu.vector_load %arg5[%get3A_770, %get3A_771] {strides = array<i32>} : memref<200x128xi32, #tpu.memory_space<vmem>>, vector<16xi32>,
      %and3A_773 = arith.constant 1 : i32
      %and3A_774 = vector.broadcast %and3A_773 : i32 to vector<16xi32>
      %and3A_775 = arith.andi %get3A_772, %and3A_774 : vector<16xi32>
      %mul3A_776 = arith.constant 64 : i32
      %mul3A_777 = vector.broadcast %mul3A_776 : i32 to vector<16xi32>
      %mul3A_778 = arith.muli %and3A_775, %mul3A_777 : vector<16xi32>
      %get3A_779 = arith.index_cast %add3A_734 : i32 to index
      %get3A_780 = arith.constant 48 : index
      %get3A_781 = tpu.vector_load %arg5[%get3A_779, %get3A_780] {strides = array<i32>} : memref<200x128xi32, #tpu.memory_space<vmem>>, vector<16xi32>,
      %and3A_782 = arith.constant 1 : i32
      %and3A_783 = vector.broadcast %and3A_782 : i32 to vector<16xi32>
      %and3A_784 = arith.andi %get3A_781, %and3A_783 : vector<16xi32>
      %mul3A_785 = arith.constant 64 : i32
      %mul3A_786 = vector.broadcast %mul3A_785 : i32 to vector<16xi32>
      %mul3A_787 = arith.muli %and3A_784, %mul3A_786 : vector<16xi32>
      %get3A_788 = arith.index_cast %add3A_734 : i32 to index
      %get3A_789 = arith.constant 64 : index
      %get3A_790 = tpu.vector_load %arg5[%get3A_788, %get3A_789] {strides = array<i32>} : memref<200x128xi32, #tpu.memory_space<vmem>>, vector<16xi32>,
      %and3A_791 = arith.constant 1 : i32
      %and3A_792 = vector.broadcast %and3A_791 : i32 to vector<16xi32>
      %and3A_793 = arith.andi %get3A_790, %and3A_792 : vector<16xi32>
      %mul3A_794 = arith.constant 64 : i32
      %mul3A_795 = vector.broadcast %mul3A_794 : i32 to vector<16xi32>
      %mul3A_796 = arith.muli %and3A_793, %mul3A_795 : vector<16xi32>
      %get3A_797 = arith.index_cast %add3A_734 : i32 to index
      %get3A_798 = arith.constant 80 : index
      %get3A_799 = tpu.vector_load %arg5[%get3A_797, %get3A_798] {strides = array<i32>} : memref<200x128xi32, #tpu.memory_space<vmem>>, vector<16xi32>,
      %and3A_800 = arith.constant 1 : i32
      %and3A_801 = vector.broadcast %and3A_800 : i32 to vector<16xi32>
      %and3A_802 = arith.andi %get3A_799, %and3A_801 : vector<16xi32>
      %mul3A_803 = arith.constant 64 : i32
      %mul3A_804 = vector.broadcast %mul3A_803 : i32 to vector<16xi32>
      %mul3A_805 = arith.muli %and3A_802, %mul3A_804 : vector<16xi32>
      %get3A_806 = arith.index_cast %add3A_734 : i32 to index
      %get3A_807 = arith.constant 96 : index
      %get3A_808 = tpu.vector_load %arg5[%get3A_806, %get3A_807] {strides = array<i32>} : memref<200x128xi32, #tpu.memory_space<vmem>>, vector<16xi32>,
      %and3A_809 = arith.constant 1 : i32
      %and3A_810 = vector.broadcast %and3A_809 : i32 to vector<16xi32>
      %and3A_811 = arith.andi %get3A_808, %and3A_810 : vector<16xi32>
      %mul3A_812 = arith.constant 64 : i32
      %mul3A_813 = vector.broadcast %mul3A_812 : i32 to vector<16xi32>
      %mul3A_814 = arith.muli %and3A_811, %mul3A_813 : vector<16xi32>
      %get3A_815 = arith.index_cast %add3A_734 : i32 to index
      %get3A_816 = arith.constant 112 : index
      %get3A_817 = tpu.vector_load %arg5[%get3A_815, %get3A_816] {strides = array<i32>} : memref<200x128xi32, #tpu.memory_space<vmem>>, vector<16xi32>,
      %and3A_818 = arith.constant 1 : i32
      %and3A_819 = vector.broadcast %and3A_818 : i32 to vector<16xi32>
      %and3A_820 = arith.andi %get3A_817, %and3A_819 : vector<16xi32>
      %mul3A_821 = arith.constant 64 : i32
      %mul3A_822 = vector.broadcast %mul3A_821 : i32 to vector<16xi32>
      %mul3A_823 = arith.muli %and3A_820, %mul3A_822 : vector<16xi32>
      %scan3A_824 = arith.constant 2 : i32
      %scan3A_825 = arith.constant 2 : i32
      %scan3A_826 = arith.constant 0 : i32
      %scan3A_827 = arith.constant 64 : i32
      %scan3A_828 = arith.addi %scan3A_826, %scan3A_827 : i32
      %scan3A_829 = arith.constant 1 : i32
      scf.for %scan3A_975 = %scan3A_826 to %scan3A_828 step %scan3A_829  : i32 {
        %add3A_976 = vector.broadcast %scan3A_975 : i32 to vector<16xi32>
        %add3A_977 = arith.addi %add3A_976, %iota3A : vector<16xi32>
        %and3A_978 = arith.constant 63 : i32
        %and3A_979 = vector.broadcast %and3A_978 : i32 to vector<16xi32>
        %and3A_980 = arith.andi %add3A_977, %and3A_979 : vector<16xi32>
        %add3A_981 = arith.addi %mul3A_760, %and3A_980 : vector<16xi32>
        %gather3A = arith.constant 0 : i32
        %gather3A_982 = arith.constant 0 : i32
        %gather3A_983 = tpu.memref_slice %arg7[%scan3A_824, %gather3A, %gather3A_982] : memref<4x128x128xf32, #tpu.memory_space<vmem>> -> memref<1x128x128xf32, #tpu.memory_space<vmem>>
        %gather3A_984 = tpu.memref_squeeze %gather3A_983 : memref<1x128x128xf32, #tpu.memory_space<vmem>> -> memref<128x128xf32, #tpu.memory_space<vmem>>
        %gather3A_985 = tpu.vector_load_idx %gather3A_984[%add3A_5, %add3A_981] : memref<128x128xf32, #tpu.memory_space<vmem>>[vector<16xi32>, vector<16xi32>], vector<16xf32>,
        %scatter3A = arith.constant 0 : i32
        %scatter3A_986 = arith.constant 0 : i32
        %scatter3A_987 = tpu.memref_slice %arg8[%scan3A_825, %scatter3A, %scatter3A_986] : memref<4x64x128xf32, #tpu.memory_space<vmem>> -> memref<1x64x128xf32, #tpu.memory_space<vmem>>
        %scatter3A_988 = tpu.memref_squeeze %scatter3A_987 : memref<1x64x128xf32, #tpu.memory_space<vmem>> -> memref<64x128xf32, #tpu.memory_space<vmem>>
        tpu.vector_store_idx %scatter3A_988[%and3A_980, %add3A_5], %gather3A_985 : memref<64x128xf32, #tpu.memory_space<vmem>>[vector<16xi32>, vector<16xi32>], vector<16xf32>,
        %add3A_989 = arith.addi %mul3A_769, %and3A_980 : vector<16xi32>
        %gather3A_990 = arith.constant 0 : i32
        %gather3A_991 = arith.constant 0 : i32
        %gather3A_992 = tpu.memref_slice %arg7[%scan3A_824, %gather3A_990, %gather3A_991] : memref<4x128x128xf32, #tpu.memory_space<vmem>> -> memref<1x128x128xf32, #tpu.memory_space<vmem>>
        %gather3A_993 = tpu.memref_squeeze %gather3A_992 : memref<1x128x128xf32, #tpu.memory_space<vmem>> -> memref<128x128xf32, #tpu.memory_space<vmem>>
        %gather3A_994 = tpu.vector_load_idx %gather3A_993[%add3A_8, %add3A_989] : memref<128x128xf32, #tpu.memory_space<vmem>>[vector<16xi32>, vector<16xi32>], vector<16xf32>,
        %scatter3A_995 = arith.constant 0 : i32
        %scatter3A_996 = arith.constant 0 : i32
        %scatter3A_997 = tpu.memref_slice %arg8[%scan3A_825, %scatter3A_995, %scatter3A_996] : memref<4x64x128xf32, #tpu.memory_space<vmem>> -> memref<1x64x128xf32, #tpu.memory_space<vmem>>
        %scatter3A_998 = tpu.memref_squeeze %scatter3A_997 : memref<1x64x128xf32, #tpu.memory_space<vmem>> -> memref<64x128xf32, #tpu.memory_space<vmem>>
        tpu.vector_store_idx %scatter3A_998[%and3A_980, %add3A_8], %gather3A_994 : memref<64x128xf32, #tpu.memory_space<vmem>>[vector<16xi32>, vector<16xi32>], vector<16xf32>,
        %add3A_999 = arith.addi %mul3A_778, %and3A_980 : vector<16xi32>
        %gather3A_1000 = arith.constant 0 : i32
        %gather3A_1001 = arith.constant 0 : i32
        %gather3A_1002 = tpu.memref_slice %arg7[%scan3A_824, %gather3A_1000, %gather3A_1001] : memref<4x128x128xf32, #tpu.memory_space<vmem>> -> memref<1x128x128xf32, #tpu.memory_space<vmem>>
        %gather3A_1003 = tpu.memref_squeeze %gather3A_1002 : memref<1x128x128xf32, #tpu.memory_space<vmem>> -> memref<128x128xf32, #tpu.memory_space<vmem>>
        %gather3A_1004 = tpu.vector_load_idx %gather3A_1003[%add3A_11, %add3A_999] : memref<128x128xf32, #tpu.memory_space<vmem>>[vector<16xi32>, vector<16xi32>], vector<16xf32>,
        %scatter3A_1005 = arith.constant 0 : i32
        %scatter3A_1006 = arith.constant 0 : i32
        %scatter3A_1007 = tpu.memref_slice %arg8[%scan3A_825, %scatter3A_1005, %scatter3A_1006] : memref<4x64x128xf32, #tpu.memory_space<vmem>> -> memref<1x64x128xf32, #tpu.memory_space<vmem>>
        %scatter3A_1008 = tpu.memref_squeeze %scatter3A_1007 : memref<1x64x128xf32, #tpu.memory_space<vmem>> -> memref<64x128xf32, #tpu.memory_space<vmem>>
        tpu.vector_store_idx %scatter3A_1008[%and3A_980, %add3A_11], %gather3A_1004 : memref<64x128xf32, #tpu.memory_space<vmem>>[vector<16xi32>, vector<16xi32>], vector<16xf32>,
        %add3A_1009 = arith.addi %mul3A_787, %and3A_980 : vector<16xi32>
        %gather3A_1010 = arith.constant 0 : i32
        %gather3A_1011 = arith.constant 0 : i32
        %gather3A_1012 = tpu.memref_slice %arg7[%scan3A_824, %gather3A_1010, %gather3A_1011] : memref<4x128x128xf32, #tpu.memory_space<vmem>> -> memref<1x128x128xf32, #tpu.memory_space<vmem>>
        %gather3A_1013 = tpu.memref_squeeze %gather3A_1012 : memref<1x128x128xf32, #tpu.memory_space<vmem>> -> memref<128x128xf32, #tpu.memory_space<vmem>>
        %gather3A_1014 = tpu.vector_load_idx %gather3A_1013[%add3A_14, %add3A_1009] : memref<128x128xf32, #tpu.memory_space<vmem>>[vector<16xi32>, vector<16xi32>], vector<16xf32>,
        %scatter3A_1015 = arith.constant 0 : i32
        %scatter3A_1016 = arith.constant 0 : i32
        %scatter3A_1017 = tpu.memref_slice %arg8[%scan3A_825, %scatter3A_1015, %scatter3A_1016] : memref<4x64x128xf32, #tpu.memory_space<vmem>> -> memref<1x64x128xf32, #tpu.memory_space<vmem>>
        %scatter3A_1018 = tpu.memref_squeeze %scatter3A_1017 : memref<1x64x128xf32, #tpu.memory_space<vmem>> -> memref<64x128xf32, #tpu.memory_space<vmem>>
        tpu.vector_store_idx %scatter3A_1018[%and3A_980, %add3A_14], %gather3A_1014 : memref<64x128xf32, #tpu.memory_space<vmem>>[vector<16xi32>, vector<16xi32>], vector<16xf32>,
        %add3A_1019 = arith.addi %mul3A_796, %and3A_980 : vector<16xi32>
        %gather3A_1020 = arith.constant 0 : i32
        %gather3A_1021 = arith.constant 0 : i32
        %gather3A_1022 = tpu.memref_slice %arg7[%scan3A_824, %gather3A_1020, %gather3A_1021] : memref<4x128x128xf32, #tpu.memory_space<vmem>> -> memref<1x128x128xf32, #tpu.memory_space<vmem>>
        %gather3A_1023 = tpu.memref_squeeze %gather3A_1022 : memref<1x128x128xf32, #tpu.memory_space<vmem>> -> memref<128x128xf32, #tpu.memory_space<vmem>>
        %gather3A_1024 = tpu.vector_load_idx %gather3A_1023[%add3A_17, %add3A_1019] : memref<128x128xf32, #tpu.memory_space<vmem>>[vector<16xi32>, vector<16xi32>], vector<16xf32>,
        %scatter3A_1025 = arith.constant 0 : i32
        %scatter3A_1026 = arith.constant 0 : i32
        %scatter3A_1027 = tpu.memref_slice %arg8[%scan3A_825, %scatter3A_1025, %scatter3A_1026] : memref<4x64x128xf32, #tpu.memory_space<vmem>> -> memref<1x64x128xf32, #tpu.memory_space<vmem>>
        %scatter3A_1028 = tpu.memref_squeeze %scatter3A_1027 : memref<1x64x128xf32, #tpu.memory_space<vmem>> -> memref<64x128xf32, #tpu.memory_space<vmem>>
        tpu.vector_store_idx %scatter3A_1028[%and3A_980, %add3A_17], %gather3A_1024 : memref<64x128xf32, #tpu.memory_space<vmem>>[vector<16xi32>, vector<16xi32>], vector<16xf32>,
        %add3A_1029 = arith.addi %mul3A_805, %and3A_980 : vector<16xi32>
        %gather3A_1030 = arith.constant 0 : i32
        %gather3A_1031 = arith.constant 0 : i32
        %gather3A_1032 = tpu.memref_slice %arg7[%scan3A_824, %gather3A_1030, %gather3A_1031] : memref<4x128x128xf32, #tpu.memory_space<vmem>> -> memref<1x128x128xf32, #tpu.memory_space<vmem>>
        %gather3A_1033 = tpu.memref_squeeze %gather3A_1032 : memref<1x128x128xf32, #tpu.memory_space<vmem>> -> memref<128x128xf32, #tpu.memory_space<vmem>>
        %gather3A_1034 = tpu.vector_load_idx %gather3A_1033[%add3A_20, %add3A_1029] : memref<128x128xf32, #tpu.memory_space<vmem>>[vector<16xi32>, vector<16xi32>], vector<16xf32>,
        %scatter3A_1035 = arith.constant 0 : i32
        %scatter3A_1036 = arith.constant 0 : i32
        %scatter3A_1037 = tpu.memref_slice %arg8[%scan3A_825, %scatter3A_1035, %scatter3A_1036] : memref<4x64x128xf32, #tpu.memory_space<vmem>> -> memref<1x64x128xf32, #tpu.memory_space<vmem>>
        %scatter3A_1038 = tpu.memref_squeeze %scatter3A_1037 : memref<1x64x128xf32, #tpu.memory_space<vmem>> -> memref<64x128xf32, #tpu.memory_space<vmem>>
        tpu.vector_store_idx %scatter3A_1038[%and3A_980, %add3A_20], %gather3A_1034 : memref<64x128xf32, #tpu.memory_space<vmem>>[vector<16xi32>, vector<16xi32>], vector<16xf32>,
        %add3A_1039 = arith.addi %mul3A_814, %and3A_980 : vector<16xi32>
        %gather3A_1040 = arith.constant 0 : i32
        %gather3A_1041 = arith.constant 0 : i32
        %gather3A_1042 = tpu.memref_slice %arg7[%scan3A_824, %gather3A_1040, %gather3A_1041] : memref<4x128x128xf32, #tpu.memory_space<vmem>> -> memref<1x128x128xf32, #tpu.memory_space<vmem>>
        %gather3A_1043 = tpu.memref_squeeze %gather3A_1042 : memref<1x128x128xf32, #tpu.memory_space<vmem>> -> memref<128x128xf32, #tpu.memory_space<vmem>>
        %gather3A_1044 = tpu.vector_load_idx %gather3A_1043[%add3A_23, %add3A_1039] : memref<128x128xf32, #tpu.memory_space<vmem>>[vector<16xi32>, vector<16xi32>], vector<16xf32>,
        %scatter3A_1045 = arith.constant 0 : i32
        %scatter3A_1046 = arith.constant 0 : i32
        %scatter3A_1047 = tpu.memref_slice %arg8[%scan3A_825, %scatter3A_1045, %scatter3A_1046] : memref<4x64x128xf32, #tpu.memory_space<vmem>> -> memref<1x64x128xf32, #tpu.memory_space<vmem>>
        %scatter3A_1048 = tpu.memref_squeeze %scatter3A_1047 : memref<1x64x128xf32, #tpu.memory_space<vmem>> -> memref<64x128xf32, #tpu.memory_space<vmem>>
        tpu.vector_store_idx %scatter3A_1048[%and3A_980, %add3A_23], %gather3A_1044 : memref<64x128xf32, #tpu.memory_space<vmem>>[vector<16xi32>, vector<16xi32>], vector<16xf32>,
        %add3A_1049 = arith.addi %mul3A_823, %and3A_980 : vector<16xi32>
        %gather3A_1050 = arith.constant 0 : i32
        %gather3A_1051 = arith.constant 0 : i32
        %gather3A_1052 = tpu.memref_slice %arg7[%scan3A_824, %gather3A_1050, %gather3A_1051] : memref<4x128x128xf32, #tpu.memory_space<vmem>> -> memref<1x128x128xf32, #tpu.memory_space<vmem>>
        %gather3A_1053 = tpu.memref_squeeze %gather3A_1052 : memref<1x128x128xf32, #tpu.memory_space<vmem>> -> memref<128x128xf32, #tpu.memory_space<vmem>>
        %gather3A_1054 = tpu.vector_load_idx %gather3A_1053[%add3A_26, %add3A_1049] : memref<128x128xf32, #tpu.memory_space<vmem>>[vector<16xi32>, vector<16xi32>], vector<16xf32>,
        %scatter3A_1055 = arith.constant 0 : i32
        %scatter3A_1056 = arith.constant 0 : i32
        %scatter3A_1057 = tpu.memref_slice %arg8[%scan3A_825, %scatter3A_1055, %scatter3A_1056] : memref<4x64x128xf32, #tpu.memory_space<vmem>> -> memref<1x64x128xf32, #tpu.memory_space<vmem>>
        %scatter3A_1058 = tpu.memref_squeeze %scatter3A_1057 : memref<1x64x128xf32, #tpu.memory_space<vmem>> -> memref<64x128xf32, #tpu.memory_space<vmem>>
        tpu.vector_store_idx %scatter3A_1058[%and3A_980, %add3A_26], %gather3A_1054 : memref<64x128xf32, #tpu.memory_space<vmem>>[vector<16xi32>, vector<16xi32>], vector<16xf32>,
      }
      %scan3A_830 = arith.constant 64 : i32
      %add3A_831 = arith.constant 1 : i32
      %add3A_832 = arith.addi %scan3A_491, %add3A_831 : i32
      %lt3A_833 = arith.constant 50 : i32
      %lt3A_834 = arith.cmpi slt, %add3A_832, %lt3A_833 : i32
      %convert_element_type3A_835 = arith.extui %lt3A_834 : i1 to i32
      %cond3A_836 = arith.constant 0 : i32
      %cond3A_837 = arith.cmpi ne, %convert_element_type3A_835, %cond3A_836 : i32
      scf.if %cond3A_837 {
        %add3A_975 = arith.constant 4 : i32
        %add3A_976 = arith.addi %add3A_734, %add3A_975 : i32
        %get3A_977 = arith.index_cast %add3A_976 : i32 to index
        %get3A_978 = arith.constant 0 : index
        %get3A_979 = tpu.vector_load %arg5[%get3A_977, %get3A_978] {strides = array<i32>} : memref<200x128xi32, #tpu.memory_space<vmem>>, vector<16xi32>,
        %shift_right_arithmetic3A_980 = arith.constant 1 : i32
        %shift_right_arithmetic3A_981 = vector.broadcast %shift_right_arithmetic3A_980 : i32 to vector<16xi32>
        %shift_right_arithmetic3A_982 = arith.shrsi %get3A_979, %shift_right_arithmetic3A_981 : vector<16xi32>
        %swap3A_983 = arith.constant 2 : i32
        %swap3A_984 = arith.index_cast %swap3A_983 : i32 to index
        %swap3A_985 = arith.constant 0 : index
        %swap3A_986 = tpu.vector_load %arg6[%swap3A_984, %swap3A_985] {strides = array<i32>} : memref<4x128xi32, #tpu.memory_space<vmem>>, vector<16xi32>,
        tpu.vector_store %arg6[%swap3A_984, %swap3A_985], %shift_right_arithmetic3A_982 {strides = array<i32>} : memref<4x128xi32, #tpu.memory_space<vmem>>, vector<16xi32>,
        %get3A_987 = arith.index_cast %add3A_976 : i32 to index
        %get3A_988 = arith.constant 16 : index
        %get3A_989 = tpu.vector_load %arg5[%get3A_987, %get3A_988] {strides = array<i32>} : memref<200x128xi32, #tpu.memory_space<vmem>>, vector<16xi32>,
        %shift_right_arithmetic3A_990 = arith.constant 1 : i32
        %shift_right_arithmetic3A_991 = vector.broadcast %shift_right_arithmetic3A_990 : i32 to vector<16xi32>
        %shift_right_arithmetic3A_992 = arith.shrsi %get3A_989, %shift_right_arithmetic3A_991 : vector<16xi32>
        %swap3A_993 = arith.constant 2 : i32
        %swap3A_994 = arith.index_cast %swap3A_993 : i32 to index
        %swap3A_995 = arith.constant 16 : index
        %swap3A_996 = tpu.vector_load %arg6[%swap3A_994, %swap3A_995] {strides = array<i32>} : memref<4x128xi32, #tpu.memory_space<vmem>>, vector<16xi32>,
        tpu.vector_store %arg6[%swap3A_994, %swap3A_995], %shift_right_arithmetic3A_992 {strides = array<i32>} : memref<4x128xi32, #tpu.memory_space<vmem>>, vector<16xi32>,
        %get3A_997 = arith.index_cast %add3A_976 : i32 to index
        %get3A_998 = arith.constant 32 : index
        %get3A_999 = tpu.vector_load %arg5[%get3A_997, %get3A_998] {strides = array<i32>} : memref<200x128xi32, #tpu.memory_space<vmem>>, vector<16xi32>,
        %shift_right_arithmetic3A_1000 = arith.constant 1 : i32
        %shift_right_arithmetic3A_1001 = vector.broadcast %shift_right_arithmetic3A_1000 : i32 to vector<16xi32>
        %shift_right_arithmetic3A_1002 = arith.shrsi %get3A_999, %shift_right_arithmetic3A_1001 : vector<16xi32>
        %swap3A_1003 = arith.constant 2 : i32
        %swap3A_1004 = arith.index_cast %swap3A_1003 : i32 to index
        %swap3A_1005 = arith.constant 32 : index
        %swap3A_1006 = tpu.vector_load %arg6[%swap3A_1004, %swap3A_1005] {strides = array<i32>} : memref<4x128xi32, #tpu.memory_space<vmem>>, vector<16xi32>,
        tpu.vector_store %arg6[%swap3A_1004, %swap3A_1005], %shift_right_arithmetic3A_1002 {strides = array<i32>} : memref<4x128xi32, #tpu.memory_space<vmem>>, vector<16xi32>,
        %get3A_1007 = arith.index_cast %add3A_976 : i32 to index
        %get3A_1008 = arith.constant 48 : index
        %get3A_1009 = tpu.vector_load %arg5[%get3A_1007, %get3A_1008] {strides = array<i32>} : memref<200x128xi32, #tpu.memory_space<vmem>>, vector<16xi32>,
        %shift_right_arithmetic3A_1010 = arith.constant 1 : i32
        %shift_right_arithmetic3A_1011 = vector.broadcast %shift_right_arithmetic3A_1010 : i32 to vector<16xi32>
        %shift_right_arithmetic3A_1012 = arith.shrsi %get3A_1009, %shift_right_arithmetic3A_1011 : vector<16xi32>
        %swap3A_1013 = arith.constant 2 : i32
        %swap3A_1014 = arith.index_cast %swap3A_1013 : i32 to index
        %swap3A_1015 = arith.constant 48 : index
        %swap3A_1016 = tpu.vector_load %arg6[%swap3A_1014, %swap3A_1015] {strides = array<i32>} : memref<4x128xi32, #tpu.memory_space<vmem>>, vector<16xi32>,
        tpu.vector_store %arg6[%swap3A_1014, %swap3A_1015], %shift_right_arithmetic3A_1012 {strides = array<i32>} : memref<4x128xi32, #tpu.memory_space<vmem>>, vector<16xi32>,
        %get3A_1017 = arith.index_cast %add3A_976 : i32 to index
        %get3A_1018 = arith.constant 64 : index
        %get3A_1019 = tpu.vector_load %arg5[%get3A_1017, %get3A_1018] {strides = array<i32>} : memref<200x128xi32, #tpu.memory_space<vmem>>, vector<16xi32>,
        %shift_right_arithmetic3A_1020 = arith.constant 1 : i32
        %shift_right_arithmetic3A_1021 = vector.broadcast %shift_right_arithmetic3A_1020 : i32 to vector<16xi32>
        %shift_right_arithmetic3A_1022 = arith.shrsi %get3A_1019, %shift_right_arithmetic3A_1021 : vector<16xi32>
        %swap3A_1023 = arith.constant 2 : i32
        %swap3A_1024 = arith.index_cast %swap3A_1023 : i32 to index
        %swap3A_1025 = arith.constant 64 : index
        %swap3A_1026 = tpu.vector_load %arg6[%swap3A_1024, %swap3A_1025] {strides = array<i32>} : memref<4x128xi32, #tpu.memory_space<vmem>>, vector<16xi32>,
        tpu.vector_store %arg6[%swap3A_1024, %swap3A_1025], %shift_right_arithmetic3A_1022 {strides = array<i32>} : memref<4x128xi32, #tpu.memory_space<vmem>>, vector<16xi32>,
        %get3A_1027 = arith.index_cast %add3A_976 : i32 to index
        %get3A_1028 = arith.constant 80 : index
        %get3A_1029 = tpu.vector_load %arg5[%get3A_1027, %get3A_1028] {strides = array<i32>} : memref<200x128xi32, #tpu.memory_space<vmem>>, vector<16xi32>,
        %shift_right_arithmetic3A_1030 = arith.constant 1 : i32
        %shift_right_arithmetic3A_1031 = vector.broadcast %shift_right_arithmetic3A_1030 : i32 to vector<16xi32>
        %shift_right_arithmetic3A_1032 = arith.shrsi %get3A_1029, %shift_right_arithmetic3A_1031 : vector<16xi32>
        %swap3A_1033 = arith.constant 2 : i32
        %swap3A_1034 = arith.index_cast %swap3A_1033 : i32 to index
        %swap3A_1035 = arith.constant 80 : index
        %swap3A_1036 = tpu.vector_load %arg6[%swap3A_1034, %swap3A_1035] {strides = array<i32>} : memref<4x128xi32, #tpu.memory_space<vmem>>, vector<16xi32>,
        tpu.vector_store %arg6[%swap3A_1034, %swap3A_1035], %shift_right_arithmetic3A_1032 {strides = array<i32>} : memref<4x128xi32, #tpu.memory_space<vmem>>, vector<16xi32>,
        %get3A_1037 = arith.index_cast %add3A_976 : i32 to index
        %get3A_1038 = arith.constant 96 : index
        %get3A_1039 = tpu.vector_load %arg5[%get3A_1037, %get3A_1038] {strides = array<i32>} : memref<200x128xi32, #tpu.memory_space<vmem>>, vector<16xi32>,
        %shift_right_arithmetic3A_1040 = arith.constant 1 : i32
        %shift_right_arithmetic3A_1041 = vector.broadcast %shift_right_arithmetic3A_1040 : i32 to vector<16xi32>
        %shift_right_arithmetic3A_1042 = arith.shrsi %get3A_1039, %shift_right_arithmetic3A_1041 : vector<16xi32>
        %swap3A_1043 = arith.constant 2 : i32
        %swap3A_1044 = arith.index_cast %swap3A_1043 : i32 to index
        %swap3A_1045 = arith.constant 96 : index
        %swap3A_1046 = tpu.vector_load %arg6[%swap3A_1044, %swap3A_1045] {strides = array<i32>} : memref<4x128xi32, #tpu.memory_space<vmem>>, vector<16xi32>,
        tpu.vector_store %arg6[%swap3A_1044, %swap3A_1045], %shift_right_arithmetic3A_1042 {strides = array<i32>} : memref<4x128xi32, #tpu.memory_space<vmem>>, vector<16xi32>,
        %get3A_1047 = arith.index_cast %add3A_976 : i32 to index
        %get3A_1048 = arith.constant 112 : index
        %get3A_1049 = tpu.vector_load %arg5[%get3A_1047, %get3A_1048] {strides = array<i32>} : memref<200x128xi32, #tpu.memory_space<vmem>>, vector<16xi32>,
        %shift_right_arithmetic3A_1050 = arith.constant 1 : i32
        %shift_right_arithmetic3A_1051 = vector.broadcast %shift_right_arithmetic3A_1050 : i32 to vector<16xi32>
        %shift_right_arithmetic3A_1052 = arith.shrsi %get3A_1049, %shift_right_arithmetic3A_1051 : vector<16xi32>
        %swap3A_1053 = arith.constant 2 : i32
        %swap3A_1054 = arith.index_cast %swap3A_1053 : i32 to index
        %swap3A_1055 = arith.constant 112 : index
        %swap3A_1056 = tpu.vector_load %arg6[%swap3A_1054, %swap3A_1055] {strides = array<i32>} : memref<4x128xi32, #tpu.memory_space<vmem>>, vector<16xi32>,
        tpu.vector_store %arg6[%swap3A_1054, %swap3A_1055], %shift_right_arithmetic3A_1052 {strides = array<i32>} : memref<4x128xi32, #tpu.memory_space<vmem>>, vector<16xi32>,
        %dma_start3A_1057 = arith.constant 2 : i32
        %dma_start3A_1058 = arith.constant 2 : i32
        %dma_start3A_1059 = arith.constant 0 : i32
        %dma_start3A_1060 = arith.constant 0 : i32
        %dma_start3A_1061 = tpu.memref_slice %arg7[%dma_start3A_1058, %dma_start3A_1059, %dma_start3A_1060] : memref<4x128x128xf32, #tpu.memory_space<vmem>> -> memref<1x128x128xf32, #tpu.memory_space<vmem>>
        %dma_start3A_1062 = tpu.memref_squeeze %dma_start3A_1061 : memref<1x128x128xf32, #tpu.memory_space<vmem>> -> memref<128x128xf32, #tpu.memory_space<vmem>>
        %dma_start3A_1063 = arith.constant 0 : i32
        %dma_start3A_1064 = tpu.memref_slice %arg6[%dma_start3A_1057, %dma_start3A_1063] : memref<4x128xi32, #tpu.memory_space<vmem>> -> memref<1x128xi32, #tpu.memory_space<vmem>>
        %dma_start3A_1065 = tpu.memref_squeeze %dma_start3A_1064 : memref<1x128xi32, #tpu.memory_space<vmem>> -> memref<128xi32, #tpu.memory_space<vmem>>
        %dma_start3A_1066 = arith.constant 0 : i32
        %dma_start3A_1067 = arith.constant 0 : i32
        %dma_start3A_1068 = tpu.memref_slice %arg3[%dma_start3A_1066, %dma_start3A_1067] : memref<500000x128xf32, #tpu.memory_space<hbm>> -> memref<500000x128xf32, #tpu.memory_space<hbm>>
        tpu.enqueue_indirect_dma source(%dma_start3A_1068 : memref<500000x128xf32, #tpu.memory_space<hbm>>) target(%dma_start3A_1062 : memref<128x128xf32, #tpu.memory_space<vmem>>) offsets(%dma_start3A_1065 : memref<128xi32, #tpu.memory_space<vmem>>) semaphore(%arg11 : memref<!tpu.dma_semaphore, #tpu.memory_space<semaphore_mem>>)
      } else {
      }
      %dma_start3A_838 = arith.constant 2 : i32
      %dma_start3A_839 = arith.constant 0 : i32
      %dma_start3A_840 = arith.constant 0 : i32
      %dma_start3A_841 = tpu.memref_slice %arg8[%dma_start3A_838, %dma_start3A_839, %dma_start3A_840] : memref<4x64x128xf32, #tpu.memory_space<vmem>> -> memref<1x64x128xf32, #tpu.memory_space<vmem>>
      %dma_start3A_842 = tpu.memref_squeeze %dma_start3A_841 : memref<1x64x128xf32, #tpu.memory_space<vmem>> -> memref<64x128xf32, #tpu.memory_space<vmem>>
      %dma_start3A_843 = arith.constant 0 : i32
      %dma_start3A_844 = tpu.memref_slice %arg4[%add3A_734, %dma_start3A_843, %mul3A_2] : memref<200x64x4096xf32, #tpu.memory_space<hbm>> -> memref<1x64x128xf32, #tpu.memory_space<hbm>>
      %dma_start3A_845 = tpu.memref_squeeze %dma_start3A_844 : memref<1x64x128xf32, #tpu.memory_space<hbm>> -> memref<64x128xf32, #tpu.memory_space<hbm>>
      %dma_start3A_846 = arith.constant 0 : i32
      %dma_start3A_847 = tpu.memref_slice %arg4[%add3A_734, %dma_start3A_846, %mul3A_2] : memref<200x64x4096xf32, #tpu.memory_space<hbm>> -> memref<1x64x128xf32, #tpu.memory_space<hbm>>
      %dma_start3A_848 = tpu.memref_squeeze %dma_start3A_847 : memref<1x64x128xf32, #tpu.memory_space<hbm>> -> memref<64x128xf32, #tpu.memory_space<hbm>>
      %dma_start3A_849 = arith.constant 0 : i32
      %dma_start3A_850 = arith.constant 0 : i32
      %dma_start3A_851 = tpu.memref_slice %arg8[%dma_start3A_838, %dma_start3A_849, %dma_start3A_850] : memref<4x64x128xf32, #tpu.memory_space<vmem>> -> memref<1x64x128xf32, #tpu.memory_space<vmem>>
      %dma_start3A_852 = tpu.memref_squeeze %dma_start3A_851 : memref<1x64x128xf32, #tpu.memory_space<vmem>> -> memref<64x128xf32, #tpu.memory_space<vmem>>
      tpu.enqueue_dma source(%dma_start3A_852 : memref<64x128xf32, #tpu.memory_space<vmem>>) target(%dma_start3A_848 : memref<64x128xf32, #tpu.memory_space<hbm>>) target_semaphore(%arg15 : memref<!tpu.dma_semaphore, #tpu.memory_space<semaphore_mem>>)
      %mul3A_853 = arith.constant 4 : i32
      %mul3A_854 = arith.muli %mul3A_853, %scan3A_491 : i32
      %add3A_855 = arith.constant 3 : i32
      %add3A_856 = arith.addi %mul3A_854, %add3A_855 : i32
      %gt3A_857 = arith.constant 0 : i32
      %gt3A_858 = arith.cmpi sgt, %scan3A_491, %gt3A_857 : i32
      %convert_element_type3A_859 = arith.extui %gt3A_858 : i1 to i32
      %cond3A_860 = arith.constant 0 : i32
      %cond3A_861 = arith.cmpi ne, %convert_element_type3A_859, %cond3A_860 : i32
      scf.if %cond3A_861 {
        %dma_wait3A_975 = arith.constant 3 : i32
        %dma_wait3A_976 = arith.constant 0 : i32
        %dma_wait3A_977 = arith.constant 0 : i32
        %dma_wait3A_978 = arith.constant 0 : i32
        %dma_wait3A_979 = tpu.memref_slice %arg8[%dma_wait3A_975, %dma_wait3A_977, %dma_wait3A_978] : memref<4x64x128xf32, #tpu.memory_space<vmem>> -> memref<1x64x128xf32, #tpu.memory_space<vmem>>
        %dma_wait3A_980 = tpu.memref_squeeze %dma_wait3A_979 : memref<1x64x128xf32, #tpu.memory_space<vmem>> -> memref<64x128xf32, #tpu.memory_space<vmem>>
        %dma_wait3A_981 = arith.constant 0 : i32
        %dma_wait3A_982 = tpu.memref_slice %arg4[%dma_wait3A_976, %dma_wait3A_981, %mul3A_2] : memref<200x64x4096xf32, #tpu.memory_space<hbm>> -> memref<1x64x128xf32, #tpu.memory_space<hbm>>
        %dma_wait3A_983 = tpu.memref_squeeze %dma_wait3A_982 : memref<1x64x128xf32, #tpu.memory_space<hbm>> -> memref<64x128xf32, #tpu.memory_space<hbm>>
        %dma_wait3A_984 = arith.constant 0 : i32
        %dma_wait3A_985 = tpu.memref_slice %arg4[%dma_wait3A_976, %dma_wait3A_984, %mul3A_2] : memref<200x64x4096xf32, #tpu.memory_space<hbm>> -> memref<1x64x128xf32, #tpu.memory_space<hbm>>
        %dma_wait3A_986 = tpu.memref_squeeze %dma_wait3A_985 : memref<1x64x128xf32, #tpu.memory_space<hbm>> -> memref<64x128xf32, #tpu.memory_space<hbm>>
        %dma_wait3A_987 = arith.constant 0 : i32
        %dma_wait3A_988 = arith.constant 0 : i32
        %dma_wait3A_989 = tpu.memref_slice %arg8[%dma_wait3A_975, %dma_wait3A_987, %dma_wait3A_988] : memref<4x64x128xf32, #tpu.memory_space<vmem>> -> memref<1x64x128xf32, #tpu.memory_space<vmem>>
        %dma_wait3A_990 = tpu.memref_squeeze %dma_wait3A_989 : memref<1x64x128xf32, #tpu.memory_space<vmem>> -> memref<64x128xf32, #tpu.memory_space<vmem>>
        tpu.wait_dma2 semaphore(%arg16 : memref<!tpu.dma_semaphore, #tpu.memory_space<semaphore_mem>>) src(%dma_wait3A_990 : memref<64x128xf32, #tpu.memory_space<vmem>>) dst(%dma_wait3A_986 : memref<64x128xf32, #tpu.memory_space<hbm>>)
      } else {
      }
      %dma_wait3A_862 = arith.constant 3 : i32
      %dma_wait3A_863 = arith.constant 3 : i32
      %dma_wait3A_864 = arith.constant 0 : i32
      %dma_wait3A_865 = arith.constant 0 : i32
      %dma_wait3A_866 = tpu.memref_slice %arg7[%dma_wait3A_863, %dma_wait3A_864, %dma_wait3A_865] : memref<4x128x128xf32, #tpu.memory_space<vmem>> -> memref<1x128x128xf32, #tpu.memory_space<vmem>>
      %dma_wait3A_867 = tpu.memref_squeeze %dma_wait3A_866 : memref<1x128x128xf32, #tpu.memory_space<vmem>> -> memref<128x128xf32, #tpu.memory_space<vmem>>
      %dma_wait3A_868 = arith.constant 0 : i32
      %dma_wait3A_869 = tpu.memref_slice %arg6[%dma_wait3A_862, %dma_wait3A_868] : memref<4x128xi32, #tpu.memory_space<vmem>> -> memref<1x128xi32, #tpu.memory_space<vmem>>
      %dma_wait3A_870 = tpu.memref_squeeze %dma_wait3A_869 : memref<1x128xi32, #tpu.memory_space<vmem>> -> memref<128xi32, #tpu.memory_space<vmem>>
      %dma_wait3A_871 = arith.constant 0 : i32
      %dma_wait3A_872 = arith.constant 0 : i32
      %dma_wait3A_873 = tpu.memref_slice %arg3[%dma_wait3A_871, %dma_wait3A_872] : memref<500000x128xf32, #tpu.memory_space<hbm>> -> memref<500000x128xf32, #tpu.memory_space<hbm>>
      tpu.wait_indirect_dma semaphore(%arg12 : memref<!tpu.dma_semaphore, #tpu.memory_space<semaphore_mem>>) src(%dma_wait3A_873 : memref<500000x128xf32, #tpu.memory_space<hbm>>) dst(%dma_wait3A_867 : memref<128x128xf32, #tpu.memory_space<vmem>>)
      %get3A_874 = arith.index_cast %add3A_856 : i32 to index
      %get3A_875 = arith.constant 0 : index
      %get3A_876 = tpu.vector_load %arg5[%get3A_874, %get3A_875] {strides = array<i32>} : memref<200x128xi32, #tpu.memory_space<vmem>>, vector<16xi32>,
      %and3A_877 = arith.constant 1 : i32
      %and3A_878 = vector.broadcast %and3A_877 : i32 to vector<16xi32>
      %and3A_879 = arith.andi %get3A_876, %and3A_878 : vector<16xi32>
      %mul3A_880 = arith.constant 64 : i32
      %mul3A_881 = vector.broadcast %mul3A_880 : i32 to vector<16xi32>
      %mul3A_882 = arith.muli %and3A_879, %mul3A_881 : vector<16xi32>
      %get3A_883 = arith.index_cast %add3A_856 : i32 to index
      %get3A_884 = arith.constant 16 : index
      %get3A_885 = tpu.vector_load %arg5[%get3A_883, %get3A_884] {strides = array<i32>} : memref<200x128xi32, #tpu.memory_space<vmem>>, vector<16xi32>,
      %and3A_886 = arith.constant 1 : i32
      %and3A_887 = vector.broadcast %and3A_886 : i32 to vector<16xi32>
      %and3A_888 = arith.andi %get3A_885, %and3A_887 : vector<16xi32>
      %mul3A_889 = arith.constant 64 : i32
      %mul3A_890 = vector.broadcast %mul3A_889 : i32 to vector<16xi32>
      %mul3A_891 = arith.muli %and3A_888, %mul3A_890 : vector<16xi32>
      %get3A_892 = arith.index_cast %add3A_856 : i32 to index
      %get3A_893 = arith.constant 32 : index
      %get3A_894 = tpu.vector_load %arg5[%get3A_892, %get3A_893] {strides = array<i32>} : memref<200x128xi32, #tpu.memory_space<vmem>>, vector<16xi32>,
      %and3A_895 = arith.constant 1 : i32
      %and3A_896 = vector.broadcast %and3A_895 : i32 to vector<16xi32>
      %and3A_897 = arith.andi %get3A_894, %and3A_896 : vector<16xi32>
      %mul3A_898 = arith.constant 64 : i32
      %mul3A_899 = vector.broadcast %mul3A_898 : i32 to vector<16xi32>
      %mul3A_900 = arith.muli %and3A_897, %mul3A_899 : vector<16xi32>
      %get3A_901 = arith.index_cast %add3A_856 : i32 to index
      %get3A_902 = arith.constant 48 : index
      %get3A_903 = tpu.vector_load %arg5[%get3A_901, %get3A_902] {strides = array<i32>} : memref<200x128xi32, #tpu.memory_space<vmem>>, vector<16xi32>,
      %and3A_904 = arith.constant 1 : i32
      %and3A_905 = vector.broadcast %and3A_904 : i32 to vector<16xi32>
      %and3A_906 = arith.andi %get3A_903, %and3A_905 : vector<16xi32>
      %mul3A_907 = arith.constant 64 : i32
      %mul3A_908 = vector.broadcast %mul3A_907 : i32 to vector<16xi32>
      %mul3A_909 = arith.muli %and3A_906, %mul3A_908 : vector<16xi32>
      %get3A_910 = arith.index_cast %add3A_856 : i32 to index
      %get3A_911 = arith.constant 64 : index
      %get3A_912 = tpu.vector_load %arg5[%get3A_910, %get3A_911] {strides = array<i32>} : memref<200x128xi32, #tpu.memory_space<vmem>>, vector<16xi32>,
      %and3A_913 = arith.constant 1 : i32
      %and3A_914 = vector.broadcast %and3A_913 : i32 to vector<16xi32>
      %and3A_915 = arith.andi %get3A_912, %and3A_914 : vector<16xi32>
      %mul3A_916 = arith.constant 64 : i32
      %mul3A_917 = vector.broadcast %mul3A_916 : i32 to vector<16xi32>
      %mul3A_918 = arith.muli %and3A_915, %mul3A_917 : vector<16xi32>
      %get3A_919 = arith.index_cast %add3A_856 : i32 to index
      %get3A_920 = arith.constant 80 : index
      %get3A_921 = tpu.vector_load %arg5[%get3A_919, %get3A_920] {strides = array<i32>} : memref<200x128xi32, #tpu.memory_space<vmem>>, vector<16xi32>,
      %and3A_922 = arith.constant 1 : i32
      %and3A_923 = vector.broadcast %and3A_922 : i32 to vector<16xi32>
      %and3A_924 = arith.andi %get3A_921, %and3A_923 : vector<16xi32>
      %mul3A_925 = arith.constant 64 : i32
      %mul3A_926 = vector.broadcast %mul3A_925 : i32 to vector<16xi32>
      %mul3A_927 = arith.muli %and3A_924, %mul3A_926 : vector<16xi32>
      %get3A_928 = arith.index_cast %add3A_856 : i32 to index
      %get3A_929 = arith.constant 96 : index
      %get3A_930 = tpu.vector_load %arg5[%get3A_928, %get3A_929] {strides = array<i32>} : memref<200x128xi32, #tpu.memory_space<vmem>>, vector<16xi32>,
      %and3A_931 = arith.constant 1 : i32
      %and3A_932 = vector.broadcast %and3A_931 : i32 to vector<16xi32>
      %and3A_933 = arith.andi %get3A_930, %and3A_932 : vector<16xi32>
      %mul3A_934 = arith.constant 64 : i32
      %mul3A_935 = vector.broadcast %mul3A_934 : i32 to vector<16xi32>
      %mul3A_936 = arith.muli %and3A_933, %mul3A_935 : vector<16xi32>
      %get3A_937 = arith.index_cast %add3A_856 : i32 to index
      %get3A_938 = arith.constant 112 : index
      %get3A_939 = tpu.vector_load %arg5[%get3A_937, %get3A_938] {strides = array<i32>} : memref<200x128xi32, #tpu.memory_space<vmem>>, vector<16xi32>,
      %and3A_940 = arith.constant 1 : i32
      %and3A_941 = vector.broadcast %and3A_940 : i32 to vector<16xi32>
      %and3A_942 = arith.andi %get3A_939, %and3A_941 : vector<16xi32>
      %mul3A_943 = arith.constant 64 : i32
      %mul3A_944 = vector.broadcast %mul3A_943 : i32 to vector<16xi32>
      %mul3A_945 = arith.muli %and3A_942, %mul3A_944 : vector<16xi32>
      %scan3A_946 = arith.constant 3 : i32
      %scan3A_947 = arith.constant 3 : i32
      %scan3A_948 = arith.constant 0 : i32
      %scan3A_949 = arith.constant 64 : i32
      %scan3A_950 = arith.addi %scan3A_948, %scan3A_949 : i32
      %scan3A_951 = arith.constant 1 : i32
      scf.for %scan3A_975 = %scan3A_948 to %scan3A_950 step %scan3A_951  : i32 {
        %add3A_976 = vector.broadcast %scan3A_975 : i32 to vector<16xi32>
        %add3A_977 = arith.addi %add3A_976, %iota3A : vector<16xi32>
        %and3A_978 = arith.constant 63 : i32
        %and3A_979 = vector.broadcast %and3A_978 : i32 to vector<16xi32>
        %and3A_980 = arith.andi %add3A_977, %and3A_979 : vector<16xi32>
        %add3A_981 = arith.addi %mul3A_882, %and3A_980 : vector<16xi32>
        %gather3A = arith.constant 0 : i32
        %gather3A_982 = arith.constant 0 : i32
        %gather3A_983 = tpu.memref_slice %arg7[%scan3A_946, %gather3A, %gather3A_982] : memref<4x128x128xf32, #tpu.memory_space<vmem>> -> memref<1x128x128xf32, #tpu.memory_space<vmem>>
        %gather3A_984 = tpu.memref_squeeze %gather3A_983 : memref<1x128x128xf32, #tpu.memory_space<vmem>> -> memref<128x128xf32, #tpu.memory_space<vmem>>
        %gather3A_985 = tpu.vector_load_idx %gather3A_984[%add3A_5, %add3A_981] : memref<128x128xf32, #tpu.memory_space<vmem>>[vector<16xi32>, vector<16xi32>], vector<16xf32>,
        %scatter3A = arith.constant 0 : i32
        %scatter3A_986 = arith.constant 0 : i32
        %scatter3A_987 = tpu.memref_slice %arg8[%scan3A_947, %scatter3A, %scatter3A_986] : memref<4x64x128xf32, #tpu.memory_space<vmem>> -> memref<1x64x128xf32, #tpu.memory_space<vmem>>
        %scatter3A_988 = tpu.memref_squeeze %scatter3A_987 : memref<1x64x128xf32, #tpu.memory_space<vmem>> -> memref<64x128xf32, #tpu.memory_space<vmem>>
        tpu.vector_store_idx %scatter3A_988[%and3A_980, %add3A_5], %gather3A_985 : memref<64x128xf32, #tpu.memory_space<vmem>>[vector<16xi32>, vector<16xi32>], vector<16xf32>,
        %add3A_989 = arith.addi %mul3A_891, %and3A_980 : vector<16xi32>
        %gather3A_990 = arith.constant 0 : i32
        %gather3A_991 = arith.constant 0 : i32
        %gather3A_992 = tpu.memref_slice %arg7[%scan3A_946, %gather3A_990, %gather3A_991] : memref<4x128x128xf32, #tpu.memory_space<vmem>> -> memref<1x128x128xf32, #tpu.memory_space<vmem>>
        %gather3A_993 = tpu.memref_squeeze %gather3A_992 : memref<1x128x128xf32, #tpu.memory_space<vmem>> -> memref<128x128xf32, #tpu.memory_space<vmem>>
        %gather3A_994 = tpu.vector_load_idx %gather3A_993[%add3A_8, %add3A_989] : memref<128x128xf32, #tpu.memory_space<vmem>>[vector<16xi32>, vector<16xi32>], vector<16xf32>,
        %scatter3A_995 = arith.constant 0 : i32
        %scatter3A_996 = arith.constant 0 : i32
        %scatter3A_997 = tpu.memref_slice %arg8[%scan3A_947, %scatter3A_995, %scatter3A_996] : memref<4x64x128xf32, #tpu.memory_space<vmem>> -> memref<1x64x128xf32, #tpu.memory_space<vmem>>
        %scatter3A_998 = tpu.memref_squeeze %scatter3A_997 : memref<1x64x128xf32, #tpu.memory_space<vmem>> -> memref<64x128xf32, #tpu.memory_space<vmem>>
        tpu.vector_store_idx %scatter3A_998[%and3A_980, %add3A_8], %gather3A_994 : memref<64x128xf32, #tpu.memory_space<vmem>>[vector<16xi32>, vector<16xi32>], vector<16xf32>,
        %add3A_999 = arith.addi %mul3A_900, %and3A_980 : vector<16xi32>
        %gather3A_1000 = arith.constant 0 : i32
        %gather3A_1001 = arith.constant 0 : i32
        %gather3A_1002 = tpu.memref_slice %arg7[%scan3A_946, %gather3A_1000, %gather3A_1001] : memref<4x128x128xf32, #tpu.memory_space<vmem>> -> memref<1x128x128xf32, #tpu.memory_space<vmem>>
        %gather3A_1003 = tpu.memref_squeeze %gather3A_1002 : memref<1x128x128xf32, #tpu.memory_space<vmem>> -> memref<128x128xf32, #tpu.memory_space<vmem>>
        %gather3A_1004 = tpu.vector_load_idx %gather3A_1003[%add3A_11, %add3A_999] : memref<128x128xf32, #tpu.memory_space<vmem>>[vector<16xi32>, vector<16xi32>], vector<16xf32>,
        %scatter3A_1005 = arith.constant 0 : i32
        %scatter3A_1006 = arith.constant 0 : i32
        %scatter3A_1007 = tpu.memref_slice %arg8[%scan3A_947, %scatter3A_1005, %scatter3A_1006] : memref<4x64x128xf32, #tpu.memory_space<vmem>> -> memref<1x64x128xf32, #tpu.memory_space<vmem>>
        %scatter3A_1008 = tpu.memref_squeeze %scatter3A_1007 : memref<1x64x128xf32, #tpu.memory_space<vmem>> -> memref<64x128xf32, #tpu.memory_space<vmem>>
        tpu.vector_store_idx %scatter3A_1008[%and3A_980, %add3A_11], %gather3A_1004 : memref<64x128xf32, #tpu.memory_space<vmem>>[vector<16xi32>, vector<16xi32>], vector<16xf32>,
        %add3A_1009 = arith.addi %mul3A_909, %and3A_980 : vector<16xi32>
        %gather3A_1010 = arith.constant 0 : i32
        %gather3A_1011 = arith.constant 0 : i32
        %gather3A_1012 = tpu.memref_slice %arg7[%scan3A_946, %gather3A_1010, %gather3A_1011] : memref<4x128x128xf32, #tpu.memory_space<vmem>> -> memref<1x128x128xf32, #tpu.memory_space<vmem>>
        %gather3A_1013 = tpu.memref_squeeze %gather3A_1012 : memref<1x128x128xf32, #tpu.memory_space<vmem>> -> memref<128x128xf32, #tpu.memory_space<vmem>>
        %gather3A_1014 = tpu.vector_load_idx %gather3A_1013[%add3A_14, %add3A_1009] : memref<128x128xf32, #tpu.memory_space<vmem>>[vector<16xi32>, vector<16xi32>], vector<16xf32>,
        %scatter3A_1015 = arith.constant 0 : i32
        %scatter3A_1016 = arith.constant 0 : i32
        %scatter3A_1017 = tpu.memref_slice %arg8[%scan3A_947, %scatter3A_1015, %scatter3A_1016] : memref<4x64x128xf32, #tpu.memory_space<vmem>> -> memref<1x64x128xf32, #tpu.memory_space<vmem>>
        %scatter3A_1018 = tpu.memref_squeeze %scatter3A_1017 : memref<1x64x128xf32, #tpu.memory_space<vmem>> -> memref<64x128xf32, #tpu.memory_space<vmem>>
        tpu.vector_store_idx %scatter3A_1018[%and3A_980, %add3A_14], %gather3A_1014 : memref<64x128xf32, #tpu.memory_space<vmem>>[vector<16xi32>, vector<16xi32>], vector<16xf32>,
        %add3A_1019 = arith.addi %mul3A_918, %and3A_980 : vector<16xi32>
        %gather3A_1020 = arith.constant 0 : i32
        %gather3A_1021 = arith.constant 0 : i32
        %gather3A_1022 = tpu.memref_slice %arg7[%scan3A_946, %gather3A_1020, %gather3A_1021] : memref<4x128x128xf32, #tpu.memory_space<vmem>> -> memref<1x128x128xf32, #tpu.memory_space<vmem>>
        %gather3A_1023 = tpu.memref_squeeze %gather3A_1022 : memref<1x128x128xf32, #tpu.memory_space<vmem>> -> memref<128x128xf32, #tpu.memory_space<vmem>>
        %gather3A_1024 = tpu.vector_load_idx %gather3A_1023[%add3A_17, %add3A_1019] : memref<128x128xf32, #tpu.memory_space<vmem>>[vector<16xi32>, vector<16xi32>], vector<16xf32>,
        %scatter3A_1025 = arith.constant 0 : i32
        %scatter3A_1026 = arith.constant 0 : i32
        %scatter3A_1027 = tpu.memref_slice %arg8[%scan3A_947, %scatter3A_1025, %scatter3A_1026] : memref<4x64x128xf32, #tpu.memory_space<vmem>> -> memref<1x64x128xf32, #tpu.memory_space<vmem>>
        %scatter3A_1028 = tpu.memref_squeeze %scatter3A_1027 : memref<1x64x128xf32, #tpu.memory_space<vmem>> -> memref<64x128xf32, #tpu.memory_space<vmem>>
        tpu.vector_store_idx %scatter3A_1028[%and3A_980, %add3A_17], %gather3A_1024 : memref<64x128xf32, #tpu.memory_space<vmem>>[vector<16xi32>, vector<16xi32>], vector<16xf32>,
        %add3A_1029 = arith.addi %mul3A_927, %and3A_980 : vector<16xi32>
        %gather3A_1030 = arith.constant 0 : i32
        %gather3A_1031 = arith.constant 0 : i32
        %gather3A_1032 = tpu.memref_slice %arg7[%scan3A_946, %gather3A_1030, %gather3A_1031] : memref<4x128x128xf32, #tpu.memory_space<vmem>> -> memref<1x128x128xf32, #tpu.memory_space<vmem>>
        %gather3A_1033 = tpu.memref_squeeze %gather3A_1032 : memref<1x128x128xf32, #tpu.memory_space<vmem>> -> memref<128x128xf32, #tpu.memory_space<vmem>>
        %gather3A_1034 = tpu.vector_load_idx %gather3A_1033[%add3A_20, %add3A_1029] : memref<128x128xf32, #tpu.memory_space<vmem>>[vector<16xi32>, vector<16xi32>], vector<16xf32>,
        %scatter3A_1035 = arith.constant 0 : i32
        %scatter3A_1036 = arith.constant 0 : i32
        %scatter3A_1037 = tpu.memref_slice %arg8[%scan3A_947, %scatter3A_1035, %scatter3A_1036] : memref<4x64x128xf32, #tpu.memory_space<vmem>> -> memref<1x64x128xf32, #tpu.memory_space<vmem>>
        %scatter3A_1038 = tpu.memref_squeeze %scatter3A_1037 : memref<1x64x128xf32, #tpu.memory_space<vmem>> -> memref<64x128xf32, #tpu.memory_space<vmem>>
        tpu.vector_store_idx %scatter3A_1038[%and3A_980, %add3A_20], %gather3A_1034 : memref<64x128xf32, #tpu.memory_space<vmem>>[vector<16xi32>, vector<16xi32>], vector<16xf32>,
        %add3A_1039 = arith.addi %mul3A_936, %and3A_980 : vector<16xi32>
        %gather3A_1040 = arith.constant 0 : i32
        %gather3A_1041 = arith.constant 0 : i32
        %gather3A_1042 = tpu.memref_slice %arg7[%scan3A_946, %gather3A_1040, %gather3A_1041] : memref<4x128x128xf32, #tpu.memory_space<vmem>> -> memref<1x128x128xf32, #tpu.memory_space<vmem>>
        %gather3A_1043 = tpu.memref_squeeze %gather3A_1042 : memref<1x128x128xf32, #tpu.memory_space<vmem>> -> memref<128x128xf32, #tpu.memory_space<vmem>>
        %gather3A_1044 = tpu.vector_load_idx %gather3A_1043[%add3A_23, %add3A_1039] : memref<128x128xf32, #tpu.memory_space<vmem>>[vector<16xi32>, vector<16xi32>], vector<16xf32>,
        %scatter3A_1045 = arith.constant 0 : i32
        %scatter3A_1046 = arith.constant 0 : i32
        %scatter3A_1047 = tpu.memref_slice %arg8[%scan3A_947, %scatter3A_1045, %scatter3A_1046] : memref<4x64x128xf32, #tpu.memory_space<vmem>> -> memref<1x64x128xf32, #tpu.memory_space<vmem>>
        %scatter3A_1048 = tpu.memref_squeeze %scatter3A_1047 : memref<1x64x128xf32, #tpu.memory_space<vmem>> -> memref<64x128xf32, #tpu.memory_space<vmem>>
        tpu.vector_store_idx %scatter3A_1048[%and3A_980, %add3A_23], %gather3A_1044 : memref<64x128xf32, #tpu.memory_space<vmem>>[vector<16xi32>, vector<16xi32>], vector<16xf32>,
        %add3A_1049 = arith.addi %mul3A_945, %and3A_980 : vector<16xi32>
        %gather3A_1050 = arith.constant 0 : i32
        %gather3A_1051 = arith.constant 0 : i32
        %gather3A_1052 = tpu.memref_slice %arg7[%scan3A_946, %gather3A_1050, %gather3A_1051] : memref<4x128x128xf32, #tpu.memory_space<vmem>> -> memref<1x128x128xf32, #tpu.memory_space<vmem>>
        %gather3A_1053 = tpu.memref_squeeze %gather3A_1052 : memref<1x128x128xf32, #tpu.memory_space<vmem>> -> memref<128x128xf32, #tpu.memory_space<vmem>>
        %gather3A_1054 = tpu.vector_load_idx %gather3A_1053[%add3A_26, %add3A_1049] : memref<128x128xf32, #tpu.memory_space<vmem>>[vector<16xi32>, vector<16xi32>], vector<16xf32>,
        %scatter3A_1055 = arith.constant 0 : i32
        %scatter3A_1056 = arith.constant 0 : i32
        %scatter3A_1057 = tpu.memref_slice %arg8[%scan3A_947, %scatter3A_1055, %scatter3A_1056] : memref<4x64x128xf32, #tpu.memory_space<vmem>> -> memref<1x64x128xf32, #tpu.memory_space<vmem>>
        %scatter3A_1058 = tpu.memref_squeeze %scatter3A_1057 : memref<1x64x128xf32, #tpu.memory_space<vmem>> -> memref<64x128xf32, #tpu.memory_space<vmem>>
        tpu.vector_store_idx %scatter3A_1058[%and3A_980, %add3A_26], %gather3A_1054 : memref<64x128xf32, #tpu.memory_space<vmem>>[vector<16xi32>, vector<16xi32>], vector<16xf32>,
      }
      %scan3A_952 = arith.constant 64 : i32
      %add3A_953 = arith.constant 1 : i32
      %add3A_954 = arith.addi %scan3A_491, %add3A_953 : i32
      %lt3A_955 = arith.constant 50 : i32
      %lt3A_956 = arith.cmpi slt, %add3A_954, %lt3A_955 : i32
      %convert_element_type3A_957 = arith.extui %lt3A_956 : i1 to i32
      %cond3A_958 = arith.constant 0 : i32
      %cond3A_959 = arith.cmpi ne, %convert_element_type3A_957, %cond3A_958 : i32
      scf.if %cond3A_959 {
        %add3A_975 = arith.constant 4 : i32
        %add3A_976 = arith.addi %add3A_856, %add3A_975 : i32
        %get3A_977 = arith.index_cast %add3A_976 : i32 to index
        %get3A_978 = arith.constant 0 : index
        %get3A_979 = tpu.vector_load %arg5[%get3A_977, %get3A_978] {strides = array<i32>} : memref<200x128xi32, #tpu.memory_space<vmem>>, vector<16xi32>,
        %shift_right_arithmetic3A_980 = arith.constant 1 : i32
        %shift_right_arithmetic3A_981 = vector.broadcast %shift_right_arithmetic3A_980 : i32 to vector<16xi32>
        %shift_right_arithmetic3A_982 = arith.shrsi %get3A_979, %shift_right_arithmetic3A_981 : vector<16xi32>
        %swap3A_983 = arith.constant 3 : i32
        %swap3A_984 = arith.index_cast %swap3A_983 : i32 to index
        %swap3A_985 = arith.constant 0 : index
        %swap3A_986 = tpu.vector_load %arg6[%swap3A_984, %swap3A_985] {strides = array<i32>} : memref<4x128xi32, #tpu.memory_space<vmem>>, vector<16xi32>,
        tpu.vector_store %arg6[%swap3A_984, %swap3A_985], %shift_right_arithmetic3A_982 {strides = array<i32>} : memref<4x128xi32, #tpu.memory_space<vmem>>, vector<16xi32>,
        %get3A_987 = arith.index_cast %add3A_976 : i32 to index
        %get3A_988 = arith.constant 16 : index
        %get3A_989 = tpu.vector_load %arg5[%get3A_987, %get3A_988] {strides = array<i32>} : memref<200x128xi32, #tpu.memory_space<vmem>>, vector<16xi32>,
        %shift_right_arithmetic3A_990 = arith.constant 1 : i32
        %shift_right_arithmetic3A_991 = vector.broadcast %shift_right_arithmetic3A_990 : i32 to vector<16xi32>
        %shift_right_arithmetic3A_992 = arith.shrsi %get3A_989, %shift_right_arithmetic3A_991 : vector<16xi32>
        %swap3A_993 = arith.constant 3 : i32
        %swap3A_994 = arith.index_cast %swap3A_993 : i32 to index
        %swap3A_995 = arith.constant 16 : index
        %swap3A_996 = tpu.vector_load %arg6[%swap3A_994, %swap3A_995] {strides = array<i32>} : memref<4x128xi32, #tpu.memory_space<vmem>>, vector<16xi32>,
        tpu.vector_store %arg6[%swap3A_994, %swap3A_995], %shift_right_arithmetic3A_992 {strides = array<i32>} : memref<4x128xi32, #tpu.memory_space<vmem>>, vector<16xi32>,
        %get3A_997 = arith.index_cast %add3A_976 : i32 to index
        %get3A_998 = arith.constant 32 : index
        %get3A_999 = tpu.vector_load %arg5[%get3A_997, %get3A_998] {strides = array<i32>} : memref<200x128xi32, #tpu.memory_space<vmem>>, vector<16xi32>,
        %shift_right_arithmetic3A_1000 = arith.constant 1 : i32
        %shift_right_arithmetic3A_1001 = vector.broadcast %shift_right_arithmetic3A_1000 : i32 to vector<16xi32>
        %shift_right_arithmetic3A_1002 = arith.shrsi %get3A_999, %shift_right_arithmetic3A_1001 : vector<16xi32>
        %swap3A_1003 = arith.constant 3 : i32
        %swap3A_1004 = arith.index_cast %swap3A_1003 : i32 to index
        %swap3A_1005 = arith.constant 32 : index
        %swap3A_1006 = tpu.vector_load %arg6[%swap3A_1004, %swap3A_1005] {strides = array<i32>} : memref<4x128xi32, #tpu.memory_space<vmem>>, vector<16xi32>,
        tpu.vector_store %arg6[%swap3A_1004, %swap3A_1005], %shift_right_arithmetic3A_1002 {strides = array<i32>} : memref<4x128xi32, #tpu.memory_space<vmem>>, vector<16xi32>,
        %get3A_1007 = arith.index_cast %add3A_976 : i32 to index
        %get3A_1008 = arith.constant 48 : index
        %get3A_1009 = tpu.vector_load %arg5[%get3A_1007, %get3A_1008] {strides = array<i32>} : memref<200x128xi32, #tpu.memory_space<vmem>>, vector<16xi32>,
        %shift_right_arithmetic3A_1010 = arith.constant 1 : i32
        %shift_right_arithmetic3A_1011 = vector.broadcast %shift_right_arithmetic3A_1010 : i32 to vector<16xi32>
        %shift_right_arithmetic3A_1012 = arith.shrsi %get3A_1009, %shift_right_arithmetic3A_1011 : vector<16xi32>
        %swap3A_1013 = arith.constant 3 : i32
        %swap3A_1014 = arith.index_cast %swap3A_1013 : i32 to index
        %swap3A_1015 = arith.constant 48 : index
        %swap3A_1016 = tpu.vector_load %arg6[%swap3A_1014, %swap3A_1015] {strides = array<i32>} : memref<4x128xi32, #tpu.memory_space<vmem>>, vector<16xi32>,
        tpu.vector_store %arg6[%swap3A_1014, %swap3A_1015], %shift_right_arithmetic3A_1012 {strides = array<i32>} : memref<4x128xi32, #tpu.memory_space<vmem>>, vector<16xi32>,
        %get3A_1017 = arith.index_cast %add3A_976 : i32 to index
        %get3A_1018 = arith.constant 64 : index
        %get3A_1019 = tpu.vector_load %arg5[%get3A_1017, %get3A_1018] {strides = array<i32>} : memref<200x128xi32, #tpu.memory_space<vmem>>, vector<16xi32>,
        %shift_right_arithmetic3A_1020 = arith.constant 1 : i32
        %shift_right_arithmetic3A_1021 = vector.broadcast %shift_right_arithmetic3A_1020 : i32 to vector<16xi32>
        %shift_right_arithmetic3A_1022 = arith.shrsi %get3A_1019, %shift_right_arithmetic3A_1021 : vector<16xi32>
        %swap3A_1023 = arith.constant 3 : i32
        %swap3A_1024 = arith.index_cast %swap3A_1023 : i32 to index
        %swap3A_1025 = arith.constant 64 : index
        %swap3A_1026 = tpu.vector_load %arg6[%swap3A_1024, %swap3A_1025] {strides = array<i32>} : memref<4x128xi32, #tpu.memory_space<vmem>>, vector<16xi32>,
        tpu.vector_store %arg6[%swap3A_1024, %swap3A_1025], %shift_right_arithmetic3A_1022 {strides = array<i32>} : memref<4x128xi32, #tpu.memory_space<vmem>>, vector<16xi32>,
        %get3A_1027 = arith.index_cast %add3A_976 : i32 to index
        %get3A_1028 = arith.constant 80 : index
        %get3A_1029 = tpu.vector_load %arg5[%get3A_1027, %get3A_1028] {strides = array<i32>} : memref<200x128xi32, #tpu.memory_space<vmem>>, vector<16xi32>,
        %shift_right_arithmetic3A_1030 = arith.constant 1 : i32
        %shift_right_arithmetic3A_1031 = vector.broadcast %shift_right_arithmetic3A_1030 : i32 to vector<16xi32>
        %shift_right_arithmetic3A_1032 = arith.shrsi %get3A_1029, %shift_right_arithmetic3A_1031 : vector<16xi32>
        %swap3A_1033 = arith.constant 3 : i32
        %swap3A_1034 = arith.index_cast %swap3A_1033 : i32 to index
        %swap3A_1035 = arith.constant 80 : index
        %swap3A_1036 = tpu.vector_load %arg6[%swap3A_1034, %swap3A_1035] {strides = array<i32>} : memref<4x128xi32, #tpu.memory_space<vmem>>, vector<16xi32>,
        tpu.vector_store %arg6[%swap3A_1034, %swap3A_1035], %shift_right_arithmetic3A_1032 {strides = array<i32>} : memref<4x128xi32, #tpu.memory_space<vmem>>, vector<16xi32>,
        %get3A_1037 = arith.index_cast %add3A_976 : i32 to index
        %get3A_1038 = arith.constant 96 : index
        %get3A_1039 = tpu.vector_load %arg5[%get3A_1037, %get3A_1038] {strides = array<i32>} : memref<200x128xi32, #tpu.memory_space<vmem>>, vector<16xi32>,
        %shift_right_arithmetic3A_1040 = arith.constant 1 : i32
        %shift_right_arithmetic3A_1041 = vector.broadcast %shift_right_arithmetic3A_1040 : i32 to vector<16xi32>
        %shift_right_arithmetic3A_1042 = arith.shrsi %get3A_1039, %shift_right_arithmetic3A_1041 : vector<16xi32>
        %swap3A_1043 = arith.constant 3 : i32
        %swap3A_1044 = arith.index_cast %swap3A_1043 : i32 to index
        %swap3A_1045 = arith.constant 96 : index
        %swap3A_1046 = tpu.vector_load %arg6[%swap3A_1044, %swap3A_1045] {strides = array<i32>} : memref<4x128xi32, #tpu.memory_space<vmem>>, vector<16xi32>,
        tpu.vector_store %arg6[%swap3A_1044, %swap3A_1045], %shift_right_arithmetic3A_1042 {strides = array<i32>} : memref<4x128xi32, #tpu.memory_space<vmem>>, vector<16xi32>,
        %get3A_1047 = arith.index_cast %add3A_976 : i32 to index
        %get3A_1048 = arith.constant 112 : index
        %get3A_1049 = tpu.vector_load %arg5[%get3A_1047, %get3A_1048] {strides = array<i32>} : memref<200x128xi32, #tpu.memory_space<vmem>>, vector<16xi32>,
        %shift_right_arithmetic3A_1050 = arith.constant 1 : i32
        %shift_right_arithmetic3A_1051 = vector.broadcast %shift_right_arithmetic3A_1050 : i32 to vector<16xi32>
        %shift_right_arithmetic3A_1052 = arith.shrsi %get3A_1049, %shift_right_arithmetic3A_1051 : vector<16xi32>
        %swap3A_1053 = arith.constant 3 : i32
        %swap3A_1054 = arith.index_cast %swap3A_1053 : i32 to index
        %swap3A_1055 = arith.constant 112 : index
        %swap3A_1056 = tpu.vector_load %arg6[%swap3A_1054, %swap3A_1055] {strides = array<i32>} : memref<4x128xi32, #tpu.memory_space<vmem>>, vector<16xi32>,
        tpu.vector_store %arg6[%swap3A_1054, %swap3A_1055], %shift_right_arithmetic3A_1052 {strides = array<i32>} : memref<4x128xi32, #tpu.memory_space<vmem>>, vector<16xi32>,
        %dma_start3A_1057 = arith.constant 3 : i32
        %dma_start3A_1058 = arith.constant 3 : i32
        %dma_start3A_1059 = arith.constant 0 : i32
        %dma_start3A_1060 = arith.constant 0 : i32
        %dma_start3A_1061 = tpu.memref_slice %arg7[%dma_start3A_1058, %dma_start3A_1059, %dma_start3A_1060] : memref<4x128x128xf32, #tpu.memory_space<vmem>> -> memref<1x128x128xf32, #tpu.memory_space<vmem>>
        %dma_start3A_1062 = tpu.memref_squeeze %dma_start3A_1061 : memref<1x128x128xf32, #tpu.memory_space<vmem>> -> memref<128x128xf32, #tpu.memory_space<vmem>>
        %dma_start3A_1063 = arith.constant 0 : i32
        %dma_start3A_1064 = tpu.memref_slice %arg6[%dma_start3A_1057, %dma_start3A_1063] : memref<4x128xi32, #tpu.memory_space<vmem>> -> memref<1x128xi32, #tpu.memory_space<vmem>>
        %dma_start3A_1065 = tpu.memref_squeeze %dma_start3A_1064 : memref<1x128xi32, #tpu.memory_space<vmem>> -> memref<128xi32, #tpu.memory_space<vmem>>
        %dma_start3A_1066 = arith.constant 0 : i32
        %dma_start3A_1067 = arith.constant 0 : i32
        %dma_start3A_1068 = tpu.memref_slice %arg3[%dma_start3A_1066, %dma_start3A_1067] : memref<500000x128xf32, #tpu.memory_space<hbm>> -> memref<500000x128xf32, #tpu.memory_space<hbm>>
        tpu.enqueue_indirect_dma source(%dma_start3A_1068 : memref<500000x128xf32, #tpu.memory_space<hbm>>) target(%dma_start3A_1062 : memref<128x128xf32, #tpu.memory_space<vmem>>) offsets(%dma_start3A_1065 : memref<128xi32, #tpu.memory_space<vmem>>) semaphore(%arg12 : memref<!tpu.dma_semaphore, #tpu.memory_space<semaphore_mem>>)
      } else {
      }
      %dma_start3A_960 = arith.constant 3 : i32
      %dma_start3A_961 = arith.constant 0 : i32
      %dma_start3A_962 = arith.constant 0 : i32
      %dma_start3A_963 = tpu.memref_slice %arg8[%dma_start3A_960, %dma_start3A_961, %dma_start3A_962] : memref<4x64x128xf32, #tpu.memory_space<vmem>> -> memref<1x64x128xf32, #tpu.memory_space<vmem>>
      %dma_start3A_964 = tpu.memref_squeeze %dma_start3A_963 : memref<1x64x128xf32, #tpu.memory_space<vmem>> -> memref<64x128xf32, #tpu.memory_space<vmem>>
      %dma_start3A_965 = arith.constant 0 : i32
      %dma_start3A_966 = tpu.memref_slice %arg4[%add3A_856, %dma_start3A_965, %mul3A_2] : memref<200x64x4096xf32, #tpu.memory_space<hbm>> -> memref<1x64x128xf32, #tpu.memory_space<hbm>>
      %dma_start3A_967 = tpu.memref_squeeze %dma_start3A_966 : memref<1x64x128xf32, #tpu.memory_space<hbm>> -> memref<64x128xf32, #tpu.memory_space<hbm>>
      %dma_start3A_968 = arith.constant 0 : i32
      %dma_start3A_969 = tpu.memref_slice %arg4[%add3A_856, %dma_start3A_968, %mul3A_2] : memref<200x64x4096xf32, #tpu.memory_space<hbm>> -> memref<1x64x128xf32, #tpu.memory_space<hbm>>
      %dma_start3A_970 = tpu.memref_squeeze %dma_start3A_969 : memref<1x64x128xf32, #tpu.memory_space<hbm>> -> memref<64x128xf32, #tpu.memory_space<hbm>>
      %dma_start3A_971 = arith.constant 0 : i32
      %dma_start3A_972 = arith.constant 0 : i32
      %dma_start3A_973 = tpu.memref_slice %arg8[%dma_start3A_960, %dma_start3A_971, %dma_start3A_972] : memref<4x64x128xf32, #tpu.memory_space<vmem>> -> memref<1x64x128xf32, #tpu.memory_space<vmem>>
      %dma_start3A_974 = tpu.memref_squeeze %dma_start3A_973 : memref<1x64x128xf32, #tpu.memory_space<vmem>> -> memref<64x128xf32, #tpu.memory_space<vmem>>
      tpu.enqueue_dma source(%dma_start3A_974 : memref<64x128xf32, #tpu.memory_space<vmem>>) target(%dma_start3A_970 : memref<64x128xf32, #tpu.memory_space<hbm>>) target_semaphore(%arg16 : memref<!tpu.dma_semaphore, #tpu.memory_space<semaphore_mem>>)
    }
    %scan3A_427 = arith.constant 50 : i32
    %dma_wait3A = arith.constant 0 : i32
    %dma_wait3A_428 = arith.constant 0 : i32
    %dma_wait3A_429 = arith.constant 0 : i32
    %dma_wait3A_430 = arith.constant 0 : i32
    %dma_wait3A_431 = tpu.memref_slice %arg8[%dma_wait3A, %dma_wait3A_429, %dma_wait3A_430] : memref<4x64x128xf32, #tpu.memory_space<vmem>> -> memref<1x64x128xf32, #tpu.memory_space<vmem>>
    %dma_wait3A_432 = tpu.memref_squeeze %dma_wait3A_431 : memref<1x64x128xf32, #tpu.memory_space<vmem>> -> memref<64x128xf32, #tpu.memory_space<vmem>>
    %dma_wait3A_433 = arith.constant 0 : i32
    %dma_wait3A_434 = tpu.memref_slice %arg4[%dma_wait3A_428, %dma_wait3A_433, %mul3A_2] : memref<200x64x4096xf32, #tpu.memory_space<hbm>> -> memref<1x64x128xf32, #tpu.memory_space<hbm>>
    %dma_wait3A_435 = tpu.memref_squeeze %dma_wait3A_434 : memref<1x64x128xf32, #tpu.memory_space<hbm>> -> memref<64x128xf32, #tpu.memory_space<hbm>>
    %dma_wait3A_436 = arith.constant 0 : i32
    %dma_wait3A_437 = tpu.memref_slice %arg4[%dma_wait3A_428, %dma_wait3A_436, %mul3A_2] : memref<200x64x4096xf32, #tpu.memory_space<hbm>> -> memref<1x64x128xf32, #tpu.memory_space<hbm>>
    %dma_wait3A_438 = tpu.memref_squeeze %dma_wait3A_437 : memref<1x64x128xf32, #tpu.memory_space<hbm>> -> memref<64x128xf32, #tpu.memory_space<hbm>>
    %dma_wait3A_439 = arith.constant 0 : i32
    %dma_wait3A_440 = arith.constant 0 : i32
    %dma_wait3A_441 = tpu.memref_slice %arg8[%dma_wait3A, %dma_wait3A_439, %dma_wait3A_440] : memref<4x64x128xf32, #tpu.memory_space<vmem>> -> memref<1x64x128xf32, #tpu.memory_space<vmem>>
    %dma_wait3A_442 = tpu.memref_squeeze %dma_wait3A_441 : memref<1x64x128xf32, #tpu.memory_space<vmem>> -> memref<64x128xf32, #tpu.memory_space<vmem>>
    tpu.wait_dma2 semaphore(%arg13 : memref<!tpu.dma_semaphore, #tpu.memory_space<semaphore_mem>>) src(%dma_wait3A_442 : memref<64x128xf32, #tpu.memory_space<vmem>>) dst(%dma_wait3A_438 : memref<64x128xf32, #tpu.memory_space<hbm>>)
    %dma_wait3A_443 = arith.constant 1 : i32
    %dma_wait3A_444 = arith.constant 0 : i32
    %dma_wait3A_445 = arith.constant 0 : i32
    %dma_wait3A_446 = arith.constant 0 : i32
    %dma_wait3A_447 = tpu.memref_slice %arg8[%dma_wait3A_443, %dma_wait3A_445, %dma_wait3A_446] : memref<4x64x128xf32, #tpu.memory_space<vmem>> -> memref<1x64x128xf32, #tpu.memory_space<vmem>>
    %dma_wait3A_448 = tpu.memref_squeeze %dma_wait3A_447 : memref<1x64x128xf32, #tpu.memory_space<vmem>> -> memref<64x128xf32, #tpu.memory_space<vmem>>
    %dma_wait3A_449 = arith.constant 0 : i32
    %dma_wait3A_450 = tpu.memref_slice %arg4[%dma_wait3A_444, %dma_wait3A_449, %mul3A_2] : memref<200x64x4096xf32, #tpu.memory_space<hbm>> -> memref<1x64x128xf32, #tpu.memory_space<hbm>>
    %dma_wait3A_451 = tpu.memref_squeeze %dma_wait3A_450 : memref<1x64x128xf32, #tpu.memory_space<hbm>> -> memref<64x128xf32, #tpu.memory_space<hbm>>
    %dma_wait3A_452 = arith.constant 0 : i32
    %dma_wait3A_453 = tpu.memref_slice %arg4[%dma_wait3A_444, %dma_wait3A_452, %mul3A_2] : memref<200x64x4096xf32, #tpu.memory_space<hbm>> -> memref<1x64x128xf32, #tpu.memory_space<hbm>>
    %dma_wait3A_454 = tpu.memref_squeeze %dma_wait3A_453 : memref<1x64x128xf32, #tpu.memory_space<hbm>> -> memref<64x128xf32, #tpu.memory_space<hbm>>
    %dma_wait3A_455 = arith.constant 0 : i32
    %dma_wait3A_456 = arith.constant 0 : i32
    %dma_wait3A_457 = tpu.memref_slice %arg8[%dma_wait3A_443, %dma_wait3A_455, %dma_wait3A_456] : memref<4x64x128xf32, #tpu.memory_space<vmem>> -> memref<1x64x128xf32, #tpu.memory_space<vmem>>
    %dma_wait3A_458 = tpu.memref_squeeze %dma_wait3A_457 : memref<1x64x128xf32, #tpu.memory_space<vmem>> -> memref<64x128xf32, #tpu.memory_space<vmem>>
    tpu.wait_dma2 semaphore(%arg14 : memref<!tpu.dma_semaphore, #tpu.memory_space<semaphore_mem>>) src(%dma_wait3A_458 : memref<64x128xf32, #tpu.memory_space<vmem>>) dst(%dma_wait3A_454 : memref<64x128xf32, #tpu.memory_space<hbm>>)
    %dma_wait3A_459 = arith.constant 2 : i32
    %dma_wait3A_460 = arith.constant 0 : i32
    %dma_wait3A_461 = arith.constant 0 : i32
    %dma_wait3A_462 = arith.constant 0 : i32
    %dma_wait3A_463 = tpu.memref_slice %arg8[%dma_wait3A_459, %dma_wait3A_461, %dma_wait3A_462] : memref<4x64x128xf32, #tpu.memory_space<vmem>> -> memref<1x64x128xf32, #tpu.memory_space<vmem>>
    %dma_wait3A_464 = tpu.memref_squeeze %dma_wait3A_463 : memref<1x64x128xf32, #tpu.memory_space<vmem>> -> memref<64x128xf32, #tpu.memory_space<vmem>>
    %dma_wait3A_465 = arith.constant 0 : i32
    %dma_wait3A_466 = tpu.memref_slice %arg4[%dma_wait3A_460, %dma_wait3A_465, %mul3A_2] : memref<200x64x4096xf32, #tpu.memory_space<hbm>> -> memref<1x64x128xf32, #tpu.memory_space<hbm>>
    %dma_wait3A_467 = tpu.memref_squeeze %dma_wait3A_466 : memref<1x64x128xf32, #tpu.memory_space<hbm>> -> memref<64x128xf32, #tpu.memory_space<hbm>>
    %dma_wait3A_468 = arith.constant 0 : i32
    %dma_wait3A_469 = tpu.memref_slice %arg4[%dma_wait3A_460, %dma_wait3A_468, %mul3A_2] : memref<200x64x4096xf32, #tpu.memory_space<hbm>> -> memref<1x64x128xf32, #tpu.memory_space<hbm>>
    %dma_wait3A_470 = tpu.memref_squeeze %dma_wait3A_469 : memref<1x64x128xf32, #tpu.memory_space<hbm>> -> memref<64x128xf32, #tpu.memory_space<hbm>>
    %dma_wait3A_471 = arith.constant 0 : i32
    %dma_wait3A_472 = arith.constant 0 : i32
    %dma_wait3A_473 = tpu.memref_slice %arg8[%dma_wait3A_459, %dma_wait3A_471, %dma_wait3A_472] : memref<4x64x128xf32, #tpu.memory_space<vmem>> -> memref<1x64x128xf32, #tpu.memory_space<vmem>>
    %dma_wait3A_474 = tpu.memref_squeeze %dma_wait3A_473 : memref<1x64x128xf32, #tpu.memory_space<vmem>> -> memref<64x128xf32, #tpu.memory_space<vmem>>
    tpu.wait_dma2 semaphore(%arg15 : memref<!tpu.dma_semaphore, #tpu.memory_space<semaphore_mem>>) src(%dma_wait3A_474 : memref<64x128xf32, #tpu.memory_space<vmem>>) dst(%dma_wait3A_470 : memref<64x128xf32, #tpu.memory_space<hbm>>)
    %dma_wait3A_475 = arith.constant 3 : i32
    %dma_wait3A_476 = arith.constant 0 : i32
    %dma_wait3A_477 = arith.constant 0 : i32
    %dma_wait3A_478 = arith.constant 0 : i32
    %dma_wait3A_479 = tpu.memref_slice %arg8[%dma_wait3A_475, %dma_wait3A_477, %dma_wait3A_478] : memref<4x64x128xf32, #tpu.memory_space<vmem>> -> memref<1x64x128xf32, #tpu.memory_space<vmem>>
    %dma_wait3A_480 = tpu.memref_squeeze %dma_wait3A_479 : memref<1x64x128xf32, #tpu.memory_space<vmem>> -> memref<64x128xf32, #tpu.memory_space<vmem>>
    %dma_wait3A_481 = arith.constant 0 : i32
    %dma_wait3A_482 = tpu.memref_slice %arg4[%dma_wait3A_476, %dma_wait3A_481, %mul3A_2] : memref<200x64x4096xf32, #tpu.memory_space<hbm>> -> memref<1x64x128xf32, #tpu.memory_space<hbm>>
    %dma_wait3A_483 = tpu.memref_squeeze %dma_wait3A_482 : memref<1x64x128xf32, #tpu.memory_space<hbm>> -> memref<64x128xf32, #tpu.memory_space<hbm>>
    %dma_wait3A_484 = arith.constant 0 : i32
    %dma_wait3A_485 = tpu.memref_slice %arg4[%dma_wait3A_476, %dma_wait3A_484, %mul3A_2] : memref<200x64x4096xf32, #tpu.memory_space<hbm>> -> memref<1x64x128xf32, #tpu.memory_space<hbm>>
    %dma_wait3A_486 = tpu.memref_squeeze %dma_wait3A_485 : memref<1x64x128xf32, #tpu.memory_space<hbm>> -> memref<64x128xf32, #tpu.memory_space<hbm>>
    %dma_wait3A_487 = arith.constant 0 : i32
    %dma_wait3A_488 = arith.constant 0 : i32
    %dma_wait3A_489 = tpu.memref_slice %arg8[%dma_wait3A_475, %dma_wait3A_487, %dma_wait3A_488] : memref<4x64x128xf32, #tpu.memory_space<vmem>> -> memref<1x64x128xf32, #tpu.memory_space<vmem>>
    %dma_wait3A_490 = tpu.memref_squeeze %dma_wait3A_489 : memref<1x64x128xf32, #tpu.memory_space<vmem>> -> memref<64x128xf32, #tpu.memory_space<vmem>>
    tpu.wait_dma2 semaphore(%arg16 : memref<!tpu.dma_semaphore, #tpu.memory_space<semaphore_mem>>) src(%dma_wait3A_490 : memref<64x128xf32, #tpu.memory_space<vmem>>) dst(%dma_wait3A_486 : memref<64x128xf32, #tpu.memory_space<hbm>>)
    return
  }
}

</mosaic_0001>

<sc_bundles>
// kernel: kernel.4.cloned.1.call-start
scs
__scs_entry_jumppad:
0x0: {  	(pc) =	sbr.rel $0x88, $3  }
0x1: {  	(tag) =	ssettag $0x0;
	lr =	simm.s32 $0x1  }
0x2: {  	[smem:$0x3F9F] =	sst lr;
	_ =	strace $0xD0000000  }
0x3: {  	_ = 	snop  }
0x4: {  	_ = 	snop  }
0x5: {  	_ = 	snop  }
0x6: {  	_ = 	snop  }
0x7: {  	_ = 	snop  }
__scs_overlays_trampoline_lowered:
0x8: {  	[smem:$0x3FAE] =	sst s0  }
0x9: {  	[smem:$0x3FAF] =	sst s1  }
0xa: {  	[smem:$0x3FB0] =	sst s2  }
0xb: {  	[smem:$0x3FB1] =	sst s3  }
0xc: {  	[smem:$0x3FB2] =	sst s4  }
0xd: {  	[smem:$0x3FB3] =	sst s5  }
0xe: {  	[smem:$0x3FB4] =	sst s6  }
0xf: {  	[smem:$0x3FB5] =	sst s7  }
0x10: {  	[smem:$0x3FB6] =	sst s8  }
0x11: {  	[smem:$0x3FB7] =	sst s9;
	s0 =	simm.s32 @!p0 $0x0  }
0x12: {  	s1 =	sld [smem:$0x3F9D];
	s0 =	simm.s32 @p0 $0x1  }
0x13: {  	[smem:$0x3FB8] =	sst s0;
	s0 =	simm.s32 @!p1 $0x0  }
0x14: {  	s2 =	sld [smem:$0x3F9C];
	s0 =	simm.s32 @p1 $0x1  }
0x15: {  	[smem:$0x3FB9] =	sst s0;
	s0 =	simm.s32 @!p2 $0x0  }
0x16: {  	s3 =	sld [smem:$0x3FDB];
	s0 =	simm.s32 @p2 $0x1  }
0x17: {  	s4 =	simm.s32 $0x1BF5;
	[smem:$0x3FBB] =	sst s0  }
0x18: {  	s0 =	sld [smem:$0x3F9E];
	_ =	swait.ge [sflag:s4], $0x0  }
0x19: {  	s7 =	sld [smem:$0x3F9F]  }
0x1a: {  	s8 =	sadd.s32 $0xFFFFE003, lr  }
0x1b: {  	s9 =	sadd.s32 $0xFFFFFEF7, lr;
	s5 =	simm.s32 $0xFFFFFFFF;
	p2 =	slt.u32 s8, $0xFFFFF086  }
0x1c: {  	p1 =	slt.u32 s9, $0xF7A;
	s5 =	simm.s32 @!p2 $0x0  }
0x1d: {  	s5 =	simm.s32 @p1 $0x1;
	p0 =	seq.s32 s7, s2  }
0x1e: {  	s7 =	smul.u32 @!p0 $0xF7A, s2;
	p2 =	seq.s32 @!p0 s5, $0x0  }
0x1f: {  	s9 =	smul.u32 $0xF7A, s1;
	s8 =	simm.s32 @!p0 $0x1BF5;
	p2 =	por !p2, p0  }
0x20: {  	[sflag:s8] =	ssyncset.s32 @!p0 $0xFFFFF086;
	s6 =	sadd.s32 @!p0 s3, s7;
	s7 =	simm.s32 @!p0 $0x108  }
0x21: {  	s3 =	sadd.s32 s3, s9;
	s6 =	sadd.s32 @!p0 $0x88, s6;
	s7 =	simm.s32 @p2 $0x1082  }
0x22: {  	[simem:s7], [sflag:s8] =	dma.local @!p0 [hbm:s6], $0xF7A  }
0x23: {  	s9 =	sor.u32 $0xD0000000, s2;
	s6 =	simm.s32 $0x108;
	_ =	swait.ge @!p0 [sflag:s8], $0x0  }
0x24: {  	s3 =	sadd.s32 $0x88, s3;
	s6 =	simm.s32 @!p1 $0x1082;
	[sflag:s4] =	ssyncset.s32 $0xFFFFF086  }
0x25: {  	[simem:s6], [sflag:s4] =	dma.local [hbm:s3], $0xF7A  }
0x26: {  	[smem:$0x3F9F] =	sst s1;
	(tag) =	ssettag s2;
	_ =	strace s9  }
0x27: {  	s1 =	sld [smem:$0x3FAF]  }
0x28: {  	s2 =	sld [smem:$0x3FB0]  }
0x29: {  	s4 =	sld [smem:$0x3FB2]  }
0x2a: {  	p0 =	seq.s32 s5, $0x0;
	s5 =	sld [smem:$0x3FB3]  }
0x2b: {  	s6 =	sld [smem:$0x3FB4]  }
0x2c: {  	s7 =	sld [smem:$0x3FB5]  }
0x2d: {  	s3 =	simm.s32 $0x108;
	s8 =	sld [smem:$0x3FB6]  }
0x2e: {  	s3 =	simm.s32 @!p0 $0x1082;
	s9 =	sld [smem:$0x3FB7]  }
0x2f: {  	lr =	sadd.s32 s0, s3;
	s0 =	sld [smem:$0x3FAE]  }
0x30: {  	s3 =	sld [smem:$0x3FB1]  }
0x31: {  	[smem:$0x3FBA] =	sst s10  }
0x32: {  	s10 =	sld [smem:$0x3FB8];
	_ =	sdelay $0x3  }
0x33: {  	p0 =	seq.s32 s10, $0x1;
	s10 =	sld [smem:$0x3FBA];
	_ =	sdelay $0x3  }
0x34: {  	[smem:$0x3FBA] =	sst s10  }
0x35: {  	s10 =	sld [smem:$0x3FB9];
	_ =	sdelay $0x3  }
0x36: {  	p1 =	seq.s32 s10, $0x1;
	s10 =	sld [smem:$0x3FBA];
	_ =	sdelay $0x3  }
0x37: {  	[smem:$0x3FBA] =	sst s10  }
0x38: {  	s10 =	sld [smem:$0x3FBB]  }
0x39: {  	_ = 	snop;
	(pc) =	sbr.ind lr, $3  }
0x3a: {  	_ = 	snop  }
0x3b: {  	_ = 	snop  }
0x3c: {  	p2 =	seq.s32 s10, $0x1;
	s10 =	sld [smem:$0x3FBA]  }
0x3d: {  	_ =	shalt  }
0x3e: {  	_ =	shalt  }
0x3f: {  	_ =	shalt  }
0x40: {  	_ =	shalt  }
0x41: {  	_ =	shalt  }
0x42: {  	_ =	shalt  }
0x43: {  	_ =	shalt  }
0x44: {  	_ =	shalt  }
0x45: {  	_ =	shalt  }
0x46: {  	_ =	shalt  }
0x47: {  	_ =	shalt  }
0x48: {  	_ =	shalt  }
0x49: {  	_ =	shalt  }
0x4a: {  	_ =	shalt  }
0x4b: {  	_ =	shalt  }
0x4c: {  	_ =	shalt  }
0x4d: {  	_ =	shalt  }
0x4e: {  	_ =	shalt  }
0x4f: {  	_ =	shalt  }
0x50: {  	_ =	shalt  }
0x51: {  	_ =	shalt  }
0x52: {  	_ =	shalt  }
0x53: {  	_ =	shalt  }
0x54: {  	_ =	shalt  }
0x55: {  	_ =	shalt  }
0x56: {  	_ =	shalt  }
0x57: {  	_ =	shalt  }
0x58: {  	_ =	shalt  }
0x59: {  	_ =	shalt  }
0x5a: {  	_ =	shalt  }
0x5b: {  	_ =	shalt  }
0x5c: {  	_ =	shalt  }
0x5d: {  	_ =	shalt  }
0x5e: {  	_ =	shalt  }
0x5f: {  	_ =	shalt  }
0x60: {  	_ =	shalt  }
0x61: {  	_ =	shalt  }
0x62: {  	_ =	shalt  }
0x63: {  	_ =	shalt  }
0x64: {  	_ =	shalt  }
0x65: {  	_ =	shalt  }
0x66: {  	_ =	shalt  }
0x67: {  	_ =	shalt  }
0x68: {  	_ =	shalt  }
0x69: {  	_ =	shalt  }
0x6a: {  	_ =	shalt  }
0x6b: {  	_ =	shalt  }
0x6c: {  	_ =	shalt  }
0x6d: {  	_ =	shalt  }
0x6e: {  	_ =	shalt  }
0x6f: {  	_ =	shalt  }
0x70: {  	_ =	shalt  }
0x71: {  	_ =	shalt  }
0x72: {  	_ =	shalt  }
0x73: {  	_ =	shalt  }
0x74: {  	_ =	shalt  }
0x75: {  	_ =	shalt  }
0x76: {  	_ =	shalt  }
0x77: {  	_ =	shalt  }
0x78: {  	_ =	shalt  }
0x79: {  	_ =	shalt  }
0x7a: {  	_ =	shalt  }
0x7b: {  	_ =	shalt  }
0x7c: {  	_ =	shalt  }
0x7d: {  	_ =	shalt  }
0x7e: {  	_ =	shalt  }
0x7f: {  	_ =	shalt  }
0x80: {  	_ =	shalt  }
0x81: {  	_ =	shalt  }
0x82: {  	_ =	shalt  }
0x83: {  	_ =	shalt  }
0x84: {  	_ =	shalt  }
0x85: {  	_ =	shalt  }
0x86: {  	_ =	shalt  }
0x87: {  	_ =	shalt  }
.Lfunc_end0:
.L_simem_size_0:
called_computation_lowered:
.L_overlay_start_0:
0x88: {  	s2 =	sld [smem:$0x3FD9]  }
0x89: {  	s3 =	sld [smem:$0x3FFE];
	_ =	sdelay $0x1  }
0x8a: {  	s1 =	srdreg.scid  }
0x8b: {  	s0 =	sand.u32 $0x1, s1  }
0x8c: {  	s17 =	sshll.u32 s0, $0xA;
	s2 =	sadd.s32 s3, s2  }
0x8d: {  	s2 =	sadd.s32 s2, s17  }
0x8e: {  	[smem:$0x3FC6] =	sst s2  }
0x8f: {  	_ = 	snop  }
0x90: {  	s2 =	sld [smem:$0x3FC8];
	(tm) =	ssettm $0x1  }
0x91: {  	s18 =	sld [smem:$0x3FFB];
	_ =	sdelay $0x3  }
0x92: {  	_ =	strace s18  }
0x93: {  	s3 =	sld [smem:$0x3FFC];
	_ =	sdelay $0x3  }
0x94: {  	_ =	strace s3  }
0x95: {  	s3 =	sld [smem:$0x3FFD];
	_ =	sdelay $0x3  }
0x96: {  	_ =	strace s3  }
0x97: {  	_ =	strace $0x8FFFFFFF  }
0x98: {  	s19 =	sld [smem:$0x3FDB];
	_ =	sdelay $0x1  }
0x99: {  	s4 =	simm.s32 $_scs_section_size  }
0x9a: {  	s5 =	simm.s32 $_size__tile_overlayer_lowered;
	s6 =	simm.s32 $_tile_overlayer_lowered  }
0x9b: {  	s22 =	simm.s32 $0x1BFF;
	s21 =	sshll.u32 s6, $0x1;
	s3 =	sadd.s32 s4, s19  }
0x9c: {  	s7 =	simm.s32 $0x0;
	s20 =	sshll.u32 s5, $0x1;
	s5 =	sadd.s32 s21, s3  }
0x9d: {  	[timem:s7], [sflag:s22] =	dma.local [hbm:s5], s20  }
0x9e: {  	_ =	swait.ge [sflag:s22], s20  }
0x9f: {  	s4 =	ssub.s32 $0x0, s20;
	[sflag:s22] =	ssyncset.done $0x0  }
0xa0: {  	[sflag:s22] =	ssyncadd.s32 s4;
	_ =	sdelay $0x1  }
0xa1: {  	s23 =	simm.s32 $0x1B8B  }
0xa2: {  	_ =	swait.ge [sflag:s23], $0x1  }
0xa3: {  	[sflag:s23] =	ssyncset.done $0x0  }
0xa4: {  	s25 =	simm.s32 $0x1B8E;
	s24 =	sld [smem:$0x3FFE];
	[sflag:s23] =	ssyncadd.s32 $0xFFFFFFFF  }
0xa5: {  	s26 =	simm.s32 $execute0_lowered;
	[smem:$0x3FD2] =	sst s25  }
0xa6: {  	s5 =	sshll.u32 s26, $0x1;
	_ =	strace $0x80000046;
	[dreg:$0x1] =	wrdreg $0xFFFFFFFF  }
0xa7: {  	s28 =	simm.s32 $_size_execute0_lowered;
	s3 =	sadd.s32 s3, s5;
	[dreg:$0x0] =	wrdreg $0x0  }
0xa8: {  	s5 =	sshll.u32 s28, $0x1;
	[dreg:$0x2] =	wrdreg s3  }
0xa9: {  	[dreg:$0x3] =	wrdreg s5  }
0xaa: {  	[dreg:$0x4] =	wrdreg $0xC0  }
0xab: {  	_ =	task [dreg:s7], $0x5FFFF  }
0xac: {  	[dreg:$0x1] =	wrdreg $0xFFFFFFFF  }
0xad: {  	[dreg:$0x0] =	wrdreg $0x60  }
0xae: {  	[dreg:$0x2] =	wrdreg s2  }
0xaf: {  	[dreg:$0x3] =	wrdreg s24  }
0xb0: {  	[dreg:$0x4] =	wrdreg $0x9  }
0xb1: {  	_ =	task.clear_ibuf [dreg:s7], $0x5FFFF;
	_ =	strace $0x90000046  }
0xb2: {  	s29 =	simm.s32 $0x9;
	_ =	strace $0x80000048  }
0xb3: {  	_ =	swait.ge [sflag:s29], $0x1  }
0xb4: {  	[sflag:s29] =	ssyncadd.s32 $0xFFFFFFFF  }
0xb5: {  	_ =	strace $0x90000048  }
0xb6: {  	_ =	sfence  }
0xb7: {  	s30 =	sld [smem:$0x0];
	_ =	sdelay $0x2  }
0xb8: {  	s31 =	sshll.u32 s1, $0xD;
	s1 =	sshrl.u32 s1, $0x2  }
0xb9: {  	s3 =	sand.u32 $0x4000, s31;
	s1 =	sadd.s32 s1, s30  }
0xba: {  	s0 =	sor.u32 s3, s0;
	s1 =	sshll.u32 s1, $0x11  }
0xbb: {  	s0 =	sor.u32 s1, s0  }
0xbc: {  	s0 =	sadd.s32 $0x8F2B, s0  }
0xbd: {  	[sflag:s0] =	ssyncadd.remote.s32 $0x1  }
0xbe: {  	_ =	sfence.sel $0xFFFF  }
0xbf: {  	[dreg:$0x0] =	wrdreg $0xFFFFFFFF;
	(pc) =	sbr.abs _section_cstart, $3  }
0xc0: {  	[dreg:$0x1] =	wrdreg $0xFFFFFFFF  }
0xc1: {  	_ =	task.clear_ibuf [dreg:s7], $0x2FFFF;
	_ =	strace $0x9FFFFFFF  }
0xc2: {  	(tm) =	ssettm $0x7FFFFFFF  }
0xc3: {  	_ =	shalt  }
tec
execute0_lowered:
.L_overlay_start_1:
0x0: {  	(tag) =	ssettag $0x1  }
0x1: {  	s2 =	rddreg [dreg:$0x0]  }
0x2: {  	s0 =	rddreg [dreg:$0x1];
	s1 =	srdreg.scid  }
0x3: {  	s4 =	stileid.u32;
	s3 =	simm.s32 $0x0;
	s17 =	simm.s32 $0x400  }
0x4: {  	s18 =	simm.s32 $0x7A1400;
	s19 =	simm.s32 $0x2000;
	s20 =	simm.s32 $0x4000  }
0x5: {  	s21 =	simm.s32 $0x6000;
	s22 =	simm.s32 $0x1;
	s23 =	simm.s32 $0x8000  }
0x6: {  	s28 =	simm.s32 $0xC000;
	s29 =	simm.s32 $0x4;
	s30 =	simm.s32 $0xE000  }
0x7: {  	s15 =	simm.s32 $0x10000;
	s8 =	simm.s32 $0x12000;
	s9 =	simm.s32 $0x0  }
0x8: {  	s1 =	sand.u32 $0x1, s1;
	s4 =	sshll.u32 s4, $0x1;
	[smem:$0x7FF] =	sst s3  }
0x9: {  	s5 =	sadd.s32 $0x800, s0;
	s26 =	sadd.s32 $0xF4200, s2;
	s0 =	sadd.s32 $0x7A1800, s0  }
0xa: {  	s4 =	sor.u32 s1, s4;
	_ =	strace $0x80000047;
	[dreg:$0x7] =	wrdreg s26  }
0xb: {  	s1 =	ssub.s32 $0x2, s1;
	[dreg:$0x8] =	wrdreg s0;
	s26 =	simm.s32 $0x3  }
0xc: {  	s6 =	sshll.u32 s4, $0x7;
	s7 =	sshrl.u32 s1, $0x1;
	s10 =	sor.u32 $0x80, s4  }
0xd: {  	v0 =	vlaneseq.u32;
	s11 =	sor.u32 $0xA0, s4;
	s12 =	sor.u32 $0xC0, s4;
	s6 =	sadd.s32 s2, s6  }
.Ltmp0:
0xe: {  	v1 =	vmul.u32 $0x80, v0;
	v3 =	vor.u32 $0x10, v0;
	v5 =	vor.u32 $0x20, v0;
	s24 =	sadd.s32 $0x1000, s6;
	[dreg:$0x3] =	wrdreg s6;
	(pc) =	sbr.rel .LBB2_1-.Ltmp0, $4  }
0xf: {  	v7 =	vor.u32 $0x30, v0;
	v9 =	vor.u32 $0x40, v0;
	v11 =	vor.u32 $0x50, v0;
	s13 =	sor.u32 $0xE0, s4;
	s25 =	sadd.s32 $0x2000, s6;
	[dreg:$0x4] =	wrdreg s24  }
0x10: {  	v13 =	vor.u32 $0x60, v0;
	v15 =	vor.u32 $0x70, v0;
	v2 =	vor.u32 $0x800, v1;
	s1 =	ssub.s32 s1, s7;
	s6 =	sadd.s32 $0x3000, s6;
	[dreg:$0x5] =	wrdreg s25  }
0x11: {  	p0 =	sne.s32 s4, $0x0;
	v4 =	vor.u32 $0x1000, v1;
	v6 =	vor.u32 $0x1800, v1;
	v8 =	vor.u32 $0x1, v1;
	s31 =	smax.u32 s1, $0x1;
	[dreg:$0x6] =	wrdreg s6  }
0x12: {  	v10 =	vor.u32 $0x801, v1;
	v12 =	vor.u32 $0x1001, v1;
	v14 =	vor.u32 $0x1801, v1;
	[dreg:$0x9] =	wrdreg s31;
	s24 =	simm.s32 $0x2;
	s25 =	simm.s32 $0xA000  }
.LBB2_19:
0x13: {  	s0 =	simm.s32 $0x5  }
0x14: {  	_ =	swait.ge [sflag:s0], $0x2000  }
0x15: {  	[sflag:s0] =	ssyncset.done $0x0  }
0x16: {  	s14 =	simm.s32 $0x6;
	[sflag:s0] =	ssyncadd.s32 $0xFFFFE000  }
0x17: {  	_ =	swait.ge [sflag:s14], $0x2000  }
0x18: {  	[sflag:s14] =	ssyncset.done $0x0  }
0x19: {  	s16 =	simm.s32 $0x7;
	[sflag:s14] =	ssyncadd.s32 $0xFFFFE000  }
0x1a: {  	_ =	swait.ge [sflag:s16], $0x2000  }
.Ltmp1:
0x1b: {  	[sflag:s16] =	ssyncset.done $0x0;
	(pc) =	sbr.rel @!p0 .LBB2_20-.Ltmp1, $4  }
0x1c: {  	s31 =	simm.s32 $0x8;
	[sflag:s16] =	ssyncadd.s32 $0xFFFFE000  }
0x1d: {  	_ =	swait.ge [sflag:s31], $0x2000  }
0x1e: {  	[sflag:s31] =	ssyncset.done $0x0  }
0x1f: {  	[sflag:s31] =	ssyncadd.s32 $0xFFFFE000  }
.LBB2_23:
0x20: {  	s9 =	sadd.s32 $0x1, s9;
	s0 =	rddreg [dreg:$0x9]  }
0x21: {  	p1 =	sne.s32 s9, s0  }
.Ltmp2:
0x22: {  	_ = 	snop;
	(pc) =	sbr.rel @!p1 .LBB2_24-.Ltmp2, $1  }
0x23: {  	_ =	sdelay $0x3  }
.LBB2_1:
0x24: {  	s0 =	rddreg [dreg:$0x3]  }
0x25: {  	[tilespmem:s3], [sflag:$0x1] =	stream.strided.gather [hbm4b:s0+s17], $0x2000, s18, s17, $0x38;
	[tilespmem:$0x13000] =	vst v63  }
0x26: {  	s14 =	rddreg [dreg:$0x4]  }
0x27: {  	[tilespmem:s19], [sflag:$0x2] =	stream.strided.gather [hbm4b:s14+s17], $0x2000, s18, s17, $0x38;
	[tilespmem:$0x13000] =	vst v63  }
.Ltmp3:
0x28: {  	_ = 	snop;
	(pc) =	sbr.rel .LBB2_2-.Ltmp3, $4  }
0x29: {  	s16 =	rddreg [dreg:$0x5]  }
0x2a: {  	[tilespmem:s20], [sflag:$0x3] =	stream.strided.gather [hbm4b:s16+s17], $0x2000, s18, s17, $0x38;
	[tilespmem:$0x13000] =	vst v63  }
0x2b: {  	s31 =	rddreg [dreg:$0x6];
	s16 =	simm.s32 $0x0  }
0x2c: {  	[tilespmem:s21], [sflag:$0x4] =	stream.strided.gather [hbm4b:s31+s17], $0x2000, s18, s17, $0x38;
	[tilespmem:$0x13000] =	vst v63  }
.LBB2_18:
0x2d: {  	s0 =	sadd.s32 s13, s6  }
0x2e: {  	p1 =	sgt.u32 s0, $0x1E83  }
0x2f: {  	s16 =	sadd.s32 $0x1, s16;
	s0 =	sshll.u32 @!p1 s0, $0x7;
	s1 =	simm.s32 @!p1 $0x400  }
0x30: {  	s6 =	simm.s32 @!p1 $0x7A1400;
	s7 =	simm.s32 @!p1 $0x6000;
	s0 =	sadd.s32 @!p1 s2, s0  }
0x31: {  	[tilespmem:s7], [sflag:$0x4] =	stream.strided.gather @!p1 [hbm4b:s0+s1], $0x2000, s6, s1, $0x38;
	[tilespmem:$0x13000] =	vst v63  }
0x32: {  	p1 =	sne.s32 s16, $0x3E  }
.Ltmp4:
0x33: {  	_ = 	snop;
	(pc) =	sbr.rel @!p1 .LBB2_19-.Ltmp4, $1  }
0x34: {  	_ =	sdelay $0x3  }
.LBB2_2:
0x35: {  	s6 =	sshll.u32 s16, $0x7  }
0x36: {  	s7 =	sor.u32 s4, s6  }
0x37: {  	p2 =	sgt.u32 s7, $0x1E83  }
.Ltmp5:
0x38: {  	_ = 	snop;
	(pc) =	sbr.rel @p2 .LBB2_6-.Ltmp5, $2  }
0x39: {  	_ =	sdelay $0x2  }
0x3a: {  	p1 =	seq.s32 s16, $0x0  }
0x3b: {  	s0 =	simm.s32 $0x0  }
0x3c: {  	v16 =	vadd.s32 s0, v0  }
0x3d: {  	s0 =	simm.s32 @!p1 $0x5;
	v16 =	vand.u32 $0x3F, v16  }
0x3e: {  	_ =	swait.ge @!p1 [sflag:s0], $0x2000;
	v17 =	vshll.u32 v16, $0x1  }
0x3f: {  	[sflag:s0] =	ssyncset.done @!p1 $0x0;
	v18 =	vor.u32 v1, v17  }
0x40: {  	[sflag:s0] =	ssyncadd.s32 @!p1 $0xFFFFE000  }
0x41: {  	_ =	swait.ge [sflag:s22], $0x2000  }
0x42: {  	[sflag:s22] =	ssyncset.done $0x0  }
0x43: {  	v16 =	vshll.u32 v16, $0x7;
	[sflag:s22] =	ssyncadd.s32 $0xFFFFE000  }
0x44: {  	v19 =	vor.u32 v0, v16;
	v18 =	vld.idx.msk [tilespmem:v18+s3+$0x0], $0xffff  }
0x45: {  	v20 =	vor.u32 v2, v17;
	_ =	sdelay $0x3  }
0x46: {  	[tilespmem:v19+s23+$0x0] =	vst.idx.msk $0xffff, v18  }
0x47: {  	v19 =	vor.u32 v3, v16;
	v18 =	vld.idx.msk [tilespmem:v20+s3+$0x0], $0xffff  }
0x48: {  	v20 =	vor.u32 v4, v17;
	_ =	sdelay $0x3  }
0x49: {  	[tilespmem:v19+s23+$0x0] =	vst.idx.msk $0xffff, v18  }
0x4a: {  	v19 =	vor.u32 v5, v16;
	v18 =	vld.idx.msk [tilespmem:v20+s3+$0x0], $0xffff  }
0x4b: {  	v20 =	vor.u32 v6, v17;
	_ =	sdelay $0x3  }
0x4c: {  	[tilespmem:v19+s23+$0x0] =	vst.idx.msk $0xffff, v18  }
0x4d: {  	v19 =	vor.u32 v7, v16;
	v18 =	vld.idx.msk [tilespmem:v20+s3+$0x0], $0xffff  }
0x4e: {  	v20 =	vor.u32 v8, v17;
	_ =	sdelay $0x3  }
0x4f: {  	[tilespmem:v19+s23+$0x0] =	vst.idx.msk $0xffff, v18  }
0x50: {  	v19 =	vor.u32 v9, v16;
	v18 =	vld.idx.msk [tilespmem:v20+s3+$0x0], $0xffff  }
0x51: {  	v20 =	vor.u32 v10, v17;
	_ =	sdelay $0x3  }
0x52: {  	[tilespmem:v19+s23+$0x0] =	vst.idx.msk $0xffff, v18  }
0x53: {  	v19 =	vor.u32 v11, v16;
	v18 =	vld.idx.msk [tilespmem:v20+s3+$0x0], $0xffff  }
0x54: {  	v20 =	vor.u32 v12, v17;
	_ =	sdelay $0x3  }
0x55: {  	[tilespmem:v19+s23+$0x0] =	vst.idx.msk $0xffff, v18  }
0x56: {  	v19 =	vld.idx.msk [tilespmem:v20+s3+$0x0], $0xffff;
	v20 =	vor.u32 v13, v16  }
0x57: {  	v17 =	vor.u32 v14, v17;
	_ =	sdelay $0x2  }
0x58: {  	s14 =	simm.s32 $0x1  }
0x59: {  	s31 =	simm.s32 $0x2;
	v18 =	vadd.s32 s14, v0;
	[tilespmem:v20+s23+$0x0] =	vst.idx.msk $0xffff, v19  }
.LBB2_4:
0x5a: {  	p2 =	sne.s32 s31, $0x3F;
	v18 =	vand.u32 $0x3F, v18;
	v17 =	vld.idx.msk [tilespmem:v17+s3+$0x0], $0xffff  }
0x5b: {  	v16 =	vor.u32 v15, v16;
	v19 =	vshll.u32 v18, $0x1  }
0x5c: {  	v20 =	vor.u32 v1, v19;
	_ =	sdelay $0x3  }
0x5d: {  	[tilespmem:v16+s23+$0x0] =	vst.idx.msk $0xffff, v17  }
0x5e: {  	v16 =	vshll.u32 v18, $0x7;
	v17 =	vld.idx.msk [tilespmem:v20+s3+$0x0], $0xffff  }
0x5f: {  	v18 =	vor.u32 v0, v16  }
0x60: {  	v20 =	vor.u32 v2, v19;
	_ =	sdelay $0x3  }
0x61: {  	[tilespmem:v18+s23+$0x0] =	vst.idx.msk $0xffff, v17  }
0x62: {  	v17 =	vld.idx.msk [tilespmem:v20+s3+$0x0], $0xffff  }
0x63: {  	v18 =	vor.u32 v3, v16  }
0x64: {  	v20 =	vor.u32 v4, v19;
	_ =	sdelay $0x3  }
0x65: {  	[tilespmem:v18+s23+$0x0] =	vst.idx.msk $0xffff, v17  }
0x66: {  	v17 =	vld.idx.msk [tilespmem:v20+s3+$0x0], $0xffff  }
0x67: {  	v18 =	vor.u32 v5, v16  }
0x68: {  	v20 =	vor.u32 v6, v19;
	_ =	sdelay $0x3  }
0x69: {  	[tilespmem:v18+s23+$0x0] =	vst.idx.msk $0xffff, v17  }
0x6a: {  	v17 =	vld.idx.msk [tilespmem:v20+s3+$0x0], $0xffff  }
0x6b: {  	v18 =	vor.u32 v7, v16  }
0x6c: {  	v20 =	vor.u32 v8, v19;
	_ =	sdelay $0x3  }
0x6d: {  	[tilespmem:v18+s23+$0x0] =	vst.idx.msk $0xffff, v17  }
0x6e: {  	v17 =	vld.idx.msk [tilespmem:v20+s3+$0x0], $0xffff  }
0x6f: {  	v18 =	vor.u32 v9, v16  }
0x70: {  	v20 =	vor.u32 v10, v19;
	_ =	sdelay $0x3  }
0x71: {  	[tilespmem:v18+s23+$0x0] =	vst.idx.msk $0xffff, v17  }
0x72: {  	v17 =	vld.idx.msk [tilespmem:v20+s3+$0x0], $0xffff  }
0x73: {  	v18 =	vor.u32 v11, v16  }
0x74: {  	v20 =	vor.u32 v12, v19;
	_ =	sdelay $0x3  }
0x75: {  	[tilespmem:v18+s23+$0x0] =	vst.idx.msk $0xffff, v17  }
0x76: {  	v20 =	vld.idx.msk [tilespmem:v20+s3+$0x0], $0xffff  }
0x77: {  	v21 =	vor.u32 v13, v16  }
.Ltmp6:
0x78: {  	v17 =	vor.u32 v14, v19;
	(pc) =	sbr.rel @p2 .LBB2_4-.Ltmp6, $2  }
0x79: {  	_ =	sdelay $0x2  }
0x7a: {  	v18 =	vadd.s32 s31, v0;
	s31 =	sadd.s32 $0x1, s31;
	[tilespmem:v21+s23+$0x0] =	vst.idx.msk $0xffff, v20  }
0x7b: {  	_ =	sdelay $0x2  }
0x7c: {  	v18 =	vand.u32 $0x3F, v18  }
0x7d: {  	v17 =	vld.idx.msk [tilespmem:v17+s3+$0x0], $0xffff;
	v16 =	vor.u32 v15, v16;
	v19 =	vshll.u32 v18, $0x1  }
0x7e: {  	v20 =	vor.u32 v1, v19;
	_ =	sdelay $0x3  }
0x7f: {  	[tilespmem:v16+s23+$0x0] =	vst.idx.msk $0xffff, v17;
	v16 =	vshll.u32 v18, $0x7  }
0x80: {  	v18 =	vor.u32 v0, v16;
	v17 =	vld.idx.msk [tilespmem:v20+s3+$0x0], $0xffff  }
0x81: {  	v52 =	vor.u32 v2, v19;
	_ =	sdelay $0x3  }
0x82: {  	[tilespmem:v18+s23+$0x0] =	vst.idx.msk $0xffff, v17  }
0x83: {  	v53 =	vor.u32 v3, v16;
	v17 =	vld.idx.msk [tilespmem:v52+s3+$0x0], $0xffff  }
0x84: {  	v54 =	vor.u32 v4, v19;
	_ =	sdelay $0x3  }
0x85: {  	[tilespmem:v53+s23+$0x0] =	vst.idx.msk $0xffff, v17  }
0x86: {  	v55 =	vor.u32 v5, v16;
	v17 =	vld.idx.msk [tilespmem:v54+s3+$0x0], $0xffff  }
0x87: {  	v56 =	vor.u32 v6, v19;
	_ =	sdelay $0x3  }
0x88: {  	[tilespmem:v55+s23+$0x0] =	vst.idx.msk $0xffff, v17  }
0x89: {  	v57 =	vor.u32 v7, v16;
	v17 =	vld.idx.msk [tilespmem:v56+s3+$0x0], $0xffff  }
0x8a: {  	v58 =	vor.u32 v8, v19;
	_ =	sdelay $0x3  }
0x8b: {  	[tilespmem:v57+s23+$0x0] =	vst.idx.msk $0xffff, v17  }
0x8c: {  	v59 =	vor.u32 v9, v16;
	v17 =	vld.idx.msk [tilespmem:v58+s3+$0x0], $0xffff  }
0x8d: {  	v60 =	vor.u32 v10, v19;
	_ =	sdelay $0x3  }
0x8e: {  	[tilespmem:v59+s23+$0x0] =	vst.idx.msk $0xffff, v17  }
0x8f: {  	v61 =	vor.u32 v11, v16;
	v17 =	vld.idx.msk [tilespmem:v60+s3+$0x0], $0xffff  }
0x90: {  	v62 =	vor.u32 v12, v19;
	_ =	sdelay $0x3  }
0x91: {  	[tilespmem:v61+s23+$0x0] =	vst.idx.msk $0xffff, v17  }
0x92: {  	v63 =	vor.u32 v13, v16;
	v17 =	vld.idx.msk [tilespmem:v62+s3+$0x0], $0xffff  }
0x93: {  	v19 =	vor.u32 v14, v19;
	_ =	sdelay $0x3  }
0x94: {  	[tilespmem:v63+s23+$0x0] =	vst.idx.msk $0xffff, v17  }
0x95: {  	v16 =	vor.u32 v15, v16;
	v17 =	vld.idx.msk [tilespmem:v19+s3+$0x0], $0xffff;
	_ =	sdelay $0x3  }
0x96: {  	s0 =	sshll.u32 s7, $0xA  }
0x97: {  	s0 =	sadd.s32 s5, s0;
	[tilespmem:v16+s23+$0x0] =	vst.idx.msk $0xffff, v17  }
0x98: {  	[hbm4b:s0+s3] =	stream.linear.scatter [tilespmem:s23], [sflag:$0x5], $0x2000, $0x38;
	[tilespmem:$0x13000] =	vst v63  }
.LBB2_6:
0x99: {  	s0 =	sadd.s32 s10, s6  }
0x9a: {  	p2 =	sgt.u32 s0, $0x1E83  }
0x9b: {  	s0 =	sshll.u32 @!p2 s0, $0x7;
	s31 =	simm.s32 @!p2 $0x400  }
0x9c: {  	s1 =	simm.s32 @!p2 $0x7A1400;
	s14 =	simm.s32 @!p2 $0x0;
	s0 =	sadd.s32 @!p2 s2, s0  }
0x9d: {  	[tilespmem:s14], [sflag:$0x1] =	stream.strided.gather @!p2 [hbm4b:s0+s31], $0x2000, s1, s31, $0x38;
	[tilespmem:$0x13000] =	vst v63  }
0x9e: {  	s31 =	sor.u32 $0x20, s7  }
0x9f: {  	p2 =	sgt.u32 s31, $0x1E83  }
.Ltmp7:
0xa0: {  	_ = 	snop;
	(pc) =	sbr.rel @p2 .LBB2_10-.Ltmp7, $1  }
0xa1: {  	_ =	sdelay $0x3  }
0xa2: {  	s0 =	simm.s32 $0x0  }
0xa3: {  	v16 =	vadd.s32 s0, v0  }
0xa4: {  	s0 =	simm.s32 @!p1 $0x6;
	v16 =	vand.u32 $0x3F, v16  }
0xa5: {  	_ =	swait.ge @!p1 [sflag:s0], $0x2000;
	v17 =	vshll.u32 v16, $0x1  }
0xa6: {  	[sflag:s0] =	ssyncset.done @!p1 $0x0;
	v18 =	vor.u32 v1, v17  }
0xa7: {  	[sflag:s0] =	ssyncadd.s32 @!p1 $0xFFFFE000  }
0xa8: {  	_ =	swait.ge [sflag:s24], $0x2000  }
0xa9: {  	[sflag:s24] =	ssyncset.done $0x0  }
0xaa: {  	v16 =	vshll.u32 v16, $0x7;
	[sflag:s24] =	ssyncadd.s32 $0xFFFFE000  }
0xab: {  	v19 =	vor.u32 v0, v16;
	v18 =	vld.idx.msk [tilespmem:v18+s19+$0x0], $0xffff  }
0xac: {  	v20 =	vor.u32 v2, v17;
	_ =	sdelay $0x3  }
0xad: {  	[tilespmem:v19+s25+$0x0] =	vst.idx.msk $0xffff, v18  }
0xae: {  	v19 =	vor.u32 v3, v16;
	v18 =	vld.idx.msk [tilespmem:v20+s19+$0x0], $0xffff  }
0xaf: {  	v20 =	vor.u32 v4, v17;
	_ =	sdelay $0x3  }
0xb0: {  	[tilespmem:v19+s25+$0x0] =	vst.idx.msk $0xffff, v18  }
0xb1: {  	v19 =	vor.u32 v5, v16;
	v18 =	vld.idx.msk [tilespmem:v20+s19+$0x0], $0xffff  }
0xb2: {  	v20 =	vor.u32 v6, v17;
	_ =	sdelay $0x3  }
0xb3: {  	[tilespmem:v19+s25+$0x0] =	vst.idx.msk $0xffff, v18  }
0xb4: {  	v19 =	vor.u32 v7, v16;
	v18 =	vld.idx.msk [tilespmem:v20+s19+$0x0], $0xffff  }
0xb5: {  	v20 =	vor.u32 v8, v17;
	_ =	sdelay $0x3  }
0xb6: {  	[tilespmem:v19+s25+$0x0] =	vst.idx.msk $0xffff, v18  }
0xb7: {  	v19 =	vor.u32 v9, v16;
	v18 =	vld.idx.msk [tilespmem:v20+s19+$0x0], $0xffff  }
0xb8: {  	v20 =	vor.u32 v10, v17;
	_ =	sdelay $0x3  }
0xb9: {  	[tilespmem:v19+s25+$0x0] =	vst.idx.msk $0xffff, v18  }
0xba: {  	v19 =	vor.u32 v11, v16;
	v18 =	vld.idx.msk [tilespmem:v20+s19+$0x0], $0xffff  }
0xbb: {  	v20 =	vor.u32 v12, v17;
	_ =	sdelay $0x3  }
0xbc: {  	[tilespmem:v19+s25+$0x0] =	vst.idx.msk $0xffff, v18  }
0xbd: {  	v19 =	vld.idx.msk [tilespmem:v20+s19+$0x0], $0xffff;
	v20 =	vor.u32 v13, v16  }
0xbe: {  	v17 =	vor.u32 v14, v17;
	_ =	sdelay $0x2  }
0xbf: {  	s14 =	simm.s32 $0x1  }
0xc0: {  	s0 =	simm.s32 $0x2;
	v18 =	vadd.s32 s14, v0;
	[tilespmem:v20+s25+$0x0] =	vst.idx.msk $0xffff, v19  }
.LBB2_8:
0xc1: {  	p2 =	sne.s32 s0, $0x3F;
	v18 =	vand.u32 $0x3F, v18;
	v17 =	vld.idx.msk [tilespmem:v17+s19+$0x0], $0xffff  }
0xc2: {  	v16 =	vor.u32 v15, v16;
	v19 =	vshll.u32 v18, $0x1  }
0xc3: {  	v20 =	vor.u32 v1, v19;
	_ =	sdelay $0x3  }
0xc4: {  	[tilespmem:v16+s25+$0x0] =	vst.idx.msk $0xffff, v17  }
0xc5: {  	v16 =	vshll.u32 v18, $0x7;
	v17 =	vld.idx.msk [tilespmem:v20+s19+$0x0], $0xffff  }
0xc6: {  	v18 =	vor.u32 v0, v16  }
0xc7: {  	v20 =	vor.u32 v2, v19;
	_ =	sdelay $0x3  }
0xc8: {  	[tilespmem:v18+s25+$0x0] =	vst.idx.msk $0xffff, v17  }
0xc9: {  	v17 =	vld.idx.msk [tilespmem:v20+s19+$0x0], $0xffff  }
0xca: {  	v18 =	vor.u32 v3, v16  }
0xcb: {  	v20 =	vor.u32 v4, v19;
	_ =	sdelay $0x3  }
0xcc: {  	[tilespmem:v18+s25+$0x0] =	vst.idx.msk $0xffff, v17  }
0xcd: {  	v17 =	vld.idx.msk [tilespmem:v20+s19+$0x0], $0xffff  }
0xce: {  	v18 =	vor.u32 v5, v16  }
0xcf: {  	v20 =	vor.u32 v6, v19;
	_ =	sdelay $0x3  }
0xd0: {  	[tilespmem:v18+s25+$0x0] =	vst.idx.msk $0xffff, v17  }
0xd1: {  	v17 =	vld.idx.msk [tilespmem:v20+s19+$0x0], $0xffff  }
0xd2: {  	v18 =	vor.u32 v7, v16  }
0xd3: {  	v20 =	vor.u32 v8, v19;
	_ =	sdelay $0x3  }
0xd4: {  	[tilespmem:v18+s25+$0x0] =	vst.idx.msk $0xffff, v17  }
0xd5: {  	v17 =	vld.idx.msk [tilespmem:v20+s19+$0x0], $0xffff  }
0xd6: {  	v18 =	vor.u32 v9, v16  }
0xd7: {  	v20 =	vor.u32 v10, v19;
	_ =	sdelay $0x3  }
0xd8: {  	[tilespmem:v18+s25+$0x0] =	vst.idx.msk $0xffff, v17  }
0xd9: {  	v17 =	vld.idx.msk [tilespmem:v20+s19+$0x0], $0xffff  }
0xda: {  	v18 =	vor.u32 v11, v16  }
0xdb: {  	v20 =	vor.u32 v12, v19;
	_ =	sdelay $0x3  }
0xdc: {  	[tilespmem:v18+s25+$0x0] =	vst.idx.msk $0xffff, v17  }
0xdd: {  	v20 =	vld.idx.msk [tilespmem:v20+s19+$0x0], $0xffff  }
0xde: {  	v21 =	vor.u32 v13, v16  }
.Ltmp8:
0xdf: {  	v17 =	vor.u32 v14, v19;
	(pc) =	sbr.rel @p2 .LBB2_8-.Ltmp8, $2  }
0xe0: {  	_ =	sdelay $0x2  }
0xe1: {  	v18 =	vadd.s32 s0, v0;
	s0 =	sadd.s32 $0x1, s0;
	[tilespmem:v21+s25+$0x0] =	vst.idx.msk $0xffff, v20  }
0xe2: {  	_ =	sdelay $0x2  }
0xe3: {  	v18 =	vand.u32 $0x3F, v18  }
0xe4: {  	v17 =	vld.idx.msk [tilespmem:v17+s19+$0x0], $0xffff;
	v16 =	vor.u32 v15, v16;
	v19 =	vshll.u32 v18, $0x1  }
0xe5: {  	v20 =	vor.u32 v1, v19;
	_ =	sdelay $0x3  }
0xe6: {  	[tilespmem:v16+s25+$0x0] =	vst.idx.msk $0xffff, v17;
	v16 =	vshll.u32 v18, $0x7  }
0xe7: {  	v18 =	vor.u32 v0, v16;
	v17 =	vld.idx.msk [tilespmem:v20+s19+$0x0], $0xffff  }
0xe8: {  	v52 =	vor.u32 v2, v19;
	_ =	sdelay $0x3  }
0xe9: {  	[tilespmem:v18+s25+$0x0] =	vst.idx.msk $0xffff, v17  }
0xea: {  	v53 =	vor.u32 v3, v16;
	v17 =	vld.idx.msk [tilespmem:v52+s19+$0x0], $0xffff  }
0xeb: {  	v54 =	vor.u32 v4, v19;
	_ =	sdelay $0x3  }
0xec: {  	[tilespmem:v53+s25+$0x0] =	vst.idx.msk $0xffff, v17  }
0xed: {  	v55 =	vor.u32 v5, v16;
	v17 =	vld.idx.msk [tilespmem:v54+s19+$0x0], $0xffff  }
0xee: {  	v56 =	vor.u32 v6, v19;
	_ =	sdelay $0x3  }
0xef: {  	[tilespmem:v55+s25+$0x0] =	vst.idx.msk $0xffff, v17  }
0xf0: {  	v57 =	vor.u32 v7, v16;
	v17 =	vld.idx.msk [tilespmem:v56+s19+$0x0], $0xffff  }
0xf1: {  	v58 =	vor.u32 v8, v19;
	_ =	sdelay $0x3  }
0xf2: {  	[tilespmem:v57+s25+$0x0] =	vst.idx.msk $0xffff, v17  }
0xf3: {  	v59 =	vor.u32 v9, v16;
	v17 =	vld.idx.msk [tilespmem:v58+s19+$0x0], $0xffff  }
0xf4: {  	v60 =	vor.u32 v10, v19;
	_ =	sdelay $0x3  }
0xf5: {  	[tilespmem:v59+s25+$0x0] =	vst.idx.msk $0xffff, v17  }
0xf6: {  	v61 =	vor.u32 v11, v16;
	v17 =	vld.idx.msk [tilespmem:v60+s19+$0x0], $0xffff  }
0xf7: {  	v62 =	vor.u32 v12, v19;
	_ =	sdelay $0x3  }
0xf8: {  	[tilespmem:v61+s25+$0x0] =	vst.idx.msk $0xffff, v17  }
0xf9: {  	v63 =	vor.u32 v13, v16;
	v17 =	vld.idx.msk [tilespmem:v62+s19+$0x0], $0xffff  }
0xfa: {  	v19 =	vor.u32 v14, v19;
	_ =	sdelay $0x3  }
0xfb: {  	[tilespmem:v63+s25+$0x0] =	vst.idx.msk $0xffff, v17  }
0xfc: {  	v16 =	vor.u32 v15, v16;
	v17 =	vld.idx.msk [tilespmem:v19+s19+$0x0], $0xffff;
	_ =	sdelay $0x3  }
0xfd: {  	s0 =	sshll.u32 s31, $0xA  }
0xfe: {  	s0 =	sadd.s32 s5, s0;
	[tilespmem:v16+s25+$0x0] =	vst.idx.msk $0xffff, v17  }
0xff: {  	[hbm4b:s0+s3] =	stream.linear.scatter [tilespmem:s25], [sflag:$0x6], $0x2000, $0x38;
	[tilespmem:$0x13000] =	vst v63  }
.LBB2_10:
0x100: {  	s0 =	sadd.s32 s11, s6  }
0x101: {  	p2 =	sgt.u32 s0, $0x1E83  }
0x102: {  	s0 =	sshll.u32 @!p2 s0, $0x7;
	s1 =	simm.s32 @!p2 $0x400  }
0x103: {  	s14 =	simm.s32 @!p2 $0x7A1400;
	s31 =	simm.s32 @!p2 $0x2000;
	s0 =	sadd.s32 @!p2 s2, s0  }
0x104: {  	[tilespmem:s31], [sflag:$0x2] =	stream.strided.gather @!p2 [hbm4b:s0+s1], $0x2000, s14, s1, $0x38;
	[tilespmem:$0x13000] =	vst v63  }
0x105: {  	s31 =	sor.u32 $0x40, s7  }
0x106: {  	p2 =	sgt.u32 s31, $0x1E83  }
.Ltmp9:
0x107: {  	_ = 	snop;
	(pc) =	sbr.rel @p2 .LBB2_14-.Ltmp9, $1  }
0x108: {  	_ =	sdelay $0x3  }
0x109: {  	s0 =	simm.s32 $0x0  }
0x10a: {  	v16 =	vadd.s32 s0, v0  }
0x10b: {  	s0 =	simm.s32 @!p1 $0x7;
	v16 =	vand.u32 $0x3F, v16  }
0x10c: {  	_ =	swait.ge @!p1 [sflag:s0], $0x2000;
	v17 =	vshll.u32 v16, $0x1  }
0x10d: {  	[sflag:s0] =	ssyncset.done @!p1 $0x0;
	v18 =	vor.u32 v1, v17  }
0x10e: {  	[sflag:s0] =	ssyncadd.s32 @!p1 $0xFFFFE000  }
0x10f: {  	_ =	swait.ge [sflag:s26], $0x2000  }
0x110: {  	[sflag:s26] =	ssyncset.done $0x0  }
0x111: {  	v16 =	vshll.u32 v16, $0x7;
	[sflag:s26] =	ssyncadd.s32 $0xFFFFE000  }
0x112: {  	v19 =	vor.u32 v0, v16;
	v18 =	vld.idx.msk [tilespmem:v18+s20+$0x0], $0xffff  }
0x113: {  	v20 =	vor.u32 v2, v17;
	_ =	sdelay $0x3  }
0x114: {  	[tilespmem:v19+s28+$0x0] =	vst.idx.msk $0xffff, v18  }
0x115: {  	v19 =	vor.u32 v3, v16;
	v18 =	vld.idx.msk [tilespmem:v20+s20+$0x0], $0xffff  }
0x116: {  	v20 =	vor.u32 v4, v17;
	_ =	sdelay $0x3  }
0x117: {  	[tilespmem:v19+s28+$0x0] =	vst.idx.msk $0xffff, v18  }
0x118: {  	v19 =	vor.u32 v5, v16;
	v18 =	vld.idx.msk [tilespmem:v20+s20+$0x0], $0xffff  }
0x119: {  	v20 =	vor.u32 v6, v17;
	_ =	sdelay $0x3  }
0x11a: {  	[tilespmem:v19+s28+$0x0] =	vst.idx.msk $0xffff, v18  }
0x11b: {  	v19 =	vor.u32 v7, v16;
	v18 =	vld.idx.msk [tilespmem:v20+s20+$0x0], $0xffff  }
0x11c: {  	v20 =	vor.u32 v8, v17;
	_ =	sdelay $0x3  }
0x11d: {  	[tilespmem:v19+s28+$0x0] =	vst.idx.msk $0xffff, v18  }
0x11e: {  	v19 =	vor.u32 v9, v16;
	v18 =	vld.idx.msk [tilespmem:v20+s20+$0x0], $0xffff  }
0x11f: {  	v20 =	vor.u32 v10, v17;
	_ =	sdelay $0x3  }
0x120: {  	[tilespmem:v19+s28+$0x0] =	vst.idx.msk $0xffff, v18  }
0x121: {  	v19 =	vor.u32 v11, v16;
	v18 =	vld.idx.msk [tilespmem:v20+s20+$0x0], $0xffff  }
0x122: {  	v20 =	vor.u32 v12, v17;
	_ =	sdelay $0x3  }
0x123: {  	[tilespmem:v19+s28+$0x0] =	vst.idx.msk $0xffff, v18  }
0x124: {  	v19 =	vld.idx.msk [tilespmem:v20+s20+$0x0], $0xffff;
	v20 =	vor.u32 v13, v16  }
0x125: {  	v17 =	vor.u32 v14, v17;
	_ =	sdelay $0x2  }
0x126: {  	s14 =	simm.s32 $0x1  }
0x127: {  	s0 =	simm.s32 $0x2;
	v18 =	vadd.s32 s14, v0;
	[tilespmem:v20+s28+$0x0] =	vst.idx.msk $0xffff, v19  }
.LBB2_12:
0x128: {  	p2 =	sne.s32 s0, $0x3F;
	v18 =	vand.u32 $0x3F, v18;
	v17 =	vld.idx.msk [tilespmem:v17+s20+$0x0], $0xffff  }
0x129: {  	v16 =	vor.u32 v15, v16;
	v19 =	vshll.u32 v18, $0x1  }
0x12a: {  	v20 =	vor.u32 v1, v19;
	_ =	sdelay $0x3  }
0x12b: {  	[tilespmem:v16+s28+$0x0] =	vst.idx.msk $0xffff, v17  }
0x12c: {  	v16 =	vshll.u32 v18, $0x7;
	v17 =	vld.idx.msk [tilespmem:v20+s20+$0x0], $0xffff  }
0x12d: {  	v18 =	vor.u32 v0, v16  }
0x12e: {  	v20 =	vor.u32 v2, v19;
	_ =	sdelay $0x3  }
0x12f: {  	[tilespmem:v18+s28+$0x0] =	vst.idx.msk $0xffff, v17  }
0x130: {  	v17 =	vld.idx.msk [tilespmem:v20+s20+$0x0], $0xffff  }
0x131: {  	v18 =	vor.u32 v3, v16  }
0x132: {  	v20 =	vor.u32 v4, v19;
	_ =	sdelay $0x3  }
0x133: {  	[tilespmem:v18+s28+$0x0] =	vst.idx.msk $0xffff, v17  }
0x134: {  	v17 =	vld.idx.msk [tilespmem:v20+s20+$0x0], $0xffff  }
0x135: {  	v18 =	vor.u32 v5, v16  }
0x136: {  	v20 =	vor.u32 v6, v19;
	_ =	sdelay $0x3  }
0x137: {  	[tilespmem:v18+s28+$0x0] =	vst.idx.msk $0xffff, v17  }
0x138: {  	v17 =	vld.idx.msk [tilespmem:v20+s20+$0x0], $0xffff  }
0x139: {  	v18 =	vor.u32 v7, v16  }
0x13a: {  	v20 =	vor.u32 v8, v19;
	_ =	sdelay $0x3  }
0x13b: {  	[tilespmem:v18+s28+$0x0] =	vst.idx.msk $0xffff, v17  }
0x13c: {  	v17 =	vld.idx.msk [tilespmem:v20+s20+$0x0], $0xffff  }
0x13d: {  	v18 =	vor.u32 v9, v16  }
0x13e: {  	v20 =	vor.u32 v10, v19;
	_ =	sdelay $0x3  }
0x13f: {  	[tilespmem:v18+s28+$0x0] =	vst.idx.msk $0xffff, v17  }
0x140: {  	v17 =	vld.idx.msk [tilespmem:v20+s20+$0x0], $0xffff  }
0x141: {  	v18 =	vor.u32 v11, v16  }
0x142: {  	v20 =	vor.u32 v12, v19;
	_ =	sdelay $0x3  }
0x143: {  	[tilespmem:v18+s28+$0x0] =	vst.idx.msk $0xffff, v17  }
0x144: {  	v20 =	vld.idx.msk [tilespmem:v20+s20+$0x0], $0xffff  }
0x145: {  	v21 =	vor.u32 v13, v16  }
.Ltmp10:
0x146: {  	v17 =	vor.u32 v14, v19;
	(pc) =	sbr.rel @p2 .LBB2_12-.Ltmp10, $2  }
0x147: {  	_ =	sdelay $0x2  }
0x148: {  	v18 =	vadd.s32 s0, v0;
	s0 =	sadd.s32 $0x1, s0;
	[tilespmem:v21+s28+$0x0] =	vst.idx.msk $0xffff, v20  }
0x149: {  	_ =	sdelay $0x2  }
0x14a: {  	v18 =	vand.u32 $0x3F, v18  }
0x14b: {  	v17 =	vld.idx.msk [tilespmem:v17+s20+$0x0], $0xffff;
	v16 =	vor.u32 v15, v16;
	v19 =	vshll.u32 v18, $0x1  }
0x14c: {  	v20 =	vor.u32 v1, v19;
	_ =	sdelay $0x3  }
0x14d: {  	[tilespmem:v16+s28+$0x0] =	vst.idx.msk $0xffff, v17;
	v16 =	vshll.u32 v18, $0x7  }
0x14e: {  	v18 =	vor.u32 v0, v16;
	v17 =	vld.idx.msk [tilespmem:v20+s20+$0x0], $0xffff  }
0x14f: {  	v52 =	vor.u32 v2, v19;
	_ =	sdelay $0x3  }
0x150: {  	[tilespmem:v18+s28+$0x0] =	vst.idx.msk $0xffff, v17  }
0x151: {  	v53 =	vor.u32 v3, v16;
	v17 =	vld.idx.msk [tilespmem:v52+s20+$0x0], $0xffff  }
0x152: {  	v54 =	vor.u32 v4, v19;
	_ =	sdelay $0x3  }
0x153: {  	[tilespmem:v53+s28+$0x0] =	vst.idx.msk $0xffff, v17  }
0x154: {  	v55 =	vor.u32 v5, v16;
	v17 =	vld.idx.msk [tilespmem:v54+s20+$0x0], $0xffff  }
0x155: {  	v56 =	vor.u32 v6, v19;
	_ =	sdelay $0x3  }
0x156: {  	[tilespmem:v55+s28+$0x0] =	vst.idx.msk $0xffff, v17  }
0x157: {  	v57 =	vor.u32 v7, v16;
	v17 =	vld.idx.msk [tilespmem:v56+s20+$0x0], $0xffff  }
0x158: {  	v58 =	vor.u32 v8, v19;
	_ =	sdelay $0x3  }
0x159: {  	[tilespmem:v57+s28+$0x0] =	vst.idx.msk $0xffff, v17  }
0x15a: {  	v59 =	vor.u32 v9, v16;
	v17 =	vld.idx.msk [tilespmem:v58+s20+$0x0], $0xffff  }
0x15b: {  	v60 =	vor.u32 v10, v19;
	_ =	sdelay $0x3  }
0x15c: {  	[tilespmem:v59+s28+$0x0] =	vst.idx.msk $0xffff, v17  }
0x15d: {  	v61 =	vor.u32 v11, v16;
	v17 =	vld.idx.msk [tilespmem:v60+s20+$0x0], $0xffff  }
0x15e: {  	v62 =	vor.u32 v12, v19;
	_ =	sdelay $0x3  }
0x15f: {  	[tilespmem:v61+s28+$0x0] =	vst.idx.msk $0xffff, v17  }
0x160: {  	v63 =	vor.u32 v13, v16;
	v17 =	vld.idx.msk [tilespmem:v62+s20+$0x0], $0xffff  }
0x161: {  	v19 =	vor.u32 v14, v19;
	_ =	sdelay $0x3  }
0x162: {  	[tilespmem:v63+s28+$0x0] =	vst.idx.msk $0xffff, v17  }
0x163: {  	v16 =	vor.u32 v15, v16;
	v17 =	vld.idx.msk [tilespmem:v19+s20+$0x0], $0xffff;
	_ =	sdelay $0x3  }
0x164: {  	s0 =	sshll.u32 s31, $0xA  }
0x165: {  	s0 =	sadd.s32 s5, s0;
	[tilespmem:v16+s28+$0x0] =	vst.idx.msk $0xffff, v17  }
0x166: {  	[hbm4b:s0+s3] =	stream.linear.scatter [tilespmem:s28], [sflag:$0x7], $0x2000, $0x38;
	[tilespmem:$0x13000] =	vst v63  }
.LBB2_14:
0x167: {  	s0 =	sadd.s32 s12, s6  }
0x168: {  	p2 =	sgt.u32 s0, $0x1E83  }
0x169: {  	s7 =	sor.u32 $0x60, s7;
	s0 =	sshll.u32 @!p2 s0, $0x7;
	s1 =	simm.s32 @!p2 $0x400  }
0x16a: {  	s14 =	simm.s32 @!p2 $0x7A1400;
	s31 =	simm.s32 @!p2 $0x4000;
	s0 =	sadd.s32 @!p2 s2, s0  }
0x16b: {  	[tilespmem:s31], [sflag:$0x3] =	stream.strided.gather @!p2 [hbm4b:s0+s1], $0x2000, s14, s1, $0x38;
	[tilespmem:$0x13000] =	vst v63  }
0x16c: {  	p2 =	sgt.u32 s7, $0x1E83  }
.Ltmp11:
0x16d: {  	_ = 	snop;
	(pc) =	sbr.rel @p2 .LBB2_18-.Ltmp11, $1  }
0x16e: {  	_ =	sdelay $0x3  }
0x16f: {  	s0 =	simm.s32 $0x0  }
0x170: {  	v16 =	vadd.s32 s0, v0  }
0x171: {  	s0 =	simm.s32 @!p1 $0x8;
	v16 =	vand.u32 $0x3F, v16  }
0x172: {  	_ =	swait.ge @!p1 [sflag:s0], $0x2000;
	v17 =	vshll.u32 v16, $0x1  }
0x173: {  	[sflag:s0] =	ssyncset.done @!p1 $0x0;
	v18 =	vor.u32 v1, v17  }
0x174: {  	[sflag:s0] =	ssyncadd.s32 @!p1 $0xFFFFE000  }
0x175: {  	_ =	swait.ge [sflag:s29], $0x2000  }
0x176: {  	[sflag:s29] =	ssyncset.done $0x0  }
0x177: {  	v16 =	vshll.u32 v16, $0x7;
	[sflag:s29] =	ssyncadd.s32 $0xFFFFE000  }
0x178: {  	v19 =	vor.u32 v0, v16;
	v18 =	vld.idx.msk [tilespmem:v18+s21+$0x0], $0xffff  }
0x179: {  	v20 =	vor.u32 v2, v17;
	_ =	sdelay $0x3  }
0x17a: {  	[tilespmem:v19+s30+$0x0] =	vst.idx.msk $0xffff, v18  }
0x17b: {  	v19 =	vor.u32 v3, v16;
	v18 =	vld.idx.msk [tilespmem:v20+s21+$0x0], $0xffff  }
0x17c: {  	v20 =	vor.u32 v4, v17;
	_ =	sdelay $0x3  }
0x17d: {  	[tilespmem:v19+s30+$0x0] =	vst.idx.msk $0xffff, v18  }
0x17e: {  	v19 =	vor.u32 v5, v16;
	v18 =	vld.idx.msk [tilespmem:v20+s21+$0x0], $0xffff  }
0x17f: {  	v20 =	vor.u32 v6, v17;
	_ =	sdelay $0x3  }
0x180: {  	[tilespmem:v19+s30+$0x0] =	vst.idx.msk $0xffff, v18  }
0x181: {  	v19 =	vor.u32 v7, v16;
	v18 =	vld.idx.msk [tilespmem:v20+s21+$0x0], $0xffff  }
0x182: {  	v20 =	vor.u32 v8, v17;
	_ =	sdelay $0x3  }
0x183: {  	[tilespmem:v19+s30+$0x0] =	vst.idx.msk $0xffff, v18  }
0x184: {  	v19 =	vor.u32 v9, v16;
	v18 =	vld.idx.msk [tilespmem:v20+s21+$0x0], $0xffff  }
0x185: {  	v20 =	vor.u32 v10, v17;
	_ =	sdelay $0x3  }
0x186: {  	[tilespmem:v19+s30+$0x0] =	vst.idx.msk $0xffff, v18  }
0x187: {  	v19 =	vor.u32 v11, v16;
	v18 =	vld.idx.msk [tilespmem:v20+s21+$0x0], $0xffff  }
0x188: {  	v20 =	vor.u32 v12, v17;
	_ =	sdelay $0x3  }
0x189: {  	[tilespmem:v19+s30+$0x0] =	vst.idx.msk $0xffff, v18  }
0x18a: {  	v19 =	vld.idx.msk [tilespmem:v20+s21+$0x0], $0xffff;
	v20 =	vor.u32 v13, v16  }
0x18b: {  	v17 =	vor.u32 v14, v17;
	_ =	sdelay $0x2  }
0x18c: {  	s31 =	simm.s32 $0x1  }
0x18d: {  	s0 =	simm.s32 $0x2;
	v18 =	vadd.s32 s31, v0;
	[tilespmem:v20+s30+$0x0] =	vst.idx.msk $0xffff, v19  }
.LBB2_16:
0x18e: {  	p1 =	sne.s32 s0, $0x3F;
	v18 =	vand.u32 $0x3F, v18;
	v17 =	vld.idx.msk [tilespmem:v17+s21+$0x0], $0xffff  }
0x18f: {  	v16 =	vor.u32 v15, v16;
	v19 =	vshll.u32 v18, $0x1  }
0x190: {  	v20 =	vor.u32 v1, v19;
	_ =	sdelay $0x3  }
0x191: {  	[tilespmem:v16+s30+$0x0] =	vst.idx.msk $0xffff, v17  }
0x192: {  	v16 =	vshll.u32 v18, $0x7;
	v17 =	vld.idx.msk [tilespmem:v20+s21+$0x0], $0xffff  }
0x193: {  	v18 =	vor.u32 v0, v16  }
0x194: {  	v20 =	vor.u32 v2, v19;
	_ =	sdelay $0x3  }
0x195: {  	[tilespmem:v18+s30+$0x0] =	vst.idx.msk $0xffff, v17  }
0x196: {  	v17 =	vld.idx.msk [tilespmem:v20+s21+$0x0], $0xffff  }
0x197: {  	v18 =	vor.u32 v3, v16  }
0x198: {  	v20 =	vor.u32 v4, v19;
	_ =	sdelay $0x3  }
0x199: {  	[tilespmem:v18+s30+$0x0] =	vst.idx.msk $0xffff, v17  }
0x19a: {  	v17 =	vld.idx.msk [tilespmem:v20+s21+$0x0], $0xffff  }
0x19b: {  	v18 =	vor.u32 v5, v16  }
0x19c: {  	v20 =	vor.u32 v6, v19;
	_ =	sdelay $0x3  }
0x19d: {  	[tilespmem:v18+s30+$0x0] =	vst.idx.msk $0xffff, v17  }
0x19e: {  	v17 =	vld.idx.msk [tilespmem:v20+s21+$0x0], $0xffff  }
0x19f: {  	v18 =	vor.u32 v7, v16  }
0x1a0: {  	v20 =	vor.u32 v8, v19;
	_ =	sdelay $0x3  }
0x1a1: {  	[tilespmem:v18+s30+$0x0] =	vst.idx.msk $0xffff, v17  }
0x1a2: {  	v17 =	vld.idx.msk [tilespmem:v20+s21+$0x0], $0xffff  }
0x1a3: {  	v18 =	vor.u32 v9, v16  }
0x1a4: {  	v20 =	vor.u32 v10, v19;
	_ =	sdelay $0x3  }
0x1a5: {  	[tilespmem:v18+s30+$0x0] =	vst.idx.msk $0xffff, v17  }
0x1a6: {  	v17 =	vld.idx.msk [tilespmem:v20+s21+$0x0], $0xffff  }
0x1a7: {  	v18 =	vor.u32 v11, v16  }
0x1a8: {  	v20 =	vor.u32 v12, v19;
	_ =	sdelay $0x3  }
0x1a9: {  	[tilespmem:v18+s30+$0x0] =	vst.idx.msk $0xffff, v17  }
0x1aa: {  	v20 =	vld.idx.msk [tilespmem:v20+s21+$0x0], $0xffff  }
0x1ab: {  	v21 =	vor.u32 v13, v16  }
.Ltmp12:
0x1ac: {  	v17 =	vor.u32 v14, v19;
	(pc) =	sbr.rel @p1 .LBB2_16-.Ltmp12, $2  }
0x1ad: {  	_ =	sdelay $0x2  }
0x1ae: {  	v18 =	vadd.s32 s0, v0;
	s0 =	sadd.s32 $0x1, s0;
	[tilespmem:v21+s30+$0x0] =	vst.idx.msk $0xffff, v20  }
0x1af: {  	_ =	sdelay $0x2  }
0x1b0: {  	v18 =	vand.u32 $0x3F, v18  }
0x1b1: {  	v17 =	vld.idx.msk [tilespmem:v17+s21+$0x0], $0xffff;
	v16 =	vor.u32 v15, v16;
	v19 =	vshll.u32 v18, $0x1  }
0x1b2: {  	v20 =	vor.u32 v1, v19;
	_ =	sdelay $0x3  }
0x1b3: {  	[tilespmem:v16+s30+$0x0] =	vst.idx.msk $0xffff, v17;
	v16 =	vshll.u32 v18, $0x7  }
0x1b4: {  	v18 =	vor.u32 v0, v16;
	v17 =	vld.idx.msk [tilespmem:v20+s21+$0x0], $0xffff  }
0x1b5: {  	v52 =	vor.u32 v2, v19;
	_ =	sdelay $0x3  }
0x1b6: {  	[tilespmem:v18+s30+$0x0] =	vst.idx.msk $0xffff, v17  }
0x1b7: {  	v53 =	vor.u32 v3, v16;
	v17 =	vld.idx.msk [tilespmem:v52+s21+$0x0], $0xffff  }
0x1b8: {  	v54 =	vor.u32 v4, v19;
	_ =	sdelay $0x3  }
0x1b9: {  	[tilespmem:v53+s30+$0x0] =	vst.idx.msk $0xffff, v17  }
0x1ba: {  	v55 =	vor.u32 v5, v16;
	v17 =	vld.idx.msk [tilespmem:v54+s21+$0x0], $0xffff  }
0x1bb: {  	v56 =	vor.u32 v6, v19;
	_ =	sdelay $0x3  }
0x1bc: {  	[tilespmem:v55+s30+$0x0] =	vst.idx.msk $0xffff, v17  }
0x1bd: {  	v57 =	vor.u32 v7, v16;
	v17 =	vld.idx.msk [tilespmem:v56+s21+$0x0], $0xffff  }
0x1be: {  	v58 =	vor.u32 v8, v19;
	_ =	sdelay $0x3  }
0x1bf: {  	[tilespmem:v57+s30+$0x0] =	vst.idx.msk $0xffff, v17  }
0x1c0: {  	v59 =	vor.u32 v9, v16;
	v17 =	vld.idx.msk [tilespmem:v58+s21+$0x0], $0xffff  }
0x1c1: {  	v60 =	vor.u32 v10, v19;
	_ =	sdelay $0x3  }
0x1c2: {  	[tilespmem:v59+s30+$0x0] =	vst.idx.msk $0xffff, v17  }
0x1c3: {  	v61 =	vor.u32 v11, v16;
	v17 =	vld.idx.msk [tilespmem:v60+s21+$0x0], $0xffff  }
0x1c4: {  	v62 =	vor.u32 v12, v19;
	_ =	sdelay $0x3  }
0x1c5: {  	[tilespmem:v61+s30+$0x0] =	vst.idx.msk $0xffff, v17  }
0x1c6: {  	v63 =	vor.u32 v13, v16;
	v17 =	vld.idx.msk [tilespmem:v62+s21+$0x0], $0xffff  }
0x1c7: {  	v19 =	vor.u32 v14, v19;
	_ =	sdelay $0x3  }
0x1c8: {  	[tilespmem:v63+s30+$0x0] =	vst.idx.msk $0xffff, v17  }
0x1c9: {  	v16 =	vor.u32 v15, v16;
	v17 =	vld.idx.msk [tilespmem:v19+s21+$0x0], $0xffff;
	_ =	sdelay $0x1  }
.Ltmp13:
0x1ca: {  	_ = 	snop;
	(pc) =	sbr.rel .LBB2_18-.Ltmp13, $4  }
0x1cb: {  	_ = 	snop  }
0x1cc: {  	s0 =	sshll.u32 s7, $0xA  }
0x1cd: {  	s0 =	sadd.s32 s5, s0;
	[tilespmem:v16+s30+$0x0] =	vst.idx.msk $0xffff, v17  }
0x1ce: {  	[hbm4b:s0+s3] =	stream.linear.scatter [tilespmem:s30], [sflag:$0x8], $0x2000, $0x38;
	[tilespmem:$0x13000] =	vst v63  }
.LBB2_20:
0x1cf: {  	s0 =	simm.s32 $0x0  }
0x1d0: {  	v16 =	vadd.s32 s0, v0  }
0x1d1: {  	v16 =	vand.u32 $0x1F, v16  }
0x1d2: {  	v17 =	vshll.u32 v16, $0x1  }
0x1d3: {  	s14 =	rddreg [dreg:$0x7];
	s16 =	simm.s32 $0x9;
	v18 =	vor.u32 v1, v17  }
0x1d4: {  	[tilespmem:s15], [sflag:$0x9] =	stream.strided.gather [hbm4b:s14+s17], $0x2000, s18, s17, $0x38;
	[tilespmem:$0x13000] =	vst v63  }
0x1d5: {  	_ =	swait.ge [sflag:s16], $0x2000  }
0x1d6: {  	[sflag:s16] =	ssyncset.done $0x0  }
0x1d7: {  	v16 =	vshll.u32 v16, $0x7;
	[sflag:s16] =	ssyncadd.s32 $0xFFFFE000  }
0x1d8: {  	v19 =	vor.u32 v0, v16;
	v18 =	vld.idx.msk [tilespmem:v18+s15+$0x0], $0xffff  }
0x1d9: {  	v20 =	vor.u32 v2, v17;
	_ =	sdelay $0x3  }
0x1da: {  	[tilespmem:v19+s8+$0x0] =	vst.idx.msk $0xffff, v18  }
0x1db: {  	v19 =	vor.u32 v3, v16;
	v18 =	vld.idx.msk [tilespmem:v20+s15+$0x0], $0xffff  }
0x1dc: {  	v20 =	vor.u32 v4, v17;
	_ =	sdelay $0x3  }
0x1dd: {  	[tilespmem:v19+s8+$0x0] =	vst.idx.msk $0xffff, v18  }
0x1de: {  	v19 =	vor.u32 v5, v16;
	v18 =	vld.idx.msk [tilespmem:v20+s15+$0x0], $0xffff  }
0x1df: {  	v20 =	vor.u32 v6, v17;
	_ =	sdelay $0x3  }
0x1e0: {  	[tilespmem:v19+s8+$0x0] =	vst.idx.msk $0xffff, v18  }
0x1e1: {  	v19 =	vor.u32 v7, v16;
	v18 =	vld.idx.msk [tilespmem:v20+s15+$0x0], $0xffff  }
0x1e2: {  	v20 =	vor.u32 v8, v17;
	_ =	sdelay $0x3  }
0x1e3: {  	[tilespmem:v19+s8+$0x0] =	vst.idx.msk $0xffff, v18  }
0x1e4: {  	v19 =	vor.u32 v9, v16;
	v18 =	vld.idx.msk [tilespmem:v20+s15+$0x0], $0xffff  }
0x1e5: {  	v20 =	vor.u32 v10, v17;
	_ =	sdelay $0x3  }
0x1e6: {  	[tilespmem:v19+s8+$0x0] =	vst.idx.msk $0xffff, v18  }
0x1e7: {  	v19 =	vor.u32 v11, v16;
	v18 =	vld.idx.msk [tilespmem:v20+s15+$0x0], $0xffff  }
0x1e8: {  	v20 =	vor.u32 v12, v17;
	_ =	sdelay $0x3  }
0x1e9: {  	[tilespmem:v19+s8+$0x0] =	vst.idx.msk $0xffff, v18  }
0x1ea: {  	v19 =	vld.idx.msk [tilespmem:v20+s15+$0x0], $0xffff;
	v20 =	vor.u32 v13, v16  }
0x1eb: {  	v17 =	vor.u32 v14, v17;
	_ =	sdelay $0x2  }
0x1ec: {  	s31 =	simm.s32 $0x1  }
0x1ed: {  	s0 =	simm.s32 $0x2;
	v18 =	vadd.s32 s31, v0;
	[tilespmem:v20+s8+$0x0] =	vst.idx.msk $0xffff, v19  }
.LBB2_21:
0x1ee: {  	p1 =	sne.s32 s0, $0x1F;
	v18 =	vand.u32 $0x1F, v18;
	v17 =	vld.idx.msk [tilespmem:v17+s15+$0x0], $0xffff  }
0x1ef: {  	v16 =	vor.u32 v15, v16;
	v19 =	vshll.u32 v18, $0x1  }
0x1f0: {  	v20 =	vor.u32 v1, v19;
	_ =	sdelay $0x3  }
0x1f1: {  	[tilespmem:v16+s8+$0x0] =	vst.idx.msk $0xffff, v17  }
0x1f2: {  	v16 =	vshll.u32 v18, $0x7;
	v17 =	vld.idx.msk [tilespmem:v20+s15+$0x0], $0xffff  }
0x1f3: {  	v18 =	vor.u32 v0, v16  }
0x1f4: {  	v20 =	vor.u32 v2, v19;
	_ =	sdelay $0x3  }
0x1f5: {  	[tilespmem:v18+s8+$0x0] =	vst.idx.msk $0xffff, v17  }
0x1f6: {  	v17 =	vld.idx.msk [tilespmem:v20+s15+$0x0], $0xffff  }
0x1f7: {  	v18 =	vor.u32 v3, v16  }
0x1f8: {  	v20 =	vor.u32 v4, v19;
	_ =	sdelay $0x3  }
0x1f9: {  	[tilespmem:v18+s8+$0x0] =	vst.idx.msk $0xffff, v17  }
0x1fa: {  	v17 =	vld.idx.msk [tilespmem:v20+s15+$0x0], $0xffff  }
0x1fb: {  	v18 =	vor.u32 v5, v16  }
0x1fc: {  	v20 =	vor.u32 v6, v19;
	_ =	sdelay $0x3  }
0x1fd: {  	[tilespmem:v18+s8+$0x0] =	vst.idx.msk $0xffff, v17  }
0x1fe: {  	v17 =	vld.idx.msk [tilespmem:v20+s15+$0x0], $0xffff  }
0x1ff: {  	v18 =	vor.u32 v7, v16  }
0x200: {  	v20 =	vor.u32 v8, v19;
	_ =	sdelay $0x3  }
0x201: {  	[tilespmem:v18+s8+$0x0] =	vst.idx.msk $0xffff, v17  }
0x202: {  	v17 =	vld.idx.msk [tilespmem:v20+s15+$0x0], $0xffff  }
0x203: {  	v18 =	vor.u32 v9, v16  }
0x204: {  	v20 =	vor.u32 v10, v19;
	_ =	sdelay $0x3  }
0x205: {  	[tilespmem:v18+s8+$0x0] =	vst.idx.msk $0xffff, v17  }
0x206: {  	v17 =	vld.idx.msk [tilespmem:v20+s15+$0x0], $0xffff  }
0x207: {  	v18 =	vor.u32 v11, v16  }
0x208: {  	v20 =	vor.u32 v12, v19;
	_ =	sdelay $0x3  }
0x209: {  	[tilespmem:v18+s8+$0x0] =	vst.idx.msk $0xffff, v17  }
0x20a: {  	v20 =	vld.idx.msk [tilespmem:v20+s15+$0x0], $0xffff  }
0x20b: {  	v21 =	vor.u32 v13, v16  }
.Ltmp14:
0x20c: {  	v17 =	vor.u32 v14, v19;
	(pc) =	sbr.rel @p1 .LBB2_21-.Ltmp14, $2  }
0x20d: {  	_ =	sdelay $0x2  }
0x20e: {  	v18 =	vadd.s32 s0, v0;
	s0 =	sadd.s32 $0x1, s0;
	[tilespmem:v21+s8+$0x0] =	vst.idx.msk $0xffff, v20  }
0x20f: {  	_ =	sdelay $0x2  }
0x210: {  	v18 =	vand.u32 $0x1F, v18  }
0x211: {  	v17 =	vld.idx.msk [tilespmem:v17+s15+$0x0], $0xffff;
	v16 =	vor.u32 v15, v16;
	v19 =	vshll.u32 v18, $0x1  }
0x212: {  	v20 =	vor.u32 v1, v19;
	_ =	sdelay $0x3  }
0x213: {  	[tilespmem:v16+s8+$0x0] =	vst.idx.msk $0xffff, v17;
	v16 =	vshll.u32 v18, $0x7  }
0x214: {  	v18 =	vor.u32 v0, v16;
	v17 =	vld.idx.msk [tilespmem:v20+s15+$0x0], $0xffff  }
0x215: {  	v52 =	vor.u32 v2, v19;
	_ =	sdelay $0x3  }
0x216: {  	[tilespmem:v18+s8+$0x0] =	vst.idx.msk $0xffff, v17  }
0x217: {  	v53 =	vor.u32 v3, v16;
	v17 =	vld.idx.msk [tilespmem:v52+s15+$0x0], $0xffff  }
0x218: {  	v54 =	vor.u32 v4, v19;
	_ =	sdelay $0x3  }
0x219: {  	[tilespmem:v53+s8+$0x0] =	vst.idx.msk $0xffff, v17  }
0x21a: {  	v55 =	vor.u32 v5, v16;
	v17 =	vld.idx.msk [tilespmem:v54+s15+$0x0], $0xffff  }
0x21b: {  	v56 =	vor.u32 v6, v19;
	_ =	sdelay $0x3  }
0x21c: {  	[tilespmem:v55+s8+$0x0] =	vst.idx.msk $0xffff, v17  }
0x21d: {  	v57 =	vor.u32 v7, v16;
	v17 =	vld.idx.msk [tilespmem:v56+s15+$0x0], $0xffff  }
0x21e: {  	v58 =	vor.u32 v8, v19;
	_ =	sdelay $0x3  }
0x21f: {  	[tilespmem:v57+s8+$0x0] =	vst.idx.msk $0xffff, v17  }
0x220: {  	v59 =	vor.u32 v9, v16;
	v17 =	vld.idx.msk [tilespmem:v58+s15+$0x0], $0xffff  }
0x221: {  	v60 =	vor.u32 v10, v19;
	_ =	sdelay $0x3  }
0x222: {  	[tilespmem:v59+s8+$0x0] =	vst.idx.msk $0xffff, v17  }
0x223: {  	v61 =	vor.u32 v11, v16;
	v17 =	vld.idx.msk [tilespmem:v60+s15+$0x0], $0xffff  }
0x224: {  	v62 =	vor.u32 v12, v19;
	_ =	sdelay $0x3  }
0x225: {  	[tilespmem:v61+s8+$0x0] =	vst.idx.msk $0xffff, v17  }
0x226: {  	v63 =	vor.u32 v13, v16;
	v17 =	vld.idx.msk [tilespmem:v62+s15+$0x0], $0xffff  }
0x227: {  	v19 =	vor.u32 v14, v19;
	_ =	sdelay $0x3  }
0x228: {  	[tilespmem:v63+s8+$0x0] =	vst.idx.msk $0xffff, v17  }
0x229: {  	v16 =	vor.u32 v15, v16;
	v17 =	vld.idx.msk [tilespmem:v19+s15+$0x0], $0xffff;
	_ =	sdelay $0x4  }
.Ltmp15:
0x22a: {  	s0 =	rddreg [dreg:$0x8];
	s31 =	simm.s32 $0x9;
	[tilespmem:v16+s8+$0x0] =	vst.idx.msk $0xffff, v17;
	(pc) =	sbr.rel .LBB2_23-.Ltmp15, $4  }
0x22b: {  	[hbm4b:s0+s3] =	stream.linear.scatter [tilespmem:s8], [sflag:$0x9], $0x1000, $0x38;
	[tilespmem:$0x13000] =	vst v63  }
0x22c: {  	_ =	swait.ge [sflag:s31], $0x1000  }
0x22d: {  	[sflag:s31] =	ssyncset.done $0x0  }
0x22e: {  	[sflag:s31] =	ssyncadd.s32 $0xFFFFF000  }
.LBB2_24:
0x22f: {  	_ =	sfence.sel $0x180000  }
0x230: {  	[bflag:$0x0] =	sbarrier.arrive $0xFFFF  }
0x231: {  	_ =	strace $0x90000047  }
0x232: {  	s0 =	stileid.u32;
	[bflag:$0x2] =	sbarrier.arrive $0xFFFF  }
0x233: {  	p0 =	sne.s32 s0, $0x0;
	s0 =	rddreg [dreg:$0x2]  }
0x234: {  	s0 =	sadd.s32 @!p0 $0x100000, s0  }
0x235: {  	[sflag:s0] =	ssyncadd.tile.s32 @!p0 $0x1;
	_ =	shalt  }
.Lfunc_end2:
_tile_overlayer_lowered:
.L_overlay_start_2:
0x236: {  	(tag) =	ssettag $0x2  }
0x237: {  	s0 =	rddreg [dreg:$0x0];
	s2 =	stileid.u32  }
0x238: {  	s1 =	rddreg [dreg:$0x1];
	p0 =	sne.s32 s2, $0x0  }
0x239: {  	s3 =	rddreg [dreg:$0x2];
	[bflag:$0x3] =	sbarrier.arrive $0xFFFF;
	s2 =	simm.s32 @!p0 $0x1C09  }
0x23a: {  	[timem:s3], [sflag:s2] =	dma.local @!p0 [hbm:s0], s1  }
0x23b: {  	s0 =	simm.s32 @!p0 $0x9  }
0x23c: {  	_ =	swait.ge @!p0 [sflag:s0], s1  }
0x23d: {  	s1 =	ssub.s32 @!p0 $0x0, s1;
	[sflag:s0] =	ssyncset.done @!p0 $0x0  }
0x23e: {  	[sflag:s0] =	ssyncadd.s32 @!p0 s1  }
0x23f: {  	[bflag:$0x3] =	sbarrier.arrive $0xFFFF  }
0x240: {  	_ =	shalt  }

// kernel: kernel.7.cloned.1.call-start
scs
__scs_entry_jumppad:
0x0: {  	(pc) =	sbr.rel $0x88, $3  }
0x1: {  	(tag) =	ssettag $0x0;
	lr =	simm.s32 $0x1  }
0x2: {  	[smem:$0x3F9F] =	sst lr;
	_ =	strace $0xD0000000  }
0x3: {  	_ = 	snop  }
0x4: {  	_ = 	snop  }
0x5: {  	_ = 	snop  }
0x6: {  	_ = 	snop  }
0x7: {  	_ = 	snop  }
__scs_overlays_trampoline_lowered:
0x8: {  	[smem:$0x3FAE] =	sst s0  }
0x9: {  	[smem:$0x3FAF] =	sst s1  }
0xa: {  	[smem:$0x3FB0] =	sst s2  }
0xb: {  	[smem:$0x3FB1] =	sst s3  }
0xc: {  	[smem:$0x3FB2] =	sst s4  }
0xd: {  	[smem:$0x3FB3] =	sst s5  }
0xe: {  	[smem:$0x3FB4] =	sst s6  }
0xf: {  	[smem:$0x3FB5] =	sst s7  }
0x10: {  	[smem:$0x3FB6] =	sst s8  }
0x11: {  	[smem:$0x3FB7] =	sst s9;
	s0 =	simm.s32 @!p0 $0x0  }
0x12: {  	s1 =	sld [smem:$0x3F9D];
	s0 =	simm.s32 @p0 $0x1  }
0x13: {  	[smem:$0x3FB8] =	sst s0;
	s0 =	simm.s32 @!p1 $0x0  }
0x14: {  	s2 =	sld [smem:$0x3F9C];
	s0 =	simm.s32 @p1 $0x1  }
0x15: {  	[smem:$0x3FB9] =	sst s0;
	s0 =	simm.s32 @!p2 $0x0  }
0x16: {  	s3 =	sld [smem:$0x3FDB];
	s0 =	simm.s32 @p2 $0x1  }
0x17: {  	s4 =	simm.s32 $0x1BF5;
	[smem:$0x3FBB] =	sst s0  }
0x18: {  	s0 =	sld [smem:$0x3F9E];
	_ =	swait.ge [sflag:s4], $0x0  }
0x19: {  	s7 =	sld [smem:$0x3F9F]  }
0x1a: {  	s8 =	sadd.s32 $0xFFFFE003, lr  }
0x1b: {  	s9 =	sadd.s32 $0xFFFFFEF7, lr;
	s5 =	simm.s32 $0xFFFFFFFF;
	p2 =	slt.u32 s8, $0xFFFFF086  }
0x1c: {  	p1 =	slt.u32 s9, $0xF7A;
	s5 =	simm.s32 @!p2 $0x0  }
0x1d: {  	s5 =	simm.s32 @p1 $0x1;
	p0 =	seq.s32 s7, s2  }
0x1e: {  	s7 =	smul.u32 @!p0 $0xF7A, s2;
	p2 =	seq.s32 @!p0 s5, $0x0  }
0x1f: {  	s9 =	smul.u32 $0xF7A, s1;
	s8 =	simm.s32 @!p0 $0x1BF5;
	p2 =	por !p2, p0  }
0x20: {  	[sflag:s8] =	ssyncset.s32 @!p0 $0xFFFFF086;
	s6 =	sadd.s32 @!p0 s3, s7;
	s7 =	simm.s32 @!p0 $0x108  }
0x21: {  	s3 =	sadd.s32 s3, s9;
	s6 =	sadd.s32 @!p0 $0x88, s6;
	s7 =	simm.s32 @p2 $0x1082  }
0x22: {  	[simem:s7], [sflag:s8] =	dma.local @!p0 [hbm:s6], $0xF7A  }
0x23: {  	s9 =	sor.u32 $0xD0000000, s2;
	s6 =	simm.s32 $0x108;
	_ =	swait.ge @!p0 [sflag:s8], $0x0  }
0x24: {  	s3 =	sadd.s32 $0x88, s3;
	s6 =	simm.s32 @!p1 $0x1082;
	[sflag:s4] =	ssyncset.s32 $0xFFFFF086  }
0x25: {  	[simem:s6], [sflag:s4] =	dma.local [hbm:s3], $0xF7A  }
0x26: {  	[smem:$0x3F9F] =	sst s1;
	(tag) =	ssettag s2;
	_ =	strace s9  }
0x27: {  	s1 =	sld [smem:$0x3FAF]  }
0x28: {  	s2 =	sld [smem:$0x3FB0]  }
0x29: {  	s4 =	sld [smem:$0x3FB2]  }
0x2a: {  	p0 =	seq.s32 s5, $0x0;
	s5 =	sld [smem:$0x3FB3]  }
0x2b: {  	s6 =	sld [smem:$0x3FB4]  }
0x2c: {  	s7 =	sld [smem:$0x3FB5]  }
0x2d: {  	s3 =	simm.s32 $0x108;
	s8 =	sld [smem:$0x3FB6]  }
0x2e: {  	s3 =	simm.s32 @!p0 $0x1082;
	s9 =	sld [smem:$0x3FB7]  }
0x2f: {  	lr =	sadd.s32 s0, s3;
	s0 =	sld [smem:$0x3FAE]  }
0x30: {  	s3 =	sld [smem:$0x3FB1]  }
0x31: {  	[smem:$0x3FBA] =	sst s10  }
0x32: {  	s10 =	sld [smem:$0x3FB8];
	_ =	sdelay $0x3  }
0x33: {  	p0 =	seq.s32 s10, $0x1;
	s10 =	sld [smem:$0x3FBA];
	_ =	sdelay $0x3  }
0x34: {  	[smem:$0x3FBA] =	sst s10  }
0x35: {  	s10 =	sld [smem:$0x3FB9];
	_ =	sdelay $0x3  }
0x36: {  	p1 =	seq.s32 s10, $0x1;
	s10 =	sld [smem:$0x3FBA];
	_ =	sdelay $0x3  }
0x37: {  	[smem:$0x3FBA] =	sst s10  }
0x38: {  	s10 =	sld [smem:$0x3FBB]  }
0x39: {  	_ = 	snop;
	(pc) =	sbr.ind lr, $3  }
0x3a: {  	_ = 	snop  }
0x3b: {  	_ = 	snop  }
0x3c: {  	p2 =	seq.s32 s10, $0x1;
	s10 =	sld [smem:$0x3FBA]  }
0x3d: {  	_ =	shalt  }
0x3e: {  	_ =	shalt  }
0x3f: {  	_ =	shalt  }
0x40: {  	_ =	shalt  }
0x41: {  	_ =	shalt  }
0x42: {  	_ =	shalt  }
0x43: {  	_ =	shalt  }
0x44: {  	_ =	shalt  }
0x45: {  	_ =	shalt  }
0x46: {  	_ =	shalt  }
0x47: {  	_ =	shalt  }
0x48: {  	_ =	shalt  }
0x49: {  	_ =	shalt  }
0x4a: {  	_ =	shalt  }
0x4b: {  	_ =	shalt  }
0x4c: {  	_ =	shalt  }
0x4d: {  	_ =	shalt  }
0x4e: {  	_ =	shalt  }
0x4f: {  	_ =	shalt  }
0x50: {  	_ =	shalt  }
0x51: {  	_ =	shalt  }
0x52: {  	_ =	shalt  }
0x53: {  	_ =	shalt  }
0x54: {  	_ =	shalt  }
0x55: {  	_ =	shalt  }
0x56: {  	_ =	shalt  }
0x57: {  	_ =	shalt  }
0x58: {  	_ =	shalt  }
0x59: {  	_ =	shalt  }
0x5a: {  	_ =	shalt  }
0x5b: {  	_ =	shalt  }
0x5c: {  	_ =	shalt  }
0x5d: {  	_ =	shalt  }
0x5e: {  	_ =	shalt  }
0x5f: {  	_ =	shalt  }
0x60: {  	_ =	shalt  }
0x61: {  	_ =	shalt  }
0x62: {  	_ =	shalt  }
0x63: {  	_ =	shalt  }
0x64: {  	_ =	shalt  }
0x65: {  	_ =	shalt  }
0x66: {  	_ =	shalt  }
0x67: {  	_ =	shalt  }
0x68: {  	_ =	shalt  }
0x69: {  	_ =	shalt  }
0x6a: {  	_ =	shalt  }
0x6b: {  	_ =	shalt  }
0x6c: {  	_ =	shalt  }
0x6d: {  	_ =	shalt  }
0x6e: {  	_ =	shalt  }
0x6f: {  	_ =	shalt  }
0x70: {  	_ =	shalt  }
0x71: {  	_ =	shalt  }
0x72: {  	_ =	shalt  }
0x73: {  	_ =	shalt  }
0x74: {  	_ =	shalt  }
0x75: {  	_ =	shalt  }
0x76: {  	_ =	shalt  }
0x77: {  	_ =	shalt  }
0x78: {  	_ =	shalt  }
0x79: {  	_ =	shalt  }
0x7a: {  	_ =	shalt  }
0x7b: {  	_ =	shalt  }
0x7c: {  	_ =	shalt  }
0x7d: {  	_ =	shalt  }
0x7e: {  	_ =	shalt  }
0x7f: {  	_ =	shalt  }
0x80: {  	_ =	shalt  }
0x81: {  	_ =	shalt  }
0x82: {  	_ =	shalt  }
0x83: {  	_ =	shalt  }
0x84: {  	_ =	shalt  }
0x85: {  	_ =	shalt  }
0x86: {  	_ =	shalt  }
0x87: {  	_ =	shalt  }
.Lfunc_end0:
.L_simem_size_0:
called_computation.1_lowered:
.L_overlay_start_0:
0x88: {  	s2 =	sld [smem:$0x3FD9]  }
0x89: {  	s3 =	sld [smem:$0x3FFE];
	_ =	sdelay $0x1  }
0x8a: {  	s1 =	srdreg.scid  }
0x8b: {  	s0 =	sand.u32 $0x1, s1  }
0x8c: {  	s17 =	sshll.u32 s0, $0xA;
	s2 =	sadd.s32 s3, s2  }
0x8d: {  	s2 =	sadd.s32 s2, s17  }
0x8e: {  	[smem:$0x3FC6] =	sst s2  }
0x8f: {  	_ = 	snop  }
0x90: {  	s2 =	sld [smem:$0x3FC9]  }
0x91: {  	s18 =	sld [smem:$0x3FD0];
	(tm) =	ssettm $0x1  }
0x92: {  	s4 =	sld [smem:$0x3FFB];
	_ =	sdelay $0x3  }
0x93: {  	_ =	strace s4  }
0x94: {  	s4 =	sld [smem:$0x3FFC];
	_ =	sdelay $0x3  }
0x95: {  	_ =	strace s4  }
0x96: {  	s4 =	sld [smem:$0x3FFD];
	_ =	sdelay $0x3  }
0x97: {  	_ =	strace s4  }
0x98: {  	_ =	strace $0x8FFFFFFF  }
0x99: {  	s19 =	sld [smem:$0x3FDB];
	_ =	sdelay $0x1  }
0x9a: {  	s5 =	simm.s32 $_scs_section_size  }
0x9b: {  	s6 =	simm.s32 $_size__tile_overlayer_lowered;
	s7 =	simm.s32 $_tile_overlayer_lowered  }
0x9c: {  	s22 =	simm.s32 $0x1BFF;
	s21 =	sshll.u32 s7, $0x1;
	s4 =	sadd.s32 s5, s19  }
0x9d: {  	s8 =	simm.s32 $0x0;
	s20 =	sshll.u32 s6, $0x1;
	s6 =	sadd.s32 s21, s4  }
0x9e: {  	[timem:s8], [sflag:s22] =	dma.local [hbm:s6], s20  }
0x9f: {  	_ =	swait.ge [sflag:s22], s20  }
0xa0: {  	s5 =	ssub.s32 $0x0, s20;
	[sflag:s22] =	ssyncset.done $0x0  }
0xa1: {  	[sflag:s22] =	ssyncadd.s32 s5;
	_ =	sdelay $0x1  }
0xa2: {  	s23 =	simm.s32 $0x1B8B  }
0xa3: {  	_ =	swait.ge [sflag:s23], $0x1  }
0xa4: {  	[sflag:s23] =	ssyncset.done $0x0  }
0xa5: {  	s25 =	simm.s32 $0x1B8E;
	s24 =	sld [smem:$0x3FFE];
	[sflag:s23] =	ssyncadd.s32 $0xFFFFFFFF  }
0xa6: {  	s26 =	simm.s32 $execute0_lowered;
	[smem:$0x3FD2] =	sst s25  }
0xa7: {  	s6 =	sshll.u32 s26, $0x1;
	_ =	strace $0x80000049;
	[dreg:$0x1] =	wrdreg $0xFFFFFFFF  }
0xa8: {  	s28 =	simm.s32 $_size_execute0_lowered;
	s4 =	sadd.s32 s4, s6;
	[dreg:$0x0] =	wrdreg $0x0  }
0xa9: {  	s6 =	sshll.u32 s28, $0x1;
	[dreg:$0x2] =	wrdreg s4  }
0xaa: {  	[dreg:$0x3] =	wrdreg s6  }
0xab: {  	[dreg:$0x4] =	wrdreg $0xC0  }
0xac: {  	_ =	task [dreg:s8], $0x5FFFF  }
0xad: {  	[dreg:$0x1] =	wrdreg $0xFFFFFFFF  }
0xae: {  	[dreg:$0x0] =	wrdreg $0x60  }
0xaf: {  	[dreg:$0x2] =	wrdreg s2  }
0xb0: {  	[dreg:$0x3] =	wrdreg s24  }
0xb1: {  	[dreg:$0x4] =	wrdreg s18  }
0xb2: {  	[dreg:$0x5] =	wrdreg $0x9  }
0xb3: {  	_ =	task.clear_ibuf [dreg:s8], $0x6FFFF;
	_ =	strace $0x90000049  }
0xb4: {  	s29 =	simm.s32 $0x9;
	_ =	strace $0x8000004B  }
0xb5: {  	_ =	swait.ge [sflag:s29], $0x1  }
0xb6: {  	[sflag:s29] =	ssyncadd.s32 $0xFFFFFFFF  }
0xb7: {  	_ =	strace $0x9000004B  }
0xb8: {  	_ =	sfence  }
0xb9: {  	s30 =	sld [smem:$0x0];
	_ =	sdelay $0x2  }
0xba: {  	s31 =	sshll.u32 s1, $0xD;
	s1 =	sshrl.u32 s1, $0x2  }
0xbb: {  	s3 =	sand.u32 $0x4000, s31;
	s1 =	sadd.s32 s1, s30  }
0xbc: {  	s0 =	sor.u32 s3, s0;
	s1 =	sshll.u32 s1, $0x11  }
0xbd: {  	s0 =	sor.u32 s1, s0  }
0xbe: {  	s0 =	sadd.s32 $0x8F2B, s0  }
0xbf: {  	[sflag:s0] =	ssyncadd.remote.s32 $0x1  }
0xc0: {  	_ =	sfence.sel $0xFFFF  }
0xc1: {  	[dreg:$0x0] =	wrdreg $0xFFFFFFFF;
	(pc) =	sbr.abs _section_cstart, $3  }
0xc2: {  	[dreg:$0x1] =	wrdreg $0xFFFFFFFF  }
0xc3: {  	_ =	task.clear_ibuf [dreg:s8], $0x2FFFF;
	_ =	strace $0x9FFFFFFF  }
0xc4: {  	(tm) =	ssettm $0x7FFFFFFF  }
0xc5: {  	_ =	shalt  }
tec
execute0_lowered:
.L_overlay_start_1:
0x0: {  	(tag) =	ssettag $0x1  }
0x1: {  	s0 =	rddreg [dreg:$0x0]  }
0x2: {  	s2 =	rddreg [dreg:$0x1]  }
0x3: {  	s1 =	rddreg [dreg:$0x2]  }
0x4: {  	s4 =	simm.s32 $0x0;
	s3 =	srdreg.scid;
	s24 =	stileid.u32  }
0x5: {  	s8 =	simm.s32 $0x400;
	s9 =	simm.s32 $0x8000;
	s10 =	simm.s32 $0x9  }
0x6: {  	s11 =	simm.s32 $0x80;
	s13 =	simm.s32 $0x6600;
	s15 =	simm.s32 $0xA600  }
0x7: {  	s17 =	simm.s32 $0xE600;
	s19 =	simm.s32 $0x12600;
	s20 =	simm.s32 $0x1  }
0x8: {  	s21 =	simm.s32 $0x16600;
	s22 =	simm.s32 $0x2;
	s23 =	simm.s32 $0x18600  }
0x9: {  	s28 =	simm.s32 $0x1C600;
	s29 =	simm.s32 $0x5;
	s30 =	simm.s32 $0x6  }
0xa: {  	s31 =	simm.s32 $0x7;
	[smem:$0x7FF] =	sst s4;
	s3 =	sand.u32 $0x1, s3  }
0xb: {  	v0 =	vlaneseq.u32;
	s4 =	sshll.u32 s24, $0xB;
	s6 =	ssub.s32 $0x2, s3;
	s3 =	sshll.u32 s3, $0xA  }
0xc: {  	s5 =	sadd.s32 $0x800, s2;
	v1 =	vmul.u32 $0x80, v0;
	v9 =	vor.u32 $0x10, v0;
	s24 =	simm.s32 $0x3;
	v10 =	vor.u32 $0x20, v0;
	s4 =	sor.u32 s3, s4  }
0xd: {  	v11 =	vor.u32 $0x30, v0;
	v12 =	vor.u32 $0x40, v0;
	v13 =	vor.u32 $0x50, v0;
	s2 =	simm.s32 $0x0;
	s7 =	sshrl.u32 s6, $0x1;
	s3 =	sshrl.u32 s4, $0x3  }
0xe: {  	v14 =	vor.u32 $0x60, v0;
	v15 =	vor.u32 $0x70, v0;
	_ =	strace $0x8000004A;
	v2 =	vor.u32 $0x800, v1;
	s25 =	ssub.s32 s6, s7;
	s0 =	sadd.s32 s0, s3  }
0xf: {  	v3 =	vor.u32 $0x1000, v1;
	v4 =	vor.u32 $0x1800, v1;
	v5 =	vor.u32 $0x2000, v1;
	s26 =	smax.u32 s25, $0x1;
	s25 =	simm.s32 $0x1A600;
	[dreg:$0x4] =	wrdreg s0  }
0x10: {  	v6 =	vor.u32 $0x2800, v1;
	v7 =	vor.u32 $0x3000, v1;
	v8 =	vor.u32 $0x3800, v1;
	[dreg:$0x5] =	wrdreg s26;
	s26 =	simm.s32 $0x4;
	s0 =	simm.s32 $0x8  }
.LBB2_1:
0x11: {  	s3 =	simm.s32 $0x0;
	s6 =	rddreg [dreg:$0x4]  }
0x12: {  	[tilespmem:s3], [sflag:$0x9] =	stream.strided.gather [hbm4b:s6+s8], $0x6400, s9, s8, $0x38;
	[tilespmem:$0x1E600] =	vst v63  }
0x13: {  	_ =	swait.ge [sflag:s10], $0x6400  }
0x14: {  	[sflag:s10] =	ssyncset.done $0x0  }
0x15: {  	[sflag:s10] =	ssyncadd.s32 $0xFFFF9C00  }
0x16: {  	v16 =	vld [tilespmem:$0x0]  }
0x17: {  	v17 =	vld [tilespmem:$0x10]  }
0x18: {  	v18 =	vld [tilespmem:$0x20]  }
0x19: {  	v19 =	vld [tilespmem:$0x30]  }
0x1a: {  	v20 =	vld [tilespmem:$0x40]  }
0x1b: {  	v21 =	vld [tilespmem:$0x50];
	v16 =	vshra.s32 v16, $0x1  }
0x1c: {  	[tilespmem:$0x6400] =	vst v16;
	v16 =	vshra.s32 v17, $0x1;
	v17 =	vld [tilespmem:$0x60]  }
0x1d: {  	v48 =	vld [tilespmem:$0x70];
	[tilespmem:$0x6410] =	vst v16;
	v16 =	vshra.s32 v18, $0x1  }
0x1e: {  	[tilespmem:$0x6420] =	vst v16;
	v16 =	vshra.s32 v19, $0x1  }
0x1f: {  	[tilespmem:$0x6430] =	vst v16;
	v16 =	vshra.s32 v20, $0x1  }
0x20: {  	[tilespmem:$0x6440] =	vst v16;
	v16 =	vshra.s32 v21, $0x1  }
0x21: {  	[tilespmem:$0x6450] =	vst v16;
	v16 =	vshra.s32 v17, $0x1  }
0x22: {  	[tilespmem:$0x6460] =	vst v16;
	v16 =	vshra.s32 v48, $0x1  }
0x23: {  	s12 =	simm.s32 $0x6400;
	[tilespmem:$0x6470] =	vst v16  }
0x24: {  	[tilespmem:s13], [sflag:$0x1] =	stream.indirect.gather [hbm4b:s5+s11], $0x80, s12, s11, $0xb8;
	[tilespmem:$0x1E600] =	vst v63  }
0x25: {  	v16 =	vld [tilespmem:$0x80]  }
0x26: {  	v17 =	vld [tilespmem:$0x90]  }
0x27: {  	v49 =	vld [tilespmem:$0xA0]  }
0x28: {  	v50 =	vld [tilespmem:$0xB0]  }
0x29: {  	v51 =	vld [tilespmem:$0xC0]  }
0x2a: {  	v52 =	vld [tilespmem:$0xD0];
	v16 =	vshra.s32 v16, $0x1  }
0x2b: {  	[tilespmem:$0x6480] =	vst v16;
	v16 =	vshra.s32 v17, $0x1;
	v17 =	vld [tilespmem:$0xE0]  }
0x2c: {  	v53 =	vld [tilespmem:$0xF0];
	[tilespmem:$0x6490] =	vst v16;
	v16 =	vshra.s32 v49, $0x1  }
0x2d: {  	[tilespmem:$0x64A0] =	vst v16;
	v16 =	vshra.s32 v50, $0x1  }
0x2e: {  	[tilespmem:$0x64B0] =	vst v16;
	v16 =	vshra.s32 v51, $0x1  }
0x2f: {  	[tilespmem:$0x64C0] =	vst v16;
	v16 =	vshra.s32 v52, $0x1  }
0x30: {  	[tilespmem:$0x64D0] =	vst v16;
	v16 =	vshra.s32 v17, $0x1  }
0x31: {  	[tilespmem:$0x64E0] =	vst v16;
	v16 =	vshra.s32 v53, $0x1  }
0x32: {  	s14 =	simm.s32 $0x6480;
	[tilespmem:$0x64F0] =	vst v16  }
0x33: {  	[tilespmem:s15], [sflag:$0x2] =	stream.indirect.gather [hbm4b:s5+s11], $0x80, s14, s11, $0xb8;
	[tilespmem:$0x1E600] =	vst v63  }
0x34: {  	v16 =	vld [tilespmem:$0x100]  }
0x35: {  	v17 =	vld [tilespmem:$0x110]  }
0x36: {  	v54 =	vld [tilespmem:$0x120]  }
0x37: {  	v55 =	vld [tilespmem:$0x130]  }
0x38: {  	v56 =	vld [tilespmem:$0x140]  }
0x39: {  	v57 =	vld [tilespmem:$0x150];
	v16 =	vshra.s32 v16, $0x1  }
0x3a: {  	[tilespmem:$0x6500] =	vst v16;
	v16 =	vshra.s32 v17, $0x1;
	v17 =	vld [tilespmem:$0x160]  }
0x3b: {  	v58 =	vld [tilespmem:$0x170];
	[tilespmem:$0x6510] =	vst v16;
	v16 =	vshra.s32 v54, $0x1  }
0x3c: {  	[tilespmem:$0x6520] =	vst v16;
	v16 =	vshra.s32 v55, $0x1  }
0x3d: {  	[tilespmem:$0x6530] =	vst v16;
	v16 =	vshra.s32 v56, $0x1  }
0x3e: {  	[tilespmem:$0x6540] =	vst v16;
	v16 =	vshra.s32 v57, $0x1  }
0x3f: {  	[tilespmem:$0x6550] =	vst v16;
	v16 =	vshra.s32 v17, $0x1  }
0x40: {  	[tilespmem:$0x6560] =	vst v16;
	v16 =	vshra.s32 v58, $0x1  }
0x41: {  	s16 =	simm.s32 $0x6500;
	[tilespmem:$0x6570] =	vst v16  }
0x42: {  	[tilespmem:s17], [sflag:$0x3] =	stream.indirect.gather [hbm4b:s5+s11], $0x80, s16, s11, $0xb8;
	[tilespmem:$0x1E600] =	vst v63  }
0x43: {  	v16 =	vld [tilespmem:$0x180]  }
0x44: {  	v17 =	vld [tilespmem:$0x190]  }
0x45: {  	v59 =	vld [tilespmem:$0x1A0]  }
0x46: {  	v60 =	vld [tilespmem:$0x1B0]  }
0x47: {  	v61 =	vld [tilespmem:$0x1C0]  }
0x48: {  	v62 =	vld [tilespmem:$0x1D0];
	v16 =	vshra.s32 v16, $0x1  }
0x49: {  	[tilespmem:$0x6580] =	vst v16;
	v16 =	vshra.s32 v17, $0x1;
	v17 =	vld [tilespmem:$0x1E0]  }
0x4a: {  	v63 =	vld [tilespmem:$0x1F0];
	[tilespmem:$0x6590] =	vst v16;
	v16 =	vshra.s32 v59, $0x1  }
0x4b: {  	[tilespmem:$0x65A0] =	vst v16;
	v16 =	vshra.s32 v60, $0x1  }
0x4c: {  	[tilespmem:$0x65B0] =	vst v16;
	v16 =	vshra.s32 v61, $0x1  }
0x4d: {  	[tilespmem:$0x65C0] =	vst v16;
	v16 =	vshra.s32 v62, $0x1  }
0x4e: {  	[tilespmem:$0x65D0] =	vst v16;
	v16 =	vshra.s32 v17, $0x1  }
0x4f: {  	[tilespmem:$0x65E0] =	vst v16;
	v16 =	vshra.s32 v63, $0x1  }
0x50: {  	s18 =	simm.s32 $0x6580;
	s16 =	simm.s32 $0x0;
	[tilespmem:$0x65F0] =	vst v16  }
0x51: {  	[tilespmem:s19], [sflag:$0x4] =	stream.indirect.gather [hbm4b:s5+s11], $0x80, s18, s11, $0xb8;
	[tilespmem:$0x1E600] =	vst v63  }
.LBB2_2:
0x52: {  	p1 =	seq.s32 s16, $0x0  }
0x53: {  	s3 =	simm.s32 @!p1 $0x5  }
0x54: {  	_ =	swait.ge @!p1 [sflag:s3], $0x2000  }
0x55: {  	[sflag:s3] =	ssyncset.done @!p1 $0x0  }
0x56: {  	[sflag:s3] =	ssyncadd.s32 @!p1 $0xFFFFE000  }
0x57: {  	_ =	swait.ge [sflag:s20], $0x4000  }
0x58: {  	s12 =	sshll.u32 s16, $0x9;
	[sflag:s20] =	ssyncset.done $0x0  }
0x59: {  	s12 =	sand.u32 $0x3FFFFE00, s12;
	[sflag:s20] =	ssyncadd.s32 $0xFFFFC000  }
0x5a: {  	v16 =	vld [tilespmem:s12+$0x0];
	_ =	sdelay $0x4  }
0x5b: {  	s14 =	simm.s32 $0x0;
	v16 =	vshll.u32 v16, $0x6  }
0x5c: {  	v18 =	vadd.s32 s14, v0;
	v17 =	vld [tilespmem:s12+$0x10];
	v16 =	vand.u32 $0x40, v16  }
0x5d: {  	v25 =	vand.u32 $0x3F, v18;
	v16 =	vor.u32 v1, v16  }
0x5e: {  	v18 =	vor.u32 v25, v16;
	_ =	sdelay $0x2  }
0x5f: {  	v17 =	vshll.u32 v17, $0x6  }
0x60: {  	v21 =	vshll.u32 v25, $0x7;
	v19 =	vld [tilespmem:s12+$0x20];
	v17 =	vand.u32 $0x40, v17  }
0x61: {  	v22 =	vor.u32 v0, v21;
	v17 =	vor.u32 v2, v17;
	v18 =	vld.idx.msk [tilespmem:v18+s13+$0x0], $0xffff  }
0x62: {  	v20 =	vld [tilespmem:s12+$0x30];
	v24 =	vor.u32 v25, v17  }
0x63: {  	v23 =	vld [tilespmem:s12+$0x40]  }
0x64: {  	v26 =	vld [tilespmem:s12+$0x50]  }
0x65: {  	v27 =	vld [tilespmem:s12+$0x60];
	v19 =	vshll.u32 v19, $0x6  }
0x66: {  	v28 =	vld [tilespmem:s12+$0x70];
	v19 =	vand.u32 $0x40, v19;
	[tilespmem:v22+s21+$0x0] =	vst.idx.msk $0xffff, v18  }
0x67: {  	v18 =	vor.u32 v3, v19;
	v22 =	vor.u32 v9, v21;
	v19 =	vld.idx.msk [tilespmem:v24+s13+$0x0], $0xffff  }
0x68: {  	v24 =	vor.u32 v25, v18;
	_ =	sdelay $0x2  }
0x69: {  	v20 =	vshll.u32 v20, $0x6  }
0x6a: {  	v20 =	vand.u32 $0x40, v20;
	[tilespmem:v22+s21+$0x0] =	vst.idx.msk $0xffff, v19  }
0x6b: {  	v19 =	vor.u32 v4, v20;
	v22 =	vor.u32 v10, v21;
	v20 =	vld.idx.msk [tilespmem:v24+s13+$0x0], $0xffff  }
0x6c: {  	v24 =	vor.u32 v25, v19;
	_ =	sdelay $0x2  }
0x6d: {  	v23 =	vshll.u32 v23, $0x6  }
0x6e: {  	v23 =	vand.u32 $0x40, v23;
	[tilespmem:v22+s21+$0x0] =	vst.idx.msk $0xffff, v20  }
0x6f: {  	v20 =	vor.u32 v5, v23;
	v23 =	vor.u32 v11, v21;
	v22 =	vld.idx.msk [tilespmem:v24+s13+$0x0], $0xffff  }
0x70: {  	v24 =	vor.u32 v25, v20;
	_ =	sdelay $0x2  }
0x71: {  	v26 =	vshll.u32 v26, $0x6  }
0x72: {  	v26 =	vand.u32 $0x40, v26;
	[tilespmem:v23+s21+$0x0] =	vst.idx.msk $0xffff, v22  }
0x73: {  	v22 =	vor.u32 v6, v26;
	v23 =	vld.idx.msk [tilespmem:v24+s13+$0x0], $0xffff;
	v24 =	vor.u32 v12, v21  }
0x74: {  	v26 =	vor.u32 v25, v22;
	_ =	sdelay $0x2  }
0x75: {  	v27 =	vshll.u32 v27, $0x6  }
0x76: {  	v27 =	vand.u32 $0x40, v27;
	[tilespmem:v24+s21+$0x0] =	vst.idx.msk $0xffff, v23  }
0x77: {  	v23 =	vor.u32 v7, v27;
	v24 =	vld.idx.msk [tilespmem:v26+s13+$0x0], $0xffff;
	v26 =	vor.u32 v13, v21  }
0x78: {  	v27 =	vor.u32 v25, v23;
	_ =	sdelay $0x2  }
0x79: {  	v28 =	vshll.u32 v28, $0x6  }
0x7a: {  	v28 =	vand.u32 $0x40, v28;
	[tilespmem:v26+s21+$0x0] =	vst.idx.msk $0xffff, v24  }
0x7b: {  	v24 =	vor.u32 v8, v28;
	v26 =	vld.idx.msk [tilespmem:v27+s13+$0x0], $0xffff;
	v27 =	vor.u32 v14, v21  }
0x7c: {  	v25 =	vor.u32 v25, v24;
	_ =	sdelay $0x3  }
0x7d: {  	s18 =	simm.s32 $0x1;
	[tilespmem:v27+s21+$0x0] =	vst.idx.msk $0xffff, v26  }
0x7e: {  	s14 =	sshll.u32 s16, $0x2;
	v26 =	vadd.s32 s18, v0;
	s18 =	simm.s32 $0x2;
	v25 =	vld.idx.msk [tilespmem:v25+s13+$0x0], $0xffff  }
.LBB2_3:
0x7f: {  	p0 =	sne.s32 s18, $0x3F;
	v26 =	vand.u32 $0x3F, v26;
	v21 =	vor.u32 v15, v21  }
0x80: {  	v27 =	vor.u32 v26, v16;
	_ =	sdelay $0x3  }
0x81: {  	[tilespmem:v21+s21+$0x0] =	vst.idx.msk $0xffff, v25  }
0x82: {  	v21 =	vshll.u32 v26, $0x7;
	v25 =	vld.idx.msk [tilespmem:v27+s13+$0x0], $0xffff  }
0x83: {  	v27 =	vor.u32 v0, v21  }
0x84: {  	v28 =	vor.u32 v26, v17;
	_ =	sdelay $0x3  }
0x85: {  	[tilespmem:v27+s21+$0x0] =	vst.idx.msk $0xffff, v25  }
0x86: {  	v25 =	vld.idx.msk [tilespmem:v28+s13+$0x0], $0xffff  }
0x87: {  	v27 =	vor.u32 v9, v21  }
0x88: {  	v28 =	vor.u32 v26, v18;
	_ =	sdelay $0x3  }
0x89: {  	[tilespmem:v27+s21+$0x0] =	vst.idx.msk $0xffff, v25  }
0x8a: {  	v25 =	vld.idx.msk [tilespmem:v28+s13+$0x0], $0xffff  }
0x8b: {  	v27 =	vor.u32 v10, v21  }
0x8c: {  	v28 =	vor.u32 v26, v19;
	_ =	sdelay $0x3  }
0x8d: {  	[tilespmem:v27+s21+$0x0] =	vst.idx.msk $0xffff, v25  }
0x8e: {  	v25 =	vld.idx.msk [tilespmem:v28+s13+$0x0], $0xffff  }
0x8f: {  	v27 =	vor.u32 v11, v21  }
0x90: {  	v28 =	vor.u32 v26, v20;
	_ =	sdelay $0x3  }
0x91: {  	[tilespmem:v27+s21+$0x0] =	vst.idx.msk $0xffff, v25  }
0x92: {  	v25 =	vld.idx.msk [tilespmem:v28+s13+$0x0], $0xffff  }
0x93: {  	v27 =	vor.u32 v12, v21  }
0x94: {  	v28 =	vor.u32 v26, v22;
	_ =	sdelay $0x3  }
0x95: {  	[tilespmem:v27+s21+$0x0] =	vst.idx.msk $0xffff, v25  }
0x96: {  	v25 =	vld.idx.msk [tilespmem:v28+s13+$0x0], $0xffff  }
0x97: {  	v27 =	vor.u32 v13, v21  }
0x98: {  	v28 =	vor.u32 v26, v23;
	_ =	sdelay $0x3  }
0x99: {  	[tilespmem:v27+s21+$0x0] =	vst.idx.msk $0xffff, v25  }
0x9a: {  	v25 =	vld.idx.msk [tilespmem:v28+s13+$0x0], $0xffff  }
0x9b: {  	v27 =	vor.u32 v14, v21  }
0x9c: {  	v28 =	vor.u32 v26, v24  }
.Ltmp0:
0x9d: {  	(pc) =	sbr.rel @p0 .LBB2_3-.Ltmp0, $3  }
0x9e: {  	_ =	sdelay $0x1  }
0x9f: {  	[tilespmem:v27+s21+$0x0] =	vst.idx.msk $0xffff, v25  }
0xa0: {  	v26 =	vadd.s32 s18, v0;
	s18 =	sadd.s32 $0x1, s18;
	v25 =	vld.idx.msk [tilespmem:v28+s13+$0x0], $0xffff  }
0xa1: {  	v26 =	vand.u32 $0x3F, v26;
	v21 =	vor.u32 v15, v21  }
0xa2: {  	v16 =	vor.u32 v26, v16;
	_ =	sdelay $0x3  }
0xa3: {  	[tilespmem:v21+s21+$0x0] =	vst.idx.msk $0xffff, v25;
	v21 =	vshll.u32 v26, $0x7  }
0xa4: {  	v16 =	vld.idx.msk [tilespmem:v16+s13+$0x0], $0xffff;
	v25 =	vor.u32 v0, v21  }
0xa5: {  	v17 =	vor.u32 v26, v17;
	_ =	sdelay $0x3  }
0xa6: {  	[tilespmem:v25+s21+$0x0] =	vst.idx.msk $0xffff, v16  }
0xa7: {  	v16 =	vld.idx.msk [tilespmem:v17+s13+$0x0], $0xffff;
	v17 =	vor.u32 v9, v21  }
0xa8: {  	v18 =	vor.u32 v26, v18;
	_ =	sdelay $0x3  }
0xa9: {  	[tilespmem:v17+s21+$0x0] =	vst.idx.msk $0xffff, v16  }
0xaa: {  	v17 =	vor.u32 v10, v21;
	v16 =	vld.idx.msk [tilespmem:v18+s13+$0x0], $0xffff  }
0xab: {  	v18 =	vor.u32 v26, v19;
	_ =	sdelay $0x3  }
0xac: {  	[tilespmem:v17+s21+$0x0] =	vst.idx.msk $0xffff, v16  }
0xad: {  	v17 =	vor.u32 v11, v21;
	v16 =	vld.idx.msk [tilespmem:v18+s13+$0x0], $0xffff  }
0xae: {  	v18 =	vor.u32 v26, v20;
	_ =	sdelay $0x3  }
0xaf: {  	[tilespmem:v17+s21+$0x0] =	vst.idx.msk $0xffff, v16  }
0xb0: {  	v17 =	vor.u32 v12, v21;
	v16 =	vld.idx.msk [tilespmem:v18+s13+$0x0], $0xffff  }
0xb1: {  	v18 =	vor.u32 v26, v22;
	_ =	sdelay $0x3  }
0xb2: {  	[tilespmem:v17+s21+$0x0] =	vst.idx.msk $0xffff, v16  }
0xb3: {  	v17 =	vor.u32 v13, v21;
	v16 =	vld.idx.msk [tilespmem:v18+s13+$0x0], $0xffff  }
0xb4: {  	v18 =	vor.u32 v26, v23;
	_ =	sdelay $0x3  }
0xb5: {  	[tilespmem:v17+s21+$0x0] =	vst.idx.msk $0xffff, v16  }
0xb6: {  	v17 =	vor.u32 v14, v21;
	v16 =	vld.idx.msk [tilespmem:v18+s13+$0x0], $0xffff  }
0xb7: {  	v18 =	vor.u32 v26, v24;
	_ =	sdelay $0x3  }
0xb8: {  	[tilespmem:v17+s21+$0x0] =	vst.idx.msk $0xffff, v16  }
0xb9: {  	v17 =	vor.u32 v15, v21;
	v16 =	vld.idx.msk [tilespmem:v18+s13+$0x0], $0xffff;
	_ =	sdelay $0x4  }
0xba: {  	p0 =	seq.s32 s16, $0x31;
	[tilespmem:v17+s21+$0x0] =	vst.idx.msk $0xffff, v16  }
0xbb: {  	v16 =	vld @!p0 [tilespmem:s12+$0x200];
	_ =	sdelay $0x4  }
0xbc: {  	v16 =	vshra.s32 @!p0 v16, $0x1  }
0xbd: {  	[tilespmem:$0x6400] =	vst @!p0 v16  }
0xbe: {  	v16 =	vld @!p0 [tilespmem:s12+$0x210];
	_ =	sdelay $0x4  }
0xbf: {  	v16 =	vshra.s32 @!p0 v16, $0x1  }
0xc0: {  	[tilespmem:$0x6410] =	vst @!p0 v16  }
0xc1: {  	v16 =	vld @!p0 [tilespmem:s12+$0x220];
	_ =	sdelay $0x4  }
0xc2: {  	v16 =	vshra.s32 @!p0 v16, $0x1  }
0xc3: {  	[tilespmem:$0x6420] =	vst @!p0 v16  }
0xc4: {  	v16 =	vld @!p0 [tilespmem:s12+$0x230];
	_ =	sdelay $0x4  }
0xc5: {  	v16 =	vshra.s32 @!p0 v16, $0x1  }
0xc6: {  	[tilespmem:$0x6430] =	vst @!p0 v16  }
0xc7: {  	v16 =	vld @!p0 [tilespmem:s12+$0x240];
	_ =	sdelay $0x4  }
0xc8: {  	v16 =	vshra.s32 @!p0 v16, $0x1  }
0xc9: {  	[tilespmem:$0x6440] =	vst @!p0 v16  }
0xca: {  	v16 =	vld @!p0 [tilespmem:s12+$0x250];
	_ =	sdelay $0x4  }
0xcb: {  	v16 =	vshra.s32 @!p0 v16, $0x1  }
0xcc: {  	[tilespmem:$0x6450] =	vst @!p0 v16  }
0xcd: {  	v16 =	vld @!p0 [tilespmem:s12+$0x260];
	_ =	sdelay $0x4  }
0xce: {  	v16 =	vshra.s32 @!p0 v16, $0x1  }
0xcf: {  	[tilespmem:$0x6460] =	vst @!p0 v16  }
0xd0: {  	v16 =	vld @!p0 [tilespmem:s12+$0x270];
	_ =	sdelay $0x4  }
0xd1: {  	v16 =	vshra.s32 @!p0 v16, $0x1  }
0xd2: {  	s3 =	simm.s32 @!p0 $0x80;
	s18 =	simm.s32 @!p0 $0x6400;
	s6 =	simm.s32 @!p0 $0x6600;
	[tilespmem:$0x6470] =	vst @!p0 v16  }
0xd3: {  	[tilespmem:s6], [sflag:$0x1] =	stream.indirect.gather @!p0 [hbm4b:s5+s3], $0x80, s18, s3, $0xb8;
	[tilespmem:$0x1E600] =	vst v63  }
0xd4: {  	s18 =	sshll.u32 s16, $0x14  }
0xd5: {  	s3 =	sor.u32 s4, s18  }
0xd6: {  	s3 =	sshrl.u32 s3, $0x3  }
0xd7: {  	s3 =	sadd.s32 s1, s3  }
0xd8: {  	[hbm4b:s3+s8] =	stream.strided.scatter [tilespmem:s21], [sflag:$0x5], $0x2000, s9, s8, $0x38;
	[tilespmem:$0x1E600] =	vst v63  }
0xd9: {  	s3 =	simm.s32 @!p1 $0x6  }
0xda: {  	_ =	swait.ge @!p1 [sflag:s3], $0x2000  }
0xdb: {  	[sflag:s3] =	ssyncset.done @!p1 $0x0  }
0xdc: {  	[sflag:s3] =	ssyncadd.s32 @!p1 $0xFFFFE000  }
0xdd: {  	s18 =	sor.u32 $0x1, s14;
	_ =	swait.ge [sflag:s22], $0x4000  }
0xde: {  	s6 =	sshll.u32 s18, $0x7;
	[sflag:s22] =	ssyncset.done $0x0  }
0xdf: {  	s3 =	sand.u32 $0x3FFFFF80, s6;
	[sflag:s22] =	ssyncadd.s32 $0xFFFFC000  }
0xe0: {  	v16 =	vld [tilespmem:s3+$0x0];
	_ =	sdelay $0x4  }
0xe1: {  	s7 =	simm.s32 $0x0;
	v16 =	vshll.u32 v16, $0x6  }
0xe2: {  	v18 =	vadd.s32 s7, v0;
	v17 =	vld [tilespmem:s3+$0x10];
	v16 =	vand.u32 $0x40, v16  }
0xe3: {  	v25 =	vand.u32 $0x3F, v18;
	v16 =	vor.u32 v1, v16  }
0xe4: {  	v18 =	vor.u32 v25, v16;
	_ =	sdelay $0x2  }
0xe5: {  	v17 =	vshll.u32 v17, $0x6  }
0xe6: {  	v21 =	vshll.u32 v25, $0x7;
	v19 =	vld [tilespmem:s3+$0x20];
	v17 =	vand.u32 $0x40, v17  }
0xe7: {  	v22 =	vor.u32 v0, v21;
	v17 =	vor.u32 v2, v17;
	v18 =	vld.idx.msk [tilespmem:v18+s15+$0x0], $0xffff  }
0xe8: {  	v20 =	vld [tilespmem:s3+$0x30];
	v24 =	vor.u32 v25, v17  }
0xe9: {  	v23 =	vld [tilespmem:s3+$0x40]  }
0xea: {  	v26 =	vld [tilespmem:s3+$0x50]  }
0xeb: {  	v27 =	vld [tilespmem:s3+$0x60];
	v19 =	vshll.u32 v19, $0x6  }
0xec: {  	v28 =	vld [tilespmem:s3+$0x70];
	v19 =	vand.u32 $0x40, v19;
	[tilespmem:v22+s23+$0x0] =	vst.idx.msk $0xffff, v18  }
0xed: {  	v18 =	vor.u32 v3, v19;
	v22 =	vor.u32 v9, v21;
	v19 =	vld.idx.msk [tilespmem:v24+s15+$0x0], $0xffff  }
0xee: {  	v24 =	vor.u32 v25, v18;
	_ =	sdelay $0x2  }
0xef: {  	v20 =	vshll.u32 v20, $0x6  }
0xf0: {  	v20 =	vand.u32 $0x40, v20;
	[tilespmem:v22+s23+$0x0] =	vst.idx.msk $0xffff, v19  }
0xf1: {  	v19 =	vor.u32 v4, v20;
	v22 =	vor.u32 v10, v21;
	v20 =	vld.idx.msk [tilespmem:v24+s15+$0x0], $0xffff  }
0xf2: {  	v24 =	vor.u32 v25, v19;
	_ =	sdelay $0x2  }
0xf3: {  	v23 =	vshll.u32 v23, $0x6  }
0xf4: {  	v23 =	vand.u32 $0x40, v23;
	[tilespmem:v22+s23+$0x0] =	vst.idx.msk $0xffff, v20  }
0xf5: {  	v20 =	vor.u32 v5, v23;
	v23 =	vor.u32 v11, v21;
	v22 =	vld.idx.msk [tilespmem:v24+s15+$0x0], $0xffff  }
0xf6: {  	v24 =	vor.u32 v25, v20;
	_ =	sdelay $0x2  }
0xf7: {  	v26 =	vshll.u32 v26, $0x6  }
0xf8: {  	v26 =	vand.u32 $0x40, v26;
	[tilespmem:v23+s23+$0x0] =	vst.idx.msk $0xffff, v22  }
0xf9: {  	v22 =	vor.u32 v6, v26;
	v23 =	vld.idx.msk [tilespmem:v24+s15+$0x0], $0xffff;
	v24 =	vor.u32 v12, v21  }
0xfa: {  	v26 =	vor.u32 v25, v22;
	_ =	sdelay $0x2  }
0xfb: {  	v27 =	vshll.u32 v27, $0x6  }
0xfc: {  	v27 =	vand.u32 $0x40, v27;
	[tilespmem:v24+s23+$0x0] =	vst.idx.msk $0xffff, v23  }
0xfd: {  	v23 =	vor.u32 v7, v27;
	v24 =	vld.idx.msk [tilespmem:v26+s15+$0x0], $0xffff;
	v26 =	vor.u32 v13, v21  }
0xfe: {  	v27 =	vor.u32 v25, v23;
	_ =	sdelay $0x2  }
0xff: {  	v28 =	vshll.u32 v28, $0x6  }
0x100: {  	v28 =	vand.u32 $0x40, v28;
	[tilespmem:v26+s23+$0x0] =	vst.idx.msk $0xffff, v24  }
0x101: {  	v24 =	vor.u32 v8, v28;
	v26 =	vld.idx.msk [tilespmem:v27+s15+$0x0], $0xffff;
	v27 =	vor.u32 v14, v21  }
0x102: {  	v25 =	vor.u32 v25, v24;
	_ =	sdelay $0x3  }
0x103: {  	s7 =	simm.s32 $0x1;
	[tilespmem:v27+s23+$0x0] =	vst.idx.msk $0xffff, v26  }
0x104: {  	s16 =	sadd.s32 $0x1, s16;
	s3 =	simm.s32 $0x2;
	v26 =	vadd.s32 s7, v0;
	v25 =	vld.idx.msk [tilespmem:v25+s15+$0x0], $0xffff  }
.LBB2_5:
0x105: {  	p2 =	sne.s32 s3, $0x3F;
	v26 =	vand.u32 $0x3F, v26;
	v21 =	vor.u32 v15, v21  }
0x106: {  	v27 =	vor.u32 v26, v16;
	_ =	sdelay $0x3  }
0x107: {  	[tilespmem:v21+s23+$0x0] =	vst.idx.msk $0xffff, v25  }
0x108: {  	v21 =	vshll.u32 v26, $0x7;
	v25 =	vld.idx.msk [tilespmem:v27+s15+$0x0], $0xffff  }
0x109: {  	v27 =	vor.u32 v0, v21  }
0x10a: {  	v28 =	vor.u32 v26, v17;
	_ =	sdelay $0x3  }
0x10b: {  	[tilespmem:v27+s23+$0x0] =	vst.idx.msk $0xffff, v25  }
0x10c: {  	v25 =	vld.idx.msk [tilespmem:v28+s15+$0x0], $0xffff  }
0x10d: {  	v27 =	vor.u32 v9, v21  }
0x10e: {  	v28 =	vor.u32 v26, v18;
	_ =	sdelay $0x3  }
0x10f: {  	[tilespmem:v27+s23+$0x0] =	vst.idx.msk $0xffff, v25  }
0x110: {  	v25 =	vld.idx.msk [tilespmem:v28+s15+$0x0], $0xffff  }
0x111: {  	v27 =	vor.u32 v10, v21  }
0x112: {  	v28 =	vor.u32 v26, v19;
	_ =	sdelay $0x3  }
0x113: {  	[tilespmem:v27+s23+$0x0] =	vst.idx.msk $0xffff, v25  }
0x114: {  	v25 =	vld.idx.msk [tilespmem:v28+s15+$0x0], $0xffff  }
0x115: {  	v27 =	vor.u32 v11, v21  }
0x116: {  	v28 =	vor.u32 v26, v20;
	_ =	sdelay $0x3  }
0x117: {  	[tilespmem:v27+s23+$0x0] =	vst.idx.msk $0xffff, v25  }
0x118: {  	v25 =	vld.idx.msk [tilespmem:v28+s15+$0x0], $0xffff  }
0x119: {  	v27 =	vor.u32 v12, v21  }
0x11a: {  	v28 =	vor.u32 v26, v22;
	_ =	sdelay $0x3  }
0x11b: {  	[tilespmem:v27+s23+$0x0] =	vst.idx.msk $0xffff, v25  }
0x11c: {  	v25 =	vld.idx.msk [tilespmem:v28+s15+$0x0], $0xffff  }
0x11d: {  	v27 =	vor.u32 v13, v21  }
0x11e: {  	v28 =	vor.u32 v26, v23;
	_ =	sdelay $0x3  }
0x11f: {  	[tilespmem:v27+s23+$0x0] =	vst.idx.msk $0xffff, v25  }
0x120: {  	v25 =	vld.idx.msk [tilespmem:v28+s15+$0x0], $0xffff  }
0x121: {  	v27 =	vor.u32 v14, v21  }
0x122: {  	v28 =	vor.u32 v26, v24  }
.Ltmp1:
0x123: {  	(pc) =	sbr.rel @p2 .LBB2_5-.Ltmp1, $3  }
0x124: {  	_ =	sdelay $0x1  }
0x125: {  	[tilespmem:v27+s23+$0x0] =	vst.idx.msk $0xffff, v25  }
0x126: {  	v26 =	vadd.s32 s3, v0;
	s3 =	sadd.s32 $0x1, s3;
	v25 =	vld.idx.msk [tilespmem:v28+s15+$0x0], $0xffff  }
0x127: {  	v26 =	vand.u32 $0x3F, v26;
	v21 =	vor.u32 v15, v21  }
0x128: {  	v16 =	vor.u32 v26, v16;
	_ =	sdelay $0x3  }
0x129: {  	[tilespmem:v21+s23+$0x0] =	vst.idx.msk $0xffff, v25;
	v21 =	vshll.u32 v26, $0x7  }
0x12a: {  	v16 =	vld.idx.msk [tilespmem:v16+s15+$0x0], $0xffff;
	v25 =	vor.u32 v0, v21  }
0x12b: {  	v17 =	vor.u32 v26, v17;
	_ =	sdelay $0x3  }
0x12c: {  	[tilespmem:v25+s23+$0x0] =	vst.idx.msk $0xffff, v16  }
0x12d: {  	v16 =	vld.idx.msk [tilespmem:v17+s15+$0x0], $0xffff;
	v17 =	vor.u32 v9, v21  }
0x12e: {  	v18 =	vor.u32 v26, v18;
	_ =	sdelay $0x3  }
0x12f: {  	[tilespmem:v17+s23+$0x0] =	vst.idx.msk $0xffff, v16  }
0x130: {  	v17 =	vor.u32 v10, v21;
	v16 =	vld.idx.msk [tilespmem:v18+s15+$0x0], $0xffff  }
0x131: {  	v18 =	vor.u32 v26, v19;
	_ =	sdelay $0x3  }
0x132: {  	[tilespmem:v17+s23+$0x0] =	vst.idx.msk $0xffff, v16  }
0x133: {  	v17 =	vor.u32 v11, v21;
	v16 =	vld.idx.msk [tilespmem:v18+s15+$0x0], $0xffff  }
0x134: {  	v18 =	vor.u32 v26, v20;
	_ =	sdelay $0x3  }
0x135: {  	[tilespmem:v17+s23+$0x0] =	vst.idx.msk $0xffff, v16  }
0x136: {  	v17 =	vor.u32 v12, v21;
	v16 =	vld.idx.msk [tilespmem:v18+s15+$0x0], $0xffff  }
0x137: {  	v18 =	vor.u32 v26, v22;
	_ =	sdelay $0x3  }
0x138: {  	[tilespmem:v17+s23+$0x0] =	vst.idx.msk $0xffff, v16  }
0x139: {  	v17 =	vor.u32 v13, v21;
	v16 =	vld.idx.msk [tilespmem:v18+s15+$0x0], $0xffff  }
0x13a: {  	v18 =	vor.u32 v26, v23;
	_ =	sdelay $0x3  }
0x13b: {  	[tilespmem:v17+s23+$0x0] =	vst.idx.msk $0xffff, v16  }
0x13c: {  	v17 =	vor.u32 v14, v21;
	v16 =	vld.idx.msk [tilespmem:v18+s15+$0x0], $0xffff  }
0x13d: {  	v18 =	vor.u32 v26, v24;
	_ =	sdelay $0x3  }
0x13e: {  	[tilespmem:v17+s23+$0x0] =	vst.idx.msk $0xffff, v16  }
0x13f: {  	v17 =	vor.u32 v15, v21;
	v16 =	vld.idx.msk [tilespmem:v18+s15+$0x0], $0xffff;
	_ =	sdelay $0x4  }
0x140: {  	[tilespmem:v17+s23+$0x0] =	vst.idx.msk $0xffff, v16  }
0x141: {  	v16 =	vld @!p0 [tilespmem:s12+$0x280];
	_ =	sdelay $0x4  }
0x142: {  	v16 =	vshra.s32 @!p0 v16, $0x1  }
0x143: {  	[tilespmem:$0x6480] =	vst @!p0 v16  }
0x144: {  	v16 =	vld @!p0 [tilespmem:s12+$0x290];
	_ =	sdelay $0x4  }
0x145: {  	v16 =	vshra.s32 @!p0 v16, $0x1  }
0x146: {  	[tilespmem:$0x6490] =	vst @!p0 v16  }
0x147: {  	v16 =	vld @!p0 [tilespmem:s12+$0x2A0];
	_ =	sdelay $0x4  }
0x148: {  	v16 =	vshra.s32 @!p0 v16, $0x1  }
0x149: {  	[tilespmem:$0x64A0] =	vst @!p0 v16  }
0x14a: {  	v16 =	vld @!p0 [tilespmem:s12+$0x2B0];
	_ =	sdelay $0x4  }
0x14b: {  	v16 =	vshra.s32 @!p0 v16, $0x1  }
0x14c: {  	[tilespmem:$0x64B0] =	vst @!p0 v16  }
0x14d: {  	v16 =	vld @!p0 [tilespmem:s12+$0x2C0];
	_ =	sdelay $0x4  }
0x14e: {  	v16 =	vshra.s32 @!p0 v16, $0x1  }
0x14f: {  	[tilespmem:$0x64C0] =	vst @!p0 v16  }
0x150: {  	v16 =	vld @!p0 [tilespmem:s12+$0x2D0];
	_ =	sdelay $0x4  }
0x151: {  	v16 =	vshra.s32 @!p0 v16, $0x1  }
0x152: {  	[tilespmem:$0x64D0] =	vst @!p0 v16  }
0x153: {  	v16 =	vld @!p0 [tilespmem:s12+$0x2E0];
	_ =	sdelay $0x4  }
0x154: {  	v16 =	vshra.s32 @!p0 v16, $0x1  }
0x155: {  	[tilespmem:$0x64E0] =	vst @!p0 v16  }
0x156: {  	v16 =	vld @!p0 [tilespmem:s12+$0x2F0];
	_ =	sdelay $0x4  }
0x157: {  	s3 =	simm.s32 @!p0 $0x80;
	v16 =	vshra.s32 @!p0 v16, $0x1  }
0x158: {  	s6 =	simm.s32 @!p0 $0x6480;
	s7 =	simm.s32 @!p0 $0xA600;
	s18 =	sshll.u32 s18, $0x12;
	[tilespmem:$0x64F0] =	vst @!p0 v16  }
0x159: {  	[tilespmem:s7], [sflag:$0x2] =	stream.indirect.gather @!p0 [hbm4b:s5+s3], $0x80, s6, s3, $0xb8;
	[tilespmem:$0x1E600] =	vst v63  }
0x15a: {  	s3 =	sor.u32 s4, s18  }
0x15b: {  	s3 =	sshrl.u32 s3, $0x3  }
0x15c: {  	s3 =	sadd.s32 s1, s3  }
0x15d: {  	[hbm4b:s3+s8] =	stream.strided.scatter [tilespmem:s23], [sflag:$0x6], $0x2000, s9, s8, $0x38;
	[tilespmem:$0x1E600] =	vst v63  }
0x15e: {  	s3 =	simm.s32 @!p1 $0x7  }
0x15f: {  	_ =	swait.ge @!p1 [sflag:s3], $0x2000  }
0x160: {  	[sflag:s3] =	ssyncset.done @!p1 $0x0  }
0x161: {  	[sflag:s3] =	ssyncadd.s32 @!p1 $0xFFFFE000  }
0x162: {  	s18 =	sor.u32 $0x2, s14;
	_ =	swait.ge [sflag:s24], $0x4000  }
0x163: {  	s6 =	sshll.u32 s18, $0x7;
	[sflag:s24] =	ssyncset.done $0x0  }
0x164: {  	s3 =	sand.u32 $0x3FFFFF80, s6;
	[sflag:s24] =	ssyncadd.s32 $0xFFFFC000  }
0x165: {  	v16 =	vld [tilespmem:s3+$0x0];
	_ =	sdelay $0x4  }
0x166: {  	s7 =	simm.s32 $0x0;
	v16 =	vshll.u32 v16, $0x6  }
0x167: {  	v18 =	vadd.s32 s7, v0;
	v17 =	vld [tilespmem:s3+$0x10];
	v16 =	vand.u32 $0x40, v16  }
0x168: {  	v25 =	vand.u32 $0x3F, v18;
	v16 =	vor.u32 v1, v16  }
0x169: {  	v18 =	vor.u32 v25, v16;
	_ =	sdelay $0x2  }
0x16a: {  	v17 =	vshll.u32 v17, $0x6  }
0x16b: {  	v21 =	vshll.u32 v25, $0x7;
	v19 =	vld [tilespmem:s3+$0x20];
	v17 =	vand.u32 $0x40, v17  }
0x16c: {  	v22 =	vor.u32 v0, v21;
	v17 =	vor.u32 v2, v17;
	v18 =	vld.idx.msk [tilespmem:v18+s17+$0x0], $0xffff  }
0x16d: {  	v20 =	vld [tilespmem:s3+$0x30];
	v24 =	vor.u32 v25, v17  }
0x16e: {  	v23 =	vld [tilespmem:s3+$0x40]  }
0x16f: {  	v26 =	vld [tilespmem:s3+$0x50]  }
0x170: {  	v27 =	vld [tilespmem:s3+$0x60];
	v19 =	vshll.u32 v19, $0x6  }
0x171: {  	v28 =	vld [tilespmem:s3+$0x70];
	v19 =	vand.u32 $0x40, v19;
	[tilespmem:v22+s25+$0x0] =	vst.idx.msk $0xffff, v18  }
0x172: {  	v18 =	vor.u32 v3, v19;
	v22 =	vor.u32 v9, v21;
	v19 =	vld.idx.msk [tilespmem:v24+s17+$0x0], $0xffff  }
0x173: {  	v24 =	vor.u32 v25, v18;
	_ =	sdelay $0x2  }
0x174: {  	v20 =	vshll.u32 v20, $0x6  }
0x175: {  	v20 =	vand.u32 $0x40, v20;
	[tilespmem:v22+s25+$0x0] =	vst.idx.msk $0xffff, v19  }
0x176: {  	v19 =	vor.u32 v4, v20;
	v22 =	vor.u32 v10, v21;
	v20 =	vld.idx.msk [tilespmem:v24+s17+$0x0], $0xffff  }
0x177: {  	v24 =	vor.u32 v25, v19;
	_ =	sdelay $0x2  }
0x178: {  	v23 =	vshll.u32 v23, $0x6  }
0x179: {  	v23 =	vand.u32 $0x40, v23;
	[tilespmem:v22+s25+$0x0] =	vst.idx.msk $0xffff, v20  }
0x17a: {  	v20 =	vor.u32 v5, v23;
	v23 =	vor.u32 v11, v21;
	v22 =	vld.idx.msk [tilespmem:v24+s17+$0x0], $0xffff  }
0x17b: {  	v24 =	vor.u32 v25, v20;
	_ =	sdelay $0x2  }
0x17c: {  	v26 =	vshll.u32 v26, $0x6  }
0x17d: {  	v26 =	vand.u32 $0x40, v26;
	[tilespmem:v23+s25+$0x0] =	vst.idx.msk $0xffff, v22  }
0x17e: {  	v22 =	vor.u32 v6, v26;
	v23 =	vld.idx.msk [tilespmem:v24+s17+$0x0], $0xffff;
	v24 =	vor.u32 v12, v21  }
0x17f: {  	v26 =	vor.u32 v25, v22;
	_ =	sdelay $0x2  }
0x180: {  	v27 =	vshll.u32 v27, $0x6  }
0x181: {  	v27 =	vand.u32 $0x40, v27;
	[tilespmem:v24+s25+$0x0] =	vst.idx.msk $0xffff, v23  }
0x182: {  	v23 =	vor.u32 v7, v27;
	v24 =	vld.idx.msk [tilespmem:v26+s17+$0x0], $0xffff;
	v26 =	vor.u32 v13, v21  }
0x183: {  	v27 =	vor.u32 v25, v23;
	_ =	sdelay $0x2  }
0x184: {  	v28 =	vshll.u32 v28, $0x6  }
0x185: {  	v28 =	vand.u32 $0x40, v28;
	[tilespmem:v26+s25+$0x0] =	vst.idx.msk $0xffff, v24  }
0x186: {  	v24 =	vor.u32 v8, v28;
	v26 =	vld.idx.msk [tilespmem:v27+s17+$0x0], $0xffff;
	v27 =	vor.u32 v14, v21  }
0x187: {  	v25 =	vor.u32 v25, v24;
	_ =	sdelay $0x3  }
0x188: {  	s7 =	simm.s32 $0x1;
	[tilespmem:v27+s25+$0x0] =	vst.idx.msk $0xffff, v26  }
0x189: {  	s3 =	simm.s32 $0x2;
	v26 =	vadd.s32 s7, v0;
	v25 =	vld.idx.msk [tilespmem:v25+s17+$0x0], $0xffff  }
.LBB2_7:
0x18a: {  	p2 =	sne.s32 s3, $0x3F;
	v26 =	vand.u32 $0x3F, v26;
	v21 =	vor.u32 v15, v21  }
0x18b: {  	v27 =	vor.u32 v26, v16;
	_ =	sdelay $0x3  }
0x18c: {  	[tilespmem:v21+s25+$0x0] =	vst.idx.msk $0xffff, v25  }
0x18d: {  	v21 =	vshll.u32 v26, $0x7;
	v25 =	vld.idx.msk [tilespmem:v27+s17+$0x0], $0xffff  }
0x18e: {  	v27 =	vor.u32 v0, v21  }
0x18f: {  	v28 =	vor.u32 v26, v17;
	_ =	sdelay $0x3  }
0x190: {  	[tilespmem:v27+s25+$0x0] =	vst.idx.msk $0xffff, v25  }
0x191: {  	v25 =	vld.idx.msk [tilespmem:v28+s17+$0x0], $0xffff  }
0x192: {  	v27 =	vor.u32 v9, v21  }
0x193: {  	v28 =	vor.u32 v26, v18;
	_ =	sdelay $0x3  }
0x194: {  	[tilespmem:v27+s25+$0x0] =	vst.idx.msk $0xffff, v25  }
0x195: {  	v25 =	vld.idx.msk [tilespmem:v28+s17+$0x0], $0xffff  }
0x196: {  	v27 =	vor.u32 v10, v21  }
0x197: {  	v28 =	vor.u32 v26, v19;
	_ =	sdelay $0x3  }
0x198: {  	[tilespmem:v27+s25+$0x0] =	vst.idx.msk $0xffff, v25  }
0x199: {  	v25 =	vld.idx.msk [tilespmem:v28+s17+$0x0], $0xffff  }
0x19a: {  	v27 =	vor.u32 v11, v21  }
0x19b: {  	v28 =	vor.u32 v26, v20;
	_ =	sdelay $0x3  }
0x19c: {  	[tilespmem:v27+s25+$0x0] =	vst.idx.msk $0xffff, v25  }
0x19d: {  	v25 =	vld.idx.msk [tilespmem:v28+s17+$0x0], $0xffff  }
0x19e: {  	v27 =	vor.u32 v12, v21  }
0x19f: {  	v28 =	vor.u32 v26, v22;
	_ =	sdelay $0x3  }
0x1a0: {  	[tilespmem:v27+s25+$0x0] =	vst.idx.msk $0xffff, v25  }
0x1a1: {  	v25 =	vld.idx.msk [tilespmem:v28+s17+$0x0], $0xffff  }
0x1a2: {  	v27 =	vor.u32 v13, v21  }
0x1a3: {  	v28 =	vor.u32 v26, v23;
	_ =	sdelay $0x3  }
0x1a4: {  	[tilespmem:v27+s25+$0x0] =	vst.idx.msk $0xffff, v25  }
0x1a5: {  	v25 =	vld.idx.msk [tilespmem:v28+s17+$0x0], $0xffff  }
0x1a6: {  	v27 =	vor.u32 v14, v21  }
0x1a7: {  	v28 =	vor.u32 v26, v24  }
.Ltmp2:
0x1a8: {  	(pc) =	sbr.rel @p2 .LBB2_7-.Ltmp2, $3  }
0x1a9: {  	_ =	sdelay $0x1  }
0x1aa: {  	[tilespmem:v27+s25+$0x0] =	vst.idx.msk $0xffff, v25  }
0x1ab: {  	v26 =	vadd.s32 s3, v0;
	s3 =	sadd.s32 $0x1, s3;
	v25 =	vld.idx.msk [tilespmem:v28+s17+$0x0], $0xffff  }
0x1ac: {  	v26 =	vand.u32 $0x3F, v26;
	v21 =	vor.u32 v15, v21  }
0x1ad: {  	v16 =	vor.u32 v26, v16;
	_ =	sdelay $0x3  }
0x1ae: {  	[tilespmem:v21+s25+$0x0] =	vst.idx.msk $0xffff, v25;
	v21 =	vshll.u32 v26, $0x7  }
0x1af: {  	v16 =	vld.idx.msk [tilespmem:v16+s17+$0x0], $0xffff;
	v25 =	vor.u32 v0, v21  }
0x1b0: {  	v17 =	vor.u32 v26, v17;
	_ =	sdelay $0x3  }
0x1b1: {  	[tilespmem:v25+s25+$0x0] =	vst.idx.msk $0xffff, v16  }
0x1b2: {  	v16 =	vld.idx.msk [tilespmem:v17+s17+$0x0], $0xffff;
	v17 =	vor.u32 v9, v21  }
0x1b3: {  	v18 =	vor.u32 v26, v18;
	_ =	sdelay $0x3  }
0x1b4: {  	[tilespmem:v17+s25+$0x0] =	vst.idx.msk $0xffff, v16  }
0x1b5: {  	v17 =	vor.u32 v10, v21;
	v16 =	vld.idx.msk [tilespmem:v18+s17+$0x0], $0xffff  }
0x1b6: {  	v18 =	vor.u32 v26, v19;
	_ =	sdelay $0x3  }
0x1b7: {  	[tilespmem:v17+s25+$0x0] =	vst.idx.msk $0xffff, v16  }
0x1b8: {  	v17 =	vor.u32 v11, v21;
	v16 =	vld.idx.msk [tilespmem:v18+s17+$0x0], $0xffff  }
0x1b9: {  	v18 =	vor.u32 v26, v20;
	_ =	sdelay $0x3  }
0x1ba: {  	[tilespmem:v17+s25+$0x0] =	vst.idx.msk $0xffff, v16  }
0x1bb: {  	v17 =	vor.u32 v12, v21;
	v16 =	vld.idx.msk [tilespmem:v18+s17+$0x0], $0xffff  }
0x1bc: {  	v18 =	vor.u32 v26, v22;
	_ =	sdelay $0x3  }
0x1bd: {  	[tilespmem:v17+s25+$0x0] =	vst.idx.msk $0xffff, v16  }
0x1be: {  	v17 =	vor.u32 v13, v21;
	v16 =	vld.idx.msk [tilespmem:v18+s17+$0x0], $0xffff  }
0x1bf: {  	v18 =	vor.u32 v26, v23;
	_ =	sdelay $0x3  }
0x1c0: {  	[tilespmem:v17+s25+$0x0] =	vst.idx.msk $0xffff, v16  }
0x1c1: {  	v17 =	vor.u32 v14, v21;
	v16 =	vld.idx.msk [tilespmem:v18+s17+$0x0], $0xffff  }
0x1c2: {  	v18 =	vor.u32 v26, v24;
	_ =	sdelay $0x3  }
0x1c3: {  	[tilespmem:v17+s25+$0x0] =	vst.idx.msk $0xffff, v16  }
0x1c4: {  	v17 =	vor.u32 v15, v21;
	v16 =	vld.idx.msk [tilespmem:v18+s17+$0x0], $0xffff;
	_ =	sdelay $0x4  }
0x1c5: {  	[tilespmem:v17+s25+$0x0] =	vst.idx.msk $0xffff, v16  }
0x1c6: {  	v16 =	vld @!p0 [tilespmem:s12+$0x300];
	_ =	sdelay $0x4  }
0x1c7: {  	v16 =	vshra.s32 @!p0 v16, $0x1  }
0x1c8: {  	[tilespmem:$0x6500] =	vst @!p0 v16  }
0x1c9: {  	v16 =	vld @!p0 [tilespmem:s12+$0x310];
	_ =	sdelay $0x4  }
0x1ca: {  	v16 =	vshra.s32 @!p0 v16, $0x1  }
0x1cb: {  	[tilespmem:$0x6510] =	vst @!p0 v16  }
0x1cc: {  	v16 =	vld @!p0 [tilespmem:s12+$0x320];
	_ =	sdelay $0x4  }
0x1cd: {  	v16 =	vshra.s32 @!p0 v16, $0x1  }
0x1ce: {  	[tilespmem:$0x6520] =	vst @!p0 v16  }
0x1cf: {  	v16 =	vld @!p0 [tilespmem:s12+$0x330];
	_ =	sdelay $0x4  }
0x1d0: {  	v16 =	vshra.s32 @!p0 v16, $0x1  }
0x1d1: {  	[tilespmem:$0x6530] =	vst @!p0 v16  }
0x1d2: {  	v16 =	vld @!p0 [tilespmem:s12+$0x340];
	_ =	sdelay $0x4  }
0x1d3: {  	v16 =	vshra.s32 @!p0 v16, $0x1  }
0x1d4: {  	[tilespmem:$0x6540] =	vst @!p0 v16  }
0x1d5: {  	v16 =	vld @!p0 [tilespmem:s12+$0x350];
	_ =	sdelay $0x4  }
0x1d6: {  	v16 =	vshra.s32 @!p0 v16, $0x1  }
0x1d7: {  	[tilespmem:$0x6550] =	vst @!p0 v16  }
0x1d8: {  	v16 =	vld @!p0 [tilespmem:s12+$0x360];
	_ =	sdelay $0x4  }
0x1d9: {  	v16 =	vshra.s32 @!p0 v16, $0x1  }
0x1da: {  	[tilespmem:$0x6560] =	vst @!p0 v16  }
0x1db: {  	v16 =	vld @!p0 [tilespmem:s12+$0x370];
	_ =	sdelay $0x4  }
0x1dc: {  	s3 =	simm.s32 @!p0 $0x80;
	v16 =	vshra.s32 @!p0 v16, $0x1  }
0x1dd: {  	s6 =	simm.s32 @!p0 $0x6500;
	s7 =	simm.s32 @!p0 $0xE600;
	s18 =	sshll.u32 s18, $0x12;
	[tilespmem:$0x6570] =	vst @!p0 v16  }
0x1de: {  	[tilespmem:s7], [sflag:$0x3] =	stream.indirect.gather @!p0 [hbm4b:s5+s3], $0x80, s6, s3, $0xb8;
	[tilespmem:$0x1E600] =	vst v63  }
0x1df: {  	s3 =	sor.u32 s4, s18  }
0x1e0: {  	s3 =	sshrl.u32 s3, $0x3  }
0x1e1: {  	s3 =	sadd.s32 s1, s3  }
0x1e2: {  	[hbm4b:s3+s8] =	stream.strided.scatter [tilespmem:s25], [sflag:$0x7], $0x2000, s9, s8, $0x38;
	[tilespmem:$0x1E600] =	vst v63  }
0x1e3: {  	s3 =	simm.s32 @!p1 $0x8  }
0x1e4: {  	_ =	swait.ge @!p1 [sflag:s3], $0x2000  }
0x1e5: {  	[sflag:s3] =	ssyncset.done @!p1 $0x0  }
0x1e6: {  	[sflag:s3] =	ssyncadd.s32 @!p1 $0xFFFFE000  }
0x1e7: {  	s14 =	sor.u32 $0x3, s14;
	_ =	swait.ge [sflag:s26], $0x4000  }
0x1e8: {  	s6 =	sshll.u32 s14, $0x7;
	[sflag:s26] =	ssyncset.done $0x0  }
0x1e9: {  	s3 =	sand.u32 $0x3FFFFF80, s6;
	[sflag:s26] =	ssyncadd.s32 $0xFFFFC000  }
0x1ea: {  	v16 =	vld [tilespmem:s3+$0x0];
	_ =	sdelay $0x4  }
0x1eb: {  	s7 =	simm.s32 $0x0;
	v16 =	vshll.u32 v16, $0x6  }
0x1ec: {  	v18 =	vadd.s32 s7, v0;
	v17 =	vld [tilespmem:s3+$0x10];
	v16 =	vand.u32 $0x40, v16  }
0x1ed: {  	v25 =	vand.u32 $0x3F, v18;
	v16 =	vor.u32 v1, v16  }
0x1ee: {  	v18 =	vor.u32 v25, v16;
	_ =	sdelay $0x2  }
0x1ef: {  	v17 =	vshll.u32 v17, $0x6  }
0x1f0: {  	v21 =	vshll.u32 v25, $0x7;
	v19 =	vld [tilespmem:s3+$0x20];
	v17 =	vand.u32 $0x40, v17  }
0x1f1: {  	v22 =	vor.u32 v0, v21;
	v17 =	vor.u32 v2, v17;
	v18 =	vld.idx.msk [tilespmem:v18+s19+$0x0], $0xffff  }
0x1f2: {  	v20 =	vld [tilespmem:s3+$0x30];
	v24 =	vor.u32 v25, v17  }
0x1f3: {  	v23 =	vld [tilespmem:s3+$0x40]  }
0x1f4: {  	v26 =	vld [tilespmem:s3+$0x50]  }
0x1f5: {  	v27 =	vld [tilespmem:s3+$0x60];
	v19 =	vshll.u32 v19, $0x6  }
0x1f6: {  	v28 =	vld [tilespmem:s3+$0x70];
	v19 =	vand.u32 $0x40, v19;
	[tilespmem:v22+s28+$0x0] =	vst.idx.msk $0xffff, v18  }
0x1f7: {  	v18 =	vor.u32 v3, v19;
	v22 =	vor.u32 v9, v21;
	v19 =	vld.idx.msk [tilespmem:v24+s19+$0x0], $0xffff  }
0x1f8: {  	v24 =	vor.u32 v25, v18;
	_ =	sdelay $0x2  }
0x1f9: {  	v20 =	vshll.u32 v20, $0x6  }
0x1fa: {  	v20 =	vand.u32 $0x40, v20;
	[tilespmem:v22+s28+$0x0] =	vst.idx.msk $0xffff, v19  }
0x1fb: {  	v19 =	vor.u32 v4, v20;
	v22 =	vor.u32 v10, v21;
	v20 =	vld.idx.msk [tilespmem:v24+s19+$0x0], $0xffff  }
0x1fc: {  	v24 =	vor.u32 v25, v19;
	_ =	sdelay $0x2  }
0x1fd: {  	v23 =	vshll.u32 v23, $0x6  }
0x1fe: {  	v23 =	vand.u32 $0x40, v23;
	[tilespmem:v22+s28+$0x0] =	vst.idx.msk $0xffff, v20  }
0x1ff: {  	v20 =	vor.u32 v5, v23;
	v23 =	vor.u32 v11, v21;
	v22 =	vld.idx.msk [tilespmem:v24+s19+$0x0], $0xffff  }
0x200: {  	v24 =	vor.u32 v25, v20;
	_ =	sdelay $0x2  }
0x201: {  	v26 =	vshll.u32 v26, $0x6  }
0x202: {  	v26 =	vand.u32 $0x40, v26;
	[tilespmem:v23+s28+$0x0] =	vst.idx.msk $0xffff, v22  }
0x203: {  	v22 =	vor.u32 v6, v26;
	v23 =	vld.idx.msk [tilespmem:v24+s19+$0x0], $0xffff;
	v24 =	vor.u32 v12, v21  }
0x204: {  	v26 =	vor.u32 v25, v22;
	_ =	sdelay $0x2  }
0x205: {  	v27 =	vshll.u32 v27, $0x6  }
0x206: {  	v27 =	vand.u32 $0x40, v27;
	[tilespmem:v24+s28+$0x0] =	vst.idx.msk $0xffff, v23  }
0x207: {  	v23 =	vor.u32 v7, v27;
	v24 =	vld.idx.msk [tilespmem:v26+s19+$0x0], $0xffff;
	v26 =	vor.u32 v13, v21  }
0x208: {  	v27 =	vor.u32 v25, v23;
	_ =	sdelay $0x2  }
0x209: {  	v28 =	vshll.u32 v28, $0x6  }
0x20a: {  	v28 =	vand.u32 $0x40, v28;
	[tilespmem:v26+s28+$0x0] =	vst.idx.msk $0xffff, v24  }
0x20b: {  	v24 =	vor.u32 v8, v28;
	v26 =	vld.idx.msk [tilespmem:v27+s19+$0x0], $0xffff;
	v27 =	vor.u32 v14, v21  }
0x20c: {  	v25 =	vor.u32 v25, v24;
	_ =	sdelay $0x3  }
0x20d: {  	s18 =	simm.s32 $0x1;
	[tilespmem:v27+s28+$0x0] =	vst.idx.msk $0xffff, v26  }
0x20e: {  	s3 =	simm.s32 $0x2;
	v26 =	vadd.s32 s18, v0;
	v25 =	vld.idx.msk [tilespmem:v25+s19+$0x0], $0xffff  }
.LBB2_9:
0x20f: {  	p1 =	sne.s32 s3, $0x3F;
	v26 =	vand.u32 $0x3F, v26;
	v21 =	vor.u32 v15, v21  }
0x210: {  	v27 =	vor.u32 v26, v16;
	_ =	sdelay $0x3  }
0x211: {  	[tilespmem:v21+s28+$0x0] =	vst.idx.msk $0xffff, v25  }
0x212: {  	v21 =	vshll.u32 v26, $0x7;
	v25 =	vld.idx.msk [tilespmem:v27+s19+$0x0], $0xffff  }
0x213: {  	v27 =	vor.u32 v0, v21  }
0x214: {  	v28 =	vor.u32 v26, v17;
	_ =	sdelay $0x3  }
0x215: {  	[tilespmem:v27+s28+$0x0] =	vst.idx.msk $0xffff, v25  }
0x216: {  	v25 =	vld.idx.msk [tilespmem:v28+s19+$0x0], $0xffff  }
0x217: {  	v27 =	vor.u32 v9, v21  }
0x218: {  	v28 =	vor.u32 v26, v18;
	_ =	sdelay $0x3  }
0x219: {  	[tilespmem:v27+s28+$0x0] =	vst.idx.msk $0xffff, v25  }
0x21a: {  	v25 =	vld.idx.msk [tilespmem:v28+s19+$0x0], $0xffff  }
0x21b: {  	v27 =	vor.u32 v10, v21  }
0x21c: {  	v28 =	vor.u32 v26, v19;
	_ =	sdelay $0x3  }
0x21d: {  	[tilespmem:v27+s28+$0x0] =	vst.idx.msk $0xffff, v25  }
0x21e: {  	v25 =	vld.idx.msk [tilespmem:v28+s19+$0x0], $0xffff  }
0x21f: {  	v27 =	vor.u32 v11, v21  }
0x220: {  	v28 =	vor.u32 v26, v20;
	_ =	sdelay $0x3  }
0x221: {  	[tilespmem:v27+s28+$0x0] =	vst.idx.msk $0xffff, v25  }
0x222: {  	v25 =	vld.idx.msk [tilespmem:v28+s19+$0x0], $0xffff  }
0x223: {  	v27 =	vor.u32 v12, v21  }
0x224: {  	v28 =	vor.u32 v26, v22;
	_ =	sdelay $0x3  }
0x225: {  	[tilespmem:v27+s28+$0x0] =	vst.idx.msk $0xffff, v25  }
0x226: {  	v25 =	vld.idx.msk [tilespmem:v28+s19+$0x0], $0xffff  }
0x227: {  	v27 =	vor.u32 v13, v21  }
0x228: {  	v28 =	vor.u32 v26, v23;
	_ =	sdelay $0x3  }
0x229: {  	[tilespmem:v27+s28+$0x0] =	vst.idx.msk $0xffff, v25  }
0x22a: {  	v25 =	vld.idx.msk [tilespmem:v28+s19+$0x0], $0xffff  }
0x22b: {  	v27 =	vor.u32 v14, v21  }
0x22c: {  	v28 =	vor.u32 v26, v24  }
.Ltmp3:
0x22d: {  	(pc) =	sbr.rel @p1 .LBB2_9-.Ltmp3, $3  }
0x22e: {  	_ =	sdelay $0x1  }
0x22f: {  	[tilespmem:v27+s28+$0x0] =	vst.idx.msk $0xffff, v25  }
0x230: {  	v26 =	vadd.s32 s3, v0;
	s3 =	sadd.s32 $0x1, s3;
	v25 =	vld.idx.msk [tilespmem:v28+s19+$0x0], $0xffff  }
0x231: {  	v26 =	vand.u32 $0x3F, v26;
	v21 =	vor.u32 v15, v21  }
0x232: {  	v16 =	vor.u32 v26, v16;
	_ =	sdelay $0x3  }
0x233: {  	v57 =	vshll.u32 v26, $0x7;
	[tilespmem:v21+s28+$0x0] =	vst.idx.msk $0xffff, v25  }
0x234: {  	v58 =	vor.u32 v0, v57;
	v16 =	vld.idx.msk [tilespmem:v16+s19+$0x0], $0xffff  }
0x235: {  	v17 =	vor.u32 v26, v17;
	_ =	sdelay $0x3  }
0x236: {  	[tilespmem:v58+s28+$0x0] =	vst.idx.msk $0xffff, v16  }
0x237: {  	v16 =	vld.idx.msk [tilespmem:v17+s19+$0x0], $0xffff;
	v17 =	vor.u32 v9, v57  }
0x238: {  	v18 =	vor.u32 v26, v18;
	_ =	sdelay $0x3  }
0x239: {  	[tilespmem:v17+s28+$0x0] =	vst.idx.msk $0xffff, v16  }
0x23a: {  	v17 =	vor.u32 v10, v57;
	v16 =	vld.idx.msk [tilespmem:v18+s19+$0x0], $0xffff  }
0x23b: {  	v59 =	vor.u32 v26, v19;
	_ =	sdelay $0x3  }
0x23c: {  	[tilespmem:v17+s28+$0x0] =	vst.idx.msk $0xffff, v16  }
0x23d: {  	v17 =	vor.u32 v11, v57;
	v16 =	vld.idx.msk [tilespmem:v59+s19+$0x0], $0xffff  }
0x23e: {  	v60 =	vor.u32 v26, v20;
	_ =	sdelay $0x3  }
0x23f: {  	[tilespmem:v17+s28+$0x0] =	vst.idx.msk $0xffff, v16  }
0x240: {  	v17 =	vor.u32 v12, v57;
	v16 =	vld.idx.msk [tilespmem:v60+s19+$0x0], $0xffff  }
0x241: {  	v61 =	vor.u32 v26, v22;
	_ =	sdelay $0x3  }
0x242: {  	[tilespmem:v17+s28+$0x0] =	vst.idx.msk $0xffff, v16  }
0x243: {  	v17 =	vor.u32 v13, v57;
	v16 =	vld.idx.msk [tilespmem:v61+s19+$0x0], $0xffff  }
0x244: {  	v62 =	vor.u32 v26, v23;
	_ =	sdelay $0x3  }
0x245: {  	[tilespmem:v17+s28+$0x0] =	vst.idx.msk $0xffff, v16  }
0x246: {  	v17 =	vor.u32 v14, v57;
	v16 =	vld.idx.msk [tilespmem:v62+s19+$0x0], $0xffff  }
0x247: {  	v63 =	vor.u32 v26, v24;
	_ =	sdelay $0x3  }
0x248: {  	[tilespmem:v17+s28+$0x0] =	vst.idx.msk $0xffff, v16  }
0x249: {  	v17 =	vor.u32 v15, v57;
	v16 =	vld.idx.msk [tilespmem:v63+s19+$0x0], $0xffff;
	_ =	sdelay $0x4  }
0x24a: {  	[tilespmem:v17+s28+$0x0] =	vst.idx.msk $0xffff, v16  }
0x24b: {  	v16 =	vld @!p0 [tilespmem:s12+$0x380];
	_ =	sdelay $0x4  }
0x24c: {  	v16 =	vshra.s32 @!p0 v16, $0x1  }
0x24d: {  	[tilespmem:$0x6580] =	vst @!p0 v16  }
0x24e: {  	v16 =	vld @!p0 [tilespmem:s12+$0x390];
	_ =	sdelay $0x4  }
0x24f: {  	v16 =	vshra.s32 @!p0 v16, $0x1  }
0x250: {  	[tilespmem:$0x6590] =	vst @!p0 v16  }
0x251: {  	v16 =	vld @!p0 [tilespmem:s12+$0x3A0];
	_ =	sdelay $0x4  }
0x252: {  	v16 =	vshra.s32 @!p0 v16, $0x1  }
0x253: {  	[tilespmem:$0x65A0] =	vst @!p0 v16  }
0x254: {  	v16 =	vld @!p0 [tilespmem:s12+$0x3B0];
	_ =	sdelay $0x4  }
0x255: {  	v16 =	vshra.s32 @!p0 v16, $0x1  }
0x256: {  	[tilespmem:$0x65B0] =	vst @!p0 v16  }
0x257: {  	v16 =	vld @!p0 [tilespmem:s12+$0x3C0];
	_ =	sdelay $0x4  }
0x258: {  	v16 =	vshra.s32 @!p0 v16, $0x1  }
0x259: {  	[tilespmem:$0x65C0] =	vst @!p0 v16  }
0x25a: {  	v16 =	vld @!p0 [tilespmem:s12+$0x3D0];
	_ =	sdelay $0x4  }
0x25b: {  	v16 =	vshra.s32 @!p0 v16, $0x1  }
0x25c: {  	[tilespmem:$0x65D0] =	vst @!p0 v16  }
0x25d: {  	v16 =	vld @!p0 [tilespmem:s12+$0x3E0];
	_ =	sdelay $0x4  }
0x25e: {  	v16 =	vshra.s32 @!p0 v16, $0x1  }
0x25f: {  	[tilespmem:$0x65E0] =	vst @!p0 v16  }
0x260: {  	v16 =	vld @!p0 [tilespmem:s12+$0x3F0];
	_ =	sdelay $0x4  }
0x261: {  	v16 =	vshra.s32 @!p0 v16, $0x1  }
0x262: {  	s3 =	simm.s32 @!p0 $0x80;
	s6 =	simm.s32 @!p0 $0x6580;
	s7 =	simm.s32 @!p0 $0x12600;
	[tilespmem:$0x65F0] =	vst @!p0 v16  }
0x263: {  	[tilespmem:s7], [sflag:$0x4] =	stream.indirect.gather @!p0 [hbm4b:s5+s3], $0x80, s6, s3, $0xb8;
	[tilespmem:$0x1E600] =	vst v63  }
0x264: {  	p0 =	sne.s32 s16, $0x32  }
.Ltmp4:
0x265: {  	s18 =	sshll.u32 s14, $0x12;
	(pc) =	sbr.rel @p0 .LBB2_2-.Ltmp4, $4  }
0x266: {  	s3 =	sor.u32 s4, s18  }
0x267: {  	s3 =	sshrl.u32 s3, $0x3  }
0x268: {  	s3 =	sadd.s32 s1, s3  }
0x269: {  	[hbm4b:s3+s8] =	stream.strided.scatter [tilespmem:s28], [sflag:$0x8], $0x2000, s9, s8, $0x38;
	[tilespmem:$0x1E600] =	vst v63  }
0x26a: {  	_ =	swait.ge [sflag:s29], $0x2000  }
0x26b: {  	[sflag:s29] =	ssyncset.done $0x0  }
0x26c: {  	[sflag:s29] =	ssyncadd.s32 $0xFFFFE000  }
0x26d: {  	_ =	swait.ge [sflag:s30], $0x2000  }
0x26e: {  	[sflag:s30] =	ssyncset.done $0x0  }
0x26f: {  	[sflag:s30] =	ssyncadd.s32 $0xFFFFE000  }
0x270: {  	_ =	swait.ge [sflag:s31], $0x2000  }
0x271: {  	[sflag:s31] =	ssyncset.done $0x0  }
0x272: {  	[sflag:s31] =	ssyncadd.s32 $0xFFFFE000  }
0x273: {  	_ =	swait.ge [sflag:s0], $0x2000  }
0x274: {  	s2 =	sadd.s32 $0x1, s2;
	s3 =	rddreg [dreg:$0x5]  }
0x275: {  	p0 =	sne.s32 s2, s3  }
.Ltmp5:
0x276: {  	_ = 	snop;
	(pc) =	sbr.rel @p0 .LBB2_1-.Ltmp5, $3  }
0x277: {  	_ =	sdelay $0x1  }
0x278: {  	[sflag:s0] =	ssyncset.done $0x0  }
0x279: {  	[sflag:s0] =	ssyncadd.s32 $0xFFFFE000  }
0x27a: {  	_ =	sfence.sel $0x180000  }
0x27b: {  	[bflag:$0x0] =	sbarrier.arrive $0xFFFF  }
0x27c: {  	_ =	strace $0x9000004A  }
0x27d: {  	s0 =	stileid.u32;
	[bflag:$0x2] =	sbarrier.arrive $0xFFFF  }
0x27e: {  	p0 =	sne.s32 s0, $0x0;
	s0 =	rddreg [dreg:$0x3]  }
0x27f: {  	s0 =	sadd.s32 @!p0 $0x100000, s0  }
0x280: {  	[sflag:s0] =	ssyncadd.tile.s32 @!p0 $0x1;
	_ =	shalt  }
.Lfunc_end2:
_tile_overlayer_lowered:
.L_overlay_start_2:
0x281: {  	(tag) =	ssettag $0x2  }
0x282: {  	s0 =	rddreg [dreg:$0x0];
	s2 =	stileid.u32  }
0x283: {  	s1 =	rddreg [dreg:$0x1];
	p0 =	sne.s32 s2, $0x0  }
0x284: {  	s3 =	rddreg [dreg:$0x2];
	[bflag:$0x3] =	sbarrier.arrive $0xFFFF;
	s2 =	simm.s32 @!p0 $0x1C09  }
0x285: {  	[timem:s3], [sflag:s2] =	dma.local @!p0 [hbm:s0], s1  }
0x286: {  	s0 =	simm.s32 @!p0 $0x9  }
0x287: {  	_ =	swait.ge @!p0 [sflag:s0], s1  }
0x288: {  	s1 =	ssub.s32 @!p0 $0x0, s1;
	[sflag:s0] =	ssyncset.done @!p0 $0x0  }
0x289: {  	[sflag:s0] =	ssyncadd.s32 @!p0 s1  }
0x28a: {  	[bflag:$0x3] =	sbarrier.arrive $0xFFFF  }
0x28b: {  	_ =	shalt  }

</sc_bundles>
